<compile_context>
chip_gen: v7x
topology: tpu7x:2x2x1
jax: 0.10.2.dev20260603
libtpu: 0.0.44.dev20260713+nightly
codegen_flags: <defaults>
</compile_context>

<pallas_src>
import functools

import jax
import jax.numpy as jnp
from jax import lax
from jax.experimental import pallas as pl
from jax.experimental.pallas import tpu as pltpu
from jax.experimental.pallas import tpu_sc as plsc

B = 16384
EMB = 128
H1P = 128
H2P = 128

BIG_SIZES = (6041, 3439, 3884)
BIG_PADS = (6048, 3440, 3888)
BIG_W1 = (0, 4, 5)
BIG_ADJ = (-1, 0, -1)

SMALL_SIZES = (2, 7, 21, 81)
SMALL_OFFS = (0, 8, 16, 40)
SMALL_W1 = (1, 2, 3, 6)
SBLK = 128

NC = 2
NS = 16
NW = NC * NS
BPW = B // NW
CH = 64
NCH = BPW // CH
NSETS = 4


def _proj_body(ut, zt, it, gt, at_, ot, yt, w_ref, pu, pz, pi, ps_ref):
    for ref, out, wi in zip((ut, zt, it), (pu, pz, pi), BIG_W1):
        out[...] = jnp.dot(ref[...], w_ref[wi * EMB:(wi + 1) * EMB, :],
                           preferred_element_type=jnp.float32)
    @pl.when(pl.program_id(0) == 0)
    def _():
        ps_ref[...] = jnp.zeros((SBLK, H1P), jnp.float32)
        for ref, o, wi in zip((gt, at_, ot, yt), SMALL_OFFS, SMALL_W1):
            n = ref.shape[0]
            ps_ref[o:o + n, :] = jnp.dot(
                ref[...], w_ref[wi * EMB:(wi + 1) * EMB, :],
                preferred_element_type=jnp.float32)


def _small_body(g_ref, a_ref, o_ref_, y_ref, sb_ref, o_ref):
    rb = o_ref.shape[0]
    iota = lax.broadcasted_iota(jnp.int32, (rb, SBLK), 1)
    mh = jnp.zeros((rb, SBLK), jnp.float32)
    for ref, off in zip((g_ref, a_ref, o_ref_, y_ref), SMALL_OFFS):
        mh = mh + (ref[0, :].reshape(rb, 1) == iota - off).astype(jnp.float32)
    o_ref[...] = jnp.dot(mh, sb_ref[...], preferred_element_type=jnp.float32)


def _tail_body(h_ref, ss_ref, b1_ref, w2_ref, b2_ref, w3_ref, o_ref):
    x = jnp.maximum(h_ref[...] + ss_ref[...] + b1_ref[...], 0.0)
    h2 = jnp.maximum(
        jnp.dot(x, w2_ref[...], preferred_element_type=jnp.float32)
        + b2_ref[...], 0.0)
    o_ref[...] = jnp.sum(h2 * w3_ref[...], axis=1)


def _gather3_body(pu_hbm, pz_hbm, pi_hbm, uid_hbm, zid_hbm, iid_hbm,
                  out_hbm, idx_v,
                  b00, b01, b02, b10, b11, b12, b20, b21, b22, b30, b31, b32,
                  g0, g1, g2, g3, o0, o1, o2, o3, isem):
    wid = lax.axis_index("s") * NC + lax.axis_index("c")
    base = wid * BPW
    tabs = (pu_hbm, pz_hbm, pi_hbm)
    iw = []
    for f, ids in enumerate((uid_hbm, zid_hbm, iid_hbm)):
        iw.append(pltpu.async_copy(ids.at[pl.ds(base, BPW)],
                                   idx_v.at[pl.ds(f * BPW, BPW)], isem))
    for w in iw:
        w.wait()

    def _make_adjust(lo, hi):
        def _adjust(i, _):
            for f in (0, 2):
                sl = pl.ds(f * BPW + lo + i * 16, 16)
                idx_v[sl] = idx_v[sl] + BIG_ADJ[f]
            return 0
        return lax.fori_loop(0, (hi - lo) // 16, _adjust, 0)

    look = min(NSETS - 1, NCH)
    _make_adjust(0, look * CH)

    sets = ((b00, b01, b02, g0, o0), (b10, b11, b12, g1, o1),
            (b20, b21, b22, g2, o2), (b30, b31, b32, g3, o3))

    def fire(ch, setn):
        bufs = sets[setn]
        sem = bufs[3]
        return [pltpu.async_copy(
                    tabs[f].at[idx_v.at[pl.ds(f * BPW + ch * CH, CH)]],
                    bufs[f], sem)
                for f in range(3)]

    pend = {k: fire(k, k % NSETS) for k in range(look)}
    _make_adjust(look * CH, BPW)
    owait = [None] * NSETS
    for ch in range(NCH):
        nf = ch + look
        if nf < NCH:
            s = nf % NSETS
            if owait[s] is not None:
                owait[s].wait()
                owait[s] = None
            pend[nf] = fire(nf, s)
        for w in pend.pop(ch):
            w.wait()
        s = ch % NSETS
        b0, b1_, b2_ = sets[s][:3]

        def _sum_rows(r, _):
            for rr in range(2):
                row = r * 2 + rr
                for c in range(H1P // 16):
                    sl = pl.ds(c * 16, 16)
                    plsc.addupdate(b0.at[row, sl],
                                   b1_[row, sl] + b2_[row, sl])
            return 0

        lax.fori_loop(0, CH // 2, _sum_rows, 0)
        owait[s] = pltpu.async_copy(
            b0, out_hbm.at[pl.ds(base + ch * CH, CH)], sets[s][4])
    for s in range(NSETS):
        if owait[s] is not None:
            owait[s].wait()


@functools.cache
def _make_gather3():
    mesh = plsc.VectorSubcoreMesh(core_axis_name="c", subcore_axis_name="s",
                                  num_cores=NC, num_subcores=NS)
    buf = pltpu.VMEM((CH, H1P), jnp.float32)
    return functools.partial(
        pl.kernel,
        out_type=jax.ShapeDtypeStruct((B, H1P), jnp.float32),
        mesh=mesh,
        scratch_types=(
            [pltpu.VMEM((3 * BPW,), jnp.int32)]
            + [buf] * 12
            + [pltpu.SemaphoreType.DMA] * 9
        ),
    )(_gather3_body)


def kernel(user_id, gender, age, occup, zipc, item_id, year,
           user_table, gender_table, age_table, occup_table, zip_table,
           item_table, year_table, W1, b1, W2, b2, W3, b3):
    f32 = jnp.float32
    i32 = jnp.int32

    w1p = jnp.pad(W1, ((0, 0), (0, H1P - 100)))
    b1p = jnp.pad(b1, (0, H1P - 100)).reshape(1, H1P)
    w2p = jnp.pad(W2, ((0, H1P - 100), (0, H2P - 50)))
    b2p = jnp.zeros((H2P,), f32).at[:50].set(b2).at[50].set(1.0)
    b2p = b2p.reshape(1, H2P)
    w3p = jnp.zeros((H2P,), f32).at[:50].set(W3[:, 0]).at[50].set(b3[0])
    w3p = w3p.reshape(1, H2P)

    halves = tuple(p // 2 for p in BIG_PADS)

    p_user, p_zip, p_item, p_small = pl.pallas_call(
        _proj_body,
        grid=(2,),
        in_specs=[
            pl.BlockSpec((halves[0], EMB), lambda i: (i, 0)),
            pl.BlockSpec((halves[1], EMB), lambda i: (i, 0)),
            pl.BlockSpec((halves[2], EMB), lambda i: (i, 0)),
            pl.BlockSpec((SMALL_SIZES[0], EMB), lambda i: (0, 0)),
            pl.BlockSpec((SMALL_SIZES[1], EMB), lambda i: (0, 0)),
            pl.BlockSpec((SMALL_SIZES[2], EMB), lambda i: (0, 0)),
            pl.BlockSpec((SMALL_SIZES[3], EMB), lambda i: (0, 0)),
            pl.BlockSpec((7 * EMB, H1P), lambda i: (0, 0)),
        ],
        out_specs=(
            pl.BlockSpec((halves[0], H1P), lambda i: (i, 0)),
            pl.BlockSpec((halves[1], H1P), lambda i: (i, 0)),
            pl.BlockSpec((halves[2], H1P), lambda i: (i, 0)),
            pl.BlockSpec((SBLK, H1P), lambda i: (0, 0)),
        ),
        out_shape=(jax.ShapeDtypeStruct((BIG_PADS[0], H1P), f32),
                   jax.ShapeDtypeStruct((BIG_PADS[1], H1P), f32),
                   jax.ShapeDtypeStruct((BIG_PADS[2], H1P), f32),
                   jax.ShapeDtypeStruct((SBLK, H1P), f32)),
    )(user_table, zip_table, item_table, gender_table, age_table,
      occup_table, year_table, w1p)

    hpre = _make_gather3()(p_user, p_zip, p_item, user_id.astype(i32),
                           zipc.astype(i32), item_id.astype(i32))

    rb = 2048
    idspec = pl.BlockSpec((1, rb), lambda i: (0, i))
    ssum = pl.pallas_call(
        _small_body,
        grid=(B // rb,),
        in_specs=[
            idspec, idspec, idspec, idspec,
            pl.BlockSpec((SBLK, H1P), lambda i: (0, 0)),
        ],
        out_specs=pl.BlockSpec((rb, H1P), lambda i: (i, 0)),
        out_shape=jax.ShapeDtypeStruct((B, H1P), f32),
    )(gender.astype(i32).reshape(1, B), age.astype(i32).reshape(1, B),
      occup.astype(i32).reshape(1, B), year.astype(i32).reshape(1, B),
      p_small)

    rbt = 4096
    out = pl.pallas_call(
        _tail_body,
        grid=(B // rbt,),
        in_specs=[
            pl.BlockSpec((rbt, H1P), lambda i: (i, 0)),
            pl.BlockSpec((rbt, H1P), lambda i: (i, 0)),
            pl.BlockSpec((1, H1P), lambda i: (0, 0)),
            pl.BlockSpec((H1P, H2P), lambda i: (0, 0)),
            pl.BlockSpec((1, H2P), lambda i: (0, 0)),
            pl.BlockSpec((1, H2P), lambda i: (0, 0)),
        ],
        out_specs=pl.BlockSpec((rbt,), lambda i: (i,)),
        out_shape=jax.ShapeDtypeStruct((B,), f32),
    )(hpre, ssum, b1p, w2p, b2p, w3p)
    return out

# --- scband reference (transcript-rebuilt; emitter-appended) ---
"""Pipeline reference for scband-impression-simulator-54099408060564 (READ-ONLY COPY).

The authoritative reference and input builder live on the scoring server;
editing this copy changes nothing except your own understanding.
"""

import jax, jax.numpy as jnp
import numpy as np

NUM_ITEMS = 3883
NUM_YEARS = 81
NUM_USERS = 6040
NUM_AGES = 7
NUM_OCCUPS = 21
NUM_ZIPS = 3439
EMB = 128
B = 16384
HIDDEN = 100


def setup_inputs(seed: int = 0) -> dict:
    key = jax.random.key(seed)
    ks = jax.random.split(key, 24)
    inp = {}
    # ids: user/item ids are 1-based in the original code (forward does idx - 1)
    inp['user_id'] = jax.random.randint(ks[0], (B,), 1, NUM_USERS + 2).astype(jnp.int64)
    inp['gender'] = jax.random.randint(ks[1], (B,), 0, 2).astype(jnp.int64)
    inp['age'] = jax.random.randint(ks[2], (B,), 0, NUM_AGES).astype(jnp.int64)
    inp['occup'] = jax.random.randint(ks[3], (B,), 0, NUM_OCCUPS).astype(jnp.int64)
    inp['zipc'] = jax.random.randint(ks[4], (B,), 0, NUM_ZIPS).astype(jnp.int64)
    inp['item_id'] = jax.random.randint(ks[5], (B,), 1, NUM_ITEMS + 2).astype(jnp.int64)
    inp['year'] = jax.random.randint(ks[6], (B,), 0, NUM_YEARS).astype(jnp.int64)
    # frozen pretrained embedding tables
    inp['user_table'] = jax.random.normal(ks[7], (NUM_USERS + 1, EMB), dtype=jnp.float32) * 0.05
    inp['gender_table'] = jax.random.normal(ks[8], (2, EMB), dtype=jnp.float32) * 0.05
    inp['age_table'] = jax.random.normal(ks[9], (NUM_AGES, EMB), dtype=jnp.float32) * 0.05
    inp['occup_table'] = jax.random.normal(ks[10], (NUM_OCCUPS, EMB), dtype=jnp.float32) * 0.05
    inp['zip_table'] = jax.random.normal(ks[11], (NUM_ZIPS, EMB), dtype=jnp.float32) * 0.05
    inp['item_table'] = jax.random.normal(ks[12], (NUM_ITEMS + 1, EMB), dtype=jnp.float32) * 0.05
    inp['year_table'] = jax.random.normal(ks[13], (NUM_YEARS, EMB), dtype=jnp.float32) * 0.05
    # MLP weights: input_dim = 5*EMB (user) + 2*EMB (item) = 896
    input_dim = 7 * EMB
    inp['W1'] = jax.random.normal(ks[14], (input_dim, HIDDEN), dtype=jnp.float32) * (1.0 / np.sqrt(input_dim))
    inp['b1'] = jnp.zeros((HIDDEN,), dtype=jnp.float32)
    inp['W2'] = jax.random.normal(ks[15], (HIDDEN, 50), dtype=jnp.float32) * (1.0 / np.sqrt(HIDDEN))
    inp['b2'] = jnp.zeros((50,), dtype=jnp.float32)
    inp['W3'] = jax.random.normal(ks[16], (50, 1), dtype=jnp.float32) * (1.0 / np.sqrt(50))
    inp['b3'] = jnp.zeros((1,), dtype=jnp.float32)
    return inp


def reference(user_id, gender, age, occup, zipc, item_id, year,
              user_table, gender_table, age_table, occup_table, zip_table,
              item_table, year_table, W1, b1, W2, b2, W3, b3):
    # UserRep: concat of 5 embedding lookups (user id is 1-based)
    users = jnp.concatenate([
        jnp.take(user_table, user_id - 1, axis=0),
        jnp.take(gender_table, gender, axis=0),
        jnp.take(age_table, age, axis=0),
        jnp.take(occup_table, occup, axis=0),
        jnp.take(zip_table, zipc, axis=0),
    ], axis=1)
    # ItemRep: concat of 2 embedding lookups (item id is 1-based)
    items = jnp.concatenate([
        jnp.take(item_table, item_id - 1, axis=0),
        jnp.take(year_table, year, axis=0),
    ], axis=1)
    inputs = jnp.concatenate([users, items], axis=1)
    h = jax.nn.relu(inputs @ W1 + b1)
    h = jax.nn.relu(h @ W2 + b2)
    out = h @ W3 + b3
    return jnp.squeeze(out, axis=-1)

if __name__ == "__main__":
    import jax
    _d = setup_inputs()
    print(jax.jit(kernel)(*tuple(_d.values())))

</pallas_src>

<mosaic_0001>
#map = affine_map<(d0, d1) -> (0, 0)>
#map1 = affine_map<(d0, d1) -> (0)>
module attributes {stable_mosaic.version = 14 : i64} {
  func.func @_gather3_body(%arg0: i32, %arg1: i32, %arg2: memref<6048x128xf32, #tpu.memory_space<hbm>>, %arg3: memref<3440x128xf32, #tpu.memory_space<hbm>>, %arg4: memref<3888x128xf32, #tpu.memory_space<hbm>>, %arg5: memref<16384xi32, #tpu.memory_space<hbm>>, %arg6: memref<16384xi32, #tpu.memory_space<hbm>>, %arg7: memref<16384xi32, #tpu.memory_space<hbm>>, %arg8: memref<16384x128xf32, #tpu.memory_space<hbm>>, %arg9: memref<1536xi32, #tpu.memory_space<vmem>>, %arg10: memref<64x128xf32, #tpu.memory_space<vmem>>, %arg11: memref<64x128xf32, #tpu.memory_space<vmem>>, %arg12: memref<64x128xf32, #tpu.memory_space<vmem>>, %arg13: memref<64x128xf32, #tpu.memory_space<vmem>>, %arg14: memref<64x128xf32, #tpu.memory_space<vmem>>, %arg15: memref<64x128xf32, #tpu.memory_space<vmem>>, %arg16: memref<64x128xf32, #tpu.memory_space<vmem>>, %arg17: memref<64x128xf32, #tpu.memory_space<vmem>>, %arg18: memref<64x128xf32, #tpu.memory_space<vmem>>, %arg19: memref<64x128xf32, #tpu.memory_space<vmem>>, %arg20: memref<64x128xf32, #tpu.memory_space<vmem>>, %arg21: memref<64x128xf32, #tpu.memory_space<vmem>>, %arg22: memref<!tpu.dma_semaphore, #tpu.memory_space<semaphore_mem>>, %arg23: memref<!tpu.dma_semaphore, #tpu.memory_space<semaphore_mem>>, %arg24: memref<!tpu.dma_semaphore, #tpu.memory_space<semaphore_mem>>, %arg25: memref<!tpu.dma_semaphore, #tpu.memory_space<semaphore_mem>>, %arg26: memref<!tpu.dma_semaphore, #tpu.memory_space<semaphore_mem>>, %arg27: memref<!tpu.dma_semaphore, #tpu.memory_space<semaphore_mem>>, %arg28: memref<!tpu.dma_semaphore, #tpu.memory_space<semaphore_mem>>, %arg29: memref<!tpu.dma_semaphore, #tpu.memory_space<semaphore_mem>>, %arg30: memref<!tpu.dma_semaphore, #tpu.memory_space<semaphore_mem>>) attributes {dimension_semantics = [#tpu.dimension_semantics<core_parallel>, #tpu.dimension_semantics<subcore_parallel>], iteration_bounds = array<i64: 2, 16>, scalar_prefetch = 0 : i64, scratch_operands = 22 : i64, tpu.core_type = #tpu.core_type<sc_vector_subcore>, window_params = [{transform_indices = #map}, {transform_indices = #map}, {transform_indices = #map}, {transform_indices = #map1}, {transform_indices = #map1}, {transform_indices = #map1}, {transform_indices = #map}]} {
    %mul3A = arith.constant 2 : i32
    %mul3A_0 = arith.muli %arg1, %mul3A : i32
    %add3A = arith.addi %mul3A_0, %arg0 : i32
    %mul3A_1 = arith.constant 512 : i32
    %mul3A_2 = arith.muli %add3A, %mul3A_1 : i32
    %dma_start3A = arith.constant 0 : i32
    %dma_start3A_3 = tpu.memref_slice %arg9[%dma_start3A] : memref<1536xi32, #tpu.memory_space<vmem>> -> memref<512xi32, #tpu.memory_space<vmem>>
    %dma_start3A_4 = tpu.memref_slice %arg5[%mul3A_2] : memref<16384xi32, #tpu.memory_space<hbm>> -> memref<512xi32, #tpu.memory_space<hbm>>
    %dma_start3A_5 = arith.constant 0 : i32
    %dma_start3A_6 = tpu.memref_slice %arg9[%dma_start3A_5] : memref<1536xi32, #tpu.memory_space<vmem>> -> memref<512xi32, #tpu.memory_space<vmem>>
    %dma_start3A_7 = tpu.memref_slice %arg5[%mul3A_2] : memref<16384xi32, #tpu.memory_space<hbm>> -> memref<512xi32, #tpu.memory_space<hbm>>
    tpu.enqueue_dma source(%dma_start3A_7 : memref<512xi32, #tpu.memory_space<hbm>>) target(%dma_start3A_6 : memref<512xi32, #tpu.memory_space<vmem>>) target_semaphore(%arg30 : memref<!tpu.dma_semaphore, #tpu.memory_space<semaphore_mem>>)
    %dma_start3A_8 = arith.constant 512 : i32
    %dma_start3A_9 = tpu.memref_slice %arg9[%dma_start3A_8] : memref<1536xi32, #tpu.memory_space<vmem>> -> memref<512xi32, #tpu.memory_space<vmem>>
    %dma_start3A_10 = tpu.memref_slice %arg6[%mul3A_2] : memref<16384xi32, #tpu.memory_space<hbm>> -> memref<512xi32, #tpu.memory_space<hbm>>
    %dma_start3A_11 = arith.constant 512 : i32
    %dma_start3A_12 = tpu.memref_slice %arg9[%dma_start3A_11] : memref<1536xi32, #tpu.memory_space<vmem>> -> memref<512xi32, #tpu.memory_space<vmem>>
    %dma_start3A_13 = tpu.memref_slice %arg6[%mul3A_2] : memref<16384xi32, #tpu.memory_space<hbm>> -> memref<512xi32, #tpu.memory_space<hbm>>
    tpu.enqueue_dma source(%dma_start3A_13 : memref<512xi32, #tpu.memory_space<hbm>>) target(%dma_start3A_12 : memref<512xi32, #tpu.memory_space<vmem>>) target_semaphore(%arg30 : memref<!tpu.dma_semaphore, #tpu.memory_space<semaphore_mem>>)
    %dma_start3A_14 = arith.constant 1024 : i32
    %dma_start3A_15 = tpu.memref_slice %arg9[%dma_start3A_14] : memref<1536xi32, #tpu.memory_space<vmem>> -> memref<512xi32, #tpu.memory_space<vmem>>
    %dma_start3A_16 = tpu.memref_slice %arg7[%mul3A_2] : memref<16384xi32, #tpu.memory_space<hbm>> -> memref<512xi32, #tpu.memory_space<hbm>>
    %dma_start3A_17 = arith.constant 1024 : i32
    %dma_start3A_18 = tpu.memref_slice %arg9[%dma_start3A_17] : memref<1536xi32, #tpu.memory_space<vmem>> -> memref<512xi32, #tpu.memory_space<vmem>>
    %dma_start3A_19 = tpu.memref_slice %arg7[%mul3A_2] : memref<16384xi32, #tpu.memory_space<hbm>> -> memref<512xi32, #tpu.memory_space<hbm>>
    tpu.enqueue_dma source(%dma_start3A_19 : memref<512xi32, #tpu.memory_space<hbm>>) target(%dma_start3A_18 : memref<512xi32, #tpu.memory_space<vmem>>) target_semaphore(%arg30 : memref<!tpu.dma_semaphore, #tpu.memory_space<semaphore_mem>>)
    %dma_wait3A = arith.constant 0 : i32
    %dma_wait3A_20 = tpu.memref_slice %arg9[%dma_wait3A] : memref<1536xi32, #tpu.memory_space<vmem>> -> memref<512xi32, #tpu.memory_space<vmem>>
    %dma_wait3A_21 = tpu.memref_slice %arg5[%mul3A_2] : memref<16384xi32, #tpu.memory_space<hbm>> -> memref<512xi32, #tpu.memory_space<hbm>>
    %dma_wait3A_22 = arith.constant 0 : i32
    %dma_wait3A_23 = tpu.memref_slice %arg9[%dma_wait3A_22] : memref<1536xi32, #tpu.memory_space<vmem>> -> memref<512xi32, #tpu.memory_space<vmem>>
    %dma_wait3A_24 = tpu.memref_slice %arg5[%mul3A_2] : memref<16384xi32, #tpu.memory_space<hbm>> -> memref<512xi32, #tpu.memory_space<hbm>>
    tpu.wait_dma2 semaphore(%arg30 : memref<!tpu.dma_semaphore, #tpu.memory_space<semaphore_mem>>) src(%dma_wait3A_24 : memref<512xi32, #tpu.memory_space<hbm>>) dst(%dma_wait3A_23 : memref<512xi32, #tpu.memory_space<vmem>>)
    %dma_wait3A_25 = arith.constant 512 : i32
    %dma_wait3A_26 = tpu.memref_slice %arg9[%dma_wait3A_25] : memref<1536xi32, #tpu.memory_space<vmem>> -> memref<512xi32, #tpu.memory_space<vmem>>
    %dma_wait3A_27 = tpu.memref_slice %arg6[%mul3A_2] : memref<16384xi32, #tpu.memory_space<hbm>> -> memref<512xi32, #tpu.memory_space<hbm>>
    %dma_wait3A_28 = arith.constant 512 : i32
    %dma_wait3A_29 = tpu.memref_slice %arg9[%dma_wait3A_28] : memref<1536xi32, #tpu.memory_space<vmem>> -> memref<512xi32, #tpu.memory_space<vmem>>
    %dma_wait3A_30 = tpu.memref_slice %arg6[%mul3A_2] : memref<16384xi32, #tpu.memory_space<hbm>> -> memref<512xi32, #tpu.memory_space<hbm>>
    tpu.wait_dma2 semaphore(%arg30 : memref<!tpu.dma_semaphore, #tpu.memory_space<semaphore_mem>>) src(%dma_wait3A_30 : memref<512xi32, #tpu.memory_space<hbm>>) dst(%dma_wait3A_29 : memref<512xi32, #tpu.memory_space<vmem>>)
    %dma_wait3A_31 = arith.constant 1024 : i32
    %dma_wait3A_32 = tpu.memref_slice %arg9[%dma_wait3A_31] : memref<1536xi32, #tpu.memory_space<vmem>> -> memref<512xi32, #tpu.memory_space<vmem>>
    %dma_wait3A_33 = tpu.memref_slice %arg7[%mul3A_2] : memref<16384xi32, #tpu.memory_space<hbm>> -> memref<512xi32, #tpu.memory_space<hbm>>
    %dma_wait3A_34 = arith.constant 1024 : i32
    %dma_wait3A_35 = tpu.memref_slice %arg9[%dma_wait3A_34] : memref<1536xi32, #tpu.memory_space<vmem>> -> memref<512xi32, #tpu.memory_space<vmem>>
    %dma_wait3A_36 = tpu.memref_slice %arg7[%mul3A_2] : memref<16384xi32, #tpu.memory_space<hbm>> -> memref<512xi32, #tpu.memory_space<hbm>>
    tpu.wait_dma2 semaphore(%arg30 : memref<!tpu.dma_semaphore, #tpu.memory_space<semaphore_mem>>) src(%dma_wait3A_36 : memref<512xi32, #tpu.memory_space<hbm>>) dst(%dma_wait3A_35 : memref<512xi32, #tpu.memory_space<vmem>>)
    %scan3A = arith.constant 0 : i32
    %scan3A_37 = arith.constant 0 : i32
    %scan3A_38 = arith.constant 12 : i32
    %scan3A_39 = arith.addi %scan3A_37, %scan3A_38 : i32
    %scan3A_40 = arith.constant 1 : i32
    %scan3A_41 = scf.for %scan3A_426 = %scan3A_37 to %scan3A_39 step %scan3A_40 iter_args(%scan3A_427 = %scan3A) -> (i32)  : i32 {
      %mul3A_428 = arith.constant 16 : i32
      %mul3A_429 = arith.muli %scan3A_426, %mul3A_428 : i32
      %add3A_430 = arith.constant 0 : i32
      %add3A_431 = arith.addi %add3A_430, %mul3A_429 : i32
      %get3A = arith.index_cast %add3A_431 : i32 to index
      %get3A_432 = tpu.vector_load %arg9[%get3A] {strides = array<i32>} : memref<1536xi32, #tpu.memory_space<vmem>>, vector<16xi32>,
      %get3A_433 = vector.shape_cast %get3A_432 : vector<16xi32> to vector<16xi32>
      %add3A_434 = arith.constant -1 : i32
      %add3A_435 = vector.broadcast %add3A_434 : i32 to vector<16xi32>
      %add3A_436 = arith.addi %get3A_433, %add3A_435 : vector<16xi32>
      %swap3A = arith.index_cast %add3A_431 : i32 to index
      %swap3A_437 = tpu.vector_load %arg9[%swap3A] {strides = array<i32>} : memref<1536xi32, #tpu.memory_space<vmem>>, vector<16xi32>,
      %swap3A_438 = vector.shape_cast %swap3A_437 : vector<16xi32> to vector<16xi32>
      %swap3A_439 = vector.shape_cast %add3A_436 : vector<16xi32> to vector<16xi32>
      tpu.vector_store %arg9[%swap3A], %swap3A_439 {strides = array<i32>} : memref<1536xi32, #tpu.memory_space<vmem>>, vector<16xi32>,
      %mul3A_440 = arith.constant 16 : i32
      %mul3A_441 = arith.muli %scan3A_426, %mul3A_440 : i32
      %add3A_442 = arith.constant 1024 : i32
      %add3A_443 = arith.addi %add3A_442, %mul3A_441 : i32
      %get3A_444 = arith.index_cast %add3A_443 : i32 to index
      %get3A_445 = tpu.vector_load %arg9[%get3A_444] {strides = array<i32>} : memref<1536xi32, #tpu.memory_space<vmem>>, vector<16xi32>,
      %get3A_446 = vector.shape_cast %get3A_445 : vector<16xi32> to vector<16xi32>
      %add3A_447 = arith.constant -1 : i32
      %add3A_448 = vector.broadcast %add3A_447 : i32 to vector<16xi32>
      %add3A_449 = arith.addi %get3A_446, %add3A_448 : vector<16xi32>
      %swap3A_450 = arith.index_cast %add3A_443 : i32 to index
      %swap3A_451 = tpu.vector_load %arg9[%swap3A_450] {strides = array<i32>} : memref<1536xi32, #tpu.memory_space<vmem>>, vector<16xi32>,
      %swap3A_452 = vector.shape_cast %swap3A_451 : vector<16xi32> to vector<16xi32>
      %swap3A_453 = vector.shape_cast %add3A_449 : vector<16xi32> to vector<16xi32>
      tpu.vector_store %arg9[%swap3A_450], %swap3A_453 {strides = array<i32>} : memref<1536xi32, #tpu.memory_space<vmem>>, vector<16xi32>,
      %scan3A_454 = arith.constant 0 : i32
      scf.yield %scan3A_454 : i32
    }
    %scan3A_42 = arith.constant 12 : i32
    %dma_start3A_43 = arith.constant 0 : i32
    %dma_start3A_44 = tpu.memref_slice %arg9[%dma_start3A_43] : memref<1536xi32, #tpu.memory_space<vmem>> -> memref<64xi32, #tpu.memory_space<vmem>>
    %dma_start3A_45 = arith.constant 0 : i32
    %dma_start3A_46 = arith.constant 0 : i32
    %dma_start3A_47 = tpu.memref_slice %arg2[%dma_start3A_45, %dma_start3A_46] : memref<6048x128xf32, #tpu.memory_space<hbm>> -> memref<6048x128xf32, #tpu.memory_space<hbm>>
    tpu.enqueue_indirect_dma source(%dma_start3A_47 : memref<6048x128xf32, #tpu.memory_space<hbm>>) target(%arg10 : memref<64x128xf32, #tpu.memory_space<vmem>>) offsets(%dma_start3A_44 : memref<64xi32, #tpu.memory_space<vmem>>) semaphore(%arg22 : memref<!tpu.dma_semaphore, #tpu.memory_space<semaphore_mem>>)
    %dma_start3A_48 = arith.constant 512 : i32
    %dma_start3A_49 = tpu.memref_slice %arg9[%dma_start3A_48] : memref<1536xi32, #tpu.memory_space<vmem>> -> memref<64xi32, #tpu.memory_space<vmem>>
    %dma_start3A_50 = arith.constant 0 : i32
    %dma_start3A_51 = arith.constant 0 : i32
    %dma_start3A_52 = tpu.memref_slice %arg3[%dma_start3A_50, %dma_start3A_51] : memref<3440x128xf32, #tpu.memory_space<hbm>> -> memref<3440x128xf32, #tpu.memory_space<hbm>>
    tpu.enqueue_indirect_dma source(%dma_start3A_52 : memref<3440x128xf32, #tpu.memory_space<hbm>>) target(%arg11 : memref<64x128xf32, #tpu.memory_space<vmem>>) offsets(%dma_start3A_49 : memref<64xi32, #tpu.memory_space<vmem>>) semaphore(%arg22 : memref<!tpu.dma_semaphore, #tpu.memory_space<semaphore_mem>>)
    %dma_start3A_53 = arith.constant 1024 : i32
    %dma_start3A_54 = tpu.memref_slice %arg9[%dma_start3A_53] : memref<1536xi32, #tpu.memory_space<vmem>> -> memref<64xi32, #tpu.memory_space<vmem>>
    %dma_start3A_55 = arith.constant 0 : i32
    %dma_start3A_56 = arith.constant 0 : i32
    %dma_start3A_57 = tpu.memref_slice %arg4[%dma_start3A_55, %dma_start3A_56] : memref<3888x128xf32, #tpu.memory_space<hbm>> -> memref<3888x128xf32, #tpu.memory_space<hbm>>
    tpu.enqueue_indirect_dma source(%dma_start3A_57 : memref<3888x128xf32, #tpu.memory_space<hbm>>) target(%arg12 : memref<64x128xf32, #tpu.memory_space<vmem>>) offsets(%dma_start3A_54 : memref<64xi32, #tpu.memory_space<vmem>>) semaphore(%arg22 : memref<!tpu.dma_semaphore, #tpu.memory_space<semaphore_mem>>)
    %dma_start3A_58 = arith.constant 64 : i32
    %dma_start3A_59 = tpu.memref_slice %arg9[%dma_start3A_58] : memref<1536xi32, #tpu.memory_space<vmem>> -> memref<64xi32, #tpu.memory_space<vmem>>
    %dma_start3A_60 = arith.constant 0 : i32
    %dma_start3A_61 = arith.constant 0 : i32
    %dma_start3A_62 = tpu.memref_slice %arg2[%dma_start3A_60, %dma_start3A_61] : memref<6048x128xf32, #tpu.memory_space<hbm>> -> memref<6048x128xf32, #tpu.memory_space<hbm>>
    tpu.enqueue_indirect_dma source(%dma_start3A_62 : memref<6048x128xf32, #tpu.memory_space<hbm>>) target(%arg13 : memref<64x128xf32, #tpu.memory_space<vmem>>) offsets(%dma_start3A_59 : memref<64xi32, #tpu.memory_space<vmem>>) semaphore(%arg23 : memref<!tpu.dma_semaphore, #tpu.memory_space<semaphore_mem>>)
    %dma_start3A_63 = arith.constant 576 : i32
    %dma_start3A_64 = tpu.memref_slice %arg9[%dma_start3A_63] : memref<1536xi32, #tpu.memory_space<vmem>> -> memref<64xi32, #tpu.memory_space<vmem>>
    %dma_start3A_65 = arith.constant 0 : i32
    %dma_start3A_66 = arith.constant 0 : i32
    %dma_start3A_67 = tpu.memref_slice %arg3[%dma_start3A_65, %dma_start3A_66] : memref<3440x128xf32, #tpu.memory_space<hbm>> -> memref<3440x128xf32, #tpu.memory_space<hbm>>
    tpu.enqueue_indirect_dma source(%dma_start3A_67 : memref<3440x128xf32, #tpu.memory_space<hbm>>) target(%arg14 : memref<64x128xf32, #tpu.memory_space<vmem>>) offsets(%dma_start3A_64 : memref<64xi32, #tpu.memory_space<vmem>>) semaphore(%arg23 : memref<!tpu.dma_semaphore, #tpu.memory_space<semaphore_mem>>)
    %dma_start3A_68 = arith.constant 1088 : i32
    %dma_start3A_69 = tpu.memref_slice %arg9[%dma_start3A_68] : memref<1536xi32, #tpu.memory_space<vmem>> -> memref<64xi32, #tpu.memory_space<vmem>>
    %dma_start3A_70 = arith.constant 0 : i32
    %dma_start3A_71 = arith.constant 0 : i32
    %dma_start3A_72 = tpu.memref_slice %arg4[%dma_start3A_70, %dma_start3A_71] : memref<3888x128xf32, #tpu.memory_space<hbm>> -> memref<3888x128xf32, #tpu.memory_space<hbm>>
    tpu.enqueue_indirect_dma source(%dma_start3A_72 : memref<3888x128xf32, #tpu.memory_space<hbm>>) target(%arg15 : memref<64x128xf32, #tpu.memory_space<vmem>>) offsets(%dma_start3A_69 : memref<64xi32, #tpu.memory_space<vmem>>) semaphore(%arg23 : memref<!tpu.dma_semaphore, #tpu.memory_space<semaphore_mem>>)
    %dma_start3A_73 = arith.constant 128 : i32
    %dma_start3A_74 = tpu.memref_slice %arg9[%dma_start3A_73] : memref<1536xi32, #tpu.memory_space<vmem>> -> memref<64xi32, #tpu.memory_space<vmem>>
    %dma_start3A_75 = arith.constant 0 : i32
    %dma_start3A_76 = arith.constant 0 : i32
    %dma_start3A_77 = tpu.memref_slice %arg2[%dma_start3A_75, %dma_start3A_76] : memref<6048x128xf32, #tpu.memory_space<hbm>> -> memref<6048x128xf32, #tpu.memory_space<hbm>>
    tpu.enqueue_indirect_dma source(%dma_start3A_77 : memref<6048x128xf32, #tpu.memory_space<hbm>>) target(%arg16 : memref<64x128xf32, #tpu.memory_space<vmem>>) offsets(%dma_start3A_74 : memref<64xi32, #tpu.memory_space<vmem>>) semaphore(%arg24 : memref<!tpu.dma_semaphore, #tpu.memory_space<semaphore_mem>>)
    %dma_start3A_78 = arith.constant 640 : i32
    %dma_start3A_79 = tpu.memref_slice %arg9[%dma_start3A_78] : memref<1536xi32, #tpu.memory_space<vmem>> -> memref<64xi32, #tpu.memory_space<vmem>>
    %dma_start3A_80 = arith.constant 0 : i32
    %dma_start3A_81 = arith.constant 0 : i32
    %dma_start3A_82 = tpu.memref_slice %arg3[%dma_start3A_80, %dma_start3A_81] : memref<3440x128xf32, #tpu.memory_space<hbm>> -> memref<3440x128xf32, #tpu.memory_space<hbm>>
    tpu.enqueue_indirect_dma source(%dma_start3A_82 : memref<3440x128xf32, #tpu.memory_space<hbm>>) target(%arg17 : memref<64x128xf32, #tpu.memory_space<vmem>>) offsets(%dma_start3A_79 : memref<64xi32, #tpu.memory_space<vmem>>) semaphore(%arg24 : memref<!tpu.dma_semaphore, #tpu.memory_space<semaphore_mem>>)
    %dma_start3A_83 = arith.constant 1152 : i32
    %dma_start3A_84 = tpu.memref_slice %arg9[%dma_start3A_83] : memref<1536xi32, #tpu.memory_space<vmem>> -> memref<64xi32, #tpu.memory_space<vmem>>
    %dma_start3A_85 = arith.constant 0 : i32
    %dma_start3A_86 = arith.constant 0 : i32
    %dma_start3A_87 = tpu.memref_slice %arg4[%dma_start3A_85, %dma_start3A_86] : memref<3888x128xf32, #tpu.memory_space<hbm>> -> memref<3888x128xf32, #tpu.memory_space<hbm>>
    tpu.enqueue_indirect_dma source(%dma_start3A_87 : memref<3888x128xf32, #tpu.memory_space<hbm>>) target(%arg18 : memref<64x128xf32, #tpu.memory_space<vmem>>) offsets(%dma_start3A_84 : memref<64xi32, #tpu.memory_space<vmem>>) semaphore(%arg24 : memref<!tpu.dma_semaphore, #tpu.memory_space<semaphore_mem>>)
    %scan3A_88 = arith.constant 0 : i32
    %scan3A_89 = arith.constant 0 : i32
    %scan3A_90 = arith.constant 20 : i32
    %scan3A_91 = arith.addi %scan3A_89, %scan3A_90 : i32
    %scan3A_92 = arith.constant 1 : i32
    %scan3A_93 = scf.for %scan3A_426 = %scan3A_89 to %scan3A_91 step %scan3A_92 iter_args(%scan3A_427 = %scan3A_88) -> (i32)  : i32 {
      %mul3A_428 = arith.constant 16 : i32
      %mul3A_429 = arith.muli %scan3A_426, %mul3A_428 : i32
      %add3A_430 = arith.constant 192 : i32
      %add3A_431 = arith.addi %add3A_430, %mul3A_429 : i32
      %get3A = arith.index_cast %add3A_431 : i32 to index
      %get3A_432 = tpu.vector_load %arg9[%get3A] {strides = array<i32>} : memref<1536xi32, #tpu.memory_space<vmem>>, vector<16xi32>,
      %get3A_433 = vector.shape_cast %get3A_432 : vector<16xi32> to vector<16xi32>
      %add3A_434 = arith.constant -1 : i32
      %add3A_435 = vector.broadcast %add3A_434 : i32 to vector<16xi32>
      %add3A_436 = arith.addi %get3A_433, %add3A_435 : vector<16xi32>
      %swap3A = arith.index_cast %add3A_431 : i32 to index
      %swap3A_437 = tpu.vector_load %arg9[%swap3A] {strides = array<i32>} : memref<1536xi32, #tpu.memory_space<vmem>>, vector<16xi32>,
      %swap3A_438 = vector.shape_cast %swap3A_437 : vector<16xi32> to vector<16xi32>
      %swap3A_439 = vector.shape_cast %add3A_436 : vector<16xi32> to vector<16xi32>
      tpu.vector_store %arg9[%swap3A], %swap3A_439 {strides = array<i32>} : memref<1536xi32, #tpu.memory_space<vmem>>, vector<16xi32>,
      %mul3A_440 = arith.constant 16 : i32
      %mul3A_441 = arith.muli %scan3A_426, %mul3A_440 : i32
      %add3A_442 = arith.constant 1216 : i32
      %add3A_443 = arith.addi %add3A_442, %mul3A_441 : i32
      %get3A_444 = arith.index_cast %add3A_443 : i32 to index
      %get3A_445 = tpu.vector_load %arg9[%get3A_444] {strides = array<i32>} : memref<1536xi32, #tpu.memory_space<vmem>>, vector<16xi32>,
      %get3A_446 = vector.shape_cast %get3A_445 : vector<16xi32> to vector<16xi32>
      %add3A_447 = arith.constant -1 : i32
      %add3A_448 = vector.broadcast %add3A_447 : i32 to vector<16xi32>
      %add3A_449 = arith.addi %get3A_446, %add3A_448 : vector<16xi32>
      %swap3A_450 = arith.index_cast %add3A_443 : i32 to index
      %swap3A_451 = tpu.vector_load %arg9[%swap3A_450] {strides = array<i32>} : memref<1536xi32, #tpu.memory_space<vmem>>, vector<16xi32>,
      %swap3A_452 = vector.shape_cast %swap3A_451 : vector<16xi32> to vector<16xi32>
      %swap3A_453 = vector.shape_cast %add3A_449 : vector<16xi32> to vector<16xi32>
      tpu.vector_store %arg9[%swap3A_450], %swap3A_453 {strides = array<i32>} : memref<1536xi32, #tpu.memory_space<vmem>>, vector<16xi32>,
      %scan3A_454 = arith.constant 0 : i32
      scf.yield %scan3A_454 : i32
    }
    %scan3A_94 = arith.constant 20 : i32
    %dma_start3A_95 = arith.constant 192 : i32
    %dma_start3A_96 = tpu.memref_slice %arg9[%dma_start3A_95] : memref<1536xi32, #tpu.memory_space<vmem>> -> memref<64xi32, #tpu.memory_space<vmem>>
    %dma_start3A_97 = arith.constant 0 : i32
    %dma_start3A_98 = arith.constant 0 : i32
    %dma_start3A_99 = tpu.memref_slice %arg2[%dma_start3A_97, %dma_start3A_98] : memref<6048x128xf32, #tpu.memory_space<hbm>> -> memref<6048x128xf32, #tpu.memory_space<hbm>>
    tpu.enqueue_indirect_dma source(%dma_start3A_99 : memref<6048x128xf32, #tpu.memory_space<hbm>>) target(%arg19 : memref<64x128xf32, #tpu.memory_space<vmem>>) offsets(%dma_start3A_96 : memref<64xi32, #tpu.memory_space<vmem>>) semaphore(%arg25 : memref<!tpu.dma_semaphore, #tpu.memory_space<semaphore_mem>>)
    %dma_start3A_100 = arith.constant 704 : i32
    %dma_start3A_101 = tpu.memref_slice %arg9[%dma_start3A_100] : memref<1536xi32, #tpu.memory_space<vmem>> -> memref<64xi32, #tpu.memory_space<vmem>>
    %dma_start3A_102 = arith.constant 0 : i32
    %dma_start3A_103 = arith.constant 0 : i32
    %dma_start3A_104 = tpu.memref_slice %arg3[%dma_start3A_102, %dma_start3A_103] : memref<3440x128xf32, #tpu.memory_space<hbm>> -> memref<3440x128xf32, #tpu.memory_space<hbm>>
    tpu.enqueue_indirect_dma source(%dma_start3A_104 : memref<3440x128xf32, #tpu.memory_space<hbm>>) target(%arg20 : memref<64x128xf32, #tpu.memory_space<vmem>>) offsets(%dma_start3A_101 : memref<64xi32, #tpu.memory_space<vmem>>) semaphore(%arg25 : memref<!tpu.dma_semaphore, #tpu.memory_space<semaphore_mem>>)
    %dma_start3A_105 = arith.constant 1216 : i32
    %dma_start3A_106 = tpu.memref_slice %arg9[%dma_start3A_105] : memref<1536xi32, #tpu.memory_space<vmem>> -> memref<64xi32, #tpu.memory_space<vmem>>
    %dma_start3A_107 = arith.constant 0 : i32
    %dma_start3A_108 = arith.constant 0 : i32
    %dma_start3A_109 = tpu.memref_slice %arg4[%dma_start3A_107, %dma_start3A_108] : memref<3888x128xf32, #tpu.memory_space<hbm>> -> memref<3888x128xf32, #tpu.memory_space<hbm>>
    tpu.enqueue_indirect_dma source(%dma_start3A_109 : memref<3888x128xf32, #tpu.memory_space<hbm>>) target(%arg21 : memref<64x128xf32, #tpu.memory_space<vmem>>) offsets(%dma_start3A_106 : memref<64xi32, #tpu.memory_space<vmem>>) semaphore(%arg25 : memref<!tpu.dma_semaphore, #tpu.memory_space<semaphore_mem>>)
    %dma_wait3A_110 = arith.constant 0 : i32
    %dma_wait3A_111 = tpu.memref_slice %arg9[%dma_wait3A_110] : memref<1536xi32, #tpu.memory_space<vmem>> -> memref<64xi32, #tpu.memory_space<vmem>>
    %dma_wait3A_112 = arith.constant 0 : i32
    %dma_wait3A_113 = arith.constant 0 : i32
    %dma_wait3A_114 = tpu.memref_slice %arg2[%dma_wait3A_112, %dma_wait3A_113] : memref<6048x128xf32, #tpu.memory_space<hbm>> -> memref<6048x128xf32, #tpu.memory_space<hbm>>
    tpu.wait_indirect_dma semaphore(%arg22 : memref<!tpu.dma_semaphore, #tpu.memory_space<semaphore_mem>>) src(%dma_wait3A_114 : memref<6048x128xf32, #tpu.memory_space<hbm>>) dst(%arg10 : memref<64x128xf32, #tpu.memory_space<vmem>>)
    %dma_wait3A_115 = arith.constant 512 : i32
    %dma_wait3A_116 = tpu.memref_slice %arg9[%dma_wait3A_115] : memref<1536xi32, #tpu.memory_space<vmem>> -> memref<64xi32, #tpu.memory_space<vmem>>
    %dma_wait3A_117 = arith.constant 0 : i32
    %dma_wait3A_118 = arith.constant 0 : i32
    %dma_wait3A_119 = tpu.memref_slice %arg3[%dma_wait3A_117, %dma_wait3A_118] : memref<3440x128xf32, #tpu.memory_space<hbm>> -> memref<3440x128xf32, #tpu.memory_space<hbm>>
    tpu.wait_indirect_dma semaphore(%arg22 : memref<!tpu.dma_semaphore, #tpu.memory_space<semaphore_mem>>) src(%dma_wait3A_119 : memref<3440x128xf32, #tpu.memory_space<hbm>>) dst(%arg11 : memref<64x128xf32, #tpu.memory_space<vmem>>)
    %dma_wait3A_120 = arith.constant 1024 : i32
    %dma_wait3A_121 = tpu.memref_slice %arg9[%dma_wait3A_120] : memref<1536xi32, #tpu.memory_space<vmem>> -> memref<64xi32, #tpu.memory_space<vmem>>
    %dma_wait3A_122 = arith.constant 0 : i32
    %dma_wait3A_123 = arith.constant 0 : i32
    %dma_wait3A_124 = tpu.memref_slice %arg4[%dma_wait3A_122, %dma_wait3A_123] : memref<3888x128xf32, #tpu.memory_space<hbm>> -> memref<3888x128xf32, #tpu.memory_space<hbm>>
    tpu.wait_indirect_dma semaphore(%arg22 : memref<!tpu.dma_semaphore, #tpu.memory_space<semaphore_mem>>) src(%dma_wait3A_124 : memref<3888x128xf32, #tpu.memory_space<hbm>>) dst(%arg12 : memref<64x128xf32, #tpu.memory_space<vmem>>)
    %scan3A_125 = arith.constant 0 : i32
    %scan3A_126 = arith.constant 0 : i32
    %scan3A_127 = arith.constant 32 : i32
    %scan3A_128 = arith.addi %scan3A_126, %scan3A_127 : i32
    %scan3A_129 = arith.constant 1 : i32
    %scan3A_130 = scf.for %scan3A_426 = %scan3A_126 to %scan3A_128 step %scan3A_129 iter_args(%scan3A_427 = %scan3A_125) -> (i32)  : i32 {
      %mul3A_428 = arith.constant 2 : i32
      %mul3A_429 = arith.muli %scan3A_426, %mul3A_428 : i32
      %add3A_430 = arith.constant 0 : i32
      %add3A_431 = arith.addi %mul3A_429, %add3A_430 : i32
      %get3A = arith.index_cast %add3A_431 : i32 to index
      %get3A_432 = arith.constant 0 : index
      %get3A_433 = tpu.vector_load %arg11[%get3A, %get3A_432] {strides = array<i32>} : memref<64x128xf32, #tpu.memory_space<vmem>>, vector<1x16xf32>,
      %get3A_434 = vector.shape_cast %get3A_433 : vector<1x16xf32> to vector<16xf32>
      %get3A_435 = arith.index_cast %add3A_431 : i32 to index
      %get3A_436 = arith.constant 0 : index
      %get3A_437 = tpu.vector_load %arg12[%get3A_435, %get3A_436] {strides = array<i32>} : memref<64x128xf32, #tpu.memory_space<vmem>>, vector<1x16xf32>,
      %get3A_438 = vector.shape_cast %get3A_437 : vector<1x16xf32> to vector<16xf32>
      %add3A_439 = arith.addf %get3A_434, %get3A_438 : vector<16xf32>
      %swap3A = arith.index_cast %add3A_431 : i32 to index
      %swap3A_440 = arith.constant 0 : index
      %swap3A_441 = tpu.vector_load %arg10[%swap3A, %swap3A_440] {strides = array<i32>} : memref<64x128xf32, #tpu.memory_space<vmem>>, vector<1x16xf32>,
      %swap3A_442 = vector.shape_cast %swap3A_441 : vector<1x16xf32> to vector<16xf32>
      %swap3A_443 = vector.shape_cast %add3A_439 : vector<16xf32> to vector<1x16xf32>
      tpu.vector_store %arg10[%swap3A, %swap3A_440], %swap3A_443 {add = true, strides = array<i32>} : memref<64x128xf32, #tpu.memory_space<vmem>>, vector<1x16xf32>,
      %get3A_444 = arith.index_cast %add3A_431 : i32 to index
      %get3A_445 = arith.constant 16 : index
      %get3A_446 = tpu.vector_load %arg11[%get3A_444, %get3A_445] {strides = array<i32>} : memref<64x128xf32, #tpu.memory_space<vmem>>, vector<1x16xf32>,
      %get3A_447 = vector.shape_cast %get3A_446 : vector<1x16xf32> to vector<16xf32>
      %get3A_448 = arith.index_cast %add3A_431 : i32 to index
      %get3A_449 = arith.constant 16 : index
      %get3A_450 = tpu.vector_load %arg12[%get3A_448, %get3A_449] {strides = array<i32>} : memref<64x128xf32, #tpu.memory_space<vmem>>, vector<1x16xf32>,
      %get3A_451 = vector.shape_cast %get3A_450 : vector<1x16xf32> to vector<16xf32>
      %add3A_452 = arith.addf %get3A_447, %get3A_451 : vector<16xf32>
      %swap3A_453 = arith.index_cast %add3A_431 : i32 to index
      %swap3A_454 = arith.constant 16 : index
      %swap3A_455 = tpu.vector_load %arg10[%swap3A_453, %swap3A_454] {strides = array<i32>} : memref<64x128xf32, #tpu.memory_space<vmem>>, vector<1x16xf32>,
      %swap3A_456 = vector.shape_cast %swap3A_455 : vector<1x16xf32> to vector<16xf32>
      %swap3A_457 = vector.shape_cast %add3A_452 : vector<16xf32> to vector<1x16xf32>
      tpu.vector_store %arg10[%swap3A_453, %swap3A_454], %swap3A_457 {add = true, strides = array<i32>} : memref<64x128xf32, #tpu.memory_space<vmem>>, vector<1x16xf32>,
      %get3A_458 = arith.index_cast %add3A_431 : i32 to index
      %get3A_459 = arith.constant 32 : index
      %get3A_460 = tpu.vector_load %arg11[%get3A_458, %get3A_459] {strides = array<i32>} : memref<64x128xf32, #tpu.memory_space<vmem>>, vector<1x16xf32>,
      %get3A_461 = vector.shape_cast %get3A_460 : vector<1x16xf32> to vector<16xf32>
      %get3A_462 = arith.index_cast %add3A_431 : i32 to index
      %get3A_463 = arith.constant 32 : index
      %get3A_464 = tpu.vector_load %arg12[%get3A_462, %get3A_463] {strides = array<i32>} : memref<64x128xf32, #tpu.memory_space<vmem>>, vector<1x16xf32>,
      %get3A_465 = vector.shape_cast %get3A_464 : vector<1x16xf32> to vector<16xf32>
      %add3A_466 = arith.addf %get3A_461, %get3A_465 : vector<16xf32>
      %swap3A_467 = arith.index_cast %add3A_431 : i32 to index
      %swap3A_468 = arith.constant 32 : index
      %swap3A_469 = tpu.vector_load %arg10[%swap3A_467, %swap3A_468] {strides = array<i32>} : memref<64x128xf32, #tpu.memory_space<vmem>>, vector<1x16xf32>,
      %swap3A_470 = vector.shape_cast %swap3A_469 : vector<1x16xf32> to vector<16xf32>
      %swap3A_471 = vector.shape_cast %add3A_466 : vector<16xf32> to vector<1x16xf32>
      tpu.vector_store %arg10[%swap3A_467, %swap3A_468], %swap3A_471 {add = true, strides = array<i32>} : memref<64x128xf32, #tpu.memory_space<vmem>>, vector<1x16xf32>,
      %get3A_472 = arith.index_cast %add3A_431 : i32 to index
      %get3A_473 = arith.constant 48 : index
      %get3A_474 = tpu.vector_load %arg11[%get3A_472, %get3A_473] {strides = array<i32>} : memref<64x128xf32, #tpu.memory_space<vmem>>, vector<1x16xf32>,
      %get3A_475 = vector.shape_cast %get3A_474 : vector<1x16xf32> to vector<16xf32>
      %get3A_476 = arith.index_cast %add3A_431 : i32 to index
      %get3A_477 = arith.constant 48 : index
      %get3A_478 = tpu.vector_load %arg12[%get3A_476, %get3A_477] {strides = array<i32>} : memref<64x128xf32, #tpu.memory_space<vmem>>, vector<1x16xf32>,
      %get3A_479 = vector.shape_cast %get3A_478 : vector<1x16xf32> to vector<16xf32>
      %add3A_480 = arith.addf %get3A_475, %get3A_479 : vector<16xf32>
      %swap3A_481 = arith.index_cast %add3A_431 : i32 to index
      %swap3A_482 = arith.constant 48 : index
      %swap3A_483 = tpu.vector_load %arg10[%swap3A_481, %swap3A_482] {strides = array<i32>} : memref<64x128xf32, #tpu.memory_space<vmem>>, vector<1x16xf32>,
      %swap3A_484 = vector.shape_cast %swap3A_483 : vector<1x16xf32> to vector<16xf32>
      %swap3A_485 = vector.shape_cast %add3A_480 : vector<16xf32> to vector<1x16xf32>
      tpu.vector_store %arg10[%swap3A_481, %swap3A_482], %swap3A_485 {add = true, strides = array<i32>} : memref<64x128xf32, #tpu.memory_space<vmem>>, vector<1x16xf32>,
      %get3A_486 = arith.index_cast %add3A_431 : i32 to index
      %get3A_487 = arith.constant 64 : index
      %get3A_488 = tpu.vector_load %arg11[%get3A_486, %get3A_487] {strides = array<i32>} : memref<64x128xf32, #tpu.memory_space<vmem>>, vector<1x16xf32>,
      %get3A_489 = vector.shape_cast %get3A_488 : vector<1x16xf32> to vector<16xf32>
      %get3A_490 = arith.index_cast %add3A_431 : i32 to index
      %get3A_491 = arith.constant 64 : index
      %get3A_492 = tpu.vector_load %arg12[%get3A_490, %get3A_491] {strides = array<i32>} : memref<64x128xf32, #tpu.memory_space<vmem>>, vector<1x16xf32>,
      %get3A_493 = vector.shape_cast %get3A_492 : vector<1x16xf32> to vector<16xf32>
      %add3A_494 = arith.addf %get3A_489, %get3A_493 : vector<16xf32>
      %swap3A_495 = arith.index_cast %add3A_431 : i32 to index
      %swap3A_496 = arith.constant 64 : index
      %swap3A_497 = tpu.vector_load %arg10[%swap3A_495, %swap3A_496] {strides = array<i32>} : memref<64x128xf32, #tpu.memory_space<vmem>>, vector<1x16xf32>,
      %swap3A_498 = vector.shape_cast %swap3A_497 : vector<1x16xf32> to vector<16xf32>
      %swap3A_499 = vector.shape_cast %add3A_494 : vector<16xf32> to vector<1x16xf32>
      tpu.vector_store %arg10[%swap3A_495, %swap3A_496], %swap3A_499 {add = true, strides = array<i32>} : memref<64x128xf32, #tpu.memory_space<vmem>>, vector<1x16xf32>,
      %get3A_500 = arith.index_cast %add3A_431 : i32 to index
      %get3A_501 = arith.constant 80 : index
      %get3A_502 = tpu.vector_load %arg11[%get3A_500, %get3A_501] {strides = array<i32>} : memref<64x128xf32, #tpu.memory_space<vmem>>, vector<1x16xf32>,
      %get3A_503 = vector.shape_cast %get3A_502 : vector<1x16xf32> to vector<16xf32>
      %get3A_504 = arith.index_cast %add3A_431 : i32 to index
      %get3A_505 = arith.constant 80 : index
      %get3A_506 = tpu.vector_load %arg12[%get3A_504, %get3A_505] {strides = array<i32>} : memref<64x128xf32, #tpu.memory_space<vmem>>, vector<1x16xf32>,
      %get3A_507 = vector.shape_cast %get3A_506 : vector<1x16xf32> to vector<16xf32>
      %add3A_508 = arith.addf %get3A_503, %get3A_507 : vector<16xf32>
      %swap3A_509 = arith.index_cast %add3A_431 : i32 to index
      %swap3A_510 = arith.constant 80 : index
      %swap3A_511 = tpu.vector_load %arg10[%swap3A_509, %swap3A_510] {strides = array<i32>} : memref<64x128xf32, #tpu.memory_space<vmem>>, vector<1x16xf32>,
      %swap3A_512 = vector.shape_cast %swap3A_511 : vector<1x16xf32> to vector<16xf32>
      %swap3A_513 = vector.shape_cast %add3A_508 : vector<16xf32> to vector<1x16xf32>
      tpu.vector_store %arg10[%swap3A_509, %swap3A_510], %swap3A_513 {add = true, strides = array<i32>} : memref<64x128xf32, #tpu.memory_space<vmem>>, vector<1x16xf32>,
      %get3A_514 = arith.index_cast %add3A_431 : i32 to index
      %get3A_515 = arith.constant 96 : index
      %get3A_516 = tpu.vector_load %arg11[%get3A_514, %get3A_515] {strides = array<i32>} : memref<64x128xf32, #tpu.memory_space<vmem>>, vector<1x16xf32>,
      %get3A_517 = vector.shape_cast %get3A_516 : vector<1x16xf32> to vector<16xf32>
      %get3A_518 = arith.index_cast %add3A_431 : i32 to index
      %get3A_519 = arith.constant 96 : index
      %get3A_520 = tpu.vector_load %arg12[%get3A_518, %get3A_519] {strides = array<i32>} : memref<64x128xf32, #tpu.memory_space<vmem>>, vector<1x16xf32>,
      %get3A_521 = vector.shape_cast %get3A_520 : vector<1x16xf32> to vector<16xf32>
      %add3A_522 = arith.addf %get3A_517, %get3A_521 : vector<16xf32>
      %swap3A_523 = arith.index_cast %add3A_431 : i32 to index
      %swap3A_524 = arith.constant 96 : index
      %swap3A_525 = tpu.vector_load %arg10[%swap3A_523, %swap3A_524] {strides = array<i32>} : memref<64x128xf32, #tpu.memory_space<vmem>>, vector<1x16xf32>,
      %swap3A_526 = vector.shape_cast %swap3A_525 : vector<1x16xf32> to vector<16xf32>
      %swap3A_527 = vector.shape_cast %add3A_522 : vector<16xf32> to vector<1x16xf32>
      tpu.vector_store %arg10[%swap3A_523, %swap3A_524], %swap3A_527 {add = true, strides = array<i32>} : memref<64x128xf32, #tpu.memory_space<vmem>>, vector<1x16xf32>,
      %get3A_528 = arith.index_cast %add3A_431 : i32 to index
      %get3A_529 = arith.constant 112 : index
      %get3A_530 = tpu.vector_load %arg11[%get3A_528, %get3A_529] {strides = array<i32>} : memref<64x128xf32, #tpu.memory_space<vmem>>, vector<1x16xf32>,
      %get3A_531 = vector.shape_cast %get3A_530 : vector<1x16xf32> to vector<16xf32>
      %get3A_532 = arith.index_cast %add3A_431 : i32 to index
      %get3A_533 = arith.constant 112 : index
      %get3A_534 = tpu.vector_load %arg12[%get3A_532, %get3A_533] {strides = array<i32>} : memref<64x128xf32, #tpu.memory_space<vmem>>, vector<1x16xf32>,
      %get3A_535 = vector.shape_cast %get3A_534 : vector<1x16xf32> to vector<16xf32>
      %add3A_536 = arith.addf %get3A_531, %get3A_535 : vector<16xf32>
      %swap3A_537 = arith.index_cast %add3A_431 : i32 to index
      %swap3A_538 = arith.constant 112 : index
      %swap3A_539 = tpu.vector_load %arg10[%swap3A_537, %swap3A_538] {strides = array<i32>} : memref<64x128xf32, #tpu.memory_space<vmem>>, vector<1x16xf32>,
      %swap3A_540 = vector.shape_cast %swap3A_539 : vector<1x16xf32> to vector<16xf32>
      %swap3A_541 = vector.shape_cast %add3A_536 : vector<16xf32> to vector<1x16xf32>
      tpu.vector_store %arg10[%swap3A_537, %swap3A_538], %swap3A_541 {add = true, strides = array<i32>} : memref<64x128xf32, #tpu.memory_space<vmem>>, vector<1x16xf32>,
      %mul3A_542 = arith.constant 2 : i32
      %mul3A_543 = arith.muli %scan3A_426, %mul3A_542 : i32
      %add3A_544 = arith.constant 1 : i32
      %add3A_545 = arith.addi %mul3A_543, %add3A_544 : i32
      %get3A_546 = arith.index_cast %add3A_545 : i32 to index
      %get3A_547 = arith.constant 0 : index
      %get3A_548 = tpu.vector_load %arg11[%get3A_546, %get3A_547] {strides = array<i32>} : memref<64x128xf32, #tpu.memory_space<vmem>>, vector<1x16xf32>,
      %get3A_549 = vector.shape_cast %get3A_548 : vector<1x16xf32> to vector<16xf32>
      %get3A_550 = arith.index_cast %add3A_545 : i32 to index
      %get3A_551 = arith.constant 0 : index
      %get3A_552 = tpu.vector_load %arg12[%get3A_550, %get3A_551] {strides = array<i32>} : memref<64x128xf32, #tpu.memory_space<vmem>>, vector<1x16xf32>,
      %get3A_553 = vector.shape_cast %get3A_552 : vector<1x16xf32> to vector<16xf32>
      %add3A_554 = arith.addf %get3A_549, %get3A_553 : vector<16xf32>
      %swap3A_555 = arith.index_cast %add3A_545 : i32 to index
      %swap3A_556 = arith.constant 0 : index
      %swap3A_557 = tpu.vector_load %arg10[%swap3A_555, %swap3A_556] {strides = array<i32>} : memref<64x128xf32, #tpu.memory_space<vmem>>, vector<1x16xf32>,
      %swap3A_558 = vector.shape_cast %swap3A_557 : vector<1x16xf32> to vector<16xf32>
      %swap3A_559 = vector.shape_cast %add3A_554 : vector<16xf32> to vector<1x16xf32>
      tpu.vector_store %arg10[%swap3A_555, %swap3A_556], %swap3A_559 {add = true, strides = array<i32>} : memref<64x128xf32, #tpu.memory_space<vmem>>, vector<1x16xf32>,
      %get3A_560 = arith.index_cast %add3A_545 : i32 to index
      %get3A_561 = arith.constant 16 : index
      %get3A_562 = tpu.vector_load %arg11[%get3A_560, %get3A_561] {strides = array<i32>} : memref<64x128xf32, #tpu.memory_space<vmem>>, vector<1x16xf32>,
      %get3A_563 = vector.shape_cast %get3A_562 : vector<1x16xf32> to vector<16xf32>
      %get3A_564 = arith.index_cast %add3A_545 : i32 to index
      %get3A_565 = arith.constant 16 : index
      %get3A_566 = tpu.vector_load %arg12[%get3A_564, %get3A_565] {strides = array<i32>} : memref<64x128xf32, #tpu.memory_space<vmem>>, vector<1x16xf32>,
      %get3A_567 = vector.shape_cast %get3A_566 : vector<1x16xf32> to vector<16xf32>
      %add3A_568 = arith.addf %get3A_563, %get3A_567 : vector<16xf32>
      %swap3A_569 = arith.index_cast %add3A_545 : i32 to index
      %swap3A_570 = arith.constant 16 : index
      %swap3A_571 = tpu.vector_load %arg10[%swap3A_569, %swap3A_570] {strides = array<i32>} : memref<64x128xf32, #tpu.memory_space<vmem>>, vector<1x16xf32>,
      %swap3A_572 = vector.shape_cast %swap3A_571 : vector<1x16xf32> to vector<16xf32>
      %swap3A_573 = vector.shape_cast %add3A_568 : vector<16xf32> to vector<1x16xf32>
      tpu.vector_store %arg10[%swap3A_569, %swap3A_570], %swap3A_573 {add = true, strides = array<i32>} : memref<64x128xf32, #tpu.memory_space<vmem>>, vector<1x16xf32>,
      %get3A_574 = arith.index_cast %add3A_545 : i32 to index
      %get3A_575 = arith.constant 32 : index
      %get3A_576 = tpu.vector_load %arg11[%get3A_574, %get3A_575] {strides = array<i32>} : memref<64x128xf32, #tpu.memory_space<vmem>>, vector<1x16xf32>,
      %get3A_577 = vector.shape_cast %get3A_576 : vector<1x16xf32> to vector<16xf32>
      %get3A_578 = arith.index_cast %add3A_545 : i32 to index
      %get3A_579 = arith.constant 32 : index
      %get3A_580 = tpu.vector_load %arg12[%get3A_578, %get3A_579] {strides = array<i32>} : memref<64x128xf32, #tpu.memory_space<vmem>>, vector<1x16xf32>,
      %get3A_581 = vector.shape_cast %get3A_580 : vector<1x16xf32> to vector<16xf32>
      %add3A_582 = arith.addf %get3A_577, %get3A_581 : vector<16xf32>
      %swap3A_583 = arith.index_cast %add3A_545 : i32 to index
      %swap3A_584 = arith.constant 32 : index
      %swap3A_585 = tpu.vector_load %arg10[%swap3A_583, %swap3A_584] {strides = array<i32>} : memref<64x128xf32, #tpu.memory_space<vmem>>, vector<1x16xf32>,
      %swap3A_586 = vector.shape_cast %swap3A_585 : vector<1x16xf32> to vector<16xf32>
      %swap3A_587 = vector.shape_cast %add3A_582 : vector<16xf32> to vector<1x16xf32>
      tpu.vector_store %arg10[%swap3A_583, %swap3A_584], %swap3A_587 {add = true, strides = array<i32>} : memref<64x128xf32, #tpu.memory_space<vmem>>, vector<1x16xf32>,
      %get3A_588 = arith.index_cast %add3A_545 : i32 to index
      %get3A_589 = arith.constant 48 : index
      %get3A_590 = tpu.vector_load %arg11[%get3A_588, %get3A_589] {strides = array<i32>} : memref<64x128xf32, #tpu.memory_space<vmem>>, vector<1x16xf32>,
      %get3A_591 = vector.shape_cast %get3A_590 : vector<1x16xf32> to vector<16xf32>
      %get3A_592 = arith.index_cast %add3A_545 : i32 to index
      %get3A_593 = arith.constant 48 : index
      %get3A_594 = tpu.vector_load %arg12[%get3A_592, %get3A_593] {strides = array<i32>} : memref<64x128xf32, #tpu.memory_space<vmem>>, vector<1x16xf32>,
      %get3A_595 = vector.shape_cast %get3A_594 : vector<1x16xf32> to vector<16xf32>
      %add3A_596 = arith.addf %get3A_591, %get3A_595 : vector<16xf32>
      %swap3A_597 = arith.index_cast %add3A_545 : i32 to index
      %swap3A_598 = arith.constant 48 : index
      %swap3A_599 = tpu.vector_load %arg10[%swap3A_597, %swap3A_598] {strides = array<i32>} : memref<64x128xf32, #tpu.memory_space<vmem>>, vector<1x16xf32>,
      %swap3A_600 = vector.shape_cast %swap3A_599 : vector<1x16xf32> to vector<16xf32>
      %swap3A_601 = vector.shape_cast %add3A_596 : vector<16xf32> to vector<1x16xf32>
      tpu.vector_store %arg10[%swap3A_597, %swap3A_598], %swap3A_601 {add = true, strides = array<i32>} : memref<64x128xf32, #tpu.memory_space<vmem>>, vector<1x16xf32>,
      %get3A_602 = arith.index_cast %add3A_545 : i32 to index
      %get3A_603 = arith.constant 64 : index
      %get3A_604 = tpu.vector_load %arg11[%get3A_602, %get3A_603] {strides = array<i32>} : memref<64x128xf32, #tpu.memory_space<vmem>>, vector<1x16xf32>,
      %get3A_605 = vector.shape_cast %get3A_604 : vector<1x16xf32> to vector<16xf32>
      %get3A_606 = arith.index_cast %add3A_545 : i32 to index
      %get3A_607 = arith.constant 64 : index
      %get3A_608 = tpu.vector_load %arg12[%get3A_606, %get3A_607] {strides = array<i32>} : memref<64x128xf32, #tpu.memory_space<vmem>>, vector<1x16xf32>,
      %get3A_609 = vector.shape_cast %get3A_608 : vector<1x16xf32> to vector<16xf32>
      %add3A_610 = arith.addf %get3A_605, %get3A_609 : vector<16xf32>
      %swap3A_611 = arith.index_cast %add3A_545 : i32 to index
      %swap3A_612 = arith.constant 64 : index
      %swap3A_613 = tpu.vector_load %arg10[%swap3A_611, %swap3A_612] {strides = array<i32>} : memref<64x128xf32, #tpu.memory_space<vmem>>, vector<1x16xf32>,
      %swap3A_614 = vector.shape_cast %swap3A_613 : vector<1x16xf32> to vector<16xf32>
      %swap3A_615 = vector.shape_cast %add3A_610 : vector<16xf32> to vector<1x16xf32>
      tpu.vector_store %arg10[%swap3A_611, %swap3A_612], %swap3A_615 {add = true, strides = array<i32>} : memref<64x128xf32, #tpu.memory_space<vmem>>, vector<1x16xf32>,
      %get3A_616 = arith.index_cast %add3A_545 : i32 to index
      %get3A_617 = arith.constant 80 : index
      %get3A_618 = tpu.vector_load %arg11[%get3A_616, %get3A_617] {strides = array<i32>} : memref<64x128xf32, #tpu.memory_space<vmem>>, vector<1x16xf32>,
      %get3A_619 = vector.shape_cast %get3A_618 : vector<1x16xf32> to vector<16xf32>
      %get3A_620 = arith.index_cast %add3A_545 : i32 to index
      %get3A_621 = arith.constant 80 : index
      %get3A_622 = tpu.vector_load %arg12[%get3A_620, %get3A_621] {strides = array<i32>} : memref<64x128xf32, #tpu.memory_space<vmem>>, vector<1x16xf32>,
      %get3A_623 = vector.shape_cast %get3A_622 : vector<1x16xf32> to vector<16xf32>
      %add3A_624 = arith.addf %get3A_619, %get3A_623 : vector<16xf32>
      %swap3A_625 = arith.index_cast %add3A_545 : i32 to index
      %swap3A_626 = arith.constant 80 : index
      %swap3A_627 = tpu.vector_load %arg10[%swap3A_625, %swap3A_626] {strides = array<i32>} : memref<64x128xf32, #tpu.memory_space<vmem>>, vector<1x16xf32>,
      %swap3A_628 = vector.shape_cast %swap3A_627 : vector<1x16xf32> to vector<16xf32>
      %swap3A_629 = vector.shape_cast %add3A_624 : vector<16xf32> to vector<1x16xf32>
      tpu.vector_store %arg10[%swap3A_625, %swap3A_626], %swap3A_629 {add = true, strides = array<i32>} : memref<64x128xf32, #tpu.memory_space<vmem>>, vector<1x16xf32>,
      %get3A_630 = arith.index_cast %add3A_545 : i32 to index
      %get3A_631 = arith.constant 96 : index
      %get3A_632 = tpu.vector_load %arg11[%get3A_630, %get3A_631] {strides = array<i32>} : memref<64x128xf32, #tpu.memory_space<vmem>>, vector<1x16xf32>,
      %get3A_633 = vector.shape_cast %get3A_632 : vector<1x16xf32> to vector<16xf32>
      %get3A_634 = arith.index_cast %add3A_545 : i32 to index
      %get3A_635 = arith.constant 96 : index
      %get3A_636 = tpu.vector_load %arg12[%get3A_634, %get3A_635] {strides = array<i32>} : memref<64x128xf32, #tpu.memory_space<vmem>>, vector<1x16xf32>,
      %get3A_637 = vector.shape_cast %get3A_636 : vector<1x16xf32> to vector<16xf32>
      %add3A_638 = arith.addf %get3A_633, %get3A_637 : vector<16xf32>
      %swap3A_639 = arith.index_cast %add3A_545 : i32 to index
      %swap3A_640 = arith.constant 96 : index
      %swap3A_641 = tpu.vector_load %arg10[%swap3A_639, %swap3A_640] {strides = array<i32>} : memref<64x128xf32, #tpu.memory_space<vmem>>, vector<1x16xf32>,
      %swap3A_642 = vector.shape_cast %swap3A_641 : vector<1x16xf32> to vector<16xf32>
      %swap3A_643 = vector.shape_cast %add3A_638 : vector<16xf32> to vector<1x16xf32>
      tpu.vector_store %arg10[%swap3A_639, %swap3A_640], %swap3A_643 {add = true, strides = array<i32>} : memref<64x128xf32, #tpu.memory_space<vmem>>, vector<1x16xf32>,
      %get3A_644 = arith.index_cast %add3A_545 : i32 to index
      %get3A_645 = arith.constant 112 : index
      %get3A_646 = tpu.vector_load %arg11[%get3A_644, %get3A_645] {strides = array<i32>} : memref<64x128xf32, #tpu.memory_space<vmem>>, vector<1x16xf32>,
      %get3A_647 = vector.shape_cast %get3A_646 : vector<1x16xf32> to vector<16xf32>
      %get3A_648 = arith.index_cast %add3A_545 : i32 to index
      %get3A_649 = arith.constant 112 : index
      %get3A_650 = tpu.vector_load %arg12[%get3A_648, %get3A_649] {strides = array<i32>} : memref<64x128xf32, #tpu.memory_space<vmem>>, vector<1x16xf32>,
      %get3A_651 = vector.shape_cast %get3A_650 : vector<1x16xf32> to vector<16xf32>
      %add3A_652 = arith.addf %get3A_647, %get3A_651 : vector<16xf32>
      %swap3A_653 = arith.index_cast %add3A_545 : i32 to index
      %swap3A_654 = arith.constant 112 : index
      %swap3A_655 = tpu.vector_load %arg10[%swap3A_653, %swap3A_654] {strides = array<i32>} : memref<64x128xf32, #tpu.memory_space<vmem>>, vector<1x16xf32>,
      %swap3A_656 = vector.shape_cast %swap3A_655 : vector<1x16xf32> to vector<16xf32>
      %swap3A_657 = vector.shape_cast %add3A_652 : vector<16xf32> to vector<1x16xf32>
      tpu.vector_store %arg10[%swap3A_653, %swap3A_654], %swap3A_657 {add = true, strides = array<i32>} : memref<64x128xf32, #tpu.memory_space<vmem>>, vector<1x16xf32>,
      %scan3A_658 = arith.constant 0 : i32
      scf.yield %scan3A_658 : i32
    }
    %scan3A_131 = arith.constant 32 : i32
    %add3A_132 = arith.constant 0 : i32
    %add3A_133 = arith.addi %mul3A_2, %add3A_132 : i32
    %dma_start3A_134 = arith.constant 0 : i32
    %dma_start3A_135 = tpu.memref_slice %arg8[%add3A_133, %dma_start3A_134] : memref<16384x128xf32, #tpu.memory_space<hbm>> -> memref<64x128xf32, #tpu.memory_space<hbm>>
    %dma_start3A_136 = arith.constant 0 : i32
    %dma_start3A_137 = tpu.memref_slice %arg8[%add3A_133, %dma_start3A_136] : memref<16384x128xf32, #tpu.memory_space<hbm>> -> memref<64x128xf32, #tpu.memory_space<hbm>>
    tpu.enqueue_dma source(%arg10 : memref<64x128xf32, #tpu.memory_space<vmem>>) target(%dma_start3A_137 : memref<64x128xf32, #tpu.memory_space<hbm>>) target_semaphore(%arg26 : memref<!tpu.dma_semaphore, #tpu.memory_space<semaphore_mem>>)
    %dma_wait3A_138 = arith.constant 0 : i32
    %dma_wait3A_139 = tpu.memref_slice %arg8[%add3A_133, %dma_wait3A_138] : memref<16384x128xf32, #tpu.memory_space<hbm>> -> memref<64x128xf32, #tpu.memory_space<hbm>>
    %dma_wait3A_140 = arith.constant 0 : i32
    %dma_wait3A_141 = tpu.memref_slice %arg8[%add3A_133, %dma_wait3A_140] : memref<16384x128xf32, #tpu.memory_space<hbm>> -> memref<64x128xf32, #tpu.memory_space<hbm>>
    tpu.wait_dma2 semaphore(%arg26 : memref<!tpu.dma_semaphore, #tpu.memory_space<semaphore_mem>>) src(%arg10 : memref<64x128xf32, #tpu.memory_space<vmem>>) dst(%dma_wait3A_141 : memref<64x128xf32, #tpu.memory_space<hbm>>)
    %dma_start3A_142 = arith.constant 256 : i32
    %dma_start3A_143 = tpu.memref_slice %arg9[%dma_start3A_142] : memref<1536xi32, #tpu.memory_space<vmem>> -> memref<64xi32, #tpu.memory_space<vmem>>
    %dma_start3A_144 = arith.constant 0 : i32
    %dma_start3A_145 = arith.constant 0 : i32
    %dma_start3A_146 = tpu.memref_slice %arg2[%dma_start3A_144, %dma_start3A_145] : memref<6048x128xf32, #tpu.memory_space<hbm>> -> memref<6048x128xf32, #tpu.memory_space<hbm>>
    tpu.enqueue_indirect_dma source(%dma_start3A_146 : memref<6048x128xf32, #tpu.memory_space<hbm>>) target(%arg10 : memref<64x128xf32, #tpu.memory_space<vmem>>) offsets(%dma_start3A_143 : memref<64xi32, #tpu.memory_space<vmem>>) semaphore(%arg22 : memref<!tpu.dma_semaphore, #tpu.memory_space<semaphore_mem>>)
    %dma_start3A_147 = arith.constant 768 : i32
    %dma_start3A_148 = tpu.memref_slice %arg9[%dma_start3A_147] : memref<1536xi32, #tpu.memory_space<vmem>> -> memref<64xi32, #tpu.memory_space<vmem>>
    %dma_start3A_149 = arith.constant 0 : i32
    %dma_start3A_150 = arith.constant 0 : i32
    %dma_start3A_151 = tpu.memref_slice %arg3[%dma_start3A_149, %dma_start3A_150] : memref<3440x128xf32, #tpu.memory_space<hbm>> -> memref<3440x128xf32, #tpu.memory_space<hbm>>
    tpu.enqueue_indirect_dma source(%dma_start3A_151 : memref<3440x128xf32, #tpu.memory_space<hbm>>) target(%arg11 : memref<64x128xf32, #tpu.memory_space<vmem>>) offsets(%dma_start3A_148 : memref<64xi32, #tpu.memory_space<vmem>>) semaphore(%arg22 : memref<!tpu.dma_semaphore, #tpu.memory_space<semaphore_mem>>)
    %dma_start3A_152 = arith.constant 1280 : i32
    %dma_start3A_153 = tpu.memref_slice %arg9[%dma_start3A_152] : memref<1536xi32, #tpu.memory_space<vmem>> -> memref<64xi32, #tpu.memory_space<vmem>>
    %dma_start3A_154 = arith.constant 0 : i32
    %dma_start3A_155 = arith.constant 0 : i32
    %dma_start3A_156 = tpu.memref_slice %arg4[%dma_start3A_154, %dma_start3A_155] : memref<3888x128xf32, #tpu.memory_space<hbm>> -> memref<3888x128xf32, #tpu.memory_space<hbm>>
    tpu.enqueue_indirect_dma source(%dma_start3A_156 : memref<3888x128xf32, #tpu.memory_space<hbm>>) target(%arg12 : memref<64x128xf32, #tpu.memory_space<vmem>>) offsets(%dma_start3A_153 : memref<64xi32, #tpu.memory_space<vmem>>) semaphore(%arg22 : memref<!tpu.dma_semaphore, #tpu.memory_space<semaphore_mem>>)
    %dma_wait3A_157 = arith.constant 64 : i32
    %dma_wait3A_158 = tpu.memref_slice %arg9[%dma_wait3A_157] : memref<1536xi32, #tpu.memory_space<vmem>> -> memref<64xi32, #tpu.memory_space<vmem>>
    %dma_wait3A_159 = arith.constant 0 : i32
    %dma_wait3A_160 = arith.constant 0 : i32
    %dma_wait3A_161 = tpu.memref_slice %arg2[%dma_wait3A_159, %dma_wait3A_160] : memref<6048x128xf32, #tpu.memory_space<hbm>> -> memref<6048x128xf32, #tpu.memory_space<hbm>>
    tpu.wait_indirect_dma semaphore(%arg23 : memref<!tpu.dma_semaphore, #tpu.memory_space<semaphore_mem>>) src(%dma_wait3A_161 : memref<6048x128xf32, #tpu.memory_space<hbm>>) dst(%arg13 : memref<64x128xf32, #tpu.memory_space<vmem>>)
    %dma_wait3A_162 = arith.constant 576 : i32
    %dma_wait3A_163 = tpu.memref_slice %arg9[%dma_wait3A_162] : memref<1536xi32, #tpu.memory_space<vmem>> -> memref<64xi32, #tpu.memory_space<vmem>>
    %dma_wait3A_164 = arith.constant 0 : i32
    %dma_wait3A_165 = arith.constant 0 : i32
    %dma_wait3A_166 = tpu.memref_slice %arg3[%dma_wait3A_164, %dma_wait3A_165] : memref<3440x128xf32, #tpu.memory_space<hbm>> -> memref<3440x128xf32, #tpu.memory_space<hbm>>
    tpu.wait_indirect_dma semaphore(%arg23 : memref<!tpu.dma_semaphore, #tpu.memory_space<semaphore_mem>>) src(%dma_wait3A_166 : memref<3440x128xf32, #tpu.memory_space<hbm>>) dst(%arg14 : memref<64x128xf32, #tpu.memory_space<vmem>>)
    %dma_wait3A_167 = arith.constant 1088 : i32
    %dma_wait3A_168 = tpu.memref_slice %arg9[%dma_wait3A_167] : memref<1536xi32, #tpu.memory_space<vmem>> -> memref<64xi32, #tpu.memory_space<vmem>>
    %dma_wait3A_169 = arith.constant 0 : i32
    %dma_wait3A_170 = arith.constant 0 : i32
    %dma_wait3A_171 = tpu.memref_slice %arg4[%dma_wait3A_169, %dma_wait3A_170] : memref<3888x128xf32, #tpu.memory_space<hbm>> -> memref<3888x128xf32, #tpu.memory_space<hbm>>
    tpu.wait_indirect_dma semaphore(%arg23 : memref<!tpu.dma_semaphore, #tpu.memory_space<semaphore_mem>>) src(%dma_wait3A_171 : memref<3888x128xf32, #tpu.memory_space<hbm>>) dst(%arg15 : memref<64x128xf32, #tpu.memory_space<vmem>>)
    %scan3A_172 = arith.constant 0 : i32
    %scan3A_173 = arith.constant 0 : i32
    %scan3A_174 = arith.constant 32 : i32
    %scan3A_175 = arith.addi %scan3A_173, %scan3A_174 : i32
    %scan3A_176 = arith.constant 1 : i32
    %scan3A_177 = scf.for %scan3A_426 = %scan3A_173 to %scan3A_175 step %scan3A_176 iter_args(%scan3A_427 = %scan3A_172) -> (i32)  : i32 {
      %mul3A_428 = arith.constant 2 : i32
      %mul3A_429 = arith.muli %scan3A_426, %mul3A_428 : i32
      %add3A_430 = arith.constant 0 : i32
      %add3A_431 = arith.addi %mul3A_429, %add3A_430 : i32
      %get3A = arith.index_cast %add3A_431 : i32 to index
      %get3A_432 = arith.constant 0 : index
      %get3A_433 = tpu.vector_load %arg14[%get3A, %get3A_432] {strides = array<i32>} : memref<64x128xf32, #tpu.memory_space<vmem>>, vector<1x16xf32>,
      %get3A_434 = vector.shape_cast %get3A_433 : vector<1x16xf32> to vector<16xf32>
      %get3A_435 = arith.index_cast %add3A_431 : i32 to index
      %get3A_436 = arith.constant 0 : index
      %get3A_437 = tpu.vector_load %arg15[%get3A_435, %get3A_436] {strides = array<i32>} : memref<64x128xf32, #tpu.memory_space<vmem>>, vector<1x16xf32>,
      %get3A_438 = vector.shape_cast %get3A_437 : vector<1x16xf32> to vector<16xf32>
      %add3A_439 = arith.addf %get3A_434, %get3A_438 : vector<16xf32>
      %swap3A = arith.index_cast %add3A_431 : i32 to index
      %swap3A_440 = arith.constant 0 : index
      %swap3A_441 = tpu.vector_load %arg13[%swap3A, %swap3A_440] {strides = array<i32>} : memref<64x128xf32, #tpu.memory_space<vmem>>, vector<1x16xf32>,
      %swap3A_442 = vector.shape_cast %swap3A_441 : vector<1x16xf32> to vector<16xf32>
      %swap3A_443 = vector.shape_cast %add3A_439 : vector<16xf32> to vector<1x16xf32>
      tpu.vector_store %arg13[%swap3A, %swap3A_440], %swap3A_443 {add = true, strides = array<i32>} : memref<64x128xf32, #tpu.memory_space<vmem>>, vector<1x16xf32>,
      %get3A_444 = arith.index_cast %add3A_431 : i32 to index
      %get3A_445 = arith.constant 16 : index
      %get3A_446 = tpu.vector_load %arg14[%get3A_444, %get3A_445] {strides = array<i32>} : memref<64x128xf32, #tpu.memory_space<vmem>>, vector<1x16xf32>,
      %get3A_447 = vector.shape_cast %get3A_446 : vector<1x16xf32> to vector<16xf32>
      %get3A_448 = arith.index_cast %add3A_431 : i32 to index
      %get3A_449 = arith.constant 16 : index
      %get3A_450 = tpu.vector_load %arg15[%get3A_448, %get3A_449] {strides = array<i32>} : memref<64x128xf32, #tpu.memory_space<vmem>>, vector<1x16xf32>,
      %get3A_451 = vector.shape_cast %get3A_450 : vector<1x16xf32> to vector<16xf32>
      %add3A_452 = arith.addf %get3A_447, %get3A_451 : vector<16xf32>
      %swap3A_453 = arith.index_cast %add3A_431 : i32 to index
      %swap3A_454 = arith.constant 16 : index
      %swap3A_455 = tpu.vector_load %arg13[%swap3A_453, %swap3A_454] {strides = array<i32>} : memref<64x128xf32, #tpu.memory_space<vmem>>, vector<1x16xf32>,
      %swap3A_456 = vector.shape_cast %swap3A_455 : vector<1x16xf32> to vector<16xf32>
      %swap3A_457 = vector.shape_cast %add3A_452 : vector<16xf32> to vector<1x16xf32>
      tpu.vector_store %arg13[%swap3A_453, %swap3A_454], %swap3A_457 {add = true, strides = array<i32>} : memref<64x128xf32, #tpu.memory_space<vmem>>, vector<1x16xf32>,
      %get3A_458 = arith.index_cast %add3A_431 : i32 to index
      %get3A_459 = arith.constant 32 : index
      %get3A_460 = tpu.vector_load %arg14[%get3A_458, %get3A_459] {strides = array<i32>} : memref<64x128xf32, #tpu.memory_space<vmem>>, vector<1x16xf32>,
      %get3A_461 = vector.shape_cast %get3A_460 : vector<1x16xf32> to vector<16xf32>
      %get3A_462 = arith.index_cast %add3A_431 : i32 to index
      %get3A_463 = arith.constant 32 : index
      %get3A_464 = tpu.vector_load %arg15[%get3A_462, %get3A_463] {strides = array<i32>} : memref<64x128xf32, #tpu.memory_space<vmem>>, vector<1x16xf32>,
      %get3A_465 = vector.shape_cast %get3A_464 : vector<1x16xf32> to vector<16xf32>
      %add3A_466 = arith.addf %get3A_461, %get3A_465 : vector<16xf32>
      %swap3A_467 = arith.index_cast %add3A_431 : i32 to index
      %swap3A_468 = arith.constant 32 : index
      %swap3A_469 = tpu.vector_load %arg13[%swap3A_467, %swap3A_468] {strides = array<i32>} : memref<64x128xf32, #tpu.memory_space<vmem>>, vector<1x16xf32>,
      %swap3A_470 = vector.shape_cast %swap3A_469 : vector<1x16xf32> to vector<16xf32>
      %swap3A_471 = vector.shape_cast %add3A_466 : vector<16xf32> to vector<1x16xf32>
      tpu.vector_store %arg13[%swap3A_467, %swap3A_468], %swap3A_471 {add = true, strides = array<i32>} : memref<64x128xf32, #tpu.memory_space<vmem>>, vector<1x16xf32>,
      %get3A_472 = arith.index_cast %add3A_431 : i32 to index
      %get3A_473 = arith.constant 48 : index
      %get3A_474 = tpu.vector_load %arg14[%get3A_472, %get3A_473] {strides = array<i32>} : memref<64x128xf32, #tpu.memory_space<vmem>>, vector<1x16xf32>,
      %get3A_475 = vector.shape_cast %get3A_474 : vector<1x16xf32> to vector<16xf32>
      %get3A_476 = arith.index_cast %add3A_431 : i32 to index
      %get3A_477 = arith.constant 48 : index
      %get3A_478 = tpu.vector_load %arg15[%get3A_476, %get3A_477] {strides = array<i32>} : memref<64x128xf32, #tpu.memory_space<vmem>>, vector<1x16xf32>,
      %get3A_479 = vector.shape_cast %get3A_478 : vector<1x16xf32> to vector<16xf32>
      %add3A_480 = arith.addf %get3A_475, %get3A_479 : vector<16xf32>
      %swap3A_481 = arith.index_cast %add3A_431 : i32 to index
      %swap3A_482 = arith.constant 48 : index
      %swap3A_483 = tpu.vector_load %arg13[%swap3A_481, %swap3A_482] {strides = array<i32>} : memref<64x128xf32, #tpu.memory_space<vmem>>, vector<1x16xf32>,
      %swap3A_484 = vector.shape_cast %swap3A_483 : vector<1x16xf32> to vector<16xf32>
      %swap3A_485 = vector.shape_cast %add3A_480 : vector<16xf32> to vector<1x16xf32>
      tpu.vector_store %arg13[%swap3A_481, %swap3A_482], %swap3A_485 {add = true, strides = array<i32>} : memref<64x128xf32, #tpu.memory_space<vmem>>, vector<1x16xf32>,
      %get3A_486 = arith.index_cast %add3A_431 : i32 to index
      %get3A_487 = arith.constant 64 : index
      %get3A_488 = tpu.vector_load %arg14[%get3A_486, %get3A_487] {strides = array<i32>} : memref<64x128xf32, #tpu.memory_space<vmem>>, vector<1x16xf32>,
      %get3A_489 = vector.shape_cast %get3A_488 : vector<1x16xf32> to vector<16xf32>
      %get3A_490 = arith.index_cast %add3A_431 : i32 to index
      %get3A_491 = arith.constant 64 : index
      %get3A_492 = tpu.vector_load %arg15[%get3A_490, %get3A_491] {strides = array<i32>} : memref<64x128xf32, #tpu.memory_space<vmem>>, vector<1x16xf32>,
      %get3A_493 = vector.shape_cast %get3A_492 : vector<1x16xf32> to vector<16xf32>
      %add3A_494 = arith.addf %get3A_489, %get3A_493 : vector<16xf32>
      %swap3A_495 = arith.index_cast %add3A_431 : i32 to index
      %swap3A_496 = arith.constant 64 : index
      %swap3A_497 = tpu.vector_load %arg13[%swap3A_495, %swap3A_496] {strides = array<i32>} : memref<64x128xf32, #tpu.memory_space<vmem>>, vector<1x16xf32>,
      %swap3A_498 = vector.shape_cast %swap3A_497 : vector<1x16xf32> to vector<16xf32>
      %swap3A_499 = vector.shape_cast %add3A_494 : vector<16xf32> to vector<1x16xf32>
      tpu.vector_store %arg13[%swap3A_495, %swap3A_496], %swap3A_499 {add = true, strides = array<i32>} : memref<64x128xf32, #tpu.memory_space<vmem>>, vector<1x16xf32>,
      %get3A_500 = arith.index_cast %add3A_431 : i32 to index
      %get3A_501 = arith.constant 80 : index
      %get3A_502 = tpu.vector_load %arg14[%get3A_500, %get3A_501] {strides = array<i32>} : memref<64x128xf32, #tpu.memory_space<vmem>>, vector<1x16xf32>,
      %get3A_503 = vector.shape_cast %get3A_502 : vector<1x16xf32> to vector<16xf32>
      %get3A_504 = arith.index_cast %add3A_431 : i32 to index
      %get3A_505 = arith.constant 80 : index
      %get3A_506 = tpu.vector_load %arg15[%get3A_504, %get3A_505] {strides = array<i32>} : memref<64x128xf32, #tpu.memory_space<vmem>>, vector<1x16xf32>,
      %get3A_507 = vector.shape_cast %get3A_506 : vector<1x16xf32> to vector<16xf32>
      %add3A_508 = arith.addf %get3A_503, %get3A_507 : vector<16xf32>
      %swap3A_509 = arith.index_cast %add3A_431 : i32 to index
      %swap3A_510 = arith.constant 80 : index
      %swap3A_511 = tpu.vector_load %arg13[%swap3A_509, %swap3A_510] {strides = array<i32>} : memref<64x128xf32, #tpu.memory_space<vmem>>, vector<1x16xf32>,
      %swap3A_512 = vector.shape_cast %swap3A_511 : vector<1x16xf32> to vector<16xf32>
      %swap3A_513 = vector.shape_cast %add3A_508 : vector<16xf32> to vector<1x16xf32>
      tpu.vector_store %arg13[%swap3A_509, %swap3A_510], %swap3A_513 {add = true, strides = array<i32>} : memref<64x128xf32, #tpu.memory_space<vmem>>, vector<1x16xf32>,
      %get3A_514 = arith.index_cast %add3A_431 : i32 to index
      %get3A_515 = arith.constant 96 : index
      %get3A_516 = tpu.vector_load %arg14[%get3A_514, %get3A_515] {strides = array<i32>} : memref<64x128xf32, #tpu.memory_space<vmem>>, vector<1x16xf32>,
      %get3A_517 = vector.shape_cast %get3A_516 : vector<1x16xf32> to vector<16xf32>
      %get3A_518 = arith.index_cast %add3A_431 : i32 to index
      %get3A_519 = arith.constant 96 : index
      %get3A_520 = tpu.vector_load %arg15[%get3A_518, %get3A_519] {strides = array<i32>} : memref<64x128xf32, #tpu.memory_space<vmem>>, vector<1x16xf32>,
      %get3A_521 = vector.shape_cast %get3A_520 : vector<1x16xf32> to vector<16xf32>
      %add3A_522 = arith.addf %get3A_517, %get3A_521 : vector<16xf32>
      %swap3A_523 = arith.index_cast %add3A_431 : i32 to index
      %swap3A_524 = arith.constant 96 : index
      %swap3A_525 = tpu.vector_load %arg13[%swap3A_523, %swap3A_524] {strides = array<i32>} : memref<64x128xf32, #tpu.memory_space<vmem>>, vector<1x16xf32>,
      %swap3A_526 = vector.shape_cast %swap3A_525 : vector<1x16xf32> to vector<16xf32>
      %swap3A_527 = vector.shape_cast %add3A_522 : vector<16xf32> to vector<1x16xf32>
      tpu.vector_store %arg13[%swap3A_523, %swap3A_524], %swap3A_527 {add = true, strides = array<i32>} : memref<64x128xf32, #tpu.memory_space<vmem>>, vector<1x16xf32>,
      %get3A_528 = arith.index_cast %add3A_431 : i32 to index
      %get3A_529 = arith.constant 112 : index
      %get3A_530 = tpu.vector_load %arg14[%get3A_528, %get3A_529] {strides = array<i32>} : memref<64x128xf32, #tpu.memory_space<vmem>>, vector<1x16xf32>,
      %get3A_531 = vector.shape_cast %get3A_530 : vector<1x16xf32> to vector<16xf32>
      %get3A_532 = arith.index_cast %add3A_431 : i32 to index
      %get3A_533 = arith.constant 112 : index
      %get3A_534 = tpu.vector_load %arg15[%get3A_532, %get3A_533] {strides = array<i32>} : memref<64x128xf32, #tpu.memory_space<vmem>>, vector<1x16xf32>,
      %get3A_535 = vector.shape_cast %get3A_534 : vector<1x16xf32> to vector<16xf32>
      %add3A_536 = arith.addf %get3A_531, %get3A_535 : vector<16xf32>
      %swap3A_537 = arith.index_cast %add3A_431 : i32 to index
      %swap3A_538 = arith.constant 112 : index
      %swap3A_539 = tpu.vector_load %arg13[%swap3A_537, %swap3A_538] {strides = array<i32>} : memref<64x128xf32, #tpu.memory_space<vmem>>, vector<1x16xf32>,
      %swap3A_540 = vector.shape_cast %swap3A_539 : vector<1x16xf32> to vector<16xf32>
      %swap3A_541 = vector.shape_cast %add3A_536 : vector<16xf32> to vector<1x16xf32>
      tpu.vector_store %arg13[%swap3A_537, %swap3A_538], %swap3A_541 {add = true, strides = array<i32>} : memref<64x128xf32, #tpu.memory_space<vmem>>, vector<1x16xf32>,
      %mul3A_542 = arith.constant 2 : i32
      %mul3A_543 = arith.muli %scan3A_426, %mul3A_542 : i32
      %add3A_544 = arith.constant 1 : i32
      %add3A_545 = arith.addi %mul3A_543, %add3A_544 : i32
      %get3A_546 = arith.index_cast %add3A_545 : i32 to index
      %get3A_547 = arith.constant 0 : index
      %get3A_548 = tpu.vector_load %arg14[%get3A_546, %get3A_547] {strides = array<i32>} : memref<64x128xf32, #tpu.memory_space<vmem>>, vector<1x16xf32>,
      %get3A_549 = vector.shape_cast %get3A_548 : vector<1x16xf32> to vector<16xf32>
      %get3A_550 = arith.index_cast %add3A_545 : i32 to index
      %get3A_551 = arith.constant 0 : index
      %get3A_552 = tpu.vector_load %arg15[%get3A_550, %get3A_551] {strides = array<i32>} : memref<64x128xf32, #tpu.memory_space<vmem>>, vector<1x16xf32>,
      %get3A_553 = vector.shape_cast %get3A_552 : vector<1x16xf32> to vector<16xf32>
      %add3A_554 = arith.addf %get3A_549, %get3A_553 : vector<16xf32>
      %swap3A_555 = arith.index_cast %add3A_545 : i32 to index
      %swap3A_556 = arith.constant 0 : index
      %swap3A_557 = tpu.vector_load %arg13[%swap3A_555, %swap3A_556] {strides = array<i32>} : memref<64x128xf32, #tpu.memory_space<vmem>>, vector<1x16xf32>,
      %swap3A_558 = vector.shape_cast %swap3A_557 : vector<1x16xf32> to vector<16xf32>
      %swap3A_559 = vector.shape_cast %add3A_554 : vector<16xf32> to vector<1x16xf32>
      tpu.vector_store %arg13[%swap3A_555, %swap3A_556], %swap3A_559 {add = true, strides = array<i32>} : memref<64x128xf32, #tpu.memory_space<vmem>>, vector<1x16xf32>,
      %get3A_560 = arith.index_cast %add3A_545 : i32 to index
      %get3A_561 = arith.constant 16 : index
      %get3A_562 = tpu.vector_load %arg14[%get3A_560, %get3A_561] {strides = array<i32>} : memref<64x128xf32, #tpu.memory_space<vmem>>, vector<1x16xf32>,
      %get3A_563 = vector.shape_cast %get3A_562 : vector<1x16xf32> to vector<16xf32>
      %get3A_564 = arith.index_cast %add3A_545 : i32 to index
      %get3A_565 = arith.constant 16 : index
      %get3A_566 = tpu.vector_load %arg15[%get3A_564, %get3A_565] {strides = array<i32>} : memref<64x128xf32, #tpu.memory_space<vmem>>, vector<1x16xf32>,
      %get3A_567 = vector.shape_cast %get3A_566 : vector<1x16xf32> to vector<16xf32>
      %add3A_568 = arith.addf %get3A_563, %get3A_567 : vector<16xf32>
      %swap3A_569 = arith.index_cast %add3A_545 : i32 to index
      %swap3A_570 = arith.constant 16 : index
      %swap3A_571 = tpu.vector_load %arg13[%swap3A_569, %swap3A_570] {strides = array<i32>} : memref<64x128xf32, #tpu.memory_space<vmem>>, vector<1x16xf32>,
      %swap3A_572 = vector.shape_cast %swap3A_571 : vector<1x16xf32> to vector<16xf32>
      %swap3A_573 = vector.shape_cast %add3A_568 : vector<16xf32> to vector<1x16xf32>
      tpu.vector_store %arg13[%swap3A_569, %swap3A_570], %swap3A_573 {add = true, strides = array<i32>} : memref<64x128xf32, #tpu.memory_space<vmem>>, vector<1x16xf32>,
      %get3A_574 = arith.index_cast %add3A_545 : i32 to index
      %get3A_575 = arith.constant 32 : index
      %get3A_576 = tpu.vector_load %arg14[%get3A_574, %get3A_575] {strides = array<i32>} : memref<64x128xf32, #tpu.memory_space<vmem>>, vector<1x16xf32>,
      %get3A_577 = vector.shape_cast %get3A_576 : vector<1x16xf32> to vector<16xf32>
      %get3A_578 = arith.index_cast %add3A_545 : i32 to index
      %get3A_579 = arith.constant 32 : index
      %get3A_580 = tpu.vector_load %arg15[%get3A_578, %get3A_579] {strides = array<i32>} : memref<64x128xf32, #tpu.memory_space<vmem>>, vector<1x16xf32>,
      %get3A_581 = vector.shape_cast %get3A_580 : vector<1x16xf32> to vector<16xf32>
      %add3A_582 = arith.addf %get3A_577, %get3A_581 : vector<16xf32>
      %swap3A_583 = arith.index_cast %add3A_545 : i32 to index
      %swap3A_584 = arith.constant 32 : index
      %swap3A_585 = tpu.vector_load %arg13[%swap3A_583, %swap3A_584] {strides = array<i32>} : memref<64x128xf32, #tpu.memory_space<vmem>>, vector<1x16xf32>,
      %swap3A_586 = vector.shape_cast %swap3A_585 : vector<1x16xf32> to vector<16xf32>
      %swap3A_587 = vector.shape_cast %add3A_582 : vector<16xf32> to vector<1x16xf32>
      tpu.vector_store %arg13[%swap3A_583, %swap3A_584], %swap3A_587 {add = true, strides = array<i32>} : memref<64x128xf32, #tpu.memory_space<vmem>>, vector<1x16xf32>,
      %get3A_588 = arith.index_cast %add3A_545 : i32 to index
      %get3A_589 = arith.constant 48 : index
      %get3A_590 = tpu.vector_load %arg14[%get3A_588, %get3A_589] {strides = array<i32>} : memref<64x128xf32, #tpu.memory_space<vmem>>, vector<1x16xf32>,
      %get3A_591 = vector.shape_cast %get3A_590 : vector<1x16xf32> to vector<16xf32>
      %get3A_592 = arith.index_cast %add3A_545 : i32 to index
      %get3A_593 = arith.constant 48 : index
      %get3A_594 = tpu.vector_load %arg15[%get3A_592, %get3A_593] {strides = array<i32>} : memref<64x128xf32, #tpu.memory_space<vmem>>, vector<1x16xf32>,
      %get3A_595 = vector.shape_cast %get3A_594 : vector<1x16xf32> to vector<16xf32>
      %add3A_596 = arith.addf %get3A_591, %get3A_595 : vector<16xf32>
      %swap3A_597 = arith.index_cast %add3A_545 : i32 to index
      %swap3A_598 = arith.constant 48 : index
      %swap3A_599 = tpu.vector_load %arg13[%swap3A_597, %swap3A_598] {strides = array<i32>} : memref<64x128xf32, #tpu.memory_space<vmem>>, vector<1x16xf32>,
      %swap3A_600 = vector.shape_cast %swap3A_599 : vector<1x16xf32> to vector<16xf32>
      %swap3A_601 = vector.shape_cast %add3A_596 : vector<16xf32> to vector<1x16xf32>
      tpu.vector_store %arg13[%swap3A_597, %swap3A_598], %swap3A_601 {add = true, strides = array<i32>} : memref<64x128xf32, #tpu.memory_space<vmem>>, vector<1x16xf32>,
      %get3A_602 = arith.index_cast %add3A_545 : i32 to index
      %get3A_603 = arith.constant 64 : index
      %get3A_604 = tpu.vector_load %arg14[%get3A_602, %get3A_603] {strides = array<i32>} : memref<64x128xf32, #tpu.memory_space<vmem>>, vector<1x16xf32>,
      %get3A_605 = vector.shape_cast %get3A_604 : vector<1x16xf32> to vector<16xf32>
      %get3A_606 = arith.index_cast %add3A_545 : i32 to index
      %get3A_607 = arith.constant 64 : index
      %get3A_608 = tpu.vector_load %arg15[%get3A_606, %get3A_607] {strides = array<i32>} : memref<64x128xf32, #tpu.memory_space<vmem>>, vector<1x16xf32>,
      %get3A_609 = vector.shape_cast %get3A_608 : vector<1x16xf32> to vector<16xf32>
      %add3A_610 = arith.addf %get3A_605, %get3A_609 : vector<16xf32>
      %swap3A_611 = arith.index_cast %add3A_545 : i32 to index
      %swap3A_612 = arith.constant 64 : index
      %swap3A_613 = tpu.vector_load %arg13[%swap3A_611, %swap3A_612] {strides = array<i32>} : memref<64x128xf32, #tpu.memory_space<vmem>>, vector<1x16xf32>,
      %swap3A_614 = vector.shape_cast %swap3A_613 : vector<1x16xf32> to vector<16xf32>
      %swap3A_615 = vector.shape_cast %add3A_610 : vector<16xf32> to vector<1x16xf32>
      tpu.vector_store %arg13[%swap3A_611, %swap3A_612], %swap3A_615 {add = true, strides = array<i32>} : memref<64x128xf32, #tpu.memory_space<vmem>>, vector<1x16xf32>,
      %get3A_616 = arith.index_cast %add3A_545 : i32 to index
      %get3A_617 = arith.constant 80 : index
      %get3A_618 = tpu.vector_load %arg14[%get3A_616, %get3A_617] {strides = array<i32>} : memref<64x128xf32, #tpu.memory_space<vmem>>, vector<1x16xf32>,
      %get3A_619 = vector.shape_cast %get3A_618 : vector<1x16xf32> to vector<16xf32>
      %get3A_620 = arith.index_cast %add3A_545 : i32 to index
      %get3A_621 = arith.constant 80 : index
      %get3A_622 = tpu.vector_load %arg15[%get3A_620, %get3A_621] {strides = array<i32>} : memref<64x128xf32, #tpu.memory_space<vmem>>, vector<1x16xf32>,
      %get3A_623 = vector.shape_cast %get3A_622 : vector<1x16xf32> to vector<16xf32>
      %add3A_624 = arith.addf %get3A_619, %get3A_623 : vector<16xf32>
      %swap3A_625 = arith.index_cast %add3A_545 : i32 to index
      %swap3A_626 = arith.constant 80 : index
      %swap3A_627 = tpu.vector_load %arg13[%swap3A_625, %swap3A_626] {strides = array<i32>} : memref<64x128xf32, #tpu.memory_space<vmem>>, vector<1x16xf32>,
      %swap3A_628 = vector.shape_cast %swap3A_627 : vector<1x16xf32> to vector<16xf32>
      %swap3A_629 = vector.shape_cast %add3A_624 : vector<16xf32> to vector<1x16xf32>
      tpu.vector_store %arg13[%swap3A_625, %swap3A_626], %swap3A_629 {add = true, strides = array<i32>} : memref<64x128xf32, #tpu.memory_space<vmem>>, vector<1x16xf32>,
      %get3A_630 = arith.index_cast %add3A_545 : i32 to index
      %get3A_631 = arith.constant 96 : index
      %get3A_632 = tpu.vector_load %arg14[%get3A_630, %get3A_631] {strides = array<i32>} : memref<64x128xf32, #tpu.memory_space<vmem>>, vector<1x16xf32>,
      %get3A_633 = vector.shape_cast %get3A_632 : vector<1x16xf32> to vector<16xf32>
      %get3A_634 = arith.index_cast %add3A_545 : i32 to index
      %get3A_635 = arith.constant 96 : index
      %get3A_636 = tpu.vector_load %arg15[%get3A_634, %get3A_635] {strides = array<i32>} : memref<64x128xf32, #tpu.memory_space<vmem>>, vector<1x16xf32>,
      %get3A_637 = vector.shape_cast %get3A_636 : vector<1x16xf32> to vector<16xf32>
      %add3A_638 = arith.addf %get3A_633, %get3A_637 : vector<16xf32>
      %swap3A_639 = arith.index_cast %add3A_545 : i32 to index
      %swap3A_640 = arith.constant 96 : index
      %swap3A_641 = tpu.vector_load %arg13[%swap3A_639, %swap3A_640] {strides = array<i32>} : memref<64x128xf32, #tpu.memory_space<vmem>>, vector<1x16xf32>,
      %swap3A_642 = vector.shape_cast %swap3A_641 : vector<1x16xf32> to vector<16xf32>
      %swap3A_643 = vector.shape_cast %add3A_638 : vector<16xf32> to vector<1x16xf32>
      tpu.vector_store %arg13[%swap3A_639, %swap3A_640], %swap3A_643 {add = true, strides = array<i32>} : memref<64x128xf32, #tpu.memory_space<vmem>>, vector<1x16xf32>,
      %get3A_644 = arith.index_cast %add3A_545 : i32 to index
      %get3A_645 = arith.constant 112 : index
      %get3A_646 = tpu.vector_load %arg14[%get3A_644, %get3A_645] {strides = array<i32>} : memref<64x128xf32, #tpu.memory_space<vmem>>, vector<1x16xf32>,
      %get3A_647 = vector.shape_cast %get3A_646 : vector<1x16xf32> to vector<16xf32>
      %get3A_648 = arith.index_cast %add3A_545 : i32 to index
      %get3A_649 = arith.constant 112 : index
      %get3A_650 = tpu.vector_load %arg15[%get3A_648, %get3A_649] {strides = array<i32>} : memref<64x128xf32, #tpu.memory_space<vmem>>, vector<1x16xf32>,
      %get3A_651 = vector.shape_cast %get3A_650 : vector<1x16xf32> to vector<16xf32>
      %add3A_652 = arith.addf %get3A_647, %get3A_651 : vector<16xf32>
      %swap3A_653 = arith.index_cast %add3A_545 : i32 to index
      %swap3A_654 = arith.constant 112 : index
      %swap3A_655 = tpu.vector_load %arg13[%swap3A_653, %swap3A_654] {strides = array<i32>} : memref<64x128xf32, #tpu.memory_space<vmem>>, vector<1x16xf32>,
      %swap3A_656 = vector.shape_cast %swap3A_655 : vector<1x16xf32> to vector<16xf32>
      %swap3A_657 = vector.shape_cast %add3A_652 : vector<16xf32> to vector<1x16xf32>
      tpu.vector_store %arg13[%swap3A_653, %swap3A_654], %swap3A_657 {add = true, strides = array<i32>} : memref<64x128xf32, #tpu.memory_space<vmem>>, vector<1x16xf32>,
      %scan3A_658 = arith.constant 0 : i32
      scf.yield %scan3A_658 : i32
    }
    %scan3A_178 = arith.constant 32 : i32
    %add3A_179 = arith.constant 64 : i32
    %add3A_180 = arith.addi %mul3A_2, %add3A_179 : i32
    %dma_start3A_181 = arith.constant 0 : i32
    %dma_start3A_182 = tpu.memref_slice %arg8[%add3A_180, %dma_start3A_181] : memref<16384x128xf32, #tpu.memory_space<hbm>> -> memref<64x128xf32, #tpu.memory_space<hbm>>
    %dma_start3A_183 = arith.constant 0 : i32
    %dma_start3A_184 = tpu.memref_slice %arg8[%add3A_180, %dma_start3A_183] : memref<16384x128xf32, #tpu.memory_space<hbm>> -> memref<64x128xf32, #tpu.memory_space<hbm>>
    tpu.enqueue_dma source(%arg13 : memref<64x128xf32, #tpu.memory_space<vmem>>) target(%dma_start3A_184 : memref<64x128xf32, #tpu.memory_space<hbm>>) target_semaphore(%arg27 : memref<!tpu.dma_semaphore, #tpu.memory_space<semaphore_mem>>)
    %dma_wait3A_185 = arith.constant 0 : i32
    %dma_wait3A_186 = tpu.memref_slice %arg8[%add3A_180, %dma_wait3A_185] : memref<16384x128xf32, #tpu.memory_space<hbm>> -> memref<64x128xf32, #tpu.memory_space<hbm>>
    %dma_wait3A_187 = arith.constant 0 : i32
    %dma_wait3A_188 = tpu.memref_slice %arg8[%add3A_180, %dma_wait3A_187] : memref<16384x128xf32, #tpu.memory_space<hbm>> -> memref<64x128xf32, #tpu.memory_space<hbm>>
    tpu.wait_dma2 semaphore(%arg27 : memref<!tpu.dma_semaphore, #tpu.memory_space<semaphore_mem>>) src(%arg13 : memref<64x128xf32, #tpu.memory_space<vmem>>) dst(%dma_wait3A_188 : memref<64x128xf32, #tpu.memory_space<hbm>>)
    %dma_start3A_189 = arith.constant 320 : i32
    %dma_start3A_190 = tpu.memref_slice %arg9[%dma_start3A_189] : memref<1536xi32, #tpu.memory_space<vmem>> -> memref<64xi32, #tpu.memory_space<vmem>>
    %dma_start3A_191 = arith.constant 0 : i32
    %dma_start3A_192 = arith.constant 0 : i32
    %dma_start3A_193 = tpu.memref_slice %arg2[%dma_start3A_191, %dma_start3A_192] : memref<6048x128xf32, #tpu.memory_space<hbm>> -> memref<6048x128xf32, #tpu.memory_space<hbm>>
    tpu.enqueue_indirect_dma source(%dma_start3A_193 : memref<6048x128xf32, #tpu.memory_space<hbm>>) target(%arg13 : memref<64x128xf32, #tpu.memory_space<vmem>>) offsets(%dma_start3A_190 : memref<64xi32, #tpu.memory_space<vmem>>) semaphore(%arg23 : memref<!tpu.dma_semaphore, #tpu.memory_space<semaphore_mem>>)
    %dma_start3A_194 = arith.constant 832 : i32
    %dma_start3A_195 = tpu.memref_slice %arg9[%dma_start3A_194] : memref<1536xi32, #tpu.memory_space<vmem>> -> memref<64xi32, #tpu.memory_space<vmem>>
    %dma_start3A_196 = arith.constant 0 : i32
    %dma_start3A_197 = arith.constant 0 : i32
    %dma_start3A_198 = tpu.memref_slice %arg3[%dma_start3A_196, %dma_start3A_197] : memref<3440x128xf32, #tpu.memory_space<hbm>> -> memref<3440x128xf32, #tpu.memory_space<hbm>>
    tpu.enqueue_indirect_dma source(%dma_start3A_198 : memref<3440x128xf32, #tpu.memory_space<hbm>>) target(%arg14 : memref<64x128xf32, #tpu.memory_space<vmem>>) offsets(%dma_start3A_195 : memref<64xi32, #tpu.memory_space<vmem>>) semaphore(%arg23 : memref<!tpu.dma_semaphore, #tpu.memory_space<semaphore_mem>>)
    %dma_start3A_199 = arith.constant 1344 : i32
    %dma_start3A_200 = tpu.memref_slice %arg9[%dma_start3A_199] : memref<1536xi32, #tpu.memory_space<vmem>> -> memref<64xi32, #tpu.memory_space<vmem>>
    %dma_start3A_201 = arith.constant 0 : i32
    %dma_start3A_202 = arith.constant 0 : i32
    %dma_start3A_203 = tpu.memref_slice %arg4[%dma_start3A_201, %dma_start3A_202] : memref<3888x128xf32, #tpu.memory_space<hbm>> -> memref<3888x128xf32, #tpu.memory_space<hbm>>
    tpu.enqueue_indirect_dma source(%dma_start3A_203 : memref<3888x128xf32, #tpu.memory_space<hbm>>) target(%arg15 : memref<64x128xf32, #tpu.memory_space<vmem>>) offsets(%dma_start3A_200 : memref<64xi32, #tpu.memory_space<vmem>>) semaphore(%arg23 : memref<!tpu.dma_semaphore, #tpu.memory_space<semaphore_mem>>)
    %dma_wait3A_204 = arith.constant 128 : i32
    %dma_wait3A_205 = tpu.memref_slice %arg9[%dma_wait3A_204] : memref<1536xi32, #tpu.memory_space<vmem>> -> memref<64xi32, #tpu.memory_space<vmem>>
    %dma_wait3A_206 = arith.constant 0 : i32
    %dma_wait3A_207 = arith.constant 0 : i32
    %dma_wait3A_208 = tpu.memref_slice %arg2[%dma_wait3A_206, %dma_wait3A_207] : memref<6048x128xf32, #tpu.memory_space<hbm>> -> memref<6048x128xf32, #tpu.memory_space<hbm>>
    tpu.wait_indirect_dma semaphore(%arg24 : memref<!tpu.dma_semaphore, #tpu.memory_space<semaphore_mem>>) src(%dma_wait3A_208 : memref<6048x128xf32, #tpu.memory_space<hbm>>) dst(%arg16 : memref<64x128xf32, #tpu.memory_space<vmem>>)
    %dma_wait3A_209 = arith.constant 640 : i32
    %dma_wait3A_210 = tpu.memref_slice %arg9[%dma_wait3A_209] : memref<1536xi32, #tpu.memory_space<vmem>> -> memref<64xi32, #tpu.memory_space<vmem>>
    %dma_wait3A_211 = arith.constant 0 : i32
    %dma_wait3A_212 = arith.constant 0 : i32
    %dma_wait3A_213 = tpu.memref_slice %arg3[%dma_wait3A_211, %dma_wait3A_212] : memref<3440x128xf32, #tpu.memory_space<hbm>> -> memref<3440x128xf32, #tpu.memory_space<hbm>>
    tpu.wait_indirect_dma semaphore(%arg24 : memref<!tpu.dma_semaphore, #tpu.memory_space<semaphore_mem>>) src(%dma_wait3A_213 : memref<3440x128xf32, #tpu.memory_space<hbm>>) dst(%arg17 : memref<64x128xf32, #tpu.memory_space<vmem>>)
    %dma_wait3A_214 = arith.constant 1152 : i32
    %dma_wait3A_215 = tpu.memref_slice %arg9[%dma_wait3A_214] : memref<1536xi32, #tpu.memory_space<vmem>> -> memref<64xi32, #tpu.memory_space<vmem>>
    %dma_wait3A_216 = arith.constant 0 : i32
    %dma_wait3A_217 = arith.constant 0 : i32
    %dma_wait3A_218 = tpu.memref_slice %arg4[%dma_wait3A_216, %dma_wait3A_217] : memref<3888x128xf32, #tpu.memory_space<hbm>> -> memref<3888x128xf32, #tpu.memory_space<hbm>>
    tpu.wait_indirect_dma semaphore(%arg24 : memref<!tpu.dma_semaphore, #tpu.memory_space<semaphore_mem>>) src(%dma_wait3A_218 : memref<3888x128xf32, #tpu.memory_space<hbm>>) dst(%arg18 : memref<64x128xf32, #tpu.memory_space<vmem>>)
    %scan3A_219 = arith.constant 0 : i32
    %scan3A_220 = arith.constant 0 : i32
    %scan3A_221 = arith.constant 32 : i32
    %scan3A_222 = arith.addi %scan3A_220, %scan3A_221 : i32
    %scan3A_223 = arith.constant 1 : i32
    %scan3A_224 = scf.for %scan3A_426 = %scan3A_220 to %scan3A_222 step %scan3A_223 iter_args(%scan3A_427 = %scan3A_219) -> (i32)  : i32 {
      %mul3A_428 = arith.constant 2 : i32
      %mul3A_429 = arith.muli %scan3A_426, %mul3A_428 : i32
      %add3A_430 = arith.constant 0 : i32
      %add3A_431 = arith.addi %mul3A_429, %add3A_430 : i32
      %get3A = arith.index_cast %add3A_431 : i32 to index
      %get3A_432 = arith.constant 0 : index
      %get3A_433 = tpu.vector_load %arg17[%get3A, %get3A_432] {strides = array<i32>} : memref<64x128xf32, #tpu.memory_space<vmem>>, vector<1x16xf32>,
      %get3A_434 = vector.shape_cast %get3A_433 : vector<1x16xf32> to vector<16xf32>
      %get3A_435 = arith.index_cast %add3A_431 : i32 to index
      %get3A_436 = arith.constant 0 : index
      %get3A_437 = tpu.vector_load %arg18[%get3A_435, %get3A_436] {strides = array<i32>} : memref<64x128xf32, #tpu.memory_space<vmem>>, vector<1x16xf32>,
      %get3A_438 = vector.shape_cast %get3A_437 : vector<1x16xf32> to vector<16xf32>
      %add3A_439 = arith.addf %get3A_434, %get3A_438 : vector<16xf32>
      %swap3A = arith.index_cast %add3A_431 : i32 to index
      %swap3A_440 = arith.constant 0 : index
      %swap3A_441 = tpu.vector_load %arg16[%swap3A, %swap3A_440] {strides = array<i32>} : memref<64x128xf32, #tpu.memory_space<vmem>>, vector<1x16xf32>,
      %swap3A_442 = vector.shape_cast %swap3A_441 : vector<1x16xf32> to vector<16xf32>
      %swap3A_443 = vector.shape_cast %add3A_439 : vector<16xf32> to vector<1x16xf32>
      tpu.vector_store %arg16[%swap3A, %swap3A_440], %swap3A_443 {add = true, strides = array<i32>} : memref<64x128xf32, #tpu.memory_space<vmem>>, vector<1x16xf32>,
      %get3A_444 = arith.index_cast %add3A_431 : i32 to index
      %get3A_445 = arith.constant 16 : index
      %get3A_446 = tpu.vector_load %arg17[%get3A_444, %get3A_445] {strides = array<i32>} : memref<64x128xf32, #tpu.memory_space<vmem>>, vector<1x16xf32>,
      %get3A_447 = vector.shape_cast %get3A_446 : vector<1x16xf32> to vector<16xf32>
      %get3A_448 = arith.index_cast %add3A_431 : i32 to index
      %get3A_449 = arith.constant 16 : index
      %get3A_450 = tpu.vector_load %arg18[%get3A_448, %get3A_449] {strides = array<i32>} : memref<64x128xf32, #tpu.memory_space<vmem>>, vector<1x16xf32>,
      %get3A_451 = vector.shape_cast %get3A_450 : vector<1x16xf32> to vector<16xf32>
      %add3A_452 = arith.addf %get3A_447, %get3A_451 : vector<16xf32>
      %swap3A_453 = arith.index_cast %add3A_431 : i32 to index
      %swap3A_454 = arith.constant 16 : index
      %swap3A_455 = tpu.vector_load %arg16[%swap3A_453, %swap3A_454] {strides = array<i32>} : memref<64x128xf32, #tpu.memory_space<vmem>>, vector<1x16xf32>,
      %swap3A_456 = vector.shape_cast %swap3A_455 : vector<1x16xf32> to vector<16xf32>
      %swap3A_457 = vector.shape_cast %add3A_452 : vector<16xf32> to vector<1x16xf32>
      tpu.vector_store %arg16[%swap3A_453, %swap3A_454], %swap3A_457 {add = true, strides = array<i32>} : memref<64x128xf32, #tpu.memory_space<vmem>>, vector<1x16xf32>,
      %get3A_458 = arith.index_cast %add3A_431 : i32 to index
      %get3A_459 = arith.constant 32 : index
      %get3A_460 = tpu.vector_load %arg17[%get3A_458, %get3A_459] {strides = array<i32>} : memref<64x128xf32, #tpu.memory_space<vmem>>, vector<1x16xf32>,
      %get3A_461 = vector.shape_cast %get3A_460 : vector<1x16xf32> to vector<16xf32>
      %get3A_462 = arith.index_cast %add3A_431 : i32 to index
      %get3A_463 = arith.constant 32 : index
      %get3A_464 = tpu.vector_load %arg18[%get3A_462, %get3A_463] {strides = array<i32>} : memref<64x128xf32, #tpu.memory_space<vmem>>, vector<1x16xf32>,
      %get3A_465 = vector.shape_cast %get3A_464 : vector<1x16xf32> to vector<16xf32>
      %add3A_466 = arith.addf %get3A_461, %get3A_465 : vector<16xf32>
      %swap3A_467 = arith.index_cast %add3A_431 : i32 to index
      %swap3A_468 = arith.constant 32 : index
      %swap3A_469 = tpu.vector_load %arg16[%swap3A_467, %swap3A_468] {strides = array<i32>} : memref<64x128xf32, #tpu.memory_space<vmem>>, vector<1x16xf32>,
      %swap3A_470 = vector.shape_cast %swap3A_469 : vector<1x16xf32> to vector<16xf32>
      %swap3A_471 = vector.shape_cast %add3A_466 : vector<16xf32> to vector<1x16xf32>
      tpu.vector_store %arg16[%swap3A_467, %swap3A_468], %swap3A_471 {add = true, strides = array<i32>} : memref<64x128xf32, #tpu.memory_space<vmem>>, vector<1x16xf32>,
      %get3A_472 = arith.index_cast %add3A_431 : i32 to index
      %get3A_473 = arith.constant 48 : index
      %get3A_474 = tpu.vector_load %arg17[%get3A_472, %get3A_473] {strides = array<i32>} : memref<64x128xf32, #tpu.memory_space<vmem>>, vector<1x16xf32>,
      %get3A_475 = vector.shape_cast %get3A_474 : vector<1x16xf32> to vector<16xf32>
      %get3A_476 = arith.index_cast %add3A_431 : i32 to index
      %get3A_477 = arith.constant 48 : index
      %get3A_478 = tpu.vector_load %arg18[%get3A_476, %get3A_477] {strides = array<i32>} : memref<64x128xf32, #tpu.memory_space<vmem>>, vector<1x16xf32>,
      %get3A_479 = vector.shape_cast %get3A_478 : vector<1x16xf32> to vector<16xf32>
      %add3A_480 = arith.addf %get3A_475, %get3A_479 : vector<16xf32>
      %swap3A_481 = arith.index_cast %add3A_431 : i32 to index
      %swap3A_482 = arith.constant 48 : index
      %swap3A_483 = tpu.vector_load %arg16[%swap3A_481, %swap3A_482] {strides = array<i32>} : memref<64x128xf32, #tpu.memory_space<vmem>>, vector<1x16xf32>,
      %swap3A_484 = vector.shape_cast %swap3A_483 : vector<1x16xf32> to vector<16xf32>
      %swap3A_485 = vector.shape_cast %add3A_480 : vector<16xf32> to vector<1x16xf32>
      tpu.vector_store %arg16[%swap3A_481, %swap3A_482], %swap3A_485 {add = true, strides = array<i32>} : memref<64x128xf32, #tpu.memory_space<vmem>>, vector<1x16xf32>,
      %get3A_486 = arith.index_cast %add3A_431 : i32 to index
      %get3A_487 = arith.constant 64 : index
      %get3A_488 = tpu.vector_load %arg17[%get3A_486, %get3A_487] {strides = array<i32>} : memref<64x128xf32, #tpu.memory_space<vmem>>, vector<1x16xf32>,
      %get3A_489 = vector.shape_cast %get3A_488 : vector<1x16xf32> to vector<16xf32>
      %get3A_490 = arith.index_cast %add3A_431 : i32 to index
      %get3A_491 = arith.constant 64 : index
      %get3A_492 = tpu.vector_load %arg18[%get3A_490, %get3A_491] {strides = array<i32>} : memref<64x128xf32, #tpu.memory_space<vmem>>, vector<1x16xf32>,
      %get3A_493 = vector.shape_cast %get3A_492 : vector<1x16xf32> to vector<16xf32>
      %add3A_494 = arith.addf %get3A_489, %get3A_493 : vector<16xf32>
      %swap3A_495 = arith.index_cast %add3A_431 : i32 to index
      %swap3A_496 = arith.constant 64 : index
      %swap3A_497 = tpu.vector_load %arg16[%swap3A_495, %swap3A_496] {strides = array<i32>} : memref<64x128xf32, #tpu.memory_space<vmem>>, vector<1x16xf32>,
      %swap3A_498 = vector.shape_cast %swap3A_497 : vector<1x16xf32> to vector<16xf32>
      %swap3A_499 = vector.shape_cast %add3A_494 : vector<16xf32> to vector<1x16xf32>
      tpu.vector_store %arg16[%swap3A_495, %swap3A_496], %swap3A_499 {add = true, strides = array<i32>} : memref<64x128xf32, #tpu.memory_space<vmem>>, vector<1x16xf32>,
      %get3A_500 = arith.index_cast %add3A_431 : i32 to index
      %get3A_501 = arith.constant 80 : index
      %get3A_502 = tpu.vector_load %arg17[%get3A_500, %get3A_501] {strides = array<i32>} : memref<64x128xf32, #tpu.memory_space<vmem>>, vector<1x16xf32>,
      %get3A_503 = vector.shape_cast %get3A_502 : vector<1x16xf32> to vector<16xf32>
      %get3A_504 = arith.index_cast %add3A_431 : i32 to index
      %get3A_505 = arith.constant 80 : index
      %get3A_506 = tpu.vector_load %arg18[%get3A_504, %get3A_505] {strides = array<i32>} : memref<64x128xf32, #tpu.memory_space<vmem>>, vector<1x16xf32>,
      %get3A_507 = vector.shape_cast %get3A_506 : vector<1x16xf32> to vector<16xf32>
      %add3A_508 = arith.addf %get3A_503, %get3A_507 : vector<16xf32>
      %swap3A_509 = arith.index_cast %add3A_431 : i32 to index
      %swap3A_510 = arith.constant 80 : index
      %swap3A_511 = tpu.vector_load %arg16[%swap3A_509, %swap3A_510] {strides = array<i32>} : memref<64x128xf32, #tpu.memory_space<vmem>>, vector<1x16xf32>,
      %swap3A_512 = vector.shape_cast %swap3A_511 : vector<1x16xf32> to vector<16xf32>
      %swap3A_513 = vector.shape_cast %add3A_508 : vector<16xf32> to vector<1x16xf32>
      tpu.vector_store %arg16[%swap3A_509, %swap3A_510], %swap3A_513 {add = true, strides = array<i32>} : memref<64x128xf32, #tpu.memory_space<vmem>>, vector<1x16xf32>,
      %get3A_514 = arith.index_cast %add3A_431 : i32 to index
      %get3A_515 = arith.constant 96 : index
      %get3A_516 = tpu.vector_load %arg17[%get3A_514, %get3A_515] {strides = array<i32>} : memref<64x128xf32, #tpu.memory_space<vmem>>, vector<1x16xf32>,
      %get3A_517 = vector.shape_cast %get3A_516 : vector<1x16xf32> to vector<16xf32>
      %get3A_518 = arith.index_cast %add3A_431 : i32 to index
      %get3A_519 = arith.constant 96 : index
      %get3A_520 = tpu.vector_load %arg18[%get3A_518, %get3A_519] {strides = array<i32>} : memref<64x128xf32, #tpu.memory_space<vmem>>, vector<1x16xf32>,
      %get3A_521 = vector.shape_cast %get3A_520 : vector<1x16xf32> to vector<16xf32>
      %add3A_522 = arith.addf %get3A_517, %get3A_521 : vector<16xf32>
      %swap3A_523 = arith.index_cast %add3A_431 : i32 to index
      %swap3A_524 = arith.constant 96 : index
      %swap3A_525 = tpu.vector_load %arg16[%swap3A_523, %swap3A_524] {strides = array<i32>} : memref<64x128xf32, #tpu.memory_space<vmem>>, vector<1x16xf32>,
      %swap3A_526 = vector.shape_cast %swap3A_525 : vector<1x16xf32> to vector<16xf32>
      %swap3A_527 = vector.shape_cast %add3A_522 : vector<16xf32> to vector<1x16xf32>
      tpu.vector_store %arg16[%swap3A_523, %swap3A_524], %swap3A_527 {add = true, strides = array<i32>} : memref<64x128xf32, #tpu.memory_space<vmem>>, vector<1x16xf32>,
      %get3A_528 = arith.index_cast %add3A_431 : i32 to index
      %get3A_529 = arith.constant 112 : index
      %get3A_530 = tpu.vector_load %arg17[%get3A_528, %get3A_529] {strides = array<i32>} : memref<64x128xf32, #tpu.memory_space<vmem>>, vector<1x16xf32>,
      %get3A_531 = vector.shape_cast %get3A_530 : vector<1x16xf32> to vector<16xf32>
      %get3A_532 = arith.index_cast %add3A_431 : i32 to index
      %get3A_533 = arith.constant 112 : index
      %get3A_534 = tpu.vector_load %arg18[%get3A_532, %get3A_533] {strides = array<i32>} : memref<64x128xf32, #tpu.memory_space<vmem>>, vector<1x16xf32>,
      %get3A_535 = vector.shape_cast %get3A_534 : vector<1x16xf32> to vector<16xf32>
      %add3A_536 = arith.addf %get3A_531, %get3A_535 : vector<16xf32>
      %swap3A_537 = arith.index_cast %add3A_431 : i32 to index
      %swap3A_538 = arith.constant 112 : index
      %swap3A_539 = tpu.vector_load %arg16[%swap3A_537, %swap3A_538] {strides = array<i32>} : memref<64x128xf32, #tpu.memory_space<vmem>>, vector<1x16xf32>,
      %swap3A_540 = vector.shape_cast %swap3A_539 : vector<1x16xf32> to vector<16xf32>
      %swap3A_541 = vector.shape_cast %add3A_536 : vector<16xf32> to vector<1x16xf32>
      tpu.vector_store %arg16[%swap3A_537, %swap3A_538], %swap3A_541 {add = true, strides = array<i32>} : memref<64x128xf32, #tpu.memory_space<vmem>>, vector<1x16xf32>,
      %mul3A_542 = arith.constant 2 : i32
      %mul3A_543 = arith.muli %scan3A_426, %mul3A_542 : i32
      %add3A_544 = arith.constant 1 : i32
      %add3A_545 = arith.addi %mul3A_543, %add3A_544 : i32
      %get3A_546 = arith.index_cast %add3A_545 : i32 to index
      %get3A_547 = arith.constant 0 : index
      %get3A_548 = tpu.vector_load %arg17[%get3A_546, %get3A_547] {strides = array<i32>} : memref<64x128xf32, #tpu.memory_space<vmem>>, vector<1x16xf32>,
      %get3A_549 = vector.shape_cast %get3A_548 : vector<1x16xf32> to vector<16xf32>
      %get3A_550 = arith.index_cast %add3A_545 : i32 to index
      %get3A_551 = arith.constant 0 : index
      %get3A_552 = tpu.vector_load %arg18[%get3A_550, %get3A_551] {strides = array<i32>} : memref<64x128xf32, #tpu.memory_space<vmem>>, vector<1x16xf32>,
      %get3A_553 = vector.shape_cast %get3A_552 : vector<1x16xf32> to vector<16xf32>
      %add3A_554 = arith.addf %get3A_549, %get3A_553 : vector<16xf32>
      %swap3A_555 = arith.index_cast %add3A_545 : i32 to index
      %swap3A_556 = arith.constant 0 : index
      %swap3A_557 = tpu.vector_load %arg16[%swap3A_555, %swap3A_556] {strides = array<i32>} : memref<64x128xf32, #tpu.memory_space<vmem>>, vector<1x16xf32>,
      %swap3A_558 = vector.shape_cast %swap3A_557 : vector<1x16xf32> to vector<16xf32>
      %swap3A_559 = vector.shape_cast %add3A_554 : vector<16xf32> to vector<1x16xf32>
      tpu.vector_store %arg16[%swap3A_555, %swap3A_556], %swap3A_559 {add = true, strides = array<i32>} : memref<64x128xf32, #tpu.memory_space<vmem>>, vector<1x16xf32>,
      %get3A_560 = arith.index_cast %add3A_545 : i32 to index
      %get3A_561 = arith.constant 16 : index
      %get3A_562 = tpu.vector_load %arg17[%get3A_560, %get3A_561] {strides = array<i32>} : memref<64x128xf32, #tpu.memory_space<vmem>>, vector<1x16xf32>,
      %get3A_563 = vector.shape_cast %get3A_562 : vector<1x16xf32> to vector<16xf32>
      %get3A_564 = arith.index_cast %add3A_545 : i32 to index
      %get3A_565 = arith.constant 16 : index
      %get3A_566 = tpu.vector_load %arg18[%get3A_564, %get3A_565] {strides = array<i32>} : memref<64x128xf32, #tpu.memory_space<vmem>>, vector<1x16xf32>,
      %get3A_567 = vector.shape_cast %get3A_566 : vector<1x16xf32> to vector<16xf32>
      %add3A_568 = arith.addf %get3A_563, %get3A_567 : vector<16xf32>
      %swap3A_569 = arith.index_cast %add3A_545 : i32 to index
      %swap3A_570 = arith.constant 16 : index
      %swap3A_571 = tpu.vector_load %arg16[%swap3A_569, %swap3A_570] {strides = array<i32>} : memref<64x128xf32, #tpu.memory_space<vmem>>, vector<1x16xf32>,
      %swap3A_572 = vector.shape_cast %swap3A_571 : vector<1x16xf32> to vector<16xf32>
      %swap3A_573 = vector.shape_cast %add3A_568 : vector<16xf32> to vector<1x16xf32>
      tpu.vector_store %arg16[%swap3A_569, %swap3A_570], %swap3A_573 {add = true, strides = array<i32>} : memref<64x128xf32, #tpu.memory_space<vmem>>, vector<1x16xf32>,
      %get3A_574 = arith.index_cast %add3A_545 : i32 to index
      %get3A_575 = arith.constant 32 : index
      %get3A_576 = tpu.vector_load %arg17[%get3A_574, %get3A_575] {strides = array<i32>} : memref<64x128xf32, #tpu.memory_space<vmem>>, vector<1x16xf32>,
      %get3A_577 = vector.shape_cast %get3A_576 : vector<1x16xf32> to vector<16xf32>
      %get3A_578 = arith.index_cast %add3A_545 : i32 to index
      %get3A_579 = arith.constant 32 : index
      %get3A_580 = tpu.vector_load %arg18[%get3A_578, %get3A_579] {strides = array<i32>} : memref<64x128xf32, #tpu.memory_space<vmem>>, vector<1x16xf32>,
      %get3A_581 = vector.shape_cast %get3A_580 : vector<1x16xf32> to vector<16xf32>
      %add3A_582 = arith.addf %get3A_577, %get3A_581 : vector<16xf32>
      %swap3A_583 = arith.index_cast %add3A_545 : i32 to index
      %swap3A_584 = arith.constant 32 : index
      %swap3A_585 = tpu.vector_load %arg16[%swap3A_583, %swap3A_584] {strides = array<i32>} : memref<64x128xf32, #tpu.memory_space<vmem>>, vector<1x16xf32>,
      %swap3A_586 = vector.shape_cast %swap3A_585 : vector<1x16xf32> to vector<16xf32>
      %swap3A_587 = vector.shape_cast %add3A_582 : vector<16xf32> to vector<1x16xf32>
      tpu.vector_store %arg16[%swap3A_583, %swap3A_584], %swap3A_587 {add = true, strides = array<i32>} : memref<64x128xf32, #tpu.memory_space<vmem>>, vector<1x16xf32>,
      %get3A_588 = arith.index_cast %add3A_545 : i32 to index
      %get3A_589 = arith.constant 48 : index
      %get3A_590 = tpu.vector_load %arg17[%get3A_588, %get3A_589] {strides = array<i32>} : memref<64x128xf32, #tpu.memory_space<vmem>>, vector<1x16xf32>,
      %get3A_591 = vector.shape_cast %get3A_590 : vector<1x16xf32> to vector<16xf32>
      %get3A_592 = arith.index_cast %add3A_545 : i32 to index
      %get3A_593 = arith.constant 48 : index
      %get3A_594 = tpu.vector_load %arg18[%get3A_592, %get3A_593] {strides = array<i32>} : memref<64x128xf32, #tpu.memory_space<vmem>>, vector<1x16xf32>,
      %get3A_595 = vector.shape_cast %get3A_594 : vector<1x16xf32> to vector<16xf32>
      %add3A_596 = arith.addf %get3A_591, %get3A_595 : vector<16xf32>
      %swap3A_597 = arith.index_cast %add3A_545 : i32 to index
      %swap3A_598 = arith.constant 48 : index
      %swap3A_599 = tpu.vector_load %arg16[%swap3A_597, %swap3A_598] {strides = array<i32>} : memref<64x128xf32, #tpu.memory_space<vmem>>, vector<1x16xf32>,
      %swap3A_600 = vector.shape_cast %swap3A_599 : vector<1x16xf32> to vector<16xf32>
      %swap3A_601 = vector.shape_cast %add3A_596 : vector<16xf32> to vector<1x16xf32>
      tpu.vector_store %arg16[%swap3A_597, %swap3A_598], %swap3A_601 {add = true, strides = array<i32>} : memref<64x128xf32, #tpu.memory_space<vmem>>, vector<1x16xf32>,
      %get3A_602 = arith.index_cast %add3A_545 : i32 to index
      %get3A_603 = arith.constant 64 : index
      %get3A_604 = tpu.vector_load %arg17[%get3A_602, %get3A_603] {strides = array<i32>} : memref<64x128xf32, #tpu.memory_space<vmem>>, vector<1x16xf32>,
      %get3A_605 = vector.shape_cast %get3A_604 : vector<1x16xf32> to vector<16xf32>
      %get3A_606 = arith.index_cast %add3A_545 : i32 to index
      %get3A_607 = arith.constant 64 : index
      %get3A_608 = tpu.vector_load %arg18[%get3A_606, %get3A_607] {strides = array<i32>} : memref<64x128xf32, #tpu.memory_space<vmem>>, vector<1x16xf32>,
      %get3A_609 = vector.shape_cast %get3A_608 : vector<1x16xf32> to vector<16xf32>
      %add3A_610 = arith.addf %get3A_605, %get3A_609 : vector<16xf32>
      %swap3A_611 = arith.index_cast %add3A_545 : i32 to index
      %swap3A_612 = arith.constant 64 : index
      %swap3A_613 = tpu.vector_load %arg16[%swap3A_611, %swap3A_612] {strides = array<i32>} : memref<64x128xf32, #tpu.memory_space<vmem>>, vector<1x16xf32>,
      %swap3A_614 = vector.shape_cast %swap3A_613 : vector<1x16xf32> to vector<16xf32>
      %swap3A_615 = vector.shape_cast %add3A_610 : vector<16xf32> to vector<1x16xf32>
      tpu.vector_store %arg16[%swap3A_611, %swap3A_612], %swap3A_615 {add = true, strides = array<i32>} : memref<64x128xf32, #tpu.memory_space<vmem>>, vector<1x16xf32>,
      %get3A_616 = arith.index_cast %add3A_545 : i32 to index
      %get3A_617 = arith.constant 80 : index
      %get3A_618 = tpu.vector_load %arg17[%get3A_616, %get3A_617] {strides = array<i32>} : memref<64x128xf32, #tpu.memory_space<vmem>>, vector<1x16xf32>,
      %get3A_619 = vector.shape_cast %get3A_618 : vector<1x16xf32> to vector<16xf32>
      %get3A_620 = arith.index_cast %add3A_545 : i32 to index
      %get3A_621 = arith.constant 80 : index
      %get3A_622 = tpu.vector_load %arg18[%get3A_620, %get3A_621] {strides = array<i32>} : memref<64x128xf32, #tpu.memory_space<vmem>>, vector<1x16xf32>,
      %get3A_623 = vector.shape_cast %get3A_622 : vector<1x16xf32> to vector<16xf32>
      %add3A_624 = arith.addf %get3A_619, %get3A_623 : vector<16xf32>
      %swap3A_625 = arith.index_cast %add3A_545 : i32 to index
      %swap3A_626 = arith.constant 80 : index
      %swap3A_627 = tpu.vector_load %arg16[%swap3A_625, %swap3A_626] {strides = array<i32>} : memref<64x128xf32, #tpu.memory_space<vmem>>, vector<1x16xf32>,
      %swap3A_628 = vector.shape_cast %swap3A_627 : vector<1x16xf32> to vector<16xf32>
      %swap3A_629 = vector.shape_cast %add3A_624 : vector<16xf32> to vector<1x16xf32>
      tpu.vector_store %arg16[%swap3A_625, %swap3A_626], %swap3A_629 {add = true, strides = array<i32>} : memref<64x128xf32, #tpu.memory_space<vmem>>, vector<1x16xf32>,
      %get3A_630 = arith.index_cast %add3A_545 : i32 to index
      %get3A_631 = arith.constant 96 : index
      %get3A_632 = tpu.vector_load %arg17[%get3A_630, %get3A_631] {strides = array<i32>} : memref<64x128xf32, #tpu.memory_space<vmem>>, vector<1x16xf32>,
      %get3A_633 = vector.shape_cast %get3A_632 : vector<1x16xf32> to vector<16xf32>
      %get3A_634 = arith.index_cast %add3A_545 : i32 to index
      %get3A_635 = arith.constant 96 : index
      %get3A_636 = tpu.vector_load %arg18[%get3A_634, %get3A_635] {strides = array<i32>} : memref<64x128xf32, #tpu.memory_space<vmem>>, vector<1x16xf32>,
      %get3A_637 = vector.shape_cast %get3A_636 : vector<1x16xf32> to vector<16xf32>
      %add3A_638 = arith.addf %get3A_633, %get3A_637 : vector<16xf32>
      %swap3A_639 = arith.index_cast %add3A_545 : i32 to index
      %swap3A_640 = arith.constant 96 : index
      %swap3A_641 = tpu.vector_load %arg16[%swap3A_639, %swap3A_640] {strides = array<i32>} : memref<64x128xf32, #tpu.memory_space<vmem>>, vector<1x16xf32>,
      %swap3A_642 = vector.shape_cast %swap3A_641 : vector<1x16xf32> to vector<16xf32>
      %swap3A_643 = vector.shape_cast %add3A_638 : vector<16xf32> to vector<1x16xf32>
      tpu.vector_store %arg16[%swap3A_639, %swap3A_640], %swap3A_643 {add = true, strides = array<i32>} : memref<64x128xf32, #tpu.memory_space<vmem>>, vector<1x16xf32>,
      %get3A_644 = arith.index_cast %add3A_545 : i32 to index
      %get3A_645 = arith.constant 112 : index
      %get3A_646 = tpu.vector_load %arg17[%get3A_644, %get3A_645] {strides = array<i32>} : memref<64x128xf32, #tpu.memory_space<vmem>>, vector<1x16xf32>,
      %get3A_647 = vector.shape_cast %get3A_646 : vector<1x16xf32> to vector<16xf32>
      %get3A_648 = arith.index_cast %add3A_545 : i32 to index
      %get3A_649 = arith.constant 112 : index
      %get3A_650 = tpu.vector_load %arg18[%get3A_648, %get3A_649] {strides = array<i32>} : memref<64x128xf32, #tpu.memory_space<vmem>>, vector<1x16xf32>,
      %get3A_651 = vector.shape_cast %get3A_650 : vector<1x16xf32> to vector<16xf32>
      %add3A_652 = arith.addf %get3A_647, %get3A_651 : vector<16xf32>
      %swap3A_653 = arith.index_cast %add3A_545 : i32 to index
      %swap3A_654 = arith.constant 112 : index
      %swap3A_655 = tpu.vector_load %arg16[%swap3A_653, %swap3A_654] {strides = array<i32>} : memref<64x128xf32, #tpu.memory_space<vmem>>, vector<1x16xf32>,
      %swap3A_656 = vector.shape_cast %swap3A_655 : vector<1x16xf32> to vector<16xf32>
      %swap3A_657 = vector.shape_cast %add3A_652 : vector<16xf32> to vector<1x16xf32>
      tpu.vector_store %arg16[%swap3A_653, %swap3A_654], %swap3A_657 {add = true, strides = array<i32>} : memref<64x128xf32, #tpu.memory_space<vmem>>, vector<1x16xf32>,
      %scan3A_658 = arith.constant 0 : i32
      scf.yield %scan3A_658 : i32
    }
    %scan3A_225 = arith.constant 32 : i32
    %add3A_226 = arith.constant 128 : i32
    %add3A_227 = arith.addi %mul3A_2, %add3A_226 : i32
    %dma_start3A_228 = arith.constant 0 : i32
    %dma_start3A_229 = tpu.memref_slice %arg8[%add3A_227, %dma_start3A_228] : memref<16384x128xf32, #tpu.memory_space<hbm>> -> memref<64x128xf32, #tpu.memory_space<hbm>>
    %dma_start3A_230 = arith.constant 0 : i32
    %dma_start3A_231 = tpu.memref_slice %arg8[%add3A_227, %dma_start3A_230] : memref<16384x128xf32, #tpu.memory_space<hbm>> -> memref<64x128xf32, #tpu.memory_space<hbm>>
    tpu.enqueue_dma source(%arg16 : memref<64x128xf32, #tpu.memory_space<vmem>>) target(%dma_start3A_231 : memref<64x128xf32, #tpu.memory_space<hbm>>) target_semaphore(%arg28 : memref<!tpu.dma_semaphore, #tpu.memory_space<semaphore_mem>>)
    %dma_wait3A_232 = arith.constant 0 : i32
    %dma_wait3A_233 = tpu.memref_slice %arg8[%add3A_227, %dma_wait3A_232] : memref<16384x128xf32, #tpu.memory_space<hbm>> -> memref<64x128xf32, #tpu.memory_space<hbm>>
    %dma_wait3A_234 = arith.constant 0 : i32
    %dma_wait3A_235 = tpu.memref_slice %arg8[%add3A_227, %dma_wait3A_234] : memref<16384x128xf32, #tpu.memory_space<hbm>> -> memref<64x128xf32, #tpu.memory_space<hbm>>
    tpu.wait_dma2 semaphore(%arg28 : memref<!tpu.dma_semaphore, #tpu.memory_space<semaphore_mem>>) src(%arg16 : memref<64x128xf32, #tpu.memory_space<vmem>>) dst(%dma_wait3A_235 : memref<64x128xf32, #tpu.memory_space<hbm>>)
    %dma_start3A_236 = arith.constant 384 : i32
    %dma_start3A_237 = tpu.memref_slice %arg9[%dma_start3A_236] : memref<1536xi32, #tpu.memory_space<vmem>> -> memref<64xi32, #tpu.memory_space<vmem>>
    %dma_start3A_238 = arith.constant 0 : i32
    %dma_start3A_239 = arith.constant 0 : i32
    %dma_start3A_240 = tpu.memref_slice %arg2[%dma_start3A_238, %dma_start3A_239] : memref<6048x128xf32, #tpu.memory_space<hbm>> -> memref<6048x128xf32, #tpu.memory_space<hbm>>
    tpu.enqueue_indirect_dma source(%dma_start3A_240 : memref<6048x128xf32, #tpu.memory_space<hbm>>) target(%arg16 : memref<64x128xf32, #tpu.memory_space<vmem>>) offsets(%dma_start3A_237 : memref<64xi32, #tpu.memory_space<vmem>>) semaphore(%arg24 : memref<!tpu.dma_semaphore, #tpu.memory_space<semaphore_mem>>)
    %dma_start3A_241 = arith.constant 896 : i32
    %dma_start3A_242 = tpu.memref_slice %arg9[%dma_start3A_241] : memref<1536xi32, #tpu.memory_space<vmem>> -> memref<64xi32, #tpu.memory_space<vmem>>
    %dma_start3A_243 = arith.constant 0 : i32
    %dma_start3A_244 = arith.constant 0 : i32
    %dma_start3A_245 = tpu.memref_slice %arg3[%dma_start3A_243, %dma_start3A_244] : memref<3440x128xf32, #tpu.memory_space<hbm>> -> memref<3440x128xf32, #tpu.memory_space<hbm>>
    tpu.enqueue_indirect_dma source(%dma_start3A_245 : memref<3440x128xf32, #tpu.memory_space<hbm>>) target(%arg17 : memref<64x128xf32, #tpu.memory_space<vmem>>) offsets(%dma_start3A_242 : memref<64xi32, #tpu.memory_space<vmem>>) semaphore(%arg24 : memref<!tpu.dma_semaphore, #tpu.memory_space<semaphore_mem>>)
    %dma_start3A_246 = arith.constant 1408 : i32
    %dma_start3A_247 = tpu.memref_slice %arg9[%dma_start3A_246] : memref<1536xi32, #tpu.memory_space<vmem>> -> memref<64xi32, #tpu.memory_space<vmem>>
    %dma_start3A_248 = arith.constant 0 : i32
    %dma_start3A_249 = arith.constant 0 : i32
    %dma_start3A_250 = tpu.memref_slice %arg4[%dma_start3A_248, %dma_start3A_249] : memref<3888x128xf32, #tpu.memory_space<hbm>> -> memref<3888x128xf32, #tpu.memory_space<hbm>>
    tpu.enqueue_indirect_dma source(%dma_start3A_250 : memref<3888x128xf32, #tpu.memory_space<hbm>>) target(%arg18 : memref<64x128xf32, #tpu.memory_space<vmem>>) offsets(%dma_start3A_247 : memref<64xi32, #tpu.memory_space<vmem>>) semaphore(%arg24 : memref<!tpu.dma_semaphore, #tpu.memory_space<semaphore_mem>>)
    %dma_wait3A_251 = arith.constant 192 : i32
    %dma_wait3A_252 = tpu.memref_slice %arg9[%dma_wait3A_251] : memref<1536xi32, #tpu.memory_space<vmem>> -> memref<64xi32, #tpu.memory_space<vmem>>
    %dma_wait3A_253 = arith.constant 0 : i32
    %dma_wait3A_254 = arith.constant 0 : i32
    %dma_wait3A_255 = tpu.memref_slice %arg2[%dma_wait3A_253, %dma_wait3A_254] : memref<6048x128xf32, #tpu.memory_space<hbm>> -> memref<6048x128xf32, #tpu.memory_space<hbm>>
    tpu.wait_indirect_dma semaphore(%arg25 : memref<!tpu.dma_semaphore, #tpu.memory_space<semaphore_mem>>) src(%dma_wait3A_255 : memref<6048x128xf32, #tpu.memory_space<hbm>>) dst(%arg19 : memref<64x128xf32, #tpu.memory_space<vmem>>)
    %dma_wait3A_256 = arith.constant 704 : i32
    %dma_wait3A_257 = tpu.memref_slice %arg9[%dma_wait3A_256] : memref<1536xi32, #tpu.memory_space<vmem>> -> memref<64xi32, #tpu.memory_space<vmem>>
    %dma_wait3A_258 = arith.constant 0 : i32
    %dma_wait3A_259 = arith.constant 0 : i32
    %dma_wait3A_260 = tpu.memref_slice %arg3[%dma_wait3A_258, %dma_wait3A_259] : memref<3440x128xf32, #tpu.memory_space<hbm>> -> memref<3440x128xf32, #tpu.memory_space<hbm>>
    tpu.wait_indirect_dma semaphore(%arg25 : memref<!tpu.dma_semaphore, #tpu.memory_space<semaphore_mem>>) src(%dma_wait3A_260 : memref<3440x128xf32, #tpu.memory_space<hbm>>) dst(%arg20 : memref<64x128xf32, #tpu.memory_space<vmem>>)
    %dma_wait3A_261 = arith.constant 1216 : i32
    %dma_wait3A_262 = tpu.memref_slice %arg9[%dma_wait3A_261] : memref<1536xi32, #tpu.memory_space<vmem>> -> memref<64xi32, #tpu.memory_space<vmem>>
    %dma_wait3A_263 = arith.constant 0 : i32
    %dma_wait3A_264 = arith.constant 0 : i32
    %dma_wait3A_265 = tpu.memref_slice %arg4[%dma_wait3A_263, %dma_wait3A_264] : memref<3888x128xf32, #tpu.memory_space<hbm>> -> memref<3888x128xf32, #tpu.memory_space<hbm>>
    tpu.wait_indirect_dma semaphore(%arg25 : memref<!tpu.dma_semaphore, #tpu.memory_space<semaphore_mem>>) src(%dma_wait3A_265 : memref<3888x128xf32, #tpu.memory_space<hbm>>) dst(%arg21 : memref<64x128xf32, #tpu.memory_space<vmem>>)
    %scan3A_266 = arith.constant 0 : i32
    %scan3A_267 = arith.constant 0 : i32
    %scan3A_268 = arith.constant 32 : i32
    %scan3A_269 = arith.addi %scan3A_267, %scan3A_268 : i32
    %scan3A_270 = arith.constant 1 : i32
    %scan3A_271 = scf.for %scan3A_426 = %scan3A_267 to %scan3A_269 step %scan3A_270 iter_args(%scan3A_427 = %scan3A_266) -> (i32)  : i32 {
      %mul3A_428 = arith.constant 2 : i32
      %mul3A_429 = arith.muli %scan3A_426, %mul3A_428 : i32
      %add3A_430 = arith.constant 0 : i32
      %add3A_431 = arith.addi %mul3A_429, %add3A_430 : i32
      %get3A = arith.index_cast %add3A_431 : i32 to index
      %get3A_432 = arith.constant 0 : index
      %get3A_433 = tpu.vector_load %arg20[%get3A, %get3A_432] {strides = array<i32>} : memref<64x128xf32, #tpu.memory_space<vmem>>, vector<1x16xf32>,
      %get3A_434 = vector.shape_cast %get3A_433 : vector<1x16xf32> to vector<16xf32>
      %get3A_435 = arith.index_cast %add3A_431 : i32 to index
      %get3A_436 = arith.constant 0 : index
      %get3A_437 = tpu.vector_load %arg21[%get3A_435, %get3A_436] {strides = array<i32>} : memref<64x128xf32, #tpu.memory_space<vmem>>, vector<1x16xf32>,
      %get3A_438 = vector.shape_cast %get3A_437 : vector<1x16xf32> to vector<16xf32>
      %add3A_439 = arith.addf %get3A_434, %get3A_438 : vector<16xf32>
      %swap3A = arith.index_cast %add3A_431 : i32 to index
      %swap3A_440 = arith.constant 0 : index
      %swap3A_441 = tpu.vector_load %arg19[%swap3A, %swap3A_440] {strides = array<i32>} : memref<64x128xf32, #tpu.memory_space<vmem>>, vector<1x16xf32>,
      %swap3A_442 = vector.shape_cast %swap3A_441 : vector<1x16xf32> to vector<16xf32>
      %swap3A_443 = vector.shape_cast %add3A_439 : vector<16xf32> to vector<1x16xf32>
      tpu.vector_store %arg19[%swap3A, %swap3A_440], %swap3A_443 {add = true, strides = array<i32>} : memref<64x128xf32, #tpu.memory_space<vmem>>, vector<1x16xf32>,
      %get3A_444 = arith.index_cast %add3A_431 : i32 to index
      %get3A_445 = arith.constant 16 : index
      %get3A_446 = tpu.vector_load %arg20[%get3A_444, %get3A_445] {strides = array<i32>} : memref<64x128xf32, #tpu.memory_space<vmem>>, vector<1x16xf32>,
      %get3A_447 = vector.shape_cast %get3A_446 : vector<1x16xf32> to vector<16xf32>
      %get3A_448 = arith.index_cast %add3A_431 : i32 to index
      %get3A_449 = arith.constant 16 : index
      %get3A_450 = tpu.vector_load %arg21[%get3A_448, %get3A_449] {strides = array<i32>} : memref<64x128xf32, #tpu.memory_space<vmem>>, vector<1x16xf32>,
      %get3A_451 = vector.shape_cast %get3A_450 : vector<1x16xf32> to vector<16xf32>
      %add3A_452 = arith.addf %get3A_447, %get3A_451 : vector<16xf32>
      %swap3A_453 = arith.index_cast %add3A_431 : i32 to index
      %swap3A_454 = arith.constant 16 : index
      %swap3A_455 = tpu.vector_load %arg19[%swap3A_453, %swap3A_454] {strides = array<i32>} : memref<64x128xf32, #tpu.memory_space<vmem>>, vector<1x16xf32>,
      %swap3A_456 = vector.shape_cast %swap3A_455 : vector<1x16xf32> to vector<16xf32>
      %swap3A_457 = vector.shape_cast %add3A_452 : vector<16xf32> to vector<1x16xf32>
      tpu.vector_store %arg19[%swap3A_453, %swap3A_454], %swap3A_457 {add = true, strides = array<i32>} : memref<64x128xf32, #tpu.memory_space<vmem>>, vector<1x16xf32>,
      %get3A_458 = arith.index_cast %add3A_431 : i32 to index
      %get3A_459 = arith.constant 32 : index
      %get3A_460 = tpu.vector_load %arg20[%get3A_458, %get3A_459] {strides = array<i32>} : memref<64x128xf32, #tpu.memory_space<vmem>>, vector<1x16xf32>,
      %get3A_461 = vector.shape_cast %get3A_460 : vector<1x16xf32> to vector<16xf32>
      %get3A_462 = arith.index_cast %add3A_431 : i32 to index
      %get3A_463 = arith.constant 32 : index
      %get3A_464 = tpu.vector_load %arg21[%get3A_462, %get3A_463] {strides = array<i32>} : memref<64x128xf32, #tpu.memory_space<vmem>>, vector<1x16xf32>,
      %get3A_465 = vector.shape_cast %get3A_464 : vector<1x16xf32> to vector<16xf32>
      %add3A_466 = arith.addf %get3A_461, %get3A_465 : vector<16xf32>
      %swap3A_467 = arith.index_cast %add3A_431 : i32 to index
      %swap3A_468 = arith.constant 32 : index
      %swap3A_469 = tpu.vector_load %arg19[%swap3A_467, %swap3A_468] {strides = array<i32>} : memref<64x128xf32, #tpu.memory_space<vmem>>, vector<1x16xf32>,
      %swap3A_470 = vector.shape_cast %swap3A_469 : vector<1x16xf32> to vector<16xf32>
      %swap3A_471 = vector.shape_cast %add3A_466 : vector<16xf32> to vector<1x16xf32>
      tpu.vector_store %arg19[%swap3A_467, %swap3A_468], %swap3A_471 {add = true, strides = array<i32>} : memref<64x128xf32, #tpu.memory_space<vmem>>, vector<1x16xf32>,
      %get3A_472 = arith.index_cast %add3A_431 : i32 to index
      %get3A_473 = arith.constant 48 : index
      %get3A_474 = tpu.vector_load %arg20[%get3A_472, %get3A_473] {strides = array<i32>} : memref<64x128xf32, #tpu.memory_space<vmem>>, vector<1x16xf32>,
      %get3A_475 = vector.shape_cast %get3A_474 : vector<1x16xf32> to vector<16xf32>
      %get3A_476 = arith.index_cast %add3A_431 : i32 to index
      %get3A_477 = arith.constant 48 : index
      %get3A_478 = tpu.vector_load %arg21[%get3A_476, %get3A_477] {strides = array<i32>} : memref<64x128xf32, #tpu.memory_space<vmem>>, vector<1x16xf32>,
      %get3A_479 = vector.shape_cast %get3A_478 : vector<1x16xf32> to vector<16xf32>
      %add3A_480 = arith.addf %get3A_475, %get3A_479 : vector<16xf32>
      %swap3A_481 = arith.index_cast %add3A_431 : i32 to index
      %swap3A_482 = arith.constant 48 : index
      %swap3A_483 = tpu.vector_load %arg19[%swap3A_481, %swap3A_482] {strides = array<i32>} : memref<64x128xf32, #tpu.memory_space<vmem>>, vector<1x16xf32>,
      %swap3A_484 = vector.shape_cast %swap3A_483 : vector<1x16xf32> to vector<16xf32>
      %swap3A_485 = vector.shape_cast %add3A_480 : vector<16xf32> to vector<1x16xf32>
      tpu.vector_store %arg19[%swap3A_481, %swap3A_482], %swap3A_485 {add = true, strides = array<i32>} : memref<64x128xf32, #tpu.memory_space<vmem>>, vector<1x16xf32>,
      %get3A_486 = arith.index_cast %add3A_431 : i32 to index
      %get3A_487 = arith.constant 64 : index
      %get3A_488 = tpu.vector_load %arg20[%get3A_486, %get3A_487] {strides = array<i32>} : memref<64x128xf32, #tpu.memory_space<vmem>>, vector<1x16xf32>,
      %get3A_489 = vector.shape_cast %get3A_488 : vector<1x16xf32> to vector<16xf32>
      %get3A_490 = arith.index_cast %add3A_431 : i32 to index
      %get3A_491 = arith.constant 64 : index
      %get3A_492 = tpu.vector_load %arg21[%get3A_490, %get3A_491] {strides = array<i32>} : memref<64x128xf32, #tpu.memory_space<vmem>>, vector<1x16xf32>,
      %get3A_493 = vector.shape_cast %get3A_492 : vector<1x16xf32> to vector<16xf32>
      %add3A_494 = arith.addf %get3A_489, %get3A_493 : vector<16xf32>
      %swap3A_495 = arith.index_cast %add3A_431 : i32 to index
      %swap3A_496 = arith.constant 64 : index
      %swap3A_497 = tpu.vector_load %arg19[%swap3A_495, %swap3A_496] {strides = array<i32>} : memref<64x128xf32, #tpu.memory_space<vmem>>, vector<1x16xf32>,
      %swap3A_498 = vector.shape_cast %swap3A_497 : vector<1x16xf32> to vector<16xf32>
      %swap3A_499 = vector.shape_cast %add3A_494 : vector<16xf32> to vector<1x16xf32>
      tpu.vector_store %arg19[%swap3A_495, %swap3A_496], %swap3A_499 {add = true, strides = array<i32>} : memref<64x128xf32, #tpu.memory_space<vmem>>, vector<1x16xf32>,
      %get3A_500 = arith.index_cast %add3A_431 : i32 to index
      %get3A_501 = arith.constant 80 : index
      %get3A_502 = tpu.vector_load %arg20[%get3A_500, %get3A_501] {strides = array<i32>} : memref<64x128xf32, #tpu.memory_space<vmem>>, vector<1x16xf32>,
      %get3A_503 = vector.shape_cast %get3A_502 : vector<1x16xf32> to vector<16xf32>
      %get3A_504 = arith.index_cast %add3A_431 : i32 to index
      %get3A_505 = arith.constant 80 : index
      %get3A_506 = tpu.vector_load %arg21[%get3A_504, %get3A_505] {strides = array<i32>} : memref<64x128xf32, #tpu.memory_space<vmem>>, vector<1x16xf32>,
      %get3A_507 = vector.shape_cast %get3A_506 : vector<1x16xf32> to vector<16xf32>
      %add3A_508 = arith.addf %get3A_503, %get3A_507 : vector<16xf32>
      %swap3A_509 = arith.index_cast %add3A_431 : i32 to index
      %swap3A_510 = arith.constant 80 : index
      %swap3A_511 = tpu.vector_load %arg19[%swap3A_509, %swap3A_510] {strides = array<i32>} : memref<64x128xf32, #tpu.memory_space<vmem>>, vector<1x16xf32>,
      %swap3A_512 = vector.shape_cast %swap3A_511 : vector<1x16xf32> to vector<16xf32>
      %swap3A_513 = vector.shape_cast %add3A_508 : vector<16xf32> to vector<1x16xf32>
      tpu.vector_store %arg19[%swap3A_509, %swap3A_510], %swap3A_513 {add = true, strides = array<i32>} : memref<64x128xf32, #tpu.memory_space<vmem>>, vector<1x16xf32>,
      %get3A_514 = arith.index_cast %add3A_431 : i32 to index
      %get3A_515 = arith.constant 96 : index
      %get3A_516 = tpu.vector_load %arg20[%get3A_514, %get3A_515] {strides = array<i32>} : memref<64x128xf32, #tpu.memory_space<vmem>>, vector<1x16xf32>,
      %get3A_517 = vector.shape_cast %get3A_516 : vector<1x16xf32> to vector<16xf32>
      %get3A_518 = arith.index_cast %add3A_431 : i32 to index
      %get3A_519 = arith.constant 96 : index
      %get3A_520 = tpu.vector_load %arg21[%get3A_518, %get3A_519] {strides = array<i32>} : memref<64x128xf32, #tpu.memory_space<vmem>>, vector<1x16xf32>,
      %get3A_521 = vector.shape_cast %get3A_520 : vector<1x16xf32> to vector<16xf32>
      %add3A_522 = arith.addf %get3A_517, %get3A_521 : vector<16xf32>
      %swap3A_523 = arith.index_cast %add3A_431 : i32 to index
      %swap3A_524 = arith.constant 96 : index
      %swap3A_525 = tpu.vector_load %arg19[%swap3A_523, %swap3A_524] {strides = array<i32>} : memref<64x128xf32, #tpu.memory_space<vmem>>, vector<1x16xf32>,
      %swap3A_526 = vector.shape_cast %swap3A_525 : vector<1x16xf32> to vector<16xf32>
      %swap3A_527 = vector.shape_cast %add3A_522 : vector<16xf32> to vector<1x16xf32>
      tpu.vector_store %arg19[%swap3A_523, %swap3A_524], %swap3A_527 {add = true, strides = array<i32>} : memref<64x128xf32, #tpu.memory_space<vmem>>, vector<1x16xf32>,
      %get3A_528 = arith.index_cast %add3A_431 : i32 to index
      %get3A_529 = arith.constant 112 : index
      %get3A_530 = tpu.vector_load %arg20[%get3A_528, %get3A_529] {strides = array<i32>} : memref<64x128xf32, #tpu.memory_space<vmem>>, vector<1x16xf32>,
      %get3A_531 = vector.shape_cast %get3A_530 : vector<1x16xf32> to vector<16xf32>
      %get3A_532 = arith.index_cast %add3A_431 : i32 to index
      %get3A_533 = arith.constant 112 : index
      %get3A_534 = tpu.vector_load %arg21[%get3A_532, %get3A_533] {strides = array<i32>} : memref<64x128xf32, #tpu.memory_space<vmem>>, vector<1x16xf32>,
      %get3A_535 = vector.shape_cast %get3A_534 : vector<1x16xf32> to vector<16xf32>
      %add3A_536 = arith.addf %get3A_531, %get3A_535 : vector<16xf32>
      %swap3A_537 = arith.index_cast %add3A_431 : i32 to index
      %swap3A_538 = arith.constant 112 : index
      %swap3A_539 = tpu.vector_load %arg19[%swap3A_537, %swap3A_538] {strides = array<i32>} : memref<64x128xf32, #tpu.memory_space<vmem>>, vector<1x16xf32>,
      %swap3A_540 = vector.shape_cast %swap3A_539 : vector<1x16xf32> to vector<16xf32>
      %swap3A_541 = vector.shape_cast %add3A_536 : vector<16xf32> to vector<1x16xf32>
      tpu.vector_store %arg19[%swap3A_537, %swap3A_538], %swap3A_541 {add = true, strides = array<i32>} : memref<64x128xf32, #tpu.memory_space<vmem>>, vector<1x16xf32>,
      %mul3A_542 = arith.constant 2 : i32
      %mul3A_543 = arith.muli %scan3A_426, %mul3A_542 : i32
      %add3A_544 = arith.constant 1 : i32
      %add3A_545 = arith.addi %mul3A_543, %add3A_544 : i32
      %get3A_546 = arith.index_cast %add3A_545 : i32 to index
      %get3A_547 = arith.constant 0 : index
      %get3A_548 = tpu.vector_load %arg20[%get3A_546, %get3A_547] {strides = array<i32>} : memref<64x128xf32, #tpu.memory_space<vmem>>, vector<1x16xf32>,
      %get3A_549 = vector.shape_cast %get3A_548 : vector<1x16xf32> to vector<16xf32>
      %get3A_550 = arith.index_cast %add3A_545 : i32 to index
      %get3A_551 = arith.constant 0 : index
      %get3A_552 = tpu.vector_load %arg21[%get3A_550, %get3A_551] {strides = array<i32>} : memref<64x128xf32, #tpu.memory_space<vmem>>, vector<1x16xf32>,
      %get3A_553 = vector.shape_cast %get3A_552 : vector<1x16xf32> to vector<16xf32>
      %add3A_554 = arith.addf %get3A_549, %get3A_553 : vector<16xf32>
      %swap3A_555 = arith.index_cast %add3A_545 : i32 to index
      %swap3A_556 = arith.constant 0 : index
      %swap3A_557 = tpu.vector_load %arg19[%swap3A_555, %swap3A_556] {strides = array<i32>} : memref<64x128xf32, #tpu.memory_space<vmem>>, vector<1x16xf32>,
      %swap3A_558 = vector.shape_cast %swap3A_557 : vector<1x16xf32> to vector<16xf32>
      %swap3A_559 = vector.shape_cast %add3A_554 : vector<16xf32> to vector<1x16xf32>
      tpu.vector_store %arg19[%swap3A_555, %swap3A_556], %swap3A_559 {add = true, strides = array<i32>} : memref<64x128xf32, #tpu.memory_space<vmem>>, vector<1x16xf32>,
      %get3A_560 = arith.index_cast %add3A_545 : i32 to index
      %get3A_561 = arith.constant 16 : index
      %get3A_562 = tpu.vector_load %arg20[%get3A_560, %get3A_561] {strides = array<i32>} : memref<64x128xf32, #tpu.memory_space<vmem>>, vector<1x16xf32>,
      %get3A_563 = vector.shape_cast %get3A_562 : vector<1x16xf32> to vector<16xf32>
      %get3A_564 = arith.index_cast %add3A_545 : i32 to index
      %get3A_565 = arith.constant 16 : index
      %get3A_566 = tpu.vector_load %arg21[%get3A_564, %get3A_565] {strides = array<i32>} : memref<64x128xf32, #tpu.memory_space<vmem>>, vector<1x16xf32>,
      %get3A_567 = vector.shape_cast %get3A_566 : vector<1x16xf32> to vector<16xf32>
      %add3A_568 = arith.addf %get3A_563, %get3A_567 : vector<16xf32>
      %swap3A_569 = arith.index_cast %add3A_545 : i32 to index
      %swap3A_570 = arith.constant 16 : index
      %swap3A_571 = tpu.vector_load %arg19[%swap3A_569, %swap3A_570] {strides = array<i32>} : memref<64x128xf32, #tpu.memory_space<vmem>>, vector<1x16xf32>,
      %swap3A_572 = vector.shape_cast %swap3A_571 : vector<1x16xf32> to vector<16xf32>
      %swap3A_573 = vector.shape_cast %add3A_568 : vector<16xf32> to vector<1x16xf32>
      tpu.vector_store %arg19[%swap3A_569, %swap3A_570], %swap3A_573 {add = true, strides = array<i32>} : memref<64x128xf32, #tpu.memory_space<vmem>>, vector<1x16xf32>,
      %get3A_574 = arith.index_cast %add3A_545 : i32 to index
      %get3A_575 = arith.constant 32 : index
      %get3A_576 = tpu.vector_load %arg20[%get3A_574, %get3A_575] {strides = array<i32>} : memref<64x128xf32, #tpu.memory_space<vmem>>, vector<1x16xf32>,
      %get3A_577 = vector.shape_cast %get3A_576 : vector<1x16xf32> to vector<16xf32>
      %get3A_578 = arith.index_cast %add3A_545 : i32 to index
      %get3A_579 = arith.constant 32 : index
      %get3A_580 = tpu.vector_load %arg21[%get3A_578, %get3A_579] {strides = array<i32>} : memref<64x128xf32, #tpu.memory_space<vmem>>, vector<1x16xf32>,
      %get3A_581 = vector.shape_cast %get3A_580 : vector<1x16xf32> to vector<16xf32>
      %add3A_582 = arith.addf %get3A_577, %get3A_581 : vector<16xf32>
      %swap3A_583 = arith.index_cast %add3A_545 : i32 to index
      %swap3A_584 = arith.constant 32 : index
      %swap3A_585 = tpu.vector_load %arg19[%swap3A_583, %swap3A_584] {strides = array<i32>} : memref<64x128xf32, #tpu.memory_space<vmem>>, vector<1x16xf32>,
      %swap3A_586 = vector.shape_cast %swap3A_585 : vector<1x16xf32> to vector<16xf32>
      %swap3A_587 = vector.shape_cast %add3A_582 : vector<16xf32> to vector<1x16xf32>
      tpu.vector_store %arg19[%swap3A_583, %swap3A_584], %swap3A_587 {add = true, strides = array<i32>} : memref<64x128xf32, #tpu.memory_space<vmem>>, vector<1x16xf32>,
      %get3A_588 = arith.index_cast %add3A_545 : i32 to index
      %get3A_589 = arith.constant 48 : index
      %get3A_590 = tpu.vector_load %arg20[%get3A_588, %get3A_589] {strides = array<i32>} : memref<64x128xf32, #tpu.memory_space<vmem>>, vector<1x16xf32>,
      %get3A_591 = vector.shape_cast %get3A_590 : vector<1x16xf32> to vector<16xf32>
      %get3A_592 = arith.index_cast %add3A_545 : i32 to index
      %get3A_593 = arith.constant 48 : index
      %get3A_594 = tpu.vector_load %arg21[%get3A_592, %get3A_593] {strides = array<i32>} : memref<64x128xf32, #tpu.memory_space<vmem>>, vector<1x16xf32>,
      %get3A_595 = vector.shape_cast %get3A_594 : vector<1x16xf32> to vector<16xf32>
      %add3A_596 = arith.addf %get3A_591, %get3A_595 : vector<16xf32>
      %swap3A_597 = arith.index_cast %add3A_545 : i32 to index
      %swap3A_598 = arith.constant 48 : index
      %swap3A_599 = tpu.vector_load %arg19[%swap3A_597, %swap3A_598] {strides = array<i32>} : memref<64x128xf32, #tpu.memory_space<vmem>>, vector<1x16xf32>,
      %swap3A_600 = vector.shape_cast %swap3A_599 : vector<1x16xf32> to vector<16xf32>
      %swap3A_601 = vector.shape_cast %add3A_596 : vector<16xf32> to vector<1x16xf32>
      tpu.vector_store %arg19[%swap3A_597, %swap3A_598], %swap3A_601 {add = true, strides = array<i32>} : memref<64x128xf32, #tpu.memory_space<vmem>>, vector<1x16xf32>,
      %get3A_602 = arith.index_cast %add3A_545 : i32 to index
      %get3A_603 = arith.constant 64 : index
      %get3A_604 = tpu.vector_load %arg20[%get3A_602, %get3A_603] {strides = array<i32>} : memref<64x128xf32, #tpu.memory_space<vmem>>, vector<1x16xf32>,
      %get3A_605 = vector.shape_cast %get3A_604 : vector<1x16xf32> to vector<16xf32>
      %get3A_606 = arith.index_cast %add3A_545 : i32 to index
      %get3A_607 = arith.constant 64 : index
      %get3A_608 = tpu.vector_load %arg21[%get3A_606, %get3A_607] {strides = array<i32>} : memref<64x128xf32, #tpu.memory_space<vmem>>, vector<1x16xf32>,
      %get3A_609 = vector.shape_cast %get3A_608 : vector<1x16xf32> to vector<16xf32>
      %add3A_610 = arith.addf %get3A_605, %get3A_609 : vector<16xf32>
      %swap3A_611 = arith.index_cast %add3A_545 : i32 to index
      %swap3A_612 = arith.constant 64 : index
      %swap3A_613 = tpu.vector_load %arg19[%swap3A_611, %swap3A_612] {strides = array<i32>} : memref<64x128xf32, #tpu.memory_space<vmem>>, vector<1x16xf32>,
      %swap3A_614 = vector.shape_cast %swap3A_613 : vector<1x16xf32> to vector<16xf32>
      %swap3A_615 = vector.shape_cast %add3A_610 : vector<16xf32> to vector<1x16xf32>
      tpu.vector_store %arg19[%swap3A_611, %swap3A_612], %swap3A_615 {add = true, strides = array<i32>} : memref<64x128xf32, #tpu.memory_space<vmem>>, vector<1x16xf32>,
      %get3A_616 = arith.index_cast %add3A_545 : i32 to index
      %get3A_617 = arith.constant 80 : index
      %get3A_618 = tpu.vector_load %arg20[%get3A_616, %get3A_617] {strides = array<i32>} : memref<64x128xf32, #tpu.memory_space<vmem>>, vector<1x16xf32>,
      %get3A_619 = vector.shape_cast %get3A_618 : vector<1x16xf32> to vector<16xf32>
      %get3A_620 = arith.index_cast %add3A_545 : i32 to index
      %get3A_621 = arith.constant 80 : index
      %get3A_622 = tpu.vector_load %arg21[%get3A_620, %get3A_621] {strides = array<i32>} : memref<64x128xf32, #tpu.memory_space<vmem>>, vector<1x16xf32>,
      %get3A_623 = vector.shape_cast %get3A_622 : vector<1x16xf32> to vector<16xf32>
      %add3A_624 = arith.addf %get3A_619, %get3A_623 : vector<16xf32>
      %swap3A_625 = arith.index_cast %add3A_545 : i32 to index
      %swap3A_626 = arith.constant 80 : index
      %swap3A_627 = tpu.vector_load %arg19[%swap3A_625, %swap3A_626] {strides = array<i32>} : memref<64x128xf32, #tpu.memory_space<vmem>>, vector<1x16xf32>,
      %swap3A_628 = vector.shape_cast %swap3A_627 : vector<1x16xf32> to vector<16xf32>
      %swap3A_629 = vector.shape_cast %add3A_624 : vector<16xf32> to vector<1x16xf32>
      tpu.vector_store %arg19[%swap3A_625, %swap3A_626], %swap3A_629 {add = true, strides = array<i32>} : memref<64x128xf32, #tpu.memory_space<vmem>>, vector<1x16xf32>,
      %get3A_630 = arith.index_cast %add3A_545 : i32 to index
      %get3A_631 = arith.constant 96 : index
      %get3A_632 = tpu.vector_load %arg20[%get3A_630, %get3A_631] {strides = array<i32>} : memref<64x128xf32, #tpu.memory_space<vmem>>, vector<1x16xf32>,
      %get3A_633 = vector.shape_cast %get3A_632 : vector<1x16xf32> to vector<16xf32>
      %get3A_634 = arith.index_cast %add3A_545 : i32 to index
      %get3A_635 = arith.constant 96 : index
      %get3A_636 = tpu.vector_load %arg21[%get3A_634, %get3A_635] {strides = array<i32>} : memref<64x128xf32, #tpu.memory_space<vmem>>, vector<1x16xf32>,
      %get3A_637 = vector.shape_cast %get3A_636 : vector<1x16xf32> to vector<16xf32>
      %add3A_638 = arith.addf %get3A_633, %get3A_637 : vector<16xf32>
      %swap3A_639 = arith.index_cast %add3A_545 : i32 to index
      %swap3A_640 = arith.constant 96 : index
      %swap3A_641 = tpu.vector_load %arg19[%swap3A_639, %swap3A_640] {strides = array<i32>} : memref<64x128xf32, #tpu.memory_space<vmem>>, vector<1x16xf32>,
      %swap3A_642 = vector.shape_cast %swap3A_641 : vector<1x16xf32> to vector<16xf32>
      %swap3A_643 = vector.shape_cast %add3A_638 : vector<16xf32> to vector<1x16xf32>
      tpu.vector_store %arg19[%swap3A_639, %swap3A_640], %swap3A_643 {add = true, strides = array<i32>} : memref<64x128xf32, #tpu.memory_space<vmem>>, vector<1x16xf32>,
      %get3A_644 = arith.index_cast %add3A_545 : i32 to index
      %get3A_645 = arith.constant 112 : index
      %get3A_646 = tpu.vector_load %arg20[%get3A_644, %get3A_645] {strides = array<i32>} : memref<64x128xf32, #tpu.memory_space<vmem>>, vector<1x16xf32>,
      %get3A_647 = vector.shape_cast %get3A_646 : vector<1x16xf32> to vector<16xf32>
      %get3A_648 = arith.index_cast %add3A_545 : i32 to index
      %get3A_649 = arith.constant 112 : index
      %get3A_650 = tpu.vector_load %arg21[%get3A_648, %get3A_649] {strides = array<i32>} : memref<64x128xf32, #tpu.memory_space<vmem>>, vector<1x16xf32>,
      %get3A_651 = vector.shape_cast %get3A_650 : vector<1x16xf32> to vector<16xf32>
      %add3A_652 = arith.addf %get3A_647, %get3A_651 : vector<16xf32>
      %swap3A_653 = arith.index_cast %add3A_545 : i32 to index
      %swap3A_654 = arith.constant 112 : index
      %swap3A_655 = tpu.vector_load %arg19[%swap3A_653, %swap3A_654] {strides = array<i32>} : memref<64x128xf32, #tpu.memory_space<vmem>>, vector<1x16xf32>,
      %swap3A_656 = vector.shape_cast %swap3A_655 : vector<1x16xf32> to vector<16xf32>
      %swap3A_657 = vector.shape_cast %add3A_652 : vector<16xf32> to vector<1x16xf32>
      tpu.vector_store %arg19[%swap3A_653, %swap3A_654], %swap3A_657 {add = true, strides = array<i32>} : memref<64x128xf32, #tpu.memory_space<vmem>>, vector<1x16xf32>,
      %scan3A_658 = arith.constant 0 : i32
      scf.yield %scan3A_658 : i32
    }
    %scan3A_272 = arith.constant 32 : i32
    %add3A_273 = arith.constant 192 : i32
    %add3A_274 = arith.addi %mul3A_2, %add3A_273 : i32
    %dma_start3A_275 = arith.constant 0 : i32
    %dma_start3A_276 = tpu.memref_slice %arg8[%add3A_274, %dma_start3A_275] : memref<16384x128xf32, #tpu.memory_space<hbm>> -> memref<64x128xf32, #tpu.memory_space<hbm>>
    %dma_start3A_277 = arith.constant 0 : i32
    %dma_start3A_278 = tpu.memref_slice %arg8[%add3A_274, %dma_start3A_277] : memref<16384x128xf32, #tpu.memory_space<hbm>> -> memref<64x128xf32, #tpu.memory_space<hbm>>
    tpu.enqueue_dma source(%arg19 : memref<64x128xf32, #tpu.memory_space<vmem>>) target(%dma_start3A_278 : memref<64x128xf32, #tpu.memory_space<hbm>>) target_semaphore(%arg29 : memref<!tpu.dma_semaphore, #tpu.memory_space<semaphore_mem>>)
    %dma_wait3A_279 = arith.constant 0 : i32
    %dma_wait3A_280 = tpu.memref_slice %arg8[%add3A_274, %dma_wait3A_279] : memref<16384x128xf32, #tpu.memory_space<hbm>> -> memref<64x128xf32, #tpu.memory_space<hbm>>
    %dma_wait3A_281 = arith.constant 0 : i32
    %dma_wait3A_282 = tpu.memref_slice %arg8[%add3A_274, %dma_wait3A_281] : memref<16384x128xf32, #tpu.memory_space<hbm>> -> memref<64x128xf32, #tpu.memory_space<hbm>>
    tpu.wait_dma2 semaphore(%arg29 : memref<!tpu.dma_semaphore, #tpu.memory_space<semaphore_mem>>) src(%arg19 : memref<64x128xf32, #tpu.memory_space<vmem>>) dst(%dma_wait3A_282 : memref<64x128xf32, #tpu.memory_space<hbm>>)
    %dma_start3A_283 = arith.constant 448 : i32
    %dma_start3A_284 = tpu.memref_slice %arg9[%dma_start3A_283] : memref<1536xi32, #tpu.memory_space<vmem>> -> memref<64xi32, #tpu.memory_space<vmem>>
    %dma_start3A_285 = arith.constant 0 : i32
    %dma_start3A_286 = arith.constant 0 : i32
    %dma_start3A_287 = tpu.memref_slice %arg2[%dma_start3A_285, %dma_start3A_286] : memref<6048x128xf32, #tpu.memory_space<hbm>> -> memref<6048x128xf32, #tpu.memory_space<hbm>>
    tpu.enqueue_indirect_dma source(%dma_start3A_287 : memref<6048x128xf32, #tpu.memory_space<hbm>>) target(%arg19 : memref<64x128xf32, #tpu.memory_space<vmem>>) offsets(%dma_start3A_284 : memref<64xi32, #tpu.memory_space<vmem>>) semaphore(%arg25 : memref<!tpu.dma_semaphore, #tpu.memory_space<semaphore_mem>>)
    %dma_start3A_288 = arith.constant 960 : i32
    %dma_start3A_289 = tpu.memref_slice %arg9[%dma_start3A_288] : memref<1536xi32, #tpu.memory_space<vmem>> -> memref<64xi32, #tpu.memory_space<vmem>>
    %dma_start3A_290 = arith.constant 0 : i32
    %dma_start3A_291 = arith.constant 0 : i32
    %dma_start3A_292 = tpu.memref_slice %arg3[%dma_start3A_290, %dma_start3A_291] : memref<3440x128xf32, #tpu.memory_space<hbm>> -> memref<3440x128xf32, #tpu.memory_space<hbm>>
    tpu.enqueue_indirect_dma source(%dma_start3A_292 : memref<3440x128xf32, #tpu.memory_space<hbm>>) target(%arg20 : memref<64x128xf32, #tpu.memory_space<vmem>>) offsets(%dma_start3A_289 : memref<64xi32, #tpu.memory_space<vmem>>) semaphore(%arg25 : memref<!tpu.dma_semaphore, #tpu.memory_space<semaphore_mem>>)
    %dma_start3A_293 = arith.constant 1472 : i32
    %dma_start3A_294 = tpu.memref_slice %arg9[%dma_start3A_293] : memref<1536xi32, #tpu.memory_space<vmem>> -> memref<64xi32, #tpu.memory_space<vmem>>
    %dma_start3A_295 = arith.constant 0 : i32
    %dma_start3A_296 = arith.constant 0 : i32
    %dma_start3A_297 = tpu.memref_slice %arg4[%dma_start3A_295, %dma_start3A_296] : memref<3888x128xf32, #tpu.memory_space<hbm>> -> memref<3888x128xf32, #tpu.memory_space<hbm>>
    tpu.enqueue_indirect_dma source(%dma_start3A_297 : memref<3888x128xf32, #tpu.memory_space<hbm>>) target(%arg21 : memref<64x128xf32, #tpu.memory_space<vmem>>) offsets(%dma_start3A_294 : memref<64xi32, #tpu.memory_space<vmem>>) semaphore(%arg25 : memref<!tpu.dma_semaphore, #tpu.memory_space<semaphore_mem>>)
    %dma_wait3A_298 = arith.constant 256 : i32
    %dma_wait3A_299 = tpu.memref_slice %arg9[%dma_wait3A_298] : memref<1536xi32, #tpu.memory_space<vmem>> -> memref<64xi32, #tpu.memory_space<vmem>>
    %dma_wait3A_300 = arith.constant 0 : i32
    %dma_wait3A_301 = arith.constant 0 : i32
    %dma_wait3A_302 = tpu.memref_slice %arg2[%dma_wait3A_300, %dma_wait3A_301] : memref<6048x128xf32, #tpu.memory_space<hbm>> -> memref<6048x128xf32, #tpu.memory_space<hbm>>
    tpu.wait_indirect_dma semaphore(%arg22 : memref<!tpu.dma_semaphore, #tpu.memory_space<semaphore_mem>>) src(%dma_wait3A_302 : memref<6048x128xf32, #tpu.memory_space<hbm>>) dst(%arg10 : memref<64x128xf32, #tpu.memory_space<vmem>>)
    %dma_wait3A_303 = arith.constant 768 : i32
    %dma_wait3A_304 = tpu.memref_slice %arg9[%dma_wait3A_303] : memref<1536xi32, #tpu.memory_space<vmem>> -> memref<64xi32, #tpu.memory_space<vmem>>
    %dma_wait3A_305 = arith.constant 0 : i32
    %dma_wait3A_306 = arith.constant 0 : i32
    %dma_wait3A_307 = tpu.memref_slice %arg3[%dma_wait3A_305, %dma_wait3A_306] : memref<3440x128xf32, #tpu.memory_space<hbm>> -> memref<3440x128xf32, #tpu.memory_space<hbm>>
    tpu.wait_indirect_dma semaphore(%arg22 : memref<!tpu.dma_semaphore, #tpu.memory_space<semaphore_mem>>) src(%dma_wait3A_307 : memref<3440x128xf32, #tpu.memory_space<hbm>>) dst(%arg11 : memref<64x128xf32, #tpu.memory_space<vmem>>)
    %dma_wait3A_308 = arith.constant 1280 : i32
    %dma_wait3A_309 = tpu.memref_slice %arg9[%dma_wait3A_308] : memref<1536xi32, #tpu.memory_space<vmem>> -> memref<64xi32, #tpu.memory_space<vmem>>
    %dma_wait3A_310 = arith.constant 0 : i32
    %dma_wait3A_311 = arith.constant 0 : i32
    %dma_wait3A_312 = tpu.memref_slice %arg4[%dma_wait3A_310, %dma_wait3A_311] : memref<3888x128xf32, #tpu.memory_space<hbm>> -> memref<3888x128xf32, #tpu.memory_space<hbm>>
    tpu.wait_indirect_dma semaphore(%arg22 : memref<!tpu.dma_semaphore, #tpu.memory_space<semaphore_mem>>) src(%dma_wait3A_312 : memref<3888x128xf32, #tpu.memory_space<hbm>>) dst(%arg12 : memref<64x128xf32, #tpu.memory_space<vmem>>)
    %scan3A_313 = arith.constant 0 : i32
    %scan3A_314 = arith.constant 0 : i32
    %scan3A_315 = arith.constant 32 : i32
    %scan3A_316 = arith.addi %scan3A_314, %scan3A_315 : i32
    %scan3A_317 = arith.constant 1 : i32
    %scan3A_318 = scf.for %scan3A_426 = %scan3A_314 to %scan3A_316 step %scan3A_317 iter_args(%scan3A_427 = %scan3A_313) -> (i32)  : i32 {
      %mul3A_428 = arith.constant 2 : i32
      %mul3A_429 = arith.muli %scan3A_426, %mul3A_428 : i32
      %add3A_430 = arith.constant 0 : i32
      %add3A_431 = arith.addi %mul3A_429, %add3A_430 : i32
      %get3A = arith.index_cast %add3A_431 : i32 to index
      %get3A_432 = arith.constant 0 : index
      %get3A_433 = tpu.vector_load %arg11[%get3A, %get3A_432] {strides = array<i32>} : memref<64x128xf32, #tpu.memory_space<vmem>>, vector<1x16xf32>,
      %get3A_434 = vector.shape_cast %get3A_433 : vector<1x16xf32> to vector<16xf32>
      %get3A_435 = arith.index_cast %add3A_431 : i32 to index
      %get3A_436 = arith.constant 0 : index
      %get3A_437 = tpu.vector_load %arg12[%get3A_435, %get3A_436] {strides = array<i32>} : memref<64x128xf32, #tpu.memory_space<vmem>>, vector<1x16xf32>,
      %get3A_438 = vector.shape_cast %get3A_437 : vector<1x16xf32> to vector<16xf32>
      %add3A_439 = arith.addf %get3A_434, %get3A_438 : vector<16xf32>
      %swap3A = arith.index_cast %add3A_431 : i32 to index
      %swap3A_440 = arith.constant 0 : index
      %swap3A_441 = tpu.vector_load %arg10[%swap3A, %swap3A_440] {strides = array<i32>} : memref<64x128xf32, #tpu.memory_space<vmem>>, vector<1x16xf32>,
      %swap3A_442 = vector.shape_cast %swap3A_441 : vector<1x16xf32> to vector<16xf32>
      %swap3A_443 = vector.shape_cast %add3A_439 : vector<16xf32> to vector<1x16xf32>
      tpu.vector_store %arg10[%swap3A, %swap3A_440], %swap3A_443 {add = true, strides = array<i32>} : memref<64x128xf32, #tpu.memory_space<vmem>>, vector<1x16xf32>,
      %get3A_444 = arith.index_cast %add3A_431 : i32 to index
      %get3A_445 = arith.constant 16 : index
      %get3A_446 = tpu.vector_load %arg11[%get3A_444, %get3A_445] {strides = array<i32>} : memref<64x128xf32, #tpu.memory_space<vmem>>, vector<1x16xf32>,
      %get3A_447 = vector.shape_cast %get3A_446 : vector<1x16xf32> to vector<16xf32>
      %get3A_448 = arith.index_cast %add3A_431 : i32 to index
      %get3A_449 = arith.constant 16 : index
      %get3A_450 = tpu.vector_load %arg12[%get3A_448, %get3A_449] {strides = array<i32>} : memref<64x128xf32, #tpu.memory_space<vmem>>, vector<1x16xf32>,
      %get3A_451 = vector.shape_cast %get3A_450 : vector<1x16xf32> to vector<16xf32>
      %add3A_452 = arith.addf %get3A_447, %get3A_451 : vector<16xf32>
      %swap3A_453 = arith.index_cast %add3A_431 : i32 to index
      %swap3A_454 = arith.constant 16 : index
      %swap3A_455 = tpu.vector_load %arg10[%swap3A_453, %swap3A_454] {strides = array<i32>} : memref<64x128xf32, #tpu.memory_space<vmem>>, vector<1x16xf32>,
      %swap3A_456 = vector.shape_cast %swap3A_455 : vector<1x16xf32> to vector<16xf32>
      %swap3A_457 = vector.shape_cast %add3A_452 : vector<16xf32> to vector<1x16xf32>
      tpu.vector_store %arg10[%swap3A_453, %swap3A_454], %swap3A_457 {add = true, strides = array<i32>} : memref<64x128xf32, #tpu.memory_space<vmem>>, vector<1x16xf32>,
      %get3A_458 = arith.index_cast %add3A_431 : i32 to index
      %get3A_459 = arith.constant 32 : index
      %get3A_460 = tpu.vector_load %arg11[%get3A_458, %get3A_459] {strides = array<i32>} : memref<64x128xf32, #tpu.memory_space<vmem>>, vector<1x16xf32>,
      %get3A_461 = vector.shape_cast %get3A_460 : vector<1x16xf32> to vector<16xf32>
      %get3A_462 = arith.index_cast %add3A_431 : i32 to index
      %get3A_463 = arith.constant 32 : index
      %get3A_464 = tpu.vector_load %arg12[%get3A_462, %get3A_463] {strides = array<i32>} : memref<64x128xf32, #tpu.memory_space<vmem>>, vector<1x16xf32>,
      %get3A_465 = vector.shape_cast %get3A_464 : vector<1x16xf32> to vector<16xf32>
      %add3A_466 = arith.addf %get3A_461, %get3A_465 : vector<16xf32>
      %swap3A_467 = arith.index_cast %add3A_431 : i32 to index
      %swap3A_468 = arith.constant 32 : index
      %swap3A_469 = tpu.vector_load %arg10[%swap3A_467, %swap3A_468] {strides = array<i32>} : memref<64x128xf32, #tpu.memory_space<vmem>>, vector<1x16xf32>,
      %swap3A_470 = vector.shape_cast %swap3A_469 : vector<1x16xf32> to vector<16xf32>
      %swap3A_471 = vector.shape_cast %add3A_466 : vector<16xf32> to vector<1x16xf32>
      tpu.vector_store %arg10[%swap3A_467, %swap3A_468], %swap3A_471 {add = true, strides = array<i32>} : memref<64x128xf32, #tpu.memory_space<vmem>>, vector<1x16xf32>,
      %get3A_472 = arith.index_cast %add3A_431 : i32 to index
      %get3A_473 = arith.constant 48 : index
      %get3A_474 = tpu.vector_load %arg11[%get3A_472, %get3A_473] {strides = array<i32>} : memref<64x128xf32, #tpu.memory_space<vmem>>, vector<1x16xf32>,
      %get3A_475 = vector.shape_cast %get3A_474 : vector<1x16xf32> to vector<16xf32>
      %get3A_476 = arith.index_cast %add3A_431 : i32 to index
      %get3A_477 = arith.constant 48 : index
      %get3A_478 = tpu.vector_load %arg12[%get3A_476, %get3A_477] {strides = array<i32>} : memref<64x128xf32, #tpu.memory_space<vmem>>, vector<1x16xf32>,
      %get3A_479 = vector.shape_cast %get3A_478 : vector<1x16xf32> to vector<16xf32>
      %add3A_480 = arith.addf %get3A_475, %get3A_479 : vector<16xf32>
      %swap3A_481 = arith.index_cast %add3A_431 : i32 to index
      %swap3A_482 = arith.constant 48 : index
      %swap3A_483 = tpu.vector_load %arg10[%swap3A_481, %swap3A_482] {strides = array<i32>} : memref<64x128xf32, #tpu.memory_space<vmem>>, vector<1x16xf32>,
      %swap3A_484 = vector.shape_cast %swap3A_483 : vector<1x16xf32> to vector<16xf32>
      %swap3A_485 = vector.shape_cast %add3A_480 : vector<16xf32> to vector<1x16xf32>
      tpu.vector_store %arg10[%swap3A_481, %swap3A_482], %swap3A_485 {add = true, strides = array<i32>} : memref<64x128xf32, #tpu.memory_space<vmem>>, vector<1x16xf32>,
      %get3A_486 = arith.index_cast %add3A_431 : i32 to index
      %get3A_487 = arith.constant 64 : index
      %get3A_488 = tpu.vector_load %arg11[%get3A_486, %get3A_487] {strides = array<i32>} : memref<64x128xf32, #tpu.memory_space<vmem>>, vector<1x16xf32>,
      %get3A_489 = vector.shape_cast %get3A_488 : vector<1x16xf32> to vector<16xf32>
      %get3A_490 = arith.index_cast %add3A_431 : i32 to index
      %get3A_491 = arith.constant 64 : index
      %get3A_492 = tpu.vector_load %arg12[%get3A_490, %get3A_491] {strides = array<i32>} : memref<64x128xf32, #tpu.memory_space<vmem>>, vector<1x16xf32>,
      %get3A_493 = vector.shape_cast %get3A_492 : vector<1x16xf32> to vector<16xf32>
      %add3A_494 = arith.addf %get3A_489, %get3A_493 : vector<16xf32>
      %swap3A_495 = arith.index_cast %add3A_431 : i32 to index
      %swap3A_496 = arith.constant 64 : index
      %swap3A_497 = tpu.vector_load %arg10[%swap3A_495, %swap3A_496] {strides = array<i32>} : memref<64x128xf32, #tpu.memory_space<vmem>>, vector<1x16xf32>,
      %swap3A_498 = vector.shape_cast %swap3A_497 : vector<1x16xf32> to vector<16xf32>
      %swap3A_499 = vector.shape_cast %add3A_494 : vector<16xf32> to vector<1x16xf32>
      tpu.vector_store %arg10[%swap3A_495, %swap3A_496], %swap3A_499 {add = true, strides = array<i32>} : memref<64x128xf32, #tpu.memory_space<vmem>>, vector<1x16xf32>,
      %get3A_500 = arith.index_cast %add3A_431 : i32 to index
      %get3A_501 = arith.constant 80 : index
      %get3A_502 = tpu.vector_load %arg11[%get3A_500, %get3A_501] {strides = array<i32>} : memref<64x128xf32, #tpu.memory_space<vmem>>, vector<1x16xf32>,
      %get3A_503 = vector.shape_cast %get3A_502 : vector<1x16xf32> to vector<16xf32>
      %get3A_504 = arith.index_cast %add3A_431 : i32 to index
      %get3A_505 = arith.constant 80 : index
      %get3A_506 = tpu.vector_load %arg12[%get3A_504, %get3A_505] {strides = array<i32>} : memref<64x128xf32, #tpu.memory_space<vmem>>, vector<1x16xf32>,
      %get3A_507 = vector.shape_cast %get3A_506 : vector<1x16xf32> to vector<16xf32>
      %add3A_508 = arith.addf %get3A_503, %get3A_507 : vector<16xf32>
      %swap3A_509 = arith.index_cast %add3A_431 : i32 to index
      %swap3A_510 = arith.constant 80 : index
      %swap3A_511 = tpu.vector_load %arg10[%swap3A_509, %swap3A_510] {strides = array<i32>} : memref<64x128xf32, #tpu.memory_space<vmem>>, vector<1x16xf32>,
      %swap3A_512 = vector.shape_cast %swap3A_511 : vector<1x16xf32> to vector<16xf32>
      %swap3A_513 = vector.shape_cast %add3A_508 : vector<16xf32> to vector<1x16xf32>
      tpu.vector_store %arg10[%swap3A_509, %swap3A_510], %swap3A_513 {add = true, strides = array<i32>} : memref<64x128xf32, #tpu.memory_space<vmem>>, vector<1x16xf32>,
      %get3A_514 = arith.index_cast %add3A_431 : i32 to index
      %get3A_515 = arith.constant 96 : index
      %get3A_516 = tpu.vector_load %arg11[%get3A_514, %get3A_515] {strides = array<i32>} : memref<64x128xf32, #tpu.memory_space<vmem>>, vector<1x16xf32>,
      %get3A_517 = vector.shape_cast %get3A_516 : vector<1x16xf32> to vector<16xf32>
      %get3A_518 = arith.index_cast %add3A_431 : i32 to index
      %get3A_519 = arith.constant 96 : index
      %get3A_520 = tpu.vector_load %arg12[%get3A_518, %get3A_519] {strides = array<i32>} : memref<64x128xf32, #tpu.memory_space<vmem>>, vector<1x16xf32>,
      %get3A_521 = vector.shape_cast %get3A_520 : vector<1x16xf32> to vector<16xf32>
      %add3A_522 = arith.addf %get3A_517, %get3A_521 : vector<16xf32>
      %swap3A_523 = arith.index_cast %add3A_431 : i32 to index
      %swap3A_524 = arith.constant 96 : index
      %swap3A_525 = tpu.vector_load %arg10[%swap3A_523, %swap3A_524] {strides = array<i32>} : memref<64x128xf32, #tpu.memory_space<vmem>>, vector<1x16xf32>,
      %swap3A_526 = vector.shape_cast %swap3A_525 : vector<1x16xf32> to vector<16xf32>
      %swap3A_527 = vector.shape_cast %add3A_522 : vector<16xf32> to vector<1x16xf32>
      tpu.vector_store %arg10[%swap3A_523, %swap3A_524], %swap3A_527 {add = true, strides = array<i32>} : memref<64x128xf32, #tpu.memory_space<vmem>>, vector<1x16xf32>,
      %get3A_528 = arith.index_cast %add3A_431 : i32 to index
      %get3A_529 = arith.constant 112 : index
      %get3A_530 = tpu.vector_load %arg11[%get3A_528, %get3A_529] {strides = array<i32>} : memref<64x128xf32, #tpu.memory_space<vmem>>, vector<1x16xf32>,
      %get3A_531 = vector.shape_cast %get3A_530 : vector<1x16xf32> to vector<16xf32>
      %get3A_532 = arith.index_cast %add3A_431 : i32 to index
      %get3A_533 = arith.constant 112 : index
      %get3A_534 = tpu.vector_load %arg12[%get3A_532, %get3A_533] {strides = array<i32>} : memref<64x128xf32, #tpu.memory_space<vmem>>, vector<1x16xf32>,
      %get3A_535 = vector.shape_cast %get3A_534 : vector<1x16xf32> to vector<16xf32>
      %add3A_536 = arith.addf %get3A_531, %get3A_535 : vector<16xf32>
      %swap3A_537 = arith.index_cast %add3A_431 : i32 to index
      %swap3A_538 = arith.constant 112 : index
      %swap3A_539 = tpu.vector_load %arg10[%swap3A_537, %swap3A_538] {strides = array<i32>} : memref<64x128xf32, #tpu.memory_space<vmem>>, vector<1x16xf32>,
      %swap3A_540 = vector.shape_cast %swap3A_539 : vector<1x16xf32> to vector<16xf32>
      %swap3A_541 = vector.shape_cast %add3A_536 : vector<16xf32> to vector<1x16xf32>
      tpu.vector_store %arg10[%swap3A_537, %swap3A_538], %swap3A_541 {add = true, strides = array<i32>} : memref<64x128xf32, #tpu.memory_space<vmem>>, vector<1x16xf32>,
      %mul3A_542 = arith.constant 2 : i32
      %mul3A_543 = arith.muli %scan3A_426, %mul3A_542 : i32
      %add3A_544 = arith.constant 1 : i32
      %add3A_545 = arith.addi %mul3A_543, %add3A_544 : i32
      %get3A_546 = arith.index_cast %add3A_545 : i32 to index
      %get3A_547 = arith.constant 0 : index
      %get3A_548 = tpu.vector_load %arg11[%get3A_546, %get3A_547] {strides = array<i32>} : memref<64x128xf32, #tpu.memory_space<vmem>>, vector<1x16xf32>,
      %get3A_549 = vector.shape_cast %get3A_548 : vector<1x16xf32> to vector<16xf32>
      %get3A_550 = arith.index_cast %add3A_545 : i32 to index
      %get3A_551 = arith.constant 0 : index
      %get3A_552 = tpu.vector_load %arg12[%get3A_550, %get3A_551] {strides = array<i32>} : memref<64x128xf32, #tpu.memory_space<vmem>>, vector<1x16xf32>,
      %get3A_553 = vector.shape_cast %get3A_552 : vector<1x16xf32> to vector<16xf32>
      %add3A_554 = arith.addf %get3A_549, %get3A_553 : vector<16xf32>
      %swap3A_555 = arith.index_cast %add3A_545 : i32 to index
      %swap3A_556 = arith.constant 0 : index
      %swap3A_557 = tpu.vector_load %arg10[%swap3A_555, %swap3A_556] {strides = array<i32>} : memref<64x128xf32, #tpu.memory_space<vmem>>, vector<1x16xf32>,
      %swap3A_558 = vector.shape_cast %swap3A_557 : vector<1x16xf32> to vector<16xf32>
      %swap3A_559 = vector.shape_cast %add3A_554 : vector<16xf32> to vector<1x16xf32>
      tpu.vector_store %arg10[%swap3A_555, %swap3A_556], %swap3A_559 {add = true, strides = array<i32>} : memref<64x128xf32, #tpu.memory_space<vmem>>, vector<1x16xf32>,
      %get3A_560 = arith.index_cast %add3A_545 : i32 to index
      %get3A_561 = arith.constant 16 : index
      %get3A_562 = tpu.vector_load %arg11[%get3A_560, %get3A_561] {strides = array<i32>} : memref<64x128xf32, #tpu.memory_space<vmem>>, vector<1x16xf32>,
      %get3A_563 = vector.shape_cast %get3A_562 : vector<1x16xf32> to vector<16xf32>
      %get3A_564 = arith.index_cast %add3A_545 : i32 to index
      %get3A_565 = arith.constant 16 : index
      %get3A_566 = tpu.vector_load %arg12[%get3A_564, %get3A_565] {strides = array<i32>} : memref<64x128xf32, #tpu.memory_space<vmem>>, vector<1x16xf32>,
      %get3A_567 = vector.shape_cast %get3A_566 : vector<1x16xf32> to vector<16xf32>
      %add3A_568 = arith.addf %get3A_563, %get3A_567 : vector<16xf32>
      %swap3A_569 = arith.index_cast %add3A_545 : i32 to index
      %swap3A_570 = arith.constant 16 : index
      %swap3A_571 = tpu.vector_load %arg10[%swap3A_569, %swap3A_570] {strides = array<i32>} : memref<64x128xf32, #tpu.memory_space<vmem>>, vector<1x16xf32>,
      %swap3A_572 = vector.shape_cast %swap3A_571 : vector<1x16xf32> to vector<16xf32>
      %swap3A_573 = vector.shape_cast %add3A_568 : vector<16xf32> to vector<1x16xf32>
      tpu.vector_store %arg10[%swap3A_569, %swap3A_570], %swap3A_573 {add = true, strides = array<i32>} : memref<64x128xf32, #tpu.memory_space<vmem>>, vector<1x16xf32>,
      %get3A_574 = arith.index_cast %add3A_545 : i32 to index
      %get3A_575 = arith.constant 32 : index
      %get3A_576 = tpu.vector_load %arg11[%get3A_574, %get3A_575] {strides = array<i32>} : memref<64x128xf32, #tpu.memory_space<vmem>>, vector<1x16xf32>,
      %get3A_577 = vector.shape_cast %get3A_576 : vector<1x16xf32> to vector<16xf32>
      %get3A_578 = arith.index_cast %add3A_545 : i32 to index
      %get3A_579 = arith.constant 32 : index
      %get3A_580 = tpu.vector_load %arg12[%get3A_578, %get3A_579] {strides = array<i32>} : memref<64x128xf32, #tpu.memory_space<vmem>>, vector<1x16xf32>,
      %get3A_581 = vector.shape_cast %get3A_580 : vector<1x16xf32> to vector<16xf32>
      %add3A_582 = arith.addf %get3A_577, %get3A_581 : vector<16xf32>
      %swap3A_583 = arith.index_cast %add3A_545 : i32 to index
      %swap3A_584 = arith.constant 32 : index
      %swap3A_585 = tpu.vector_load %arg10[%swap3A_583, %swap3A_584] {strides = array<i32>} : memref<64x128xf32, #tpu.memory_space<vmem>>, vector<1x16xf32>,
      %swap3A_586 = vector.shape_cast %swap3A_585 : vector<1x16xf32> to vector<16xf32>
      %swap3A_587 = vector.shape_cast %add3A_582 : vector<16xf32> to vector<1x16xf32>
      tpu.vector_store %arg10[%swap3A_583, %swap3A_584], %swap3A_587 {add = true, strides = array<i32>} : memref<64x128xf32, #tpu.memory_space<vmem>>, vector<1x16xf32>,
      %get3A_588 = arith.index_cast %add3A_545 : i32 to index
      %get3A_589 = arith.constant 48 : index
      %get3A_590 = tpu.vector_load %arg11[%get3A_588, %get3A_589] {strides = array<i32>} : memref<64x128xf32, #tpu.memory_space<vmem>>, vector<1x16xf32>,
      %get3A_591 = vector.shape_cast %get3A_590 : vector<1x16xf32> to vector<16xf32>
      %get3A_592 = arith.index_cast %add3A_545 : i32 to index
      %get3A_593 = arith.constant 48 : index
      %get3A_594 = tpu.vector_load %arg12[%get3A_592, %get3A_593] {strides = array<i32>} : memref<64x128xf32, #tpu.memory_space<vmem>>, vector<1x16xf32>,
      %get3A_595 = vector.shape_cast %get3A_594 : vector<1x16xf32> to vector<16xf32>
      %add3A_596 = arith.addf %get3A_591, %get3A_595 : vector<16xf32>
      %swap3A_597 = arith.index_cast %add3A_545 : i32 to index
      %swap3A_598 = arith.constant 48 : index
      %swap3A_599 = tpu.vector_load %arg10[%swap3A_597, %swap3A_598] {strides = array<i32>} : memref<64x128xf32, #tpu.memory_space<vmem>>, vector<1x16xf32>,
      %swap3A_600 = vector.shape_cast %swap3A_599 : vector<1x16xf32> to vector<16xf32>
      %swap3A_601 = vector.shape_cast %add3A_596 : vector<16xf32> to vector<1x16xf32>
      tpu.vector_store %arg10[%swap3A_597, %swap3A_598], %swap3A_601 {add = true, strides = array<i32>} : memref<64x128xf32, #tpu.memory_space<vmem>>, vector<1x16xf32>,
      %get3A_602 = arith.index_cast %add3A_545 : i32 to index
      %get3A_603 = arith.constant 64 : index
      %get3A_604 = tpu.vector_load %arg11[%get3A_602, %get3A_603] {strides = array<i32>} : memref<64x128xf32, #tpu.memory_space<vmem>>, vector<1x16xf32>,
      %get3A_605 = vector.shape_cast %get3A_604 : vector<1x16xf32> to vector<16xf32>
      %get3A_606 = arith.index_cast %add3A_545 : i32 to index
      %get3A_607 = arith.constant 64 : index
      %get3A_608 = tpu.vector_load %arg12[%get3A_606, %get3A_607] {strides = array<i32>} : memref<64x128xf32, #tpu.memory_space<vmem>>, vector<1x16xf32>,
      %get3A_609 = vector.shape_cast %get3A_608 : vector<1x16xf32> to vector<16xf32>
      %add3A_610 = arith.addf %get3A_605, %get3A_609 : vector<16xf32>
      %swap3A_611 = arith.index_cast %add3A_545 : i32 to index
      %swap3A_612 = arith.constant 64 : index
      %swap3A_613 = tpu.vector_load %arg10[%swap3A_611, %swap3A_612] {strides = array<i32>} : memref<64x128xf32, #tpu.memory_space<vmem>>, vector<1x16xf32>,
      %swap3A_614 = vector.shape_cast %swap3A_613 : vector<1x16xf32> to vector<16xf32>
      %swap3A_615 = vector.shape_cast %add3A_610 : vector<16xf32> to vector<1x16xf32>
      tpu.vector_store %arg10[%swap3A_611, %swap3A_612], %swap3A_615 {add = true, strides = array<i32>} : memref<64x128xf32, #tpu.memory_space<vmem>>, vector<1x16xf32>,
      %get3A_616 = arith.index_cast %add3A_545 : i32 to index
      %get3A_617 = arith.constant 80 : index
      %get3A_618 = tpu.vector_load %arg11[%get3A_616, %get3A_617] {strides = array<i32>} : memref<64x128xf32, #tpu.memory_space<vmem>>, vector<1x16xf32>,
      %get3A_619 = vector.shape_cast %get3A_618 : vector<1x16xf32> to vector<16xf32>
      %get3A_620 = arith.index_cast %add3A_545 : i32 to index
      %get3A_621 = arith.constant 80 : index
      %get3A_622 = tpu.vector_load %arg12[%get3A_620, %get3A_621] {strides = array<i32>} : memref<64x128xf32, #tpu.memory_space<vmem>>, vector<1x16xf32>,
      %get3A_623 = vector.shape_cast %get3A_622 : vector<1x16xf32> to vector<16xf32>
      %add3A_624 = arith.addf %get3A_619, %get3A_623 : vector<16xf32>
      %swap3A_625 = arith.index_cast %add3A_545 : i32 to index
      %swap3A_626 = arith.constant 80 : index
      %swap3A_627 = tpu.vector_load %arg10[%swap3A_625, %swap3A_626] {strides = array<i32>} : memref<64x128xf32, #tpu.memory_space<vmem>>, vector<1x16xf32>,
      %swap3A_628 = vector.shape_cast %swap3A_627 : vector<1x16xf32> to vector<16xf32>
      %swap3A_629 = vector.shape_cast %add3A_624 : vector<16xf32> to vector<1x16xf32>
      tpu.vector_store %arg10[%swap3A_625, %swap3A_626], %swap3A_629 {add = true, strides = array<i32>} : memref<64x128xf32, #tpu.memory_space<vmem>>, vector<1x16xf32>,
      %get3A_630 = arith.index_cast %add3A_545 : i32 to index
      %get3A_631 = arith.constant 96 : index
      %get3A_632 = tpu.vector_load %arg11[%get3A_630, %get3A_631] {strides = array<i32>} : memref<64x128xf32, #tpu.memory_space<vmem>>, vector<1x16xf32>,
      %get3A_633 = vector.shape_cast %get3A_632 : vector<1x16xf32> to vector<16xf32>
      %get3A_634 = arith.index_cast %add3A_545 : i32 to index
      %get3A_635 = arith.constant 96 : index
      %get3A_636 = tpu.vector_load %arg12[%get3A_634, %get3A_635] {strides = array<i32>} : memref<64x128xf32, #tpu.memory_space<vmem>>, vector<1x16xf32>,
      %get3A_637 = vector.shape_cast %get3A_636 : vector<1x16xf32> to vector<16xf32>
      %add3A_638 = arith.addf %get3A_633, %get3A_637 : vector<16xf32>
      %swap3A_639 = arith.index_cast %add3A_545 : i32 to index
      %swap3A_640 = arith.constant 96 : index
      %swap3A_641 = tpu.vector_load %arg10[%swap3A_639, %swap3A_640] {strides = array<i32>} : memref<64x128xf32, #tpu.memory_space<vmem>>, vector<1x16xf32>,
      %swap3A_642 = vector.shape_cast %swap3A_641 : vector<1x16xf32> to vector<16xf32>
      %swap3A_643 = vector.shape_cast %add3A_638 : vector<16xf32> to vector<1x16xf32>
      tpu.vector_store %arg10[%swap3A_639, %swap3A_640], %swap3A_643 {add = true, strides = array<i32>} : memref<64x128xf32, #tpu.memory_space<vmem>>, vector<1x16xf32>,
      %get3A_644 = arith.index_cast %add3A_545 : i32 to index
      %get3A_645 = arith.constant 112 : index
      %get3A_646 = tpu.vector_load %arg11[%get3A_644, %get3A_645] {strides = array<i32>} : memref<64x128xf32, #tpu.memory_space<vmem>>, vector<1x16xf32>,
      %get3A_647 = vector.shape_cast %get3A_646 : vector<1x16xf32> to vector<16xf32>
      %get3A_648 = arith.index_cast %add3A_545 : i32 to index
      %get3A_649 = arith.constant 112 : index
      %get3A_650 = tpu.vector_load %arg12[%get3A_648, %get3A_649] {strides = array<i32>} : memref<64x128xf32, #tpu.memory_space<vmem>>, vector<1x16xf32>,
      %get3A_651 = vector.shape_cast %get3A_650 : vector<1x16xf32> to vector<16xf32>
      %add3A_652 = arith.addf %get3A_647, %get3A_651 : vector<16xf32>
      %swap3A_653 = arith.index_cast %add3A_545 : i32 to index
      %swap3A_654 = arith.constant 112 : index
      %swap3A_655 = tpu.vector_load %arg10[%swap3A_653, %swap3A_654] {strides = array<i32>} : memref<64x128xf32, #tpu.memory_space<vmem>>, vector<1x16xf32>,
      %swap3A_656 = vector.shape_cast %swap3A_655 : vector<1x16xf32> to vector<16xf32>
      %swap3A_657 = vector.shape_cast %add3A_652 : vector<16xf32> to vector<1x16xf32>
      tpu.vector_store %arg10[%swap3A_653, %swap3A_654], %swap3A_657 {add = true, strides = array<i32>} : memref<64x128xf32, #tpu.memory_space<vmem>>, vector<1x16xf32>,
      %scan3A_658 = arith.constant 0 : i32
      scf.yield %scan3A_658 : i32
    }
    %scan3A_319 = arith.constant 32 : i32
    %add3A_320 = arith.constant 256 : i32
    %add3A_321 = arith.addi %mul3A_2, %add3A_320 : i32
    %dma_start3A_322 = arith.constant 0 : i32
    %dma_start3A_323 = tpu.memref_slice %arg8[%add3A_321, %dma_start3A_322] : memref<16384x128xf32, #tpu.memory_space<hbm>> -> memref<64x128xf32, #tpu.memory_space<hbm>>
    %dma_start3A_324 = arith.constant 0 : i32
    %dma_start3A_325 = tpu.memref_slice %arg8[%add3A_321, %dma_start3A_324] : memref<16384x128xf32, #tpu.memory_space<hbm>> -> memref<64x128xf32, #tpu.memory_space<hbm>>
    tpu.enqueue_dma source(%arg10 : memref<64x128xf32, #tpu.memory_space<vmem>>) target(%dma_start3A_325 : memref<64x128xf32, #tpu.memory_space<hbm>>) target_semaphore(%arg26 : memref<!tpu.dma_semaphore, #tpu.memory_space<semaphore_mem>>)
    %dma_wait3A_326 = arith.constant 320 : i32
    %dma_wait3A_327 = tpu.memref_slice %arg9[%dma_wait3A_326] : memref<1536xi32, #tpu.memory_space<vmem>> -> memref<64xi32, #tpu.memory_space<vmem>>
    %dma_wait3A_328 = arith.constant 0 : i32
    %dma_wait3A_329 = arith.constant 0 : i32
    %dma_wait3A_330 = tpu.memref_slice %arg2[%dma_wait3A_328, %dma_wait3A_329] : memref<6048x128xf32, #tpu.memory_space<hbm>> -> memref<6048x128xf32, #tpu.memory_space<hbm>>
    tpu.wait_indirect_dma semaphore(%arg23 : memref<!tpu.dma_semaphore, #tpu.memory_space<semaphore_mem>>) src(%dma_wait3A_330 : memref<6048x128xf32, #tpu.memory_space<hbm>>) dst(%arg13 : memref<64x128xf32, #tpu.memory_space<vmem>>)
    %dma_wait3A_331 = arith.constant 832 : i32
    %dma_wait3A_332 = tpu.memref_slice %arg9[%dma_wait3A_331] : memref<1536xi32, #tpu.memory_space<vmem>> -> memref<64xi32, #tpu.memory_space<vmem>>
    %dma_wait3A_333 = arith.constant 0 : i32
    %dma_wait3A_334 = arith.constant 0 : i32
    %dma_wait3A_335 = tpu.memref_slice %arg3[%dma_wait3A_333, %dma_wait3A_334] : memref<3440x128xf32, #tpu.memory_space<hbm>> -> memref<3440x128xf32, #tpu.memory_space<hbm>>
    tpu.wait_indirect_dma semaphore(%arg23 : memref<!tpu.dma_semaphore, #tpu.memory_space<semaphore_mem>>) src(%dma_wait3A_335 : memref<3440x128xf32, #tpu.memory_space<hbm>>) dst(%arg14 : memref<64x128xf32, #tpu.memory_space<vmem>>)
    %dma_wait3A_336 = arith.constant 1344 : i32
    %dma_wait3A_337 = tpu.memref_slice %arg9[%dma_wait3A_336] : memref<1536xi32, #tpu.memory_space<vmem>> -> memref<64xi32, #tpu.memory_space<vmem>>
    %dma_wait3A_338 = arith.constant 0 : i32
    %dma_wait3A_339 = arith.constant 0 : i32
    %dma_wait3A_340 = tpu.memref_slice %arg4[%dma_wait3A_338, %dma_wait3A_339] : memref<3888x128xf32, #tpu.memory_space<hbm>> -> memref<3888x128xf32, #tpu.memory_space<hbm>>
    tpu.wait_indirect_dma semaphore(%arg23 : memref<!tpu.dma_semaphore, #tpu.memory_space<semaphore_mem>>) src(%dma_wait3A_340 : memref<3888x128xf32, #tpu.memory_space<hbm>>) dst(%arg15 : memref<64x128xf32, #tpu.memory_space<vmem>>)
    %scan3A_341 = arith.constant 0 : i32
    %scan3A_342 = arith.constant 0 : i32
    %scan3A_343 = arith.constant 32 : i32
    %scan3A_344 = arith.addi %scan3A_342, %scan3A_343 : i32
    %scan3A_345 = arith.constant 1 : i32
    %scan3A_346 = scf.for %scan3A_426 = %scan3A_342 to %scan3A_344 step %scan3A_345 iter_args(%scan3A_427 = %scan3A_341) -> (i32)  : i32 {
      %mul3A_428 = arith.constant 2 : i32
      %mul3A_429 = arith.muli %scan3A_426, %mul3A_428 : i32
      %add3A_430 = arith.constant 0 : i32
      %add3A_431 = arith.addi %mul3A_429, %add3A_430 : i32
      %get3A = arith.index_cast %add3A_431 : i32 to index
      %get3A_432 = arith.constant 0 : index
      %get3A_433 = tpu.vector_load %arg14[%get3A, %get3A_432] {strides = array<i32>} : memref<64x128xf32, #tpu.memory_space<vmem>>, vector<1x16xf32>,
      %get3A_434 = vector.shape_cast %get3A_433 : vector<1x16xf32> to vector<16xf32>
      %get3A_435 = arith.index_cast %add3A_431 : i32 to index
      %get3A_436 = arith.constant 0 : index
      %get3A_437 = tpu.vector_load %arg15[%get3A_435, %get3A_436] {strides = array<i32>} : memref<64x128xf32, #tpu.memory_space<vmem>>, vector<1x16xf32>,
      %get3A_438 = vector.shape_cast %get3A_437 : vector<1x16xf32> to vector<16xf32>
      %add3A_439 = arith.addf %get3A_434, %get3A_438 : vector<16xf32>
      %swap3A = arith.index_cast %add3A_431 : i32 to index
      %swap3A_440 = arith.constant 0 : index
      %swap3A_441 = tpu.vector_load %arg13[%swap3A, %swap3A_440] {strides = array<i32>} : memref<64x128xf32, #tpu.memory_space<vmem>>, vector<1x16xf32>,
      %swap3A_442 = vector.shape_cast %swap3A_441 : vector<1x16xf32> to vector<16xf32>
      %swap3A_443 = vector.shape_cast %add3A_439 : vector<16xf32> to vector<1x16xf32>
      tpu.vector_store %arg13[%swap3A, %swap3A_440], %swap3A_443 {add = true, strides = array<i32>} : memref<64x128xf32, #tpu.memory_space<vmem>>, vector<1x16xf32>,
      %get3A_444 = arith.index_cast %add3A_431 : i32 to index
      %get3A_445 = arith.constant 16 : index
      %get3A_446 = tpu.vector_load %arg14[%get3A_444, %get3A_445] {strides = array<i32>} : memref<64x128xf32, #tpu.memory_space<vmem>>, vector<1x16xf32>,
      %get3A_447 = vector.shape_cast %get3A_446 : vector<1x16xf32> to vector<16xf32>
      %get3A_448 = arith.index_cast %add3A_431 : i32 to index
      %get3A_449 = arith.constant 16 : index
      %get3A_450 = tpu.vector_load %arg15[%get3A_448, %get3A_449] {strides = array<i32>} : memref<64x128xf32, #tpu.memory_space<vmem>>, vector<1x16xf32>,
      %get3A_451 = vector.shape_cast %get3A_450 : vector<1x16xf32> to vector<16xf32>
      %add3A_452 = arith.addf %get3A_447, %get3A_451 : vector<16xf32>
      %swap3A_453 = arith.index_cast %add3A_431 : i32 to index
      %swap3A_454 = arith.constant 16 : index
      %swap3A_455 = tpu.vector_load %arg13[%swap3A_453, %swap3A_454] {strides = array<i32>} : memref<64x128xf32, #tpu.memory_space<vmem>>, vector<1x16xf32>,
      %swap3A_456 = vector.shape_cast %swap3A_455 : vector<1x16xf32> to vector<16xf32>
      %swap3A_457 = vector.shape_cast %add3A_452 : vector<16xf32> to vector<1x16xf32>
      tpu.vector_store %arg13[%swap3A_453, %swap3A_454], %swap3A_457 {add = true, strides = array<i32>} : memref<64x128xf32, #tpu.memory_space<vmem>>, vector<1x16xf32>,
      %get3A_458 = arith.index_cast %add3A_431 : i32 to index
      %get3A_459 = arith.constant 32 : index
      %get3A_460 = tpu.vector_load %arg14[%get3A_458, %get3A_459] {strides = array<i32>} : memref<64x128xf32, #tpu.memory_space<vmem>>, vector<1x16xf32>,
      %get3A_461 = vector.shape_cast %get3A_460 : vector<1x16xf32> to vector<16xf32>
      %get3A_462 = arith.index_cast %add3A_431 : i32 to index
      %get3A_463 = arith.constant 32 : index
      %get3A_464 = tpu.vector_load %arg15[%get3A_462, %get3A_463] {strides = array<i32>} : memref<64x128xf32, #tpu.memory_space<vmem>>, vector<1x16xf32>,
      %get3A_465 = vector.shape_cast %get3A_464 : vector<1x16xf32> to vector<16xf32>
      %add3A_466 = arith.addf %get3A_461, %get3A_465 : vector<16xf32>
      %swap3A_467 = arith.index_cast %add3A_431 : i32 to index
      %swap3A_468 = arith.constant 32 : index
      %swap3A_469 = tpu.vector_load %arg13[%swap3A_467, %swap3A_468] {strides = array<i32>} : memref<64x128xf32, #tpu.memory_space<vmem>>, vector<1x16xf32>,
      %swap3A_470 = vector.shape_cast %swap3A_469 : vector<1x16xf32> to vector<16xf32>
      %swap3A_471 = vector.shape_cast %add3A_466 : vector<16xf32> to vector<1x16xf32>
      tpu.vector_store %arg13[%swap3A_467, %swap3A_468], %swap3A_471 {add = true, strides = array<i32>} : memref<64x128xf32, #tpu.memory_space<vmem>>, vector<1x16xf32>,
      %get3A_472 = arith.index_cast %add3A_431 : i32 to index
      %get3A_473 = arith.constant 48 : index
      %get3A_474 = tpu.vector_load %arg14[%get3A_472, %get3A_473] {strides = array<i32>} : memref<64x128xf32, #tpu.memory_space<vmem>>, vector<1x16xf32>,
      %get3A_475 = vector.shape_cast %get3A_474 : vector<1x16xf32> to vector<16xf32>
      %get3A_476 = arith.index_cast %add3A_431 : i32 to index
      %get3A_477 = arith.constant 48 : index
      %get3A_478 = tpu.vector_load %arg15[%get3A_476, %get3A_477] {strides = array<i32>} : memref<64x128xf32, #tpu.memory_space<vmem>>, vector<1x16xf32>,
      %get3A_479 = vector.shape_cast %get3A_478 : vector<1x16xf32> to vector<16xf32>
      %add3A_480 = arith.addf %get3A_475, %get3A_479 : vector<16xf32>
      %swap3A_481 = arith.index_cast %add3A_431 : i32 to index
      %swap3A_482 = arith.constant 48 : index
      %swap3A_483 = tpu.vector_load %arg13[%swap3A_481, %swap3A_482] {strides = array<i32>} : memref<64x128xf32, #tpu.memory_space<vmem>>, vector<1x16xf32>,
      %swap3A_484 = vector.shape_cast %swap3A_483 : vector<1x16xf32> to vector<16xf32>
      %swap3A_485 = vector.shape_cast %add3A_480 : vector<16xf32> to vector<1x16xf32>
      tpu.vector_store %arg13[%swap3A_481, %swap3A_482], %swap3A_485 {add = true, strides = array<i32>} : memref<64x128xf32, #tpu.memory_space<vmem>>, vector<1x16xf32>,
      %get3A_486 = arith.index_cast %add3A_431 : i32 to index
      %get3A_487 = arith.constant 64 : index
      %get3A_488 = tpu.vector_load %arg14[%get3A_486, %get3A_487] {strides = array<i32>} : memref<64x128xf32, #tpu.memory_space<vmem>>, vector<1x16xf32>,
      %get3A_489 = vector.shape_cast %get3A_488 : vector<1x16xf32> to vector<16xf32>
      %get3A_490 = arith.index_cast %add3A_431 : i32 to index
      %get3A_491 = arith.constant 64 : index
      %get3A_492 = tpu.vector_load %arg15[%get3A_490, %get3A_491] {strides = array<i32>} : memref<64x128xf32, #tpu.memory_space<vmem>>, vector<1x16xf32>,
      %get3A_493 = vector.shape_cast %get3A_492 : vector<1x16xf32> to vector<16xf32>
      %add3A_494 = arith.addf %get3A_489, %get3A_493 : vector<16xf32>
      %swap3A_495 = arith.index_cast %add3A_431 : i32 to index
      %swap3A_496 = arith.constant 64 : index
      %swap3A_497 = tpu.vector_load %arg13[%swap3A_495, %swap3A_496] {strides = array<i32>} : memref<64x128xf32, #tpu.memory_space<vmem>>, vector<1x16xf32>,
      %swap3A_498 = vector.shape_cast %swap3A_497 : vector<1x16xf32> to vector<16xf32>
      %swap3A_499 = vector.shape_cast %add3A_494 : vector<16xf32> to vector<1x16xf32>
      tpu.vector_store %arg13[%swap3A_495, %swap3A_496], %swap3A_499 {add = true, strides = array<i32>} : memref<64x128xf32, #tpu.memory_space<vmem>>, vector<1x16xf32>,
      %get3A_500 = arith.index_cast %add3A_431 : i32 to index
      %get3A_501 = arith.constant 80 : index
      %get3A_502 = tpu.vector_load %arg14[%get3A_500, %get3A_501] {strides = array<i32>} : memref<64x128xf32, #tpu.memory_space<vmem>>, vector<1x16xf32>,
      %get3A_503 = vector.shape_cast %get3A_502 : vector<1x16xf32> to vector<16xf32>
      %get3A_504 = arith.index_cast %add3A_431 : i32 to index
      %get3A_505 = arith.constant 80 : index
      %get3A_506 = tpu.vector_load %arg15[%get3A_504, %get3A_505] {strides = array<i32>} : memref<64x128xf32, #tpu.memory_space<vmem>>, vector<1x16xf32>,
      %get3A_507 = vector.shape_cast %get3A_506 : vector<1x16xf32> to vector<16xf32>
      %add3A_508 = arith.addf %get3A_503, %get3A_507 : vector<16xf32>
      %swap3A_509 = arith.index_cast %add3A_431 : i32 to index
      %swap3A_510 = arith.constant 80 : index
      %swap3A_511 = tpu.vector_load %arg13[%swap3A_509, %swap3A_510] {strides = array<i32>} : memref<64x128xf32, #tpu.memory_space<vmem>>, vector<1x16xf32>,
      %swap3A_512 = vector.shape_cast %swap3A_511 : vector<1x16xf32> to vector<16xf32>
      %swap3A_513 = vector.shape_cast %add3A_508 : vector<16xf32> to vector<1x16xf32>
      tpu.vector_store %arg13[%swap3A_509, %swap3A_510], %swap3A_513 {add = true, strides = array<i32>} : memref<64x128xf32, #tpu.memory_space<vmem>>, vector<1x16xf32>,
      %get3A_514 = arith.index_cast %add3A_431 : i32 to index
      %get3A_515 = arith.constant 96 : index
      %get3A_516 = tpu.vector_load %arg14[%get3A_514, %get3A_515] {strides = array<i32>} : memref<64x128xf32, #tpu.memory_space<vmem>>, vector<1x16xf32>,
      %get3A_517 = vector.shape_cast %get3A_516 : vector<1x16xf32> to vector<16xf32>
      %get3A_518 = arith.index_cast %add3A_431 : i32 to index
      %get3A_519 = arith.constant 96 : index
      %get3A_520 = tpu.vector_load %arg15[%get3A_518, %get3A_519] {strides = array<i32>} : memref<64x128xf32, #tpu.memory_space<vmem>>, vector<1x16xf32>,
      %get3A_521 = vector.shape_cast %get3A_520 : vector<1x16xf32> to vector<16xf32>
      %add3A_522 = arith.addf %get3A_517, %get3A_521 : vector<16xf32>
      %swap3A_523 = arith.index_cast %add3A_431 : i32 to index
      %swap3A_524 = arith.constant 96 : index
      %swap3A_525 = tpu.vector_load %arg13[%swap3A_523, %swap3A_524] {strides = array<i32>} : memref<64x128xf32, #tpu.memory_space<vmem>>, vector<1x16xf32>,
      %swap3A_526 = vector.shape_cast %swap3A_525 : vector<1x16xf32> to vector<16xf32>
      %swap3A_527 = vector.shape_cast %add3A_522 : vector<16xf32> to vector<1x16xf32>
      tpu.vector_store %arg13[%swap3A_523, %swap3A_524], %swap3A_527 {add = true, strides = array<i32>} : memref<64x128xf32, #tpu.memory_space<vmem>>, vector<1x16xf32>,
      %get3A_528 = arith.index_cast %add3A_431 : i32 to index
      %get3A_529 = arith.constant 112 : index
      %get3A_530 = tpu.vector_load %arg14[%get3A_528, %get3A_529] {strides = array<i32>} : memref<64x128xf32, #tpu.memory_space<vmem>>, vector<1x16xf32>,
      %get3A_531 = vector.shape_cast %get3A_530 : vector<1x16xf32> to vector<16xf32>
      %get3A_532 = arith.index_cast %add3A_431 : i32 to index
      %get3A_533 = arith.constant 112 : index
      %get3A_534 = tpu.vector_load %arg15[%get3A_532, %get3A_533] {strides = array<i32>} : memref<64x128xf32, #tpu.memory_space<vmem>>, vector<1x16xf32>,
      %get3A_535 = vector.shape_cast %get3A_534 : vector<1x16xf32> to vector<16xf32>
      %add3A_536 = arith.addf %get3A_531, %get3A_535 : vector<16xf32>
      %swap3A_537 = arith.index_cast %add3A_431 : i32 to index
      %swap3A_538 = arith.constant 112 : index
      %swap3A_539 = tpu.vector_load %arg13[%swap3A_537, %swap3A_538] {strides = array<i32>} : memref<64x128xf32, #tpu.memory_space<vmem>>, vector<1x16xf32>,
      %swap3A_540 = vector.shape_cast %swap3A_539 : vector<1x16xf32> to vector<16xf32>
      %swap3A_541 = vector.shape_cast %add3A_536 : vector<16xf32> to vector<1x16xf32>
      tpu.vector_store %arg13[%swap3A_537, %swap3A_538], %swap3A_541 {add = true, strides = array<i32>} : memref<64x128xf32, #tpu.memory_space<vmem>>, vector<1x16xf32>,
      %mul3A_542 = arith.constant 2 : i32
      %mul3A_543 = arith.muli %scan3A_426, %mul3A_542 : i32
      %add3A_544 = arith.constant 1 : i32
      %add3A_545 = arith.addi %mul3A_543, %add3A_544 : i32
      %get3A_546 = arith.index_cast %add3A_545 : i32 to index
      %get3A_547 = arith.constant 0 : index
      %get3A_548 = tpu.vector_load %arg14[%get3A_546, %get3A_547] {strides = array<i32>} : memref<64x128xf32, #tpu.memory_space<vmem>>, vector<1x16xf32>,
      %get3A_549 = vector.shape_cast %get3A_548 : vector<1x16xf32> to vector<16xf32>
      %get3A_550 = arith.index_cast %add3A_545 : i32 to index
      %get3A_551 = arith.constant 0 : index
      %get3A_552 = tpu.vector_load %arg15[%get3A_550, %get3A_551] {strides = array<i32>} : memref<64x128xf32, #tpu.memory_space<vmem>>, vector<1x16xf32>,
      %get3A_553 = vector.shape_cast %get3A_552 : vector<1x16xf32> to vector<16xf32>
      %add3A_554 = arith.addf %get3A_549, %get3A_553 : vector<16xf32>
      %swap3A_555 = arith.index_cast %add3A_545 : i32 to index
      %swap3A_556 = arith.constant 0 : index
      %swap3A_557 = tpu.vector_load %arg13[%swap3A_555, %swap3A_556] {strides = array<i32>} : memref<64x128xf32, #tpu.memory_space<vmem>>, vector<1x16xf32>,
      %swap3A_558 = vector.shape_cast %swap3A_557 : vector<1x16xf32> to vector<16xf32>
      %swap3A_559 = vector.shape_cast %add3A_554 : vector<16xf32> to vector<1x16xf32>
      tpu.vector_store %arg13[%swap3A_555, %swap3A_556], %swap3A_559 {add = true, strides = array<i32>} : memref<64x128xf32, #tpu.memory_space<vmem>>, vector<1x16xf32>,
      %get3A_560 = arith.index_cast %add3A_545 : i32 to index
      %get3A_561 = arith.constant 16 : index
      %get3A_562 = tpu.vector_load %arg14[%get3A_560, %get3A_561] {strides = array<i32>} : memref<64x128xf32, #tpu.memory_space<vmem>>, vector<1x16xf32>,
      %get3A_563 = vector.shape_cast %get3A_562 : vector<1x16xf32> to vector<16xf32>
      %get3A_564 = arith.index_cast %add3A_545 : i32 to index
      %get3A_565 = arith.constant 16 : index
      %get3A_566 = tpu.vector_load %arg15[%get3A_564, %get3A_565] {strides = array<i32>} : memref<64x128xf32, #tpu.memory_space<vmem>>, vector<1x16xf32>,
      %get3A_567 = vector.shape_cast %get3A_566 : vector<1x16xf32> to vector<16xf32>
      %add3A_568 = arith.addf %get3A_563, %get3A_567 : vector<16xf32>
      %swap3A_569 = arith.index_cast %add3A_545 : i32 to index
      %swap3A_570 = arith.constant 16 : index
      %swap3A_571 = tpu.vector_load %arg13[%swap3A_569, %swap3A_570] {strides = array<i32>} : memref<64x128xf32, #tpu.memory_space<vmem>>, vector<1x16xf32>,
      %swap3A_572 = vector.shape_cast %swap3A_571 : vector<1x16xf32> to vector<16xf32>
      %swap3A_573 = vector.shape_cast %add3A_568 : vector<16xf32> to vector<1x16xf32>
      tpu.vector_store %arg13[%swap3A_569, %swap3A_570], %swap3A_573 {add = true, strides = array<i32>} : memref<64x128xf32, #tpu.memory_space<vmem>>, vector<1x16xf32>,
      %get3A_574 = arith.index_cast %add3A_545 : i32 to index
      %get3A_575 = arith.constant 32 : index
      %get3A_576 = tpu.vector_load %arg14[%get3A_574, %get3A_575] {strides = array<i32>} : memref<64x128xf32, #tpu.memory_space<vmem>>, vector<1x16xf32>,
      %get3A_577 = vector.shape_cast %get3A_576 : vector<1x16xf32> to vector<16xf32>
      %get3A_578 = arith.index_cast %add3A_545 : i32 to index
      %get3A_579 = arith.constant 32 : index
      %get3A_580 = tpu.vector_load %arg15[%get3A_578, %get3A_579] {strides = array<i32>} : memref<64x128xf32, #tpu.memory_space<vmem>>, vector<1x16xf32>,
      %get3A_581 = vector.shape_cast %get3A_580 : vector<1x16xf32> to vector<16xf32>
      %add3A_582 = arith.addf %get3A_577, %get3A_581 : vector<16xf32>
      %swap3A_583 = arith.index_cast %add3A_545 : i32 to index
      %swap3A_584 = arith.constant 32 : index
      %swap3A_585 = tpu.vector_load %arg13[%swap3A_583, %swap3A_584] {strides = array<i32>} : memref<64x128xf32, #tpu.memory_space<vmem>>, vector<1x16xf32>,
      %swap3A_586 = vector.shape_cast %swap3A_585 : vector<1x16xf32> to vector<16xf32>
      %swap3A_587 = vector.shape_cast %add3A_582 : vector<16xf32> to vector<1x16xf32>
      tpu.vector_store %arg13[%swap3A_583, %swap3A_584], %swap3A_587 {add = true, strides = array<i32>} : memref<64x128xf32, #tpu.memory_space<vmem>>, vector<1x16xf32>,
      %get3A_588 = arith.index_cast %add3A_545 : i32 to index
      %get3A_589 = arith.constant 48 : index
      %get3A_590 = tpu.vector_load %arg14[%get3A_588, %get3A_589] {strides = array<i32>} : memref<64x128xf32, #tpu.memory_space<vmem>>, vector<1x16xf32>,
      %get3A_591 = vector.shape_cast %get3A_590 : vector<1x16xf32> to vector<16xf32>
      %get3A_592 = arith.index_cast %add3A_545 : i32 to index
      %get3A_593 = arith.constant 48 : index
      %get3A_594 = tpu.vector_load %arg15[%get3A_592, %get3A_593] {strides = array<i32>} : memref<64x128xf32, #tpu.memory_space<vmem>>, vector<1x16xf32>,
      %get3A_595 = vector.shape_cast %get3A_594 : vector<1x16xf32> to vector<16xf32>
      %add3A_596 = arith.addf %get3A_591, %get3A_595 : vector<16xf32>
      %swap3A_597 = arith.index_cast %add3A_545 : i32 to index
      %swap3A_598 = arith.constant 48 : index
      %swap3A_599 = tpu.vector_load %arg13[%swap3A_597, %swap3A_598] {strides = array<i32>} : memref<64x128xf32, #tpu.memory_space<vmem>>, vector<1x16xf32>,
      %swap3A_600 = vector.shape_cast %swap3A_599 : vector<1x16xf32> to vector<16xf32>
      %swap3A_601 = vector.shape_cast %add3A_596 : vector<16xf32> to vector<1x16xf32>
      tpu.vector_store %arg13[%swap3A_597, %swap3A_598], %swap3A_601 {add = true, strides = array<i32>} : memref<64x128xf32, #tpu.memory_space<vmem>>, vector<1x16xf32>,
      %get3A_602 = arith.index_cast %add3A_545 : i32 to index
      %get3A_603 = arith.constant 64 : index
      %get3A_604 = tpu.vector_load %arg14[%get3A_602, %get3A_603] {strides = array<i32>} : memref<64x128xf32, #tpu.memory_space<vmem>>, vector<1x16xf32>,
      %get3A_605 = vector.shape_cast %get3A_604 : vector<1x16xf32> to vector<16xf32>
      %get3A_606 = arith.index_cast %add3A_545 : i32 to index
      %get3A_607 = arith.constant 64 : index
      %get3A_608 = tpu.vector_load %arg15[%get3A_606, %get3A_607] {strides = array<i32>} : memref<64x128xf32, #tpu.memory_space<vmem>>, vector<1x16xf32>,
      %get3A_609 = vector.shape_cast %get3A_608 : vector<1x16xf32> to vector<16xf32>
      %add3A_610 = arith.addf %get3A_605, %get3A_609 : vector<16xf32>
      %swap3A_611 = arith.index_cast %add3A_545 : i32 to index
      %swap3A_612 = arith.constant 64 : index
      %swap3A_613 = tpu.vector_load %arg13[%swap3A_611, %swap3A_612] {strides = array<i32>} : memref<64x128xf32, #tpu.memory_space<vmem>>, vector<1x16xf32>,
      %swap3A_614 = vector.shape_cast %swap3A_613 : vector<1x16xf32> to vector<16xf32>
      %swap3A_615 = vector.shape_cast %add3A_610 : vector<16xf32> to vector<1x16xf32>
      tpu.vector_store %arg13[%swap3A_611, %swap3A_612], %swap3A_615 {add = true, strides = array<i32>} : memref<64x128xf32, #tpu.memory_space<vmem>>, vector<1x16xf32>,
      %get3A_616 = arith.index_cast %add3A_545 : i32 to index
      %get3A_617 = arith.constant 80 : index
      %get3A_618 = tpu.vector_load %arg14[%get3A_616, %get3A_617] {strides = array<i32>} : memref<64x128xf32, #tpu.memory_space<vmem>>, vector<1x16xf32>,
      %get3A_619 = vector.shape_cast %get3A_618 : vector<1x16xf32> to vector<16xf32>
      %get3A_620 = arith.index_cast %add3A_545 : i32 to index
      %get3A_621 = arith.constant 80 : index
      %get3A_622 = tpu.vector_load %arg15[%get3A_620, %get3A_621] {strides = array<i32>} : memref<64x128xf32, #tpu.memory_space<vmem>>, vector<1x16xf32>,
      %get3A_623 = vector.shape_cast %get3A_622 : vector<1x16xf32> to vector<16xf32>
      %add3A_624 = arith.addf %get3A_619, %get3A_623 : vector<16xf32>
      %swap3A_625 = arith.index_cast %add3A_545 : i32 to index
      %swap3A_626 = arith.constant 80 : index
      %swap3A_627 = tpu.vector_load %arg13[%swap3A_625, %swap3A_626] {strides = array<i32>} : memref<64x128xf32, #tpu.memory_space<vmem>>, vector<1x16xf32>,
      %swap3A_628 = vector.shape_cast %swap3A_627 : vector<1x16xf32> to vector<16xf32>
      %swap3A_629 = vector.shape_cast %add3A_624 : vector<16xf32> to vector<1x16xf32>
      tpu.vector_store %arg13[%swap3A_625, %swap3A_626], %swap3A_629 {add = true, strides = array<i32>} : memref<64x128xf32, #tpu.memory_space<vmem>>, vector<1x16xf32>,
      %get3A_630 = arith.index_cast %add3A_545 : i32 to index
      %get3A_631 = arith.constant 96 : index
      %get3A_632 = tpu.vector_load %arg14[%get3A_630, %get3A_631] {strides = array<i32>} : memref<64x128xf32, #tpu.memory_space<vmem>>, vector<1x16xf32>,
      %get3A_633 = vector.shape_cast %get3A_632 : vector<1x16xf32> to vector<16xf32>
      %get3A_634 = arith.index_cast %add3A_545 : i32 to index
      %get3A_635 = arith.constant 96 : index
      %get3A_636 = tpu.vector_load %arg15[%get3A_634, %get3A_635] {strides = array<i32>} : memref<64x128xf32, #tpu.memory_space<vmem>>, vector<1x16xf32>,
      %get3A_637 = vector.shape_cast %get3A_636 : vector<1x16xf32> to vector<16xf32>
      %add3A_638 = arith.addf %get3A_633, %get3A_637 : vector<16xf32>
      %swap3A_639 = arith.index_cast %add3A_545 : i32 to index
      %swap3A_640 = arith.constant 96 : index
      %swap3A_641 = tpu.vector_load %arg13[%swap3A_639, %swap3A_640] {strides = array<i32>} : memref<64x128xf32, #tpu.memory_space<vmem>>, vector<1x16xf32>,
      %swap3A_642 = vector.shape_cast %swap3A_641 : vector<1x16xf32> to vector<16xf32>
      %swap3A_643 = vector.shape_cast %add3A_638 : vector<16xf32> to vector<1x16xf32>
      tpu.vector_store %arg13[%swap3A_639, %swap3A_640], %swap3A_643 {add = true, strides = array<i32>} : memref<64x128xf32, #tpu.memory_space<vmem>>, vector<1x16xf32>,
      %get3A_644 = arith.index_cast %add3A_545 : i32 to index
      %get3A_645 = arith.constant 112 : index
      %get3A_646 = tpu.vector_load %arg14[%get3A_644, %get3A_645] {strides = array<i32>} : memref<64x128xf32, #tpu.memory_space<vmem>>, vector<1x16xf32>,
      %get3A_647 = vector.shape_cast %get3A_646 : vector<1x16xf32> to vector<16xf32>
      %get3A_648 = arith.index_cast %add3A_545 : i32 to index
      %get3A_649 = arith.constant 112 : index
      %get3A_650 = tpu.vector_load %arg15[%get3A_648, %get3A_649] {strides = array<i32>} : memref<64x128xf32, #tpu.memory_space<vmem>>, vector<1x16xf32>,
      %get3A_651 = vector.shape_cast %get3A_650 : vector<1x16xf32> to vector<16xf32>
      %add3A_652 = arith.addf %get3A_647, %get3A_651 : vector<16xf32>
      %swap3A_653 = arith.index_cast %add3A_545 : i32 to index
      %swap3A_654 = arith.constant 112 : index
      %swap3A_655 = tpu.vector_load %arg13[%swap3A_653, %swap3A_654] {strides = array<i32>} : memref<64x128xf32, #tpu.memory_space<vmem>>, vector<1x16xf32>,
      %swap3A_656 = vector.shape_cast %swap3A_655 : vector<1x16xf32> to vector<16xf32>
      %swap3A_657 = vector.shape_cast %add3A_652 : vector<16xf32> to vector<1x16xf32>
      tpu.vector_store %arg13[%swap3A_653, %swap3A_654], %swap3A_657 {add = true, strides = array<i32>} : memref<64x128xf32, #tpu.memory_space<vmem>>, vector<1x16xf32>,
      %scan3A_658 = arith.constant 0 : i32
      scf.yield %scan3A_658 : i32
    }
    %scan3A_347 = arith.constant 32 : i32
    %add3A_348 = arith.constant 320 : i32
    %add3A_349 = arith.addi %mul3A_2, %add3A_348 : i32
    %dma_start3A_350 = arith.constant 0 : i32
    %dma_start3A_351 = tpu.memref_slice %arg8[%add3A_349, %dma_start3A_350] : memref<16384x128xf32, #tpu.memory_space<hbm>> -> memref<64x128xf32, #tpu.memory_space<hbm>>
    %dma_start3A_352 = arith.constant 0 : i32
    %dma_start3A_353 = tpu.memref_slice %arg8[%add3A_349, %dma_start3A_352] : memref<16384x128xf32, #tpu.memory_space<hbm>> -> memref<64x128xf32, #tpu.memory_space<hbm>>
    tpu.enqueue_dma source(%arg13 : memref<64x128xf32, #tpu.memory_space<vmem>>) target(%dma_start3A_353 : memref<64x128xf32, #tpu.memory_space<hbm>>) target_semaphore(%arg27 : memref<!tpu.dma_semaphore, #tpu.memory_space<semaphore_mem>>)
    %dma_wait3A_354 = arith.constant 384 : i32
    %dma_wait3A_355 = tpu.memref_slice %arg9[%dma_wait3A_354] : memref<1536xi32, #tpu.memory_space<vmem>> -> memref<64xi32, #tpu.memory_space<vmem>>
    %dma_wait3A_356 = arith.constant 0 : i32
    %dma_wait3A_357 = arith.constant 0 : i32
    %dma_wait3A_358 = tpu.memref_slice %arg2[%dma_wait3A_356, %dma_wait3A_357] : memref<6048x128xf32, #tpu.memory_space<hbm>> -> memref<6048x128xf32, #tpu.memory_space<hbm>>
    tpu.wait_indirect_dma semaphore(%arg24 : memref<!tpu.dma_semaphore, #tpu.memory_space<semaphore_mem>>) src(%dma_wait3A_358 : memref<6048x128xf32, #tpu.memory_space<hbm>>) dst(%arg16 : memref<64x128xf32, #tpu.memory_space<vmem>>)
    %dma_wait3A_359 = arith.constant 896 : i32
    %dma_wait3A_360 = tpu.memref_slice %arg9[%dma_wait3A_359] : memref<1536xi32, #tpu.memory_space<vmem>> -> memref<64xi32, #tpu.memory_space<vmem>>
    %dma_wait3A_361 = arith.constant 0 : i32
    %dma_wait3A_362 = arith.constant 0 : i32
    %dma_wait3A_363 = tpu.memref_slice %arg3[%dma_wait3A_361, %dma_wait3A_362] : memref<3440x128xf32, #tpu.memory_space<hbm>> -> memref<3440x128xf32, #tpu.memory_space<hbm>>
    tpu.wait_indirect_dma semaphore(%arg24 : memref<!tpu.dma_semaphore, #tpu.memory_space<semaphore_mem>>) src(%dma_wait3A_363 : memref<3440x128xf32, #tpu.memory_space<hbm>>) dst(%arg17 : memref<64x128xf32, #tpu.memory_space<vmem>>)
    %dma_wait3A_364 = arith.constant 1408 : i32
    %dma_wait3A_365 = tpu.memref_slice %arg9[%dma_wait3A_364] : memref<1536xi32, #tpu.memory_space<vmem>> -> memref<64xi32, #tpu.memory_space<vmem>>
    %dma_wait3A_366 = arith.constant 0 : i32
    %dma_wait3A_367 = arith.constant 0 : i32
    %dma_wait3A_368 = tpu.memref_slice %arg4[%dma_wait3A_366, %dma_wait3A_367] : memref<3888x128xf32, #tpu.memory_space<hbm>> -> memref<3888x128xf32, #tpu.memory_space<hbm>>
    tpu.wait_indirect_dma semaphore(%arg24 : memref<!tpu.dma_semaphore, #tpu.memory_space<semaphore_mem>>) src(%dma_wait3A_368 : memref<3888x128xf32, #tpu.memory_space<hbm>>) dst(%arg18 : memref<64x128xf32, #tpu.memory_space<vmem>>)
    %scan3A_369 = arith.constant 0 : i32
    %scan3A_370 = arith.constant 0 : i32
    %scan3A_371 = arith.constant 32 : i32
    %scan3A_372 = arith.addi %scan3A_370, %scan3A_371 : i32
    %scan3A_373 = arith.constant 1 : i32
    %scan3A_374 = scf.for %scan3A_426 = %scan3A_370 to %scan3A_372 step %scan3A_373 iter_args(%scan3A_427 = %scan3A_369) -> (i32)  : i32 {
      %mul3A_428 = arith.constant 2 : i32
      %mul3A_429 = arith.muli %scan3A_426, %mul3A_428 : i32
      %add3A_430 = arith.constant 0 : i32
      %add3A_431 = arith.addi %mul3A_429, %add3A_430 : i32
      %get3A = arith.index_cast %add3A_431 : i32 to index
      %get3A_432 = arith.constant 0 : index
      %get3A_433 = tpu.vector_load %arg17[%get3A, %get3A_432] {strides = array<i32>} : memref<64x128xf32, #tpu.memory_space<vmem>>, vector<1x16xf32>,
      %get3A_434 = vector.shape_cast %get3A_433 : vector<1x16xf32> to vector<16xf32>
      %get3A_435 = arith.index_cast %add3A_431 : i32 to index
      %get3A_436 = arith.constant 0 : index
      %get3A_437 = tpu.vector_load %arg18[%get3A_435, %get3A_436] {strides = array<i32>} : memref<64x128xf32, #tpu.memory_space<vmem>>, vector<1x16xf32>,
      %get3A_438 = vector.shape_cast %get3A_437 : vector<1x16xf32> to vector<16xf32>
      %add3A_439 = arith.addf %get3A_434, %get3A_438 : vector<16xf32>
      %swap3A = arith.index_cast %add3A_431 : i32 to index
      %swap3A_440 = arith.constant 0 : index
      %swap3A_441 = tpu.vector_load %arg16[%swap3A, %swap3A_440] {strides = array<i32>} : memref<64x128xf32, #tpu.memory_space<vmem>>, vector<1x16xf32>,
      %swap3A_442 = vector.shape_cast %swap3A_441 : vector<1x16xf32> to vector<16xf32>
      %swap3A_443 = vector.shape_cast %add3A_439 : vector<16xf32> to vector<1x16xf32>
      tpu.vector_store %arg16[%swap3A, %swap3A_440], %swap3A_443 {add = true, strides = array<i32>} : memref<64x128xf32, #tpu.memory_space<vmem>>, vector<1x16xf32>,
      %get3A_444 = arith.index_cast %add3A_431 : i32 to index
      %get3A_445 = arith.constant 16 : index
      %get3A_446 = tpu.vector_load %arg17[%get3A_444, %get3A_445] {strides = array<i32>} : memref<64x128xf32, #tpu.memory_space<vmem>>, vector<1x16xf32>,
      %get3A_447 = vector.shape_cast %get3A_446 : vector<1x16xf32> to vector<16xf32>
      %get3A_448 = arith.index_cast %add3A_431 : i32 to index
      %get3A_449 = arith.constant 16 : index
      %get3A_450 = tpu.vector_load %arg18[%get3A_448, %get3A_449] {strides = array<i32>} : memref<64x128xf32, #tpu.memory_space<vmem>>, vector<1x16xf32>,
      %get3A_451 = vector.shape_cast %get3A_450 : vector<1x16xf32> to vector<16xf32>
      %add3A_452 = arith.addf %get3A_447, %get3A_451 : vector<16xf32>
      %swap3A_453 = arith.index_cast %add3A_431 : i32 to index
      %swap3A_454 = arith.constant 16 : index
      %swap3A_455 = tpu.vector_load %arg16[%swap3A_453, %swap3A_454] {strides = array<i32>} : memref<64x128xf32, #tpu.memory_space<vmem>>, vector<1x16xf32>,
      %swap3A_456 = vector.shape_cast %swap3A_455 : vector<1x16xf32> to vector<16xf32>
      %swap3A_457 = vector.shape_cast %add3A_452 : vector<16xf32> to vector<1x16xf32>
      tpu.vector_store %arg16[%swap3A_453, %swap3A_454], %swap3A_457 {add = true, strides = array<i32>} : memref<64x128xf32, #tpu.memory_space<vmem>>, vector<1x16xf32>,
      %get3A_458 = arith.index_cast %add3A_431 : i32 to index
      %get3A_459 = arith.constant 32 : index
      %get3A_460 = tpu.vector_load %arg17[%get3A_458, %get3A_459] {strides = array<i32>} : memref<64x128xf32, #tpu.memory_space<vmem>>, vector<1x16xf32>,
      %get3A_461 = vector.shape_cast %get3A_460 : vector<1x16xf32> to vector<16xf32>
      %get3A_462 = arith.index_cast %add3A_431 : i32 to index
      %get3A_463 = arith.constant 32 : index
      %get3A_464 = tpu.vector_load %arg18[%get3A_462, %get3A_463] {strides = array<i32>} : memref<64x128xf32, #tpu.memory_space<vmem>>, vector<1x16xf32>,
      %get3A_465 = vector.shape_cast %get3A_464 : vector<1x16xf32> to vector<16xf32>
      %add3A_466 = arith.addf %get3A_461, %get3A_465 : vector<16xf32>
      %swap3A_467 = arith.index_cast %add3A_431 : i32 to index
      %swap3A_468 = arith.constant 32 : index
      %swap3A_469 = tpu.vector_load %arg16[%swap3A_467, %swap3A_468] {strides = array<i32>} : memref<64x128xf32, #tpu.memory_space<vmem>>, vector<1x16xf32>,
      %swap3A_470 = vector.shape_cast %swap3A_469 : vector<1x16xf32> to vector<16xf32>
      %swap3A_471 = vector.shape_cast %add3A_466 : vector<16xf32> to vector<1x16xf32>
      tpu.vector_store %arg16[%swap3A_467, %swap3A_468], %swap3A_471 {add = true, strides = array<i32>} : memref<64x128xf32, #tpu.memory_space<vmem>>, vector<1x16xf32>,
      %get3A_472 = arith.index_cast %add3A_431 : i32 to index
      %get3A_473 = arith.constant 48 : index
      %get3A_474 = tpu.vector_load %arg17[%get3A_472, %get3A_473] {strides = array<i32>} : memref<64x128xf32, #tpu.memory_space<vmem>>, vector<1x16xf32>,
      %get3A_475 = vector.shape_cast %get3A_474 : vector<1x16xf32> to vector<16xf32>
      %get3A_476 = arith.index_cast %add3A_431 : i32 to index
      %get3A_477 = arith.constant 48 : index
      %get3A_478 = tpu.vector_load %arg18[%get3A_476, %get3A_477] {strides = array<i32>} : memref<64x128xf32, #tpu.memory_space<vmem>>, vector<1x16xf32>,
      %get3A_479 = vector.shape_cast %get3A_478 : vector<1x16xf32> to vector<16xf32>
      %add3A_480 = arith.addf %get3A_475, %get3A_479 : vector<16xf32>
      %swap3A_481 = arith.index_cast %add3A_431 : i32 to index
      %swap3A_482 = arith.constant 48 : index
      %swap3A_483 = tpu.vector_load %arg16[%swap3A_481, %swap3A_482] {strides = array<i32>} : memref<64x128xf32, #tpu.memory_space<vmem>>, vector<1x16xf32>,
      %swap3A_484 = vector.shape_cast %swap3A_483 : vector<1x16xf32> to vector<16xf32>
      %swap3A_485 = vector.shape_cast %add3A_480 : vector<16xf32> to vector<1x16xf32>
      tpu.vector_store %arg16[%swap3A_481, %swap3A_482], %swap3A_485 {add = true, strides = array<i32>} : memref<64x128xf32, #tpu.memory_space<vmem>>, vector<1x16xf32>,
      %get3A_486 = arith.index_cast %add3A_431 : i32 to index
      %get3A_487 = arith.constant 64 : index
      %get3A_488 = tpu.vector_load %arg17[%get3A_486, %get3A_487] {strides = array<i32>} : memref<64x128xf32, #tpu.memory_space<vmem>>, vector<1x16xf32>,
      %get3A_489 = vector.shape_cast %get3A_488 : vector<1x16xf32> to vector<16xf32>
      %get3A_490 = arith.index_cast %add3A_431 : i32 to index
      %get3A_491 = arith.constant 64 : index
      %get3A_492 = tpu.vector_load %arg18[%get3A_490, %get3A_491] {strides = array<i32>} : memref<64x128xf32, #tpu.memory_space<vmem>>, vector<1x16xf32>,
      %get3A_493 = vector.shape_cast %get3A_492 : vector<1x16xf32> to vector<16xf32>
      %add3A_494 = arith.addf %get3A_489, %get3A_493 : vector<16xf32>
      %swap3A_495 = arith.index_cast %add3A_431 : i32 to index
      %swap3A_496 = arith.constant 64 : index
      %swap3A_497 = tpu.vector_load %arg16[%swap3A_495, %swap3A_496] {strides = array<i32>} : memref<64x128xf32, #tpu.memory_space<vmem>>, vector<1x16xf32>,
      %swap3A_498 = vector.shape_cast %swap3A_497 : vector<1x16xf32> to vector<16xf32>
      %swap3A_499 = vector.shape_cast %add3A_494 : vector<16xf32> to vector<1x16xf32>
      tpu.vector_store %arg16[%swap3A_495, %swap3A_496], %swap3A_499 {add = true, strides = array<i32>} : memref<64x128xf32, #tpu.memory_space<vmem>>, vector<1x16xf32>,
      %get3A_500 = arith.index_cast %add3A_431 : i32 to index
      %get3A_501 = arith.constant 80 : index
      %get3A_502 = tpu.vector_load %arg17[%get3A_500, %get3A_501] {strides = array<i32>} : memref<64x128xf32, #tpu.memory_space<vmem>>, vector<1x16xf32>,
      %get3A_503 = vector.shape_cast %get3A_502 : vector<1x16xf32> to vector<16xf32>
      %get3A_504 = arith.index_cast %add3A_431 : i32 to index
      %get3A_505 = arith.constant 80 : index
      %get3A_506 = tpu.vector_load %arg18[%get3A_504, %get3A_505] {strides = array<i32>} : memref<64x128xf32, #tpu.memory_space<vmem>>, vector<1x16xf32>,
      %get3A_507 = vector.shape_cast %get3A_506 : vector<1x16xf32> to vector<16xf32>
      %add3A_508 = arith.addf %get3A_503, %get3A_507 : vector<16xf32>
      %swap3A_509 = arith.index_cast %add3A_431 : i32 to index
      %swap3A_510 = arith.constant 80 : index
      %swap3A_511 = tpu.vector_load %arg16[%swap3A_509, %swap3A_510] {strides = array<i32>} : memref<64x128xf32, #tpu.memory_space<vmem>>, vector<1x16xf32>,
      %swap3A_512 = vector.shape_cast %swap3A_511 : vector<1x16xf32> to vector<16xf32>
      %swap3A_513 = vector.shape_cast %add3A_508 : vector<16xf32> to vector<1x16xf32>
      tpu.vector_store %arg16[%swap3A_509, %swap3A_510], %swap3A_513 {add = true, strides = array<i32>} : memref<64x128xf32, #tpu.memory_space<vmem>>, vector<1x16xf32>,
      %get3A_514 = arith.index_cast %add3A_431 : i32 to index
      %get3A_515 = arith.constant 96 : index
      %get3A_516 = tpu.vector_load %arg17[%get3A_514, %get3A_515] {strides = array<i32>} : memref<64x128xf32, #tpu.memory_space<vmem>>, vector<1x16xf32>,
      %get3A_517 = vector.shape_cast %get3A_516 : vector<1x16xf32> to vector<16xf32>
      %get3A_518 = arith.index_cast %add3A_431 : i32 to index
      %get3A_519 = arith.constant 96 : index
      %get3A_520 = tpu.vector_load %arg18[%get3A_518, %get3A_519] {strides = array<i32>} : memref<64x128xf32, #tpu.memory_space<vmem>>, vector<1x16xf32>,
      %get3A_521 = vector.shape_cast %get3A_520 : vector<1x16xf32> to vector<16xf32>
      %add3A_522 = arith.addf %get3A_517, %get3A_521 : vector<16xf32>
      %swap3A_523 = arith.index_cast %add3A_431 : i32 to index
      %swap3A_524 = arith.constant 96 : index
      %swap3A_525 = tpu.vector_load %arg16[%swap3A_523, %swap3A_524] {strides = array<i32>} : memref<64x128xf32, #tpu.memory_space<vmem>>, vector<1x16xf32>,
      %swap3A_526 = vector.shape_cast %swap3A_525 : vector<1x16xf32> to vector<16xf32>
      %swap3A_527 = vector.shape_cast %add3A_522 : vector<16xf32> to vector<1x16xf32>
      tpu.vector_store %arg16[%swap3A_523, %swap3A_524], %swap3A_527 {add = true, strides = array<i32>} : memref<64x128xf32, #tpu.memory_space<vmem>>, vector<1x16xf32>,
      %get3A_528 = arith.index_cast %add3A_431 : i32 to index
      %get3A_529 = arith.constant 112 : index
      %get3A_530 = tpu.vector_load %arg17[%get3A_528, %get3A_529] {strides = array<i32>} : memref<64x128xf32, #tpu.memory_space<vmem>>, vector<1x16xf32>,
      %get3A_531 = vector.shape_cast %get3A_530 : vector<1x16xf32> to vector<16xf32>
      %get3A_532 = arith.index_cast %add3A_431 : i32 to index
      %get3A_533 = arith.constant 112 : index
      %get3A_534 = tpu.vector_load %arg18[%get3A_532, %get3A_533] {strides = array<i32>} : memref<64x128xf32, #tpu.memory_space<vmem>>, vector<1x16xf32>,
      %get3A_535 = vector.shape_cast %get3A_534 : vector<1x16xf32> to vector<16xf32>
      %add3A_536 = arith.addf %get3A_531, %get3A_535 : vector<16xf32>
      %swap3A_537 = arith.index_cast %add3A_431 : i32 to index
      %swap3A_538 = arith.constant 112 : index
      %swap3A_539 = tpu.vector_load %arg16[%swap3A_537, %swap3A_538] {strides = array<i32>} : memref<64x128xf32, #tpu.memory_space<vmem>>, vector<1x16xf32>,
      %swap3A_540 = vector.shape_cast %swap3A_539 : vector<1x16xf32> to vector<16xf32>
      %swap3A_541 = vector.shape_cast %add3A_536 : vector<16xf32> to vector<1x16xf32>
      tpu.vector_store %arg16[%swap3A_537, %swap3A_538], %swap3A_541 {add = true, strides = array<i32>} : memref<64x128xf32, #tpu.memory_space<vmem>>, vector<1x16xf32>,
      %mul3A_542 = arith.constant 2 : i32
      %mul3A_543 = arith.muli %scan3A_426, %mul3A_542 : i32
      %add3A_544 = arith.constant 1 : i32
      %add3A_545 = arith.addi %mul3A_543, %add3A_544 : i32
      %get3A_546 = arith.index_cast %add3A_545 : i32 to index
      %get3A_547 = arith.constant 0 : index
      %get3A_548 = tpu.vector_load %arg17[%get3A_546, %get3A_547] {strides = array<i32>} : memref<64x128xf32, #tpu.memory_space<vmem>>, vector<1x16xf32>,
      %get3A_549 = vector.shape_cast %get3A_548 : vector<1x16xf32> to vector<16xf32>
      %get3A_550 = arith.index_cast %add3A_545 : i32 to index
      %get3A_551 = arith.constant 0 : index
      %get3A_552 = tpu.vector_load %arg18[%get3A_550, %get3A_551] {strides = array<i32>} : memref<64x128xf32, #tpu.memory_space<vmem>>, vector<1x16xf32>,
      %get3A_553 = vector.shape_cast %get3A_552 : vector<1x16xf32> to vector<16xf32>
      %add3A_554 = arith.addf %get3A_549, %get3A_553 : vector<16xf32>
      %swap3A_555 = arith.index_cast %add3A_545 : i32 to index
      %swap3A_556 = arith.constant 0 : index
      %swap3A_557 = tpu.vector_load %arg16[%swap3A_555, %swap3A_556] {strides = array<i32>} : memref<64x128xf32, #tpu.memory_space<vmem>>, vector<1x16xf32>,
      %swap3A_558 = vector.shape_cast %swap3A_557 : vector<1x16xf32> to vector<16xf32>
      %swap3A_559 = vector.shape_cast %add3A_554 : vector<16xf32> to vector<1x16xf32>
      tpu.vector_store %arg16[%swap3A_555, %swap3A_556], %swap3A_559 {add = true, strides = array<i32>} : memref<64x128xf32, #tpu.memory_space<vmem>>, vector<1x16xf32>,
      %get3A_560 = arith.index_cast %add3A_545 : i32 to index
      %get3A_561 = arith.constant 16 : index
      %get3A_562 = tpu.vector_load %arg17[%get3A_560, %get3A_561] {strides = array<i32>} : memref<64x128xf32, #tpu.memory_space<vmem>>, vector<1x16xf32>,
      %get3A_563 = vector.shape_cast %get3A_562 : vector<1x16xf32> to vector<16xf32>
      %get3A_564 = arith.index_cast %add3A_545 : i32 to index
      %get3A_565 = arith.constant 16 : index
      %get3A_566 = tpu.vector_load %arg18[%get3A_564, %get3A_565] {strides = array<i32>} : memref<64x128xf32, #tpu.memory_space<vmem>>, vector<1x16xf32>,
      %get3A_567 = vector.shape_cast %get3A_566 : vector<1x16xf32> to vector<16xf32>
      %add3A_568 = arith.addf %get3A_563, %get3A_567 : vector<16xf32>
      %swap3A_569 = arith.index_cast %add3A_545 : i32 to index
      %swap3A_570 = arith.constant 16 : index
      %swap3A_571 = tpu.vector_load %arg16[%swap3A_569, %swap3A_570] {strides = array<i32>} : memref<64x128xf32, #tpu.memory_space<vmem>>, vector<1x16xf32>,
      %swap3A_572 = vector.shape_cast %swap3A_571 : vector<1x16xf32> to vector<16xf32>
      %swap3A_573 = vector.shape_cast %add3A_568 : vector<16xf32> to vector<1x16xf32>
      tpu.vector_store %arg16[%swap3A_569, %swap3A_570], %swap3A_573 {add = true, strides = array<i32>} : memref<64x128xf32, #tpu.memory_space<vmem>>, vector<1x16xf32>,
      %get3A_574 = arith.index_cast %add3A_545 : i32 to index
      %get3A_575 = arith.constant 32 : index
      %get3A_576 = tpu.vector_load %arg17[%get3A_574, %get3A_575] {strides = array<i32>} : memref<64x128xf32, #tpu.memory_space<vmem>>, vector<1x16xf32>,
      %get3A_577 = vector.shape_cast %get3A_576 : vector<1x16xf32> to vector<16xf32>
      %get3A_578 = arith.index_cast %add3A_545 : i32 to index
      %get3A_579 = arith.constant 32 : index
      %get3A_580 = tpu.vector_load %arg18[%get3A_578, %get3A_579] {strides = array<i32>} : memref<64x128xf32, #tpu.memory_space<vmem>>, vector<1x16xf32>,
      %get3A_581 = vector.shape_cast %get3A_580 : vector<1x16xf32> to vector<16xf32>
      %add3A_582 = arith.addf %get3A_577, %get3A_581 : vector<16xf32>
      %swap3A_583 = arith.index_cast %add3A_545 : i32 to index
      %swap3A_584 = arith.constant 32 : index
      %swap3A_585 = tpu.vector_load %arg16[%swap3A_583, %swap3A_584] {strides = array<i32>} : memref<64x128xf32, #tpu.memory_space<vmem>>, vector<1x16xf32>,
      %swap3A_586 = vector.shape_cast %swap3A_585 : vector<1x16xf32> to vector<16xf32>
      %swap3A_587 = vector.shape_cast %add3A_582 : vector<16xf32> to vector<1x16xf32>
      tpu.vector_store %arg16[%swap3A_583, %swap3A_584], %swap3A_587 {add = true, strides = array<i32>} : memref<64x128xf32, #tpu.memory_space<vmem>>, vector<1x16xf32>,
      %get3A_588 = arith.index_cast %add3A_545 : i32 to index
      %get3A_589 = arith.constant 48 : index
      %get3A_590 = tpu.vector_load %arg17[%get3A_588, %get3A_589] {strides = array<i32>} : memref<64x128xf32, #tpu.memory_space<vmem>>, vector<1x16xf32>,
      %get3A_591 = vector.shape_cast %get3A_590 : vector<1x16xf32> to vector<16xf32>
      %get3A_592 = arith.index_cast %add3A_545 : i32 to index
      %get3A_593 = arith.constant 48 : index
      %get3A_594 = tpu.vector_load %arg18[%get3A_592, %get3A_593] {strides = array<i32>} : memref<64x128xf32, #tpu.memory_space<vmem>>, vector<1x16xf32>,
      %get3A_595 = vector.shape_cast %get3A_594 : vector<1x16xf32> to vector<16xf32>
      %add3A_596 = arith.addf %get3A_591, %get3A_595 : vector<16xf32>
      %swap3A_597 = arith.index_cast %add3A_545 : i32 to index
      %swap3A_598 = arith.constant 48 : index
      %swap3A_599 = tpu.vector_load %arg16[%swap3A_597, %swap3A_598] {strides = array<i32>} : memref<64x128xf32, #tpu.memory_space<vmem>>, vector<1x16xf32>,
      %swap3A_600 = vector.shape_cast %swap3A_599 : vector<1x16xf32> to vector<16xf32>
      %swap3A_601 = vector.shape_cast %add3A_596 : vector<16xf32> to vector<1x16xf32>
      tpu.vector_store %arg16[%swap3A_597, %swap3A_598], %swap3A_601 {add = true, strides = array<i32>} : memref<64x128xf32, #tpu.memory_space<vmem>>, vector<1x16xf32>,
      %get3A_602 = arith.index_cast %add3A_545 : i32 to index
      %get3A_603 = arith.constant 64 : index
      %get3A_604 = tpu.vector_load %arg17[%get3A_602, %get3A_603] {strides = array<i32>} : memref<64x128xf32, #tpu.memory_space<vmem>>, vector<1x16xf32>,
      %get3A_605 = vector.shape_cast %get3A_604 : vector<1x16xf32> to vector<16xf32>
      %get3A_606 = arith.index_cast %add3A_545 : i32 to index
      %get3A_607 = arith.constant 64 : index
      %get3A_608 = tpu.vector_load %arg18[%get3A_606, %get3A_607] {strides = array<i32>} : memref<64x128xf32, #tpu.memory_space<vmem>>, vector<1x16xf32>,
      %get3A_609 = vector.shape_cast %get3A_608 : vector<1x16xf32> to vector<16xf32>
      %add3A_610 = arith.addf %get3A_605, %get3A_609 : vector<16xf32>
      %swap3A_611 = arith.index_cast %add3A_545 : i32 to index
      %swap3A_612 = arith.constant 64 : index
      %swap3A_613 = tpu.vector_load %arg16[%swap3A_611, %swap3A_612] {strides = array<i32>} : memref<64x128xf32, #tpu.memory_space<vmem>>, vector<1x16xf32>,
      %swap3A_614 = vector.shape_cast %swap3A_613 : vector<1x16xf32> to vector<16xf32>
      %swap3A_615 = vector.shape_cast %add3A_610 : vector<16xf32> to vector<1x16xf32>
      tpu.vector_store %arg16[%swap3A_611, %swap3A_612], %swap3A_615 {add = true, strides = array<i32>} : memref<64x128xf32, #tpu.memory_space<vmem>>, vector<1x16xf32>,
      %get3A_616 = arith.index_cast %add3A_545 : i32 to index
      %get3A_617 = arith.constant 80 : index
      %get3A_618 = tpu.vector_load %arg17[%get3A_616, %get3A_617] {strides = array<i32>} : memref<64x128xf32, #tpu.memory_space<vmem>>, vector<1x16xf32>,
      %get3A_619 = vector.shape_cast %get3A_618 : vector<1x16xf32> to vector<16xf32>
      %get3A_620 = arith.index_cast %add3A_545 : i32 to index
      %get3A_621 = arith.constant 80 : index
      %get3A_622 = tpu.vector_load %arg18[%get3A_620, %get3A_621] {strides = array<i32>} : memref<64x128xf32, #tpu.memory_space<vmem>>, vector<1x16xf32>,
      %get3A_623 = vector.shape_cast %get3A_622 : vector<1x16xf32> to vector<16xf32>
      %add3A_624 = arith.addf %get3A_619, %get3A_623 : vector<16xf32>
      %swap3A_625 = arith.index_cast %add3A_545 : i32 to index
      %swap3A_626 = arith.constant 80 : index
      %swap3A_627 = tpu.vector_load %arg16[%swap3A_625, %swap3A_626] {strides = array<i32>} : memref<64x128xf32, #tpu.memory_space<vmem>>, vector<1x16xf32>,
      %swap3A_628 = vector.shape_cast %swap3A_627 : vector<1x16xf32> to vector<16xf32>
      %swap3A_629 = vector.shape_cast %add3A_624 : vector<16xf32> to vector<1x16xf32>
      tpu.vector_store %arg16[%swap3A_625, %swap3A_626], %swap3A_629 {add = true, strides = array<i32>} : memref<64x128xf32, #tpu.memory_space<vmem>>, vector<1x16xf32>,
      %get3A_630 = arith.index_cast %add3A_545 : i32 to index
      %get3A_631 = arith.constant 96 : index
      %get3A_632 = tpu.vector_load %arg17[%get3A_630, %get3A_631] {strides = array<i32>} : memref<64x128xf32, #tpu.memory_space<vmem>>, vector<1x16xf32>,
      %get3A_633 = vector.shape_cast %get3A_632 : vector<1x16xf32> to vector<16xf32>
      %get3A_634 = arith.index_cast %add3A_545 : i32 to index
      %get3A_635 = arith.constant 96 : index
      %get3A_636 = tpu.vector_load %arg18[%get3A_634, %get3A_635] {strides = array<i32>} : memref<64x128xf32, #tpu.memory_space<vmem>>, vector<1x16xf32>,
      %get3A_637 = vector.shape_cast %get3A_636 : vector<1x16xf32> to vector<16xf32>
      %add3A_638 = arith.addf %get3A_633, %get3A_637 : vector<16xf32>
      %swap3A_639 = arith.index_cast %add3A_545 : i32 to index
      %swap3A_640 = arith.constant 96 : index
      %swap3A_641 = tpu.vector_load %arg16[%swap3A_639, %swap3A_640] {strides = array<i32>} : memref<64x128xf32, #tpu.memory_space<vmem>>, vector<1x16xf32>,
      %swap3A_642 = vector.shape_cast %swap3A_641 : vector<1x16xf32> to vector<16xf32>
      %swap3A_643 = vector.shape_cast %add3A_638 : vector<16xf32> to vector<1x16xf32>
      tpu.vector_store %arg16[%swap3A_639, %swap3A_640], %swap3A_643 {add = true, strides = array<i32>} : memref<64x128xf32, #tpu.memory_space<vmem>>, vector<1x16xf32>,
      %get3A_644 = arith.index_cast %add3A_545 : i32 to index
      %get3A_645 = arith.constant 112 : index
      %get3A_646 = tpu.vector_load %arg17[%get3A_644, %get3A_645] {strides = array<i32>} : memref<64x128xf32, #tpu.memory_space<vmem>>, vector<1x16xf32>,
      %get3A_647 = vector.shape_cast %get3A_646 : vector<1x16xf32> to vector<16xf32>
      %get3A_648 = arith.index_cast %add3A_545 : i32 to index
      %get3A_649 = arith.constant 112 : index
      %get3A_650 = tpu.vector_load %arg18[%get3A_648, %get3A_649] {strides = array<i32>} : memref<64x128xf32, #tpu.memory_space<vmem>>, vector<1x16xf32>,
      %get3A_651 = vector.shape_cast %get3A_650 : vector<1x16xf32> to vector<16xf32>
      %add3A_652 = arith.addf %get3A_647, %get3A_651 : vector<16xf32>
      %swap3A_653 = arith.index_cast %add3A_545 : i32 to index
      %swap3A_654 = arith.constant 112 : index
      %swap3A_655 = tpu.vector_load %arg16[%swap3A_653, %swap3A_654] {strides = array<i32>} : memref<64x128xf32, #tpu.memory_space<vmem>>, vector<1x16xf32>,
      %swap3A_656 = vector.shape_cast %swap3A_655 : vector<1x16xf32> to vector<16xf32>
      %swap3A_657 = vector.shape_cast %add3A_652 : vector<16xf32> to vector<1x16xf32>
      tpu.vector_store %arg16[%swap3A_653, %swap3A_654], %swap3A_657 {add = true, strides = array<i32>} : memref<64x128xf32, #tpu.memory_space<vmem>>, vector<1x16xf32>,
      %scan3A_658 = arith.constant 0 : i32
      scf.yield %scan3A_658 : i32
    }
    %scan3A_375 = arith.constant 32 : i32
    %add3A_376 = arith.constant 384 : i32
    %add3A_377 = arith.addi %mul3A_2, %add3A_376 : i32
    %dma_start3A_378 = arith.constant 0 : i32
    %dma_start3A_379 = tpu.memref_slice %arg8[%add3A_377, %dma_start3A_378] : memref<16384x128xf32, #tpu.memory_space<hbm>> -> memref<64x128xf32, #tpu.memory_space<hbm>>
    %dma_start3A_380 = arith.constant 0 : i32
    %dma_start3A_381 = tpu.memref_slice %arg8[%add3A_377, %dma_start3A_380] : memref<16384x128xf32, #tpu.memory_space<hbm>> -> memref<64x128xf32, #tpu.memory_space<hbm>>
    tpu.enqueue_dma source(%arg16 : memref<64x128xf32, #tpu.memory_space<vmem>>) target(%dma_start3A_381 : memref<64x128xf32, #tpu.memory_space<hbm>>) target_semaphore(%arg28 : memref<!tpu.dma_semaphore, #tpu.memory_space<semaphore_mem>>)
    %dma_wait3A_382 = arith.constant 448 : i32
    %dma_wait3A_383 = tpu.memref_slice %arg9[%dma_wait3A_382] : memref<1536xi32, #tpu.memory_space<vmem>> -> memref<64xi32, #tpu.memory_space<vmem>>
    %dma_wait3A_384 = arith.constant 0 : i32
    %dma_wait3A_385 = arith.constant 0 : i32
    %dma_wait3A_386 = tpu.memref_slice %arg2[%dma_wait3A_384, %dma_wait3A_385] : memref<6048x128xf32, #tpu.memory_space<hbm>> -> memref<6048x128xf32, #tpu.memory_space<hbm>>
    tpu.wait_indirect_dma semaphore(%arg25 : memref<!tpu.dma_semaphore, #tpu.memory_space<semaphore_mem>>) src(%dma_wait3A_386 : memref<6048x128xf32, #tpu.memory_space<hbm>>) dst(%arg19 : memref<64x128xf32, #tpu.memory_space<vmem>>)
    %dma_wait3A_387 = arith.constant 960 : i32
    %dma_wait3A_388 = tpu.memref_slice %arg9[%dma_wait3A_387] : memref<1536xi32, #tpu.memory_space<vmem>> -> memref<64xi32, #tpu.memory_space<vmem>>
    %dma_wait3A_389 = arith.constant 0 : i32
    %dma_wait3A_390 = arith.constant 0 : i32
    %dma_wait3A_391 = tpu.memref_slice %arg3[%dma_wait3A_389, %dma_wait3A_390] : memref<3440x128xf32, #tpu.memory_space<hbm>> -> memref<3440x128xf32, #tpu.memory_space<hbm>>
    tpu.wait_indirect_dma semaphore(%arg25 : memref<!tpu.dma_semaphore, #tpu.memory_space<semaphore_mem>>) src(%dma_wait3A_391 : memref<3440x128xf32, #tpu.memory_space<hbm>>) dst(%arg20 : memref<64x128xf32, #tpu.memory_space<vmem>>)
    %dma_wait3A_392 = arith.constant 1472 : i32
    %dma_wait3A_393 = tpu.memref_slice %arg9[%dma_wait3A_392] : memref<1536xi32, #tpu.memory_space<vmem>> -> memref<64xi32, #tpu.memory_space<vmem>>
    %dma_wait3A_394 = arith.constant 0 : i32
    %dma_wait3A_395 = arith.constant 0 : i32
    %dma_wait3A_396 = tpu.memref_slice %arg4[%dma_wait3A_394, %dma_wait3A_395] : memref<3888x128xf32, #tpu.memory_space<hbm>> -> memref<3888x128xf32, #tpu.memory_space<hbm>>
    tpu.wait_indirect_dma semaphore(%arg25 : memref<!tpu.dma_semaphore, #tpu.memory_space<semaphore_mem>>) src(%dma_wait3A_396 : memref<3888x128xf32, #tpu.memory_space<hbm>>) dst(%arg21 : memref<64x128xf32, #tpu.memory_space<vmem>>)
    %scan3A_397 = arith.constant 0 : i32
    %scan3A_398 = arith.constant 0 : i32
    %scan3A_399 = arith.constant 32 : i32
    %scan3A_400 = arith.addi %scan3A_398, %scan3A_399 : i32
    %scan3A_401 = arith.constant 1 : i32
    %scan3A_402 = scf.for %scan3A_426 = %scan3A_398 to %scan3A_400 step %scan3A_401 iter_args(%scan3A_427 = %scan3A_397) -> (i32)  : i32 {
      %mul3A_428 = arith.constant 2 : i32
      %mul3A_429 = arith.muli %scan3A_426, %mul3A_428 : i32
      %add3A_430 = arith.constant 0 : i32
      %add3A_431 = arith.addi %mul3A_429, %add3A_430 : i32
      %get3A = arith.index_cast %add3A_431 : i32 to index
      %get3A_432 = arith.constant 0 : index
      %get3A_433 = tpu.vector_load %arg20[%get3A, %get3A_432] {strides = array<i32>} : memref<64x128xf32, #tpu.memory_space<vmem>>, vector<1x16xf32>,
      %get3A_434 = vector.shape_cast %get3A_433 : vector<1x16xf32> to vector<16xf32>
      %get3A_435 = arith.index_cast %add3A_431 : i32 to index
      %get3A_436 = arith.constant 0 : index
      %get3A_437 = tpu.vector_load %arg21[%get3A_435, %get3A_436] {strides = array<i32>} : memref<64x128xf32, #tpu.memory_space<vmem>>, vector<1x16xf32>,
      %get3A_438 = vector.shape_cast %get3A_437 : vector<1x16xf32> to vector<16xf32>
      %add3A_439 = arith.addf %get3A_434, %get3A_438 : vector<16xf32>
      %swap3A = arith.index_cast %add3A_431 : i32 to index
      %swap3A_440 = arith.constant 0 : index
      %swap3A_441 = tpu.vector_load %arg19[%swap3A, %swap3A_440] {strides = array<i32>} : memref<64x128xf32, #tpu.memory_space<vmem>>, vector<1x16xf32>,
      %swap3A_442 = vector.shape_cast %swap3A_441 : vector<1x16xf32> to vector<16xf32>
      %swap3A_443 = vector.shape_cast %add3A_439 : vector<16xf32> to vector<1x16xf32>
      tpu.vector_store %arg19[%swap3A, %swap3A_440], %swap3A_443 {add = true, strides = array<i32>} : memref<64x128xf32, #tpu.memory_space<vmem>>, vector<1x16xf32>,
      %get3A_444 = arith.index_cast %add3A_431 : i32 to index
      %get3A_445 = arith.constant 16 : index
      %get3A_446 = tpu.vector_load %arg20[%get3A_444, %get3A_445] {strides = array<i32>} : memref<64x128xf32, #tpu.memory_space<vmem>>, vector<1x16xf32>,
      %get3A_447 = vector.shape_cast %get3A_446 : vector<1x16xf32> to vector<16xf32>
      %get3A_448 = arith.index_cast %add3A_431 : i32 to index
      %get3A_449 = arith.constant 16 : index
      %get3A_450 = tpu.vector_load %arg21[%get3A_448, %get3A_449] {strides = array<i32>} : memref<64x128xf32, #tpu.memory_space<vmem>>, vector<1x16xf32>,
      %get3A_451 = vector.shape_cast %get3A_450 : vector<1x16xf32> to vector<16xf32>
      %add3A_452 = arith.addf %get3A_447, %get3A_451 : vector<16xf32>
      %swap3A_453 = arith.index_cast %add3A_431 : i32 to index
      %swap3A_454 = arith.constant 16 : index
      %swap3A_455 = tpu.vector_load %arg19[%swap3A_453, %swap3A_454] {strides = array<i32>} : memref<64x128xf32, #tpu.memory_space<vmem>>, vector<1x16xf32>,
      %swap3A_456 = vector.shape_cast %swap3A_455 : vector<1x16xf32> to vector<16xf32>
      %swap3A_457 = vector.shape_cast %add3A_452 : vector<16xf32> to vector<1x16xf32>
      tpu.vector_store %arg19[%swap3A_453, %swap3A_454], %swap3A_457 {add = true, strides = array<i32>} : memref<64x128xf32, #tpu.memory_space<vmem>>, vector<1x16xf32>,
      %get3A_458 = arith.index_cast %add3A_431 : i32 to index
      %get3A_459 = arith.constant 32 : index
      %get3A_460 = tpu.vector_load %arg20[%get3A_458, %get3A_459] {strides = array<i32>} : memref<64x128xf32, #tpu.memory_space<vmem>>, vector<1x16xf32>,
      %get3A_461 = vector.shape_cast %get3A_460 : vector<1x16xf32> to vector<16xf32>
      %get3A_462 = arith.index_cast %add3A_431 : i32 to index
      %get3A_463 = arith.constant 32 : index
      %get3A_464 = tpu.vector_load %arg21[%get3A_462, %get3A_463] {strides = array<i32>} : memref<64x128xf32, #tpu.memory_space<vmem>>, vector<1x16xf32>,
      %get3A_465 = vector.shape_cast %get3A_464 : vector<1x16xf32> to vector<16xf32>
      %add3A_466 = arith.addf %get3A_461, %get3A_465 : vector<16xf32>
      %swap3A_467 = arith.index_cast %add3A_431 : i32 to index
      %swap3A_468 = arith.constant 32 : index
      %swap3A_469 = tpu.vector_load %arg19[%swap3A_467, %swap3A_468] {strides = array<i32>} : memref<64x128xf32, #tpu.memory_space<vmem>>, vector<1x16xf32>,
      %swap3A_470 = vector.shape_cast %swap3A_469 : vector<1x16xf32> to vector<16xf32>
      %swap3A_471 = vector.shape_cast %add3A_466 : vector<16xf32> to vector<1x16xf32>
      tpu.vector_store %arg19[%swap3A_467, %swap3A_468], %swap3A_471 {add = true, strides = array<i32>} : memref<64x128xf32, #tpu.memory_space<vmem>>, vector<1x16xf32>,
      %get3A_472 = arith.index_cast %add3A_431 : i32 to index
      %get3A_473 = arith.constant 48 : index
      %get3A_474 = tpu.vector_load %arg20[%get3A_472, %get3A_473] {strides = array<i32>} : memref<64x128xf32, #tpu.memory_space<vmem>>, vector<1x16xf32>,
      %get3A_475 = vector.shape_cast %get3A_474 : vector<1x16xf32> to vector<16xf32>
      %get3A_476 = arith.index_cast %add3A_431 : i32 to index
      %get3A_477 = arith.constant 48 : index
      %get3A_478 = tpu.vector_load %arg21[%get3A_476, %get3A_477] {strides = array<i32>} : memref<64x128xf32, #tpu.memory_space<vmem>>, vector<1x16xf32>,
      %get3A_479 = vector.shape_cast %get3A_478 : vector<1x16xf32> to vector<16xf32>
      %add3A_480 = arith.addf %get3A_475, %get3A_479 : vector<16xf32>
      %swap3A_481 = arith.index_cast %add3A_431 : i32 to index
      %swap3A_482 = arith.constant 48 : index
      %swap3A_483 = tpu.vector_load %arg19[%swap3A_481, %swap3A_482] {strides = array<i32>} : memref<64x128xf32, #tpu.memory_space<vmem>>, vector<1x16xf32>,
      %swap3A_484 = vector.shape_cast %swap3A_483 : vector<1x16xf32> to vector<16xf32>
      %swap3A_485 = vector.shape_cast %add3A_480 : vector<16xf32> to vector<1x16xf32>
      tpu.vector_store %arg19[%swap3A_481, %swap3A_482], %swap3A_485 {add = true, strides = array<i32>} : memref<64x128xf32, #tpu.memory_space<vmem>>, vector<1x16xf32>,
      %get3A_486 = arith.index_cast %add3A_431 : i32 to index
      %get3A_487 = arith.constant 64 : index
      %get3A_488 = tpu.vector_load %arg20[%get3A_486, %get3A_487] {strides = array<i32>} : memref<64x128xf32, #tpu.memory_space<vmem>>, vector<1x16xf32>,
      %get3A_489 = vector.shape_cast %get3A_488 : vector<1x16xf32> to vector<16xf32>
      %get3A_490 = arith.index_cast %add3A_431 : i32 to index
      %get3A_491 = arith.constant 64 : index
      %get3A_492 = tpu.vector_load %arg21[%get3A_490, %get3A_491] {strides = array<i32>} : memref<64x128xf32, #tpu.memory_space<vmem>>, vector<1x16xf32>,
      %get3A_493 = vector.shape_cast %get3A_492 : vector<1x16xf32> to vector<16xf32>
      %add3A_494 = arith.addf %get3A_489, %get3A_493 : vector<16xf32>
      %swap3A_495 = arith.index_cast %add3A_431 : i32 to index
      %swap3A_496 = arith.constant 64 : index
      %swap3A_497 = tpu.vector_load %arg19[%swap3A_495, %swap3A_496] {strides = array<i32>} : memref<64x128xf32, #tpu.memory_space<vmem>>, vector<1x16xf32>,
      %swap3A_498 = vector.shape_cast %swap3A_497 : vector<1x16xf32> to vector<16xf32>
      %swap3A_499 = vector.shape_cast %add3A_494 : vector<16xf32> to vector<1x16xf32>
      tpu.vector_store %arg19[%swap3A_495, %swap3A_496], %swap3A_499 {add = true, strides = array<i32>} : memref<64x128xf32, #tpu.memory_space<vmem>>, vector<1x16xf32>,
      %get3A_500 = arith.index_cast %add3A_431 : i32 to index
      %get3A_501 = arith.constant 80 : index
      %get3A_502 = tpu.vector_load %arg20[%get3A_500, %get3A_501] {strides = array<i32>} : memref<64x128xf32, #tpu.memory_space<vmem>>, vector<1x16xf32>,
      %get3A_503 = vector.shape_cast %get3A_502 : vector<1x16xf32> to vector<16xf32>
      %get3A_504 = arith.index_cast %add3A_431 : i32 to index
      %get3A_505 = arith.constant 80 : index
      %get3A_506 = tpu.vector_load %arg21[%get3A_504, %get3A_505] {strides = array<i32>} : memref<64x128xf32, #tpu.memory_space<vmem>>, vector<1x16xf32>,
      %get3A_507 = vector.shape_cast %get3A_506 : vector<1x16xf32> to vector<16xf32>
      %add3A_508 = arith.addf %get3A_503, %get3A_507 : vector<16xf32>
      %swap3A_509 = arith.index_cast %add3A_431 : i32 to index
      %swap3A_510 = arith.constant 80 : index
      %swap3A_511 = tpu.vector_load %arg19[%swap3A_509, %swap3A_510] {strides = array<i32>} : memref<64x128xf32, #tpu.memory_space<vmem>>, vector<1x16xf32>,
      %swap3A_512 = vector.shape_cast %swap3A_511 : vector<1x16xf32> to vector<16xf32>
      %swap3A_513 = vector.shape_cast %add3A_508 : vector<16xf32> to vector<1x16xf32>
      tpu.vector_store %arg19[%swap3A_509, %swap3A_510], %swap3A_513 {add = true, strides = array<i32>} : memref<64x128xf32, #tpu.memory_space<vmem>>, vector<1x16xf32>,
      %get3A_514 = arith.index_cast %add3A_431 : i32 to index
      %get3A_515 = arith.constant 96 : index
      %get3A_516 = tpu.vector_load %arg20[%get3A_514, %get3A_515] {strides = array<i32>} : memref<64x128xf32, #tpu.memory_space<vmem>>, vector<1x16xf32>,
      %get3A_517 = vector.shape_cast %get3A_516 : vector<1x16xf32> to vector<16xf32>
      %get3A_518 = arith.index_cast %add3A_431 : i32 to index
      %get3A_519 = arith.constant 96 : index
      %get3A_520 = tpu.vector_load %arg21[%get3A_518, %get3A_519] {strides = array<i32>} : memref<64x128xf32, #tpu.memory_space<vmem>>, vector<1x16xf32>,
      %get3A_521 = vector.shape_cast %get3A_520 : vector<1x16xf32> to vector<16xf32>
      %add3A_522 = arith.addf %get3A_517, %get3A_521 : vector<16xf32>
      %swap3A_523 = arith.index_cast %add3A_431 : i32 to index
      %swap3A_524 = arith.constant 96 : index
      %swap3A_525 = tpu.vector_load %arg19[%swap3A_523, %swap3A_524] {strides = array<i32>} : memref<64x128xf32, #tpu.memory_space<vmem>>, vector<1x16xf32>,
      %swap3A_526 = vector.shape_cast %swap3A_525 : vector<1x16xf32> to vector<16xf32>
      %swap3A_527 = vector.shape_cast %add3A_522 : vector<16xf32> to vector<1x16xf32>
      tpu.vector_store %arg19[%swap3A_523, %swap3A_524], %swap3A_527 {add = true, strides = array<i32>} : memref<64x128xf32, #tpu.memory_space<vmem>>, vector<1x16xf32>,
      %get3A_528 = arith.index_cast %add3A_431 : i32 to index
      %get3A_529 = arith.constant 112 : index
      %get3A_530 = tpu.vector_load %arg20[%get3A_528, %get3A_529] {strides = array<i32>} : memref<64x128xf32, #tpu.memory_space<vmem>>, vector<1x16xf32>,
      %get3A_531 = vector.shape_cast %get3A_530 : vector<1x16xf32> to vector<16xf32>
      %get3A_532 = arith.index_cast %add3A_431 : i32 to index
      %get3A_533 = arith.constant 112 : index
      %get3A_534 = tpu.vector_load %arg21[%get3A_532, %get3A_533] {strides = array<i32>} : memref<64x128xf32, #tpu.memory_space<vmem>>, vector<1x16xf32>,
      %get3A_535 = vector.shape_cast %get3A_534 : vector<1x16xf32> to vector<16xf32>
      %add3A_536 = arith.addf %get3A_531, %get3A_535 : vector<16xf32>
      %swap3A_537 = arith.index_cast %add3A_431 : i32 to index
      %swap3A_538 = arith.constant 112 : index
      %swap3A_539 = tpu.vector_load %arg19[%swap3A_537, %swap3A_538] {strides = array<i32>} : memref<64x128xf32, #tpu.memory_space<vmem>>, vector<1x16xf32>,
      %swap3A_540 = vector.shape_cast %swap3A_539 : vector<1x16xf32> to vector<16xf32>
      %swap3A_541 = vector.shape_cast %add3A_536 : vector<16xf32> to vector<1x16xf32>
      tpu.vector_store %arg19[%swap3A_537, %swap3A_538], %swap3A_541 {add = true, strides = array<i32>} : memref<64x128xf32, #tpu.memory_space<vmem>>, vector<1x16xf32>,
      %mul3A_542 = arith.constant 2 : i32
      %mul3A_543 = arith.muli %scan3A_426, %mul3A_542 : i32
      %add3A_544 = arith.constant 1 : i32
      %add3A_545 = arith.addi %mul3A_543, %add3A_544 : i32
      %get3A_546 = arith.index_cast %add3A_545 : i32 to index
      %get3A_547 = arith.constant 0 : index
      %get3A_548 = tpu.vector_load %arg20[%get3A_546, %get3A_547] {strides = array<i32>} : memref<64x128xf32, #tpu.memory_space<vmem>>, vector<1x16xf32>,
      %get3A_549 = vector.shape_cast %get3A_548 : vector<1x16xf32> to vector<16xf32>
      %get3A_550 = arith.index_cast %add3A_545 : i32 to index
      %get3A_551 = arith.constant 0 : index
      %get3A_552 = tpu.vector_load %arg21[%get3A_550, %get3A_551] {strides = array<i32>} : memref<64x128xf32, #tpu.memory_space<vmem>>, vector<1x16xf32>,
      %get3A_553 = vector.shape_cast %get3A_552 : vector<1x16xf32> to vector<16xf32>
      %add3A_554 = arith.addf %get3A_549, %get3A_553 : vector<16xf32>
      %swap3A_555 = arith.index_cast %add3A_545 : i32 to index
      %swap3A_556 = arith.constant 0 : index
      %swap3A_557 = tpu.vector_load %arg19[%swap3A_555, %swap3A_556] {strides = array<i32>} : memref<64x128xf32, #tpu.memory_space<vmem>>, vector<1x16xf32>,
      %swap3A_558 = vector.shape_cast %swap3A_557 : vector<1x16xf32> to vector<16xf32>
      %swap3A_559 = vector.shape_cast %add3A_554 : vector<16xf32> to vector<1x16xf32>
      tpu.vector_store %arg19[%swap3A_555, %swap3A_556], %swap3A_559 {add = true, strides = array<i32>} : memref<64x128xf32, #tpu.memory_space<vmem>>, vector<1x16xf32>,
      %get3A_560 = arith.index_cast %add3A_545 : i32 to index
      %get3A_561 = arith.constant 16 : index
      %get3A_562 = tpu.vector_load %arg20[%get3A_560, %get3A_561] {strides = array<i32>} : memref<64x128xf32, #tpu.memory_space<vmem>>, vector<1x16xf32>,
      %get3A_563 = vector.shape_cast %get3A_562 : vector<1x16xf32> to vector<16xf32>
      %get3A_564 = arith.index_cast %add3A_545 : i32 to index
      %get3A_565 = arith.constant 16 : index
      %get3A_566 = tpu.vector_load %arg21[%get3A_564, %get3A_565] {strides = array<i32>} : memref<64x128xf32, #tpu.memory_space<vmem>>, vector<1x16xf32>,
      %get3A_567 = vector.shape_cast %get3A_566 : vector<1x16xf32> to vector<16xf32>
      %add3A_568 = arith.addf %get3A_563, %get3A_567 : vector<16xf32>
      %swap3A_569 = arith.index_cast %add3A_545 : i32 to index
      %swap3A_570 = arith.constant 16 : index
      %swap3A_571 = tpu.vector_load %arg19[%swap3A_569, %swap3A_570] {strides = array<i32>} : memref<64x128xf32, #tpu.memory_space<vmem>>, vector<1x16xf32>,
      %swap3A_572 = vector.shape_cast %swap3A_571 : vector<1x16xf32> to vector<16xf32>
      %swap3A_573 = vector.shape_cast %add3A_568 : vector<16xf32> to vector<1x16xf32>
      tpu.vector_store %arg19[%swap3A_569, %swap3A_570], %swap3A_573 {add = true, strides = array<i32>} : memref<64x128xf32, #tpu.memory_space<vmem>>, vector<1x16xf32>,
      %get3A_574 = arith.index_cast %add3A_545 : i32 to index
      %get3A_575 = arith.constant 32 : index
      %get3A_576 = tpu.vector_load %arg20[%get3A_574, %get3A_575] {strides = array<i32>} : memref<64x128xf32, #tpu.memory_space<vmem>>, vector<1x16xf32>,
      %get3A_577 = vector.shape_cast %get3A_576 : vector<1x16xf32> to vector<16xf32>
      %get3A_578 = arith.index_cast %add3A_545 : i32 to index
      %get3A_579 = arith.constant 32 : index
      %get3A_580 = tpu.vector_load %arg21[%get3A_578, %get3A_579] {strides = array<i32>} : memref<64x128xf32, #tpu.memory_space<vmem>>, vector<1x16xf32>,
      %get3A_581 = vector.shape_cast %get3A_580 : vector<1x16xf32> to vector<16xf32>
      %add3A_582 = arith.addf %get3A_577, %get3A_581 : vector<16xf32>
      %swap3A_583 = arith.index_cast %add3A_545 : i32 to index
      %swap3A_584 = arith.constant 32 : index
      %swap3A_585 = tpu.vector_load %arg19[%swap3A_583, %swap3A_584] {strides = array<i32>} : memref<64x128xf32, #tpu.memory_space<vmem>>, vector<1x16xf32>,
      %swap3A_586 = vector.shape_cast %swap3A_585 : vector<1x16xf32> to vector<16xf32>
      %swap3A_587 = vector.shape_cast %add3A_582 : vector<16xf32> to vector<1x16xf32>
      tpu.vector_store %arg19[%swap3A_583, %swap3A_584], %swap3A_587 {add = true, strides = array<i32>} : memref<64x128xf32, #tpu.memory_space<vmem>>, vector<1x16xf32>,
      %get3A_588 = arith.index_cast %add3A_545 : i32 to index
      %get3A_589 = arith.constant 48 : index
      %get3A_590 = tpu.vector_load %arg20[%get3A_588, %get3A_589] {strides = array<i32>} : memref<64x128xf32, #tpu.memory_space<vmem>>, vector<1x16xf32>,
      %get3A_591 = vector.shape_cast %get3A_590 : vector<1x16xf32> to vector<16xf32>
      %get3A_592 = arith.index_cast %add3A_545 : i32 to index
      %get3A_593 = arith.constant 48 : index
      %get3A_594 = tpu.vector_load %arg21[%get3A_592, %get3A_593] {strides = array<i32>} : memref<64x128xf32, #tpu.memory_space<vmem>>, vector<1x16xf32>,
      %get3A_595 = vector.shape_cast %get3A_594 : vector<1x16xf32> to vector<16xf32>
      %add3A_596 = arith.addf %get3A_591, %get3A_595 : vector<16xf32>
      %swap3A_597 = arith.index_cast %add3A_545 : i32 to index
      %swap3A_598 = arith.constant 48 : index
      %swap3A_599 = tpu.vector_load %arg19[%swap3A_597, %swap3A_598] {strides = array<i32>} : memref<64x128xf32, #tpu.memory_space<vmem>>, vector<1x16xf32>,
      %swap3A_600 = vector.shape_cast %swap3A_599 : vector<1x16xf32> to vector<16xf32>
      %swap3A_601 = vector.shape_cast %add3A_596 : vector<16xf32> to vector<1x16xf32>
      tpu.vector_store %arg19[%swap3A_597, %swap3A_598], %swap3A_601 {add = true, strides = array<i32>} : memref<64x128xf32, #tpu.memory_space<vmem>>, vector<1x16xf32>,
      %get3A_602 = arith.index_cast %add3A_545 : i32 to index
      %get3A_603 = arith.constant 64 : index
      %get3A_604 = tpu.vector_load %arg20[%get3A_602, %get3A_603] {strides = array<i32>} : memref<64x128xf32, #tpu.memory_space<vmem>>, vector<1x16xf32>,
      %get3A_605 = vector.shape_cast %get3A_604 : vector<1x16xf32> to vector<16xf32>
      %get3A_606 = arith.index_cast %add3A_545 : i32 to index
      %get3A_607 = arith.constant 64 : index
      %get3A_608 = tpu.vector_load %arg21[%get3A_606, %get3A_607] {strides = array<i32>} : memref<64x128xf32, #tpu.memory_space<vmem>>, vector<1x16xf32>,
      %get3A_609 = vector.shape_cast %get3A_608 : vector<1x16xf32> to vector<16xf32>
      %add3A_610 = arith.addf %get3A_605, %get3A_609 : vector<16xf32>
      %swap3A_611 = arith.index_cast %add3A_545 : i32 to index
      %swap3A_612 = arith.constant 64 : index
      %swap3A_613 = tpu.vector_load %arg19[%swap3A_611, %swap3A_612] {strides = array<i32>} : memref<64x128xf32, #tpu.memory_space<vmem>>, vector<1x16xf32>,
      %swap3A_614 = vector.shape_cast %swap3A_613 : vector<1x16xf32> to vector<16xf32>
      %swap3A_615 = vector.shape_cast %add3A_610 : vector<16xf32> to vector<1x16xf32>
      tpu.vector_store %arg19[%swap3A_611, %swap3A_612], %swap3A_615 {add = true, strides = array<i32>} : memref<64x128xf32, #tpu.memory_space<vmem>>, vector<1x16xf32>,
      %get3A_616 = arith.index_cast %add3A_545 : i32 to index
      %get3A_617 = arith.constant 80 : index
      %get3A_618 = tpu.vector_load %arg20[%get3A_616, %get3A_617] {strides = array<i32>} : memref<64x128xf32, #tpu.memory_space<vmem>>, vector<1x16xf32>,
      %get3A_619 = vector.shape_cast %get3A_618 : vector<1x16xf32> to vector<16xf32>
      %get3A_620 = arith.index_cast %add3A_545 : i32 to index
      %get3A_621 = arith.constant 80 : index
      %get3A_622 = tpu.vector_load %arg21[%get3A_620, %get3A_621] {strides = array<i32>} : memref<64x128xf32, #tpu.memory_space<vmem>>, vector<1x16xf32>,
      %get3A_623 = vector.shape_cast %get3A_622 : vector<1x16xf32> to vector<16xf32>
      %add3A_624 = arith.addf %get3A_619, %get3A_623 : vector<16xf32>
      %swap3A_625 = arith.index_cast %add3A_545 : i32 to index
      %swap3A_626 = arith.constant 80 : index
      %swap3A_627 = tpu.vector_load %arg19[%swap3A_625, %swap3A_626] {strides = array<i32>} : memref<64x128xf32, #tpu.memory_space<vmem>>, vector<1x16xf32>,
      %swap3A_628 = vector.shape_cast %swap3A_627 : vector<1x16xf32> to vector<16xf32>
      %swap3A_629 = vector.shape_cast %add3A_624 : vector<16xf32> to vector<1x16xf32>
      tpu.vector_store %arg19[%swap3A_625, %swap3A_626], %swap3A_629 {add = true, strides = array<i32>} : memref<64x128xf32, #tpu.memory_space<vmem>>, vector<1x16xf32>,
      %get3A_630 = arith.index_cast %add3A_545 : i32 to index
      %get3A_631 = arith.constant 96 : index
      %get3A_632 = tpu.vector_load %arg20[%get3A_630, %get3A_631] {strides = array<i32>} : memref<64x128xf32, #tpu.memory_space<vmem>>, vector<1x16xf32>,
      %get3A_633 = vector.shape_cast %get3A_632 : vector<1x16xf32> to vector<16xf32>
      %get3A_634 = arith.index_cast %add3A_545 : i32 to index
      %get3A_635 = arith.constant 96 : index
      %get3A_636 = tpu.vector_load %arg21[%get3A_634, %get3A_635] {strides = array<i32>} : memref<64x128xf32, #tpu.memory_space<vmem>>, vector<1x16xf32>,
      %get3A_637 = vector.shape_cast %get3A_636 : vector<1x16xf32> to vector<16xf32>
      %add3A_638 = arith.addf %get3A_633, %get3A_637 : vector<16xf32>
      %swap3A_639 = arith.index_cast %add3A_545 : i32 to index
      %swap3A_640 = arith.constant 96 : index
      %swap3A_641 = tpu.vector_load %arg19[%swap3A_639, %swap3A_640] {strides = array<i32>} : memref<64x128xf32, #tpu.memory_space<vmem>>, vector<1x16xf32>,
      %swap3A_642 = vector.shape_cast %swap3A_641 : vector<1x16xf32> to vector<16xf32>
      %swap3A_643 = vector.shape_cast %add3A_638 : vector<16xf32> to vector<1x16xf32>
      tpu.vector_store %arg19[%swap3A_639, %swap3A_640], %swap3A_643 {add = true, strides = array<i32>} : memref<64x128xf32, #tpu.memory_space<vmem>>, vector<1x16xf32>,
      %get3A_644 = arith.index_cast %add3A_545 : i32 to index
      %get3A_645 = arith.constant 112 : index
      %get3A_646 = tpu.vector_load %arg20[%get3A_644, %get3A_645] {strides = array<i32>} : memref<64x128xf32, #tpu.memory_space<vmem>>, vector<1x16xf32>,
      %get3A_647 = vector.shape_cast %get3A_646 : vector<1x16xf32> to vector<16xf32>
      %get3A_648 = arith.index_cast %add3A_545 : i32 to index
      %get3A_649 = arith.constant 112 : index
      %get3A_650 = tpu.vector_load %arg21[%get3A_648, %get3A_649] {strides = array<i32>} : memref<64x128xf32, #tpu.memory_space<vmem>>, vector<1x16xf32>,
      %get3A_651 = vector.shape_cast %get3A_650 : vector<1x16xf32> to vector<16xf32>
      %add3A_652 = arith.addf %get3A_647, %get3A_651 : vector<16xf32>
      %swap3A_653 = arith.index_cast %add3A_545 : i32 to index
      %swap3A_654 = arith.constant 112 : index
      %swap3A_655 = tpu.vector_load %arg19[%swap3A_653, %swap3A_654] {strides = array<i32>} : memref<64x128xf32, #tpu.memory_space<vmem>>, vector<1x16xf32>,
      %swap3A_656 = vector.shape_cast %swap3A_655 : vector<1x16xf32> to vector<16xf32>
      %swap3A_657 = vector.shape_cast %add3A_652 : vector<16xf32> to vector<1x16xf32>
      tpu.vector_store %arg19[%swap3A_653, %swap3A_654], %swap3A_657 {add = true, strides = array<i32>} : memref<64x128xf32, #tpu.memory_space<vmem>>, vector<1x16xf32>,
      %scan3A_658 = arith.constant 0 : i32
      scf.yield %scan3A_658 : i32
    }
    %scan3A_403 = arith.constant 32 : i32
    %add3A_404 = arith.constant 448 : i32
    %add3A_405 = arith.addi %mul3A_2, %add3A_404 : i32
    %dma_start3A_406 = arith.constant 0 : i32
    %dma_start3A_407 = tpu.memref_slice %arg8[%add3A_405, %dma_start3A_406] : memref<16384x128xf32, #tpu.memory_space<hbm>> -> memref<64x128xf32, #tpu.memory_space<hbm>>
    %dma_start3A_408 = arith.constant 0 : i32
    %dma_start3A_409 = tpu.memref_slice %arg8[%add3A_405, %dma_start3A_408] : memref<16384x128xf32, #tpu.memory_space<hbm>> -> memref<64x128xf32, #tpu.memory_space<hbm>>
    tpu.enqueue_dma source(%arg19 : memref<64x128xf32, #tpu.memory_space<vmem>>) target(%dma_start3A_409 : memref<64x128xf32, #tpu.memory_space<hbm>>) target_semaphore(%arg29 : memref<!tpu.dma_semaphore, #tpu.memory_space<semaphore_mem>>)
    %dma_wait3A_410 = arith.constant 0 : i32
    %dma_wait3A_411 = tpu.memref_slice %arg8[%add3A_321, %dma_wait3A_410] : memref<16384x128xf32, #tpu.memory_space<hbm>> -> memref<64x128xf32, #tpu.memory_space<hbm>>
    %dma_wait3A_412 = arith.constant 0 : i32
    %dma_wait3A_413 = tpu.memref_slice %arg8[%add3A_321, %dma_wait3A_412] : memref<16384x128xf32, #tpu.memory_space<hbm>> -> memref<64x128xf32, #tpu.memory_space<hbm>>
    tpu.wait_dma2 semaphore(%arg26 : memref<!tpu.dma_semaphore, #tpu.memory_space<semaphore_mem>>) src(%arg10 : memref<64x128xf32, #tpu.memory_space<vmem>>) dst(%dma_wait3A_413 : memref<64x128xf32, #tpu.memory_space<hbm>>)
    %dma_wait3A_414 = arith.constant 0 : i32
    %dma_wait3A_415 = tpu.memref_slice %arg8[%add3A_349, %dma_wait3A_414] : memref<16384x128xf32, #tpu.memory_space<hbm>> -> memref<64x128xf32, #tpu.memory_space<hbm>>
    %dma_wait3A_416 = arith.constant 0 : i32
    %dma_wait3A_417 = tpu.memref_slice %arg8[%add3A_349, %dma_wait3A_416] : memref<16384x128xf32, #tpu.memory_space<hbm>> -> memref<64x128xf32, #tpu.memory_space<hbm>>
    tpu.wait_dma2 semaphore(%arg27 : memref<!tpu.dma_semaphore, #tpu.memory_space<semaphore_mem>>) src(%arg13 : memref<64x128xf32, #tpu.memory_space<vmem>>) dst(%dma_wait3A_417 : memref<64x128xf32, #tpu.memory_space<hbm>>)
    %dma_wait3A_418 = arith.constant 0 : i32
    %dma_wait3A_419 = tpu.memref_slice %arg8[%add3A_377, %dma_wait3A_418] : memref<16384x128xf32, #tpu.memory_space<hbm>> -> memref<64x128xf32, #tpu.memory_space<hbm>>
    %dma_wait3A_420 = arith.constant 0 : i32
    %dma_wait3A_421 = tpu.memref_slice %arg8[%add3A_377, %dma_wait3A_420] : memref<16384x128xf32, #tpu.memory_space<hbm>> -> memref<64x128xf32, #tpu.memory_space<hbm>>
    tpu.wait_dma2 semaphore(%arg28 : memref<!tpu.dma_semaphore, #tpu.memory_space<semaphore_mem>>) src(%arg16 : memref<64x128xf32, #tpu.memory_space<vmem>>) dst(%dma_wait3A_421 : memref<64x128xf32, #tpu.memory_space<hbm>>)
    %dma_wait3A_422 = arith.constant 0 : i32
    %dma_wait3A_423 = tpu.memref_slice %arg8[%add3A_405, %dma_wait3A_422] : memref<16384x128xf32, #tpu.memory_space<hbm>> -> memref<64x128xf32, #tpu.memory_space<hbm>>
    %dma_wait3A_424 = arith.constant 0 : i32
    %dma_wait3A_425 = tpu.memref_slice %arg8[%add3A_405, %dma_wait3A_424] : memref<16384x128xf32, #tpu.memory_space<hbm>> -> memref<64x128xf32, #tpu.memory_space<hbm>>
    tpu.wait_dma2 semaphore(%arg29 : memref<!tpu.dma_semaphore, #tpu.memory_space<semaphore_mem>>) src(%arg19 : memref<64x128xf32, #tpu.memory_space<vmem>>) dst(%dma_wait3A_425 : memref<64x128xf32, #tpu.memory_space<hbm>>)
    return
  }
}

module attributes {stable_mosaic.version = 14 : i64} {
  func.func @_proj_body(%arg0: i32, %arg1: memref<3024x128xf32, #tpu.memory_space<vmem>>, %arg2: memref<1720x128xf32, #tpu.memory_space<vmem>>, %arg3: memref<1944x128xf32, #tpu.memory_space<vmem>>, %arg4: memref<2x128xf32, #tpu.memory_space<vmem>>, %arg5: memref<7x128xf32, #tpu.memory_space<vmem>>, %arg6: memref<21x128xf32, #tpu.memory_space<vmem>>, %arg7: memref<81x128xf32, #tpu.memory_space<vmem>>, %arg8: memref<896x128xf32, #tpu.memory_space<vmem>>, %arg9: memref<3024x128xf32, #tpu.memory_space<vmem>>, %arg10: memref<1720x128xf32, #tpu.memory_space<vmem>>, %arg11: memref<1944x128xf32, #tpu.memory_space<vmem>>, %arg12: memref<128x128xf32, #tpu.memory_space<vmem>>) attributes {dimension_semantics = [#tpu.dimension_semantics<arbitrary>], iteration_bounds = array<i64: 2>, scalar_prefetch = 0 : i64, scratch_operands = 0 : i64, tpu.core_type = #tpu.core_type<tc>, window_params = [{transform_indices = @transform_0, window_bounds = array<i64: 3024, 128>}, {transform_indices = @transform_1, window_bounds = array<i64: 1720, 128>}, {transform_indices = @transform_2, window_bounds = array<i64: 1944, 128>}, {pipeline_mode = #tpu.pipeline_mode<synchronous>, transform_indices = @transform_3, window_bounds = array<i64: 2, 128>}, {pipeline_mode = #tpu.pipeline_mode<synchronous>, transform_indices = @transform_4, window_bounds = array<i64: 7, 128>}, {pipeline_mode = #tpu.pipeline_mode<synchronous>, transform_indices = @transform_5, window_bounds = array<i64: 21, 128>}, {pipeline_mode = #tpu.pipeline_mode<synchronous>, transform_indices = @transform_6, window_bounds = array<i64: 81, 128>}, {pipeline_mode = #tpu.pipeline_mode<synchronous>, transform_indices = @transform_7, window_bounds = array<i64: 896, 128>}, {transform_indices = @transform_8, window_bounds = array<i64: 3024, 128>}, {transform_indices = @transform_9, window_bounds = array<i64: 1720, 128>}, {transform_indices = @transform_10, window_bounds = array<i64: 1944, 128>}, {pipeline_mode = #tpu.pipeline_mode<synchronous>, transform_indices = @transform_11, window_bounds = array<i64: 128, 128>}]} {
    %get3A = arith.constant 0 : index
    %get3A_0 = arith.constant 0 : index
    %get3A_1 = vector.load %arg1[%get3A, %get3A_0] : memref<3024x128xf32, #tpu.memory_space<vmem>>, vector<3024x128xf32>
    %get3A_2 = arith.constant 0 : index
    %get3A_3 = arith.constant 0 : index
    %get3A_4 = vector.load %arg8[%get3A_2, %get3A_3] : memref<896x128xf32, #tpu.memory_space<vmem>>, vector<128x128xf32>
    %dot_general3A = arith.constant dense<0.000000e+00> : vector<3024x128xf32>
    %dot_general3A_5 = tpu.matmul %get3A_1, %get3A_4, %dot_general3A {dimension_numbers = #tpu.dot_dimension_numbers<[1], [0], [0], [1], [0, 0, 1, 1], [], []>, transpose_lhs_hint = false} : vector<3024x128xf32>, vector<128x128xf32>, vector<3024x128xf32> -> vector<3024x128xf32>
    %swap3A = arith.constant 0 : index
    %swap3A_6 = arith.constant 0 : index
    %swap3A_7 = vector.load %arg9[%swap3A, %swap3A_6] : memref<3024x128xf32, #tpu.memory_space<vmem>>, vector<3024x128xf32>
    tpu.vector_store %arg9[%swap3A, %swap3A_6], %dot_general3A_5 {strides = array<i32>} : memref<3024x128xf32, #tpu.memory_space<vmem>>, vector<3024x128xf32>,
    %get3A_8 = arith.constant 0 : index
    %get3A_9 = arith.constant 0 : index
    %get3A_10 = vector.load %arg2[%get3A_8, %get3A_9] : memref<1720x128xf32, #tpu.memory_space<vmem>>, vector<1720x128xf32>
    %get3A_11 = arith.constant 512 : index
    %get3A_12 = arith.constant 0 : index
    %get3A_13 = vector.load %arg8[%get3A_11, %get3A_12] : memref<896x128xf32, #tpu.memory_space<vmem>>, vector<128x128xf32>
    %dot_general3A_14 = arith.constant dense<0.000000e+00> : vector<1720x128xf32>
    %dot_general3A_15 = tpu.matmul %get3A_10, %get3A_13, %dot_general3A_14 {dimension_numbers = #tpu.dot_dimension_numbers<[1], [0], [0], [1], [0, 0, 1, 1], [], []>, transpose_lhs_hint = false} : vector<1720x128xf32>, vector<128x128xf32>, vector<1720x128xf32> -> vector<1720x128xf32>
    %swap3A_16 = arith.constant 0 : index
    %swap3A_17 = arith.constant 0 : index
    %swap3A_18 = vector.load %arg10[%swap3A_16, %swap3A_17] : memref<1720x128xf32, #tpu.memory_space<vmem>>, vector<1720x128xf32>
    tpu.vector_store %arg10[%swap3A_16, %swap3A_17], %dot_general3A_15 {strides = array<i32>} : memref<1720x128xf32, #tpu.memory_space<vmem>>, vector<1720x128xf32>,
    %get3A_19 = arith.constant 0 : index
    %get3A_20 = arith.constant 0 : index
    %get3A_21 = vector.load %arg3[%get3A_19, %get3A_20] : memref<1944x128xf32, #tpu.memory_space<vmem>>, vector<1944x128xf32>
    %get3A_22 = arith.constant 640 : index
    %get3A_23 = arith.constant 0 : index
    %get3A_24 = vector.load %arg8[%get3A_22, %get3A_23] : memref<896x128xf32, #tpu.memory_space<vmem>>, vector<128x128xf32>
    %dot_general3A_25 = arith.constant dense<0.000000e+00> : vector<1944x128xf32>
    %dot_general3A_26 = tpu.matmul %get3A_21, %get3A_24, %dot_general3A_25 {dimension_numbers = #tpu.dot_dimension_numbers<[1], [0], [0], [1], [0, 0, 1, 1], [], []>, transpose_lhs_hint = false} : vector<1944x128xf32>, vector<128x128xf32>, vector<1944x128xf32> -> vector<1944x128xf32>
    %swap3A_27 = arith.constant 0 : index
    %swap3A_28 = arith.constant 0 : index
    %swap3A_29 = vector.load %arg11[%swap3A_27, %swap3A_28] : memref<1944x128xf32, #tpu.memory_space<vmem>>, vector<1944x128xf32>
    tpu.vector_store %arg11[%swap3A_27, %swap3A_28], %dot_general3A_26 {strides = array<i32>} : memref<1944x128xf32, #tpu.memory_space<vmem>>, vector<1944x128xf32>,
    %eq3A = arith.constant 0 : i32
    %eq3A_30 = arith.cmpi eq, %arg0, %eq3A : i32
    %convert_element_type3A = arith.extui %eq3A_30 : i1 to i32
    %cond3A = arith.constant 0 : i32
    %cond3A_31 = arith.cmpi ne, %convert_element_type3A, %cond3A : i32
    scf.if %cond3A_31 {
      %broadcast_in_dim3A = arith.constant 0.000000e+00 : f32
      %broadcast_in_dim3A_32 = vector.broadcast %broadcast_in_dim3A : f32 to vector<128x128xf32>
      %swap3A_33 = arith.constant 0 : index
      %swap3A_34 = arith.constant 0 : index
      %swap3A_35 = vector.load %arg12[%swap3A_33, %swap3A_34] : memref<128x128xf32, #tpu.memory_space<vmem>>, vector<128x128xf32>
      tpu.vector_store %arg12[%swap3A_33, %swap3A_34], %broadcast_in_dim3A_32 {strides = array<i32>} : memref<128x128xf32, #tpu.memory_space<vmem>>, vector<128x128xf32>,
      %get3A_36 = arith.constant 0 : index
      %get3A_37 = arith.constant 0 : index
      %get3A_38 = vector.load %arg4[%get3A_36, %get3A_37] : memref<2x128xf32, #tpu.memory_space<vmem>>, vector<2x128xf32>
      %get3A_39 = arith.constant 128 : index
      %get3A_40 = arith.constant 0 : index
      %get3A_41 = vector.load %arg8[%get3A_39, %get3A_40] : memref<896x128xf32, #tpu.memory_space<vmem>>, vector<128x128xf32>
      %dot_general3A_42 = arith.constant dense<0.000000e+00> : vector<2x128xf32>
      %dot_general3A_43 = tpu.matmul %get3A_38, %get3A_41, %dot_general3A_42 {dimension_numbers = #tpu.dot_dimension_numbers<[1], [0], [0], [1], [0, 0, 1, 1], [], []>, transpose_lhs_hint = false} : vector<2x128xf32>, vector<128x128xf32>, vector<2x128xf32> -> vector<2x128xf32>
      %swap3A_44 = arith.constant 0 : index
      %swap3A_45 = arith.constant 0 : index
      %swap3A_46 = vector.load %arg12[%swap3A_44, %swap3A_45] : memref<128x128xf32, #tpu.memory_space<vmem>>, vector<2x128xf32>
      tpu.vector_store %arg12[%swap3A_44, %swap3A_45], %dot_general3A_43 {strides = array<i32>} : memref<128x128xf32, #tpu.memory_space<vmem>>, vector<2x128xf32>,
      %get3A_47 = arith.constant 0 : index
      %get3A_48 = arith.constant 0 : index
      %get3A_49 = vector.load %arg5[%get3A_47, %get3A_48] : memref<7x128xf32, #tpu.memory_space<vmem>>, vector<7x128xf32>
      %get3A_50 = arith.constant 256 : index
      %get3A_51 = arith.constant 0 : index
      %get3A_52 = vector.load %arg8[%get3A_50, %get3A_51] : memref<896x128xf32, #tpu.memory_space<vmem>>, vector<128x128xf32>
      %dot_general3A_53 = arith.constant dense<0.000000e+00> : vector<7x128xf32>
      %dot_general3A_54 = tpu.matmul %get3A_49, %get3A_52, %dot_general3A_53 {dimension_numbers = #tpu.dot_dimension_numbers<[1], [0], [0], [1], [0, 0, 1, 1], [], []>, transpose_lhs_hint = false} : vector<7x128xf32>, vector<128x128xf32>, vector<7x128xf32> -> vector<7x128xf32>
      %swap3A_55 = arith.constant 8 : index
      %swap3A_56 = arith.constant 0 : index
      %swap3A_57 = vector.load %arg12[%swap3A_55, %swap3A_56] : memref<128x128xf32, #tpu.memory_space<vmem>>, vector<7x128xf32>
      tpu.vector_store %arg12[%swap3A_55, %swap3A_56], %dot_general3A_54 {strides = array<i32>} : memref<128x128xf32, #tpu.memory_space<vmem>>, vector<7x128xf32>,
      %get3A_58 = arith.constant 0 : index
      %get3A_59 = arith.constant 0 : index
      %get3A_60 = vector.load %arg6[%get3A_58, %get3A_59] : memref<21x128xf32, #tpu.memory_space<vmem>>, vector<21x128xf32>
      %get3A_61 = arith.constant 384 : index
      %get3A_62 = arith.constant 0 : index
      %get3A_63 = vector.load %arg8[%get3A_61, %get3A_62] : memref<896x128xf32, #tpu.memory_space<vmem>>, vector<128x128xf32>
      %dot_general3A_64 = arith.constant dense<0.000000e+00> : vector<21x128xf32>
      %dot_general3A_65 = tpu.matmul %get3A_60, %get3A_63, %dot_general3A_64 {dimension_numbers = #tpu.dot_dimension_numbers<[1], [0], [0], [1], [0, 0, 1, 1], [], []>, transpose_lhs_hint = false} : vector<21x128xf32>, vector<128x128xf32>, vector<21x128xf32> -> vector<21x128xf32>
      %swap3A_66 = arith.constant 16 : index
      %swap3A_67 = arith.constant 0 : index
      %swap3A_68 = vector.load %arg12[%swap3A_66, %swap3A_67] : memref<128x128xf32, #tpu.memory_space<vmem>>, vector<21x128xf32>
      tpu.vector_store %arg12[%swap3A_66, %swap3A_67], %dot_general3A_65 {strides = array<i32>} : memref<128x128xf32, #tpu.memory_space<vmem>>, vector<21x128xf32>,
      %get3A_69 = arith.constant 0 : index
      %get3A_70 = arith.constant 0 : index
      %get3A_71 = vector.load %arg7[%get3A_69, %get3A_70] : memref<81x128xf32, #tpu.memory_space<vmem>>, vector<81x128xf32>
      %get3A_72 = arith.constant 768 : index
      %get3A_73 = arith.constant 0 : index
      %get3A_74 = vector.load %arg8[%get3A_72, %get3A_73] : memref<896x128xf32, #tpu.memory_space<vmem>>, vector<128x128xf32>
      %dot_general3A_75 = arith.constant dense<0.000000e+00> : vector<81x128xf32>
      %dot_general3A_76 = tpu.matmul %get3A_71, %get3A_74, %dot_general3A_75 {dimension_numbers = #tpu.dot_dimension_numbers<[1], [0], [0], [1], [0, 0, 1, 1], [], []>, transpose_lhs_hint = false} : vector<81x128xf32>, vector<128x128xf32>, vector<81x128xf32> -> vector<81x128xf32>
      %swap3A_77 = arith.constant 40 : index
      %swap3A_78 = arith.constant 0 : index
      %swap3A_79 = vector.load %arg12[%swap3A_77, %swap3A_78] : memref<128x128xf32, #tpu.memory_space<vmem>>, vector<81x128xf32>
      tpu.vector_store %arg12[%swap3A_77, %swap3A_78], %dot_general3A_76 {strides = array<i32>} : memref<128x128xf32, #tpu.memory_space<vmem>>, vector<81x128xf32>,
    } else {
    }
    return
  }
  func.func @transform_0(%arg0: i32) -> (i32, i32) {
    %c0_i32 = arith.constant 0 : i32
    %c0_i32_0 = arith.constant 0 : i32
    return %arg0, %c0_i32 : i32, i32
  }
  func.func @transform_1(%arg0: i32) -> (i32, i32) {
    %c0_i32 = arith.constant 0 : i32
    %c0_i32_0 = arith.constant 0 : i32
    return %arg0, %c0_i32 : i32, i32
  }
  func.func @transform_2(%arg0: i32) -> (i32, i32) {
    %c0_i32 = arith.constant 0 : i32
    %c0_i32_0 = arith.constant 0 : i32
    return %arg0, %c0_i32 : i32, i32
  }
  func.func @transform_3(%arg0: i32) -> (i32, i32) {
    %c0_i32 = arith.constant 0 : i32
    %c0_i32_0 = arith.constant 0 : i32
    %c0_i32_1 = arith.constant 0 : i32
    return %c0_i32, %c0_i32_0 : i32, i32
  }
  func.func @transform_4(%arg0: i32) -> (i32, i32) {
    %c0_i32 = arith.constant 0 : i32
    %c0_i32_0 = arith.constant 0 : i32
    %c0_i32_1 = arith.constant 0 : i32
    return %c0_i32, %c0_i32_0 : i32, i32
  }
  func.func @transform_5(%arg0: i32) -> (i32, i32) {
    %c0_i32 = arith.constant 0 : i32
    %c0_i32_0 = arith.constant 0 : i32
    %c0_i32_1 = arith.constant 0 : i32
    return %c0_i32, %c0_i32_0 : i32, i32
  }
  func.func @transform_6(%arg0: i32) -> (i32, i32) {
    %c0_i32 = arith.constant 0 : i32
    %c0_i32_0 = arith.constant 0 : i32
    %c0_i32_1 = arith.constant 0 : i32
    return %c0_i32, %c0_i32_0 : i32, i32
  }
  func.func @transform_7(%arg0: i32) -> (i32, i32) {
    %c0_i32 = arith.constant 0 : i32
    %c0_i32_0 = arith.constant 0 : i32
    %c0_i32_1 = arith.constant 0 : i32
    return %c0_i32, %c0_i32_0 : i32, i32
  }
  func.func @transform_8(%arg0: i32) -> (i32, i32) {
    %c0_i32 = arith.constant 0 : i32
    %c0_i32_0 = arith.constant 0 : i32
    return %arg0, %c0_i32 : i32, i32
  }
  func.func @transform_9(%arg0: i32) -> (i32, i32) {
    %c0_i32 = arith.constant 0 : i32
    %c0_i32_0 = arith.constant 0 : i32
    return %arg0, %c0_i32 : i32, i32
  }
  func.func @transform_10(%arg0: i32) -> (i32, i32) {
    %c0_i32 = arith.constant 0 : i32
    %c0_i32_0 = arith.constant 0 : i32
    return %arg0, %c0_i32 : i32, i32
  }
  func.func @transform_11(%arg0: i32) -> (i32, i32) {
    %c0_i32 = arith.constant 0 : i32
    %c0_i32_0 = arith.constant 0 : i32
    %c0_i32_1 = arith.constant 0 : i32
    return %c0_i32, %c0_i32_0 : i32, i32
  }
}

module attributes {stable_mosaic.version = 14 : i64} {
  func.func @_tail_body(%arg0: i32, %arg1: memref<4096x128xf32, #tpu.memory_space<vmem>>, %arg2: memref<4096x128xf32, #tpu.memory_space<vmem>>, %arg3: memref<1x128xf32, #tpu.memory_space<vmem>>, %arg4: memref<128x128xf32, #tpu.memory_space<vmem>>, %arg5: memref<1x128xf32, #tpu.memory_space<vmem>>, %arg6: memref<1x128xf32, #tpu.memory_space<vmem>>, %arg7: memref<4096xf32, #tpu.memory_space<vmem>>) attributes {dimension_semantics = [#tpu.dimension_semantics<arbitrary>], iteration_bounds = array<i64: 4>, scalar_prefetch = 0 : i64, scratch_operands = 0 : i64, tpu.core_type = #tpu.core_type<tc>, window_params = [{transform_indices = @transform_0, window_bounds = array<i64: 4096, 128>}, {transform_indices = @transform_1, window_bounds = array<i64: 4096, 128>}, {pipeline_mode = #tpu.pipeline_mode<synchronous>, transform_indices = @transform_2, window_bounds = array<i64: 1, 128>}, {pipeline_mode = #tpu.pipeline_mode<synchronous>, transform_indices = @transform_3, window_bounds = array<i64: 128, 128>}, {pipeline_mode = #tpu.pipeline_mode<synchronous>, transform_indices = @transform_4, window_bounds = array<i64: 1, 128>}, {pipeline_mode = #tpu.pipeline_mode<synchronous>, transform_indices = @transform_5, window_bounds = array<i64: 1, 128>}, {transform_indices = @transform_6, window_bounds = array<i64: 4096>}]} {
    %get3A = arith.constant 0 : index
    %get3A_0 = arith.constant 0 : index
    %get3A_1 = vector.load %arg1[%get3A, %get3A_0] : memref<4096x128xf32, #tpu.memory_space<vmem>>, vector<4096x128xf32>
    %get3A_2 = arith.constant 0 : index
    %get3A_3 = arith.constant 0 : index
    %get3A_4 = vector.load %arg2[%get3A_2, %get3A_3] : memref<4096x128xf32, #tpu.memory_space<vmem>>, vector<4096x128xf32>
    %add3A = arith.addf %get3A_1, %get3A_4 : vector<4096x128xf32>
    %get3A_5 = arith.constant 0 : index
    %get3A_6 = arith.constant 0 : index
    %get3A_7 = vector.load %arg3[%get3A_5, %get3A_6] : memref<1x128xf32, #tpu.memory_space<vmem>>, vector<1x128xf32>
    %add3A_8 = vector.broadcast %get3A_7 : vector<1x128xf32> to vector<4096x128xf32>
    %add3A_9 = arith.addf %add3A, %add3A_8 : vector<4096x128xf32>
    %max3A = arith.constant 0.000000e+00 : f32
    %max3A_10 = vector.broadcast %max3A : f32 to vector<4096x128xf32>
    %max3A_11 = arith.maximumf %add3A_9, %max3A_10 : vector<4096x128xf32>
    %get3A_12 = arith.constant 0 : index
    %get3A_13 = arith.constant 0 : index
    %get3A_14 = vector.load %arg4[%get3A_12, %get3A_13] : memref<128x128xf32, #tpu.memory_space<vmem>>, vector<128x128xf32>
    %dot_general3A = arith.constant dense<0.000000e+00> : vector<4096x128xf32>
    %dot_general3A_15 = tpu.matmul %max3A_11, %get3A_14, %dot_general3A {dimension_numbers = #tpu.dot_dimension_numbers<[1], [0], [0], [1], [0, 0, 1, 1], [], []>, transpose_lhs_hint = false} : vector<4096x128xf32>, vector<128x128xf32>, vector<4096x128xf32> -> vector<4096x128xf32>
    %get3A_16 = arith.constant 0 : index
    %get3A_17 = arith.constant 0 : index
    %get3A_18 = vector.load %arg5[%get3A_16, %get3A_17] : memref<1x128xf32, #tpu.memory_space<vmem>>, vector<1x128xf32>
    %add3A_19 = vector.broadcast %get3A_18 : vector<1x128xf32> to vector<4096x128xf32>
    %add3A_20 = arith.addf %dot_general3A_15, %add3A_19 : vector<4096x128xf32>
    %max3A_21 = arith.constant 0.000000e+00 : f32
    %max3A_22 = vector.broadcast %max3A_21 : f32 to vector<4096x128xf32>
    %max3A_23 = arith.maximumf %add3A_20, %max3A_22 : vector<4096x128xf32>
    %get3A_24 = arith.constant 0 : index
    %get3A_25 = arith.constant 0 : index
    %get3A_26 = vector.load %arg6[%get3A_24, %get3A_25] : memref<1x128xf32, #tpu.memory_space<vmem>>, vector<1x128xf32>
    %mul3A = vector.broadcast %get3A_26 : vector<1x128xf32> to vector<4096x128xf32>
    %mul3A_27 = arith.mulf %max3A_23, %mul3A : vector<4096x128xf32>
    %reduce_sum3A = arith.constant dense<0.000000e+00> : vector<4096xf32>
    %reduce_sum3A_28 = vector.multi_reduction <add>, %mul3A_27, %reduce_sum3A [1] : vector<4096x128xf32> to vector<4096xf32>
    %swap3A = arith.constant 0 : index
    %swap3A_29 = vector.load %arg7[%swap3A] : memref<4096xf32, #tpu.memory_space<vmem>>, vector<4096xf32>
    tpu.vector_store %arg7[%swap3A], %reduce_sum3A_28 {strides = array<i32>} : memref<4096xf32, #tpu.memory_space<vmem>>, vector<4096xf32>,
    return
  }
  func.func @transform_0(%arg0: i32) -> (i32, i32) {
    %c0_i32 = arith.constant 0 : i32
    %c0_i32_0 = arith.constant 0 : i32
    return %arg0, %c0_i32 : i32, i32
  }
  func.func @transform_1(%arg0: i32) -> (i32, i32) {
    %c0_i32 = arith.constant 0 : i32
    %c0_i32_0 = arith.constant 0 : i32
    return %arg0, %c0_i32 : i32, i32
  }
  func.func @transform_2(%arg0: i32) -> (i32, i32) {
    %c0_i32 = arith.constant 0 : i32
    %c0_i32_0 = arith.constant 0 : i32
    %c0_i32_1 = arith.constant 0 : i32
    return %c0_i32, %c0_i32_0 : i32, i32
  }
  func.func @transform_3(%arg0: i32) -> (i32, i32) {
    %c0_i32 = arith.constant 0 : i32
    %c0_i32_0 = arith.constant 0 : i32
    %c0_i32_1 = arith.constant 0 : i32
    return %c0_i32, %c0_i32_0 : i32, i32
  }
  func.func @transform_4(%arg0: i32) -> (i32, i32) {
    %c0_i32 = arith.constant 0 : i32
    %c0_i32_0 = arith.constant 0 : i32
    %c0_i32_1 = arith.constant 0 : i32
    return %c0_i32, %c0_i32_0 : i32, i32
  }
  func.func @transform_5(%arg0: i32) -> (i32, i32) {
    %c0_i32 = arith.constant 0 : i32
    %c0_i32_0 = arith.constant 0 : i32
    %c0_i32_1 = arith.constant 0 : i32
    return %c0_i32, %c0_i32_0 : i32, i32
  }
  func.func @transform_6(%arg0: i32) -> i32 {
    %c0_i32 = arith.constant 0 : i32
    return %arg0 : i32
  }
}

module attributes {stable_mosaic.version = 14 : i64} {
  func.func @_small_body(%arg0: i32, %arg1: memref<1x2048xi32, #tpu.memory_space<vmem>>, %arg2: memref<1x2048xi32, #tpu.memory_space<vmem>>, %arg3: memref<1x2048xi32, #tpu.memory_space<vmem>>, %arg4: memref<1x2048xi32, #tpu.memory_space<vmem>>, %arg5: memref<128x128xf32, #tpu.memory_space<vmem>>, %arg6: memref<2048x128xf32, #tpu.memory_space<vmem>>) attributes {dimension_semantics = [#tpu.dimension_semantics<arbitrary>], iteration_bounds = array<i64: 8>, scalar_prefetch = 0 : i64, scratch_operands = 0 : i64, tpu.core_type = #tpu.core_type<tc>, window_params = [{transform_indices = @transform_0, window_bounds = array<i64: 1, 2048>}, {transform_indices = @transform_1, window_bounds = array<i64: 1, 2048>}, {transform_indices = @transform_2, window_bounds = array<i64: 1, 2048>}, {transform_indices = @transform_3, window_bounds = array<i64: 1, 2048>}, {pipeline_mode = #tpu.pipeline_mode<synchronous>, transform_indices = @transform_4, window_bounds = array<i64: 128, 128>}, {transform_indices = @transform_5, window_bounds = array<i64: 2048, 128>}]} {
    %iota3A = tpu.iota {dimensions = array<i32: 1>} : vector<2048x128xi32>
    %broadcast_in_dim3A = arith.constant 0.000000e+00 : f32
    %broadcast_in_dim3A_0 = vector.broadcast %broadcast_in_dim3A : f32 to vector<2048x128xf32>
    %get3A = arith.constant 0 : index
    %get3A_1 = arith.constant 0 : index
    %get3A_2 = vector.load %arg1[%get3A, %get3A_1] : memref<1x2048xi32, #tpu.memory_space<vmem>>, vector<1x2048xi32>
    %get3A_3 = vector.shape_cast %get3A_2 : vector<1x2048xi32> to vector<2048xi32>
    %reshape3A = vector.shape_cast %get3A_3 : vector<2048xi32> to vector<2048x1xi32>
    %sub3A = arith.constant 0 : i32
    %sub3A_4 = vector.broadcast %sub3A : i32 to vector<2048x128xi32>
    %sub3A_5 = arith.subi %iota3A, %sub3A_4 : vector<2048x128xi32>
    %eq3A = vector.broadcast %reshape3A : vector<2048x1xi32> to vector<2048x128xi32>
    %eq3A_6 = arith.cmpi eq, %eq3A, %sub3A_5 : vector<2048x128xi32>
    %convert_element_type3A = arith.extui %eq3A_6 : vector<2048x128xi1> to vector<2048x128xi32>
    %convert_element_type3A_7 = arith.sitofp %convert_element_type3A : vector<2048x128xi32> to vector<2048x128xf32>
    %add3A = arith.addf %broadcast_in_dim3A_0, %convert_element_type3A_7 : vector<2048x128xf32>
    %get3A_8 = arith.constant 0 : index
    %get3A_9 = arith.constant 0 : index
    %get3A_10 = vector.load %arg2[%get3A_8, %get3A_9] : memref<1x2048xi32, #tpu.memory_space<vmem>>, vector<1x2048xi32>
    %get3A_11 = vector.shape_cast %get3A_10 : vector<1x2048xi32> to vector<2048xi32>
    %reshape3A_12 = vector.shape_cast %get3A_11 : vector<2048xi32> to vector<2048x1xi32>
    %sub3A_13 = arith.constant 8 : i32
    %sub3A_14 = vector.broadcast %sub3A_13 : i32 to vector<2048x128xi32>
    %sub3A_15 = arith.subi %iota3A, %sub3A_14 : vector<2048x128xi32>
    %eq3A_16 = vector.broadcast %reshape3A_12 : vector<2048x1xi32> to vector<2048x128xi32>
    %eq3A_17 = arith.cmpi eq, %eq3A_16, %sub3A_15 : vector<2048x128xi32>
    %convert_element_type3A_18 = arith.extui %eq3A_17 : vector<2048x128xi1> to vector<2048x128xi32>
    %convert_element_type3A_19 = arith.sitofp %convert_element_type3A_18 : vector<2048x128xi32> to vector<2048x128xf32>
    %add3A_20 = arith.addf %add3A, %convert_element_type3A_19 : vector<2048x128xf32>
    %get3A_21 = arith.constant 0 : index
    %get3A_22 = arith.constant 0 : index
    %get3A_23 = vector.load %arg3[%get3A_21, %get3A_22] : memref<1x2048xi32, #tpu.memory_space<vmem>>, vector<1x2048xi32>
    %get3A_24 = vector.shape_cast %get3A_23 : vector<1x2048xi32> to vector<2048xi32>
    %reshape3A_25 = vector.shape_cast %get3A_24 : vector<2048xi32> to vector<2048x1xi32>
    %sub3A_26 = arith.constant 16 : i32
    %sub3A_27 = vector.broadcast %sub3A_26 : i32 to vector<2048x128xi32>
    %sub3A_28 = arith.subi %iota3A, %sub3A_27 : vector<2048x128xi32>
    %eq3A_29 = vector.broadcast %reshape3A_25 : vector<2048x1xi32> to vector<2048x128xi32>
    %eq3A_30 = arith.cmpi eq, %eq3A_29, %sub3A_28 : vector<2048x128xi32>
    %convert_element_type3A_31 = arith.extui %eq3A_30 : vector<2048x128xi1> to vector<2048x128xi32>
    %convert_element_type3A_32 = arith.sitofp %convert_element_type3A_31 : vector<2048x128xi32> to vector<2048x128xf32>
    %add3A_33 = arith.addf %add3A_20, %convert_element_type3A_32 : vector<2048x128xf32>
    %get3A_34 = arith.constant 0 : index
    %get3A_35 = arith.constant 0 : index
    %get3A_36 = vector.load %arg4[%get3A_34, %get3A_35] : memref<1x2048xi32, #tpu.memory_space<vmem>>, vector<1x2048xi32>
    %get3A_37 = vector.shape_cast %get3A_36 : vector<1x2048xi32> to vector<2048xi32>
    %reshape3A_38 = vector.shape_cast %get3A_37 : vector<2048xi32> to vector<2048x1xi32>
    %sub3A_39 = arith.constant 40 : i32
    %sub3A_40 = vector.broadcast %sub3A_39 : i32 to vector<2048x128xi32>
    %sub3A_41 = arith.subi %iota3A, %sub3A_40 : vector<2048x128xi32>
    %eq3A_42 = vector.broadcast %reshape3A_38 : vector<2048x1xi32> to vector<2048x128xi32>
    %eq3A_43 = arith.cmpi eq, %eq3A_42, %sub3A_41 : vector<2048x128xi32>
    %convert_element_type3A_44 = arith.extui %eq3A_43 : vector<2048x128xi1> to vector<2048x128xi32>
    %convert_element_type3A_45 = arith.sitofp %convert_element_type3A_44 : vector<2048x128xi32> to vector<2048x128xf32>
    %add3A_46 = arith.addf %add3A_33, %convert_element_type3A_45 : vector<2048x128xf32>
    %get3A_47 = arith.constant 0 : index
    %get3A_48 = arith.constant 0 : index
    %get3A_49 = vector.load %arg5[%get3A_47, %get3A_48] : memref<128x128xf32, #tpu.memory_space<vmem>>, vector<128x128xf32>
    %dot_general3A = arith.constant dense<0.000000e+00> : vector<2048x128xf32>
    %dot_general3A_50 = tpu.matmul %add3A_46, %get3A_49, %dot_general3A {dimension_numbers = #tpu.dot_dimension_numbers<[1], [0], [0], [1], [0, 0, 1, 1], [], []>, transpose_lhs_hint = false} : vector<2048x128xf32>, vector<128x128xf32>, vector<2048x128xf32> -> vector<2048x128xf32>
    %swap3A = arith.constant 0 : index
    %swap3A_51 = arith.constant 0 : index
    %swap3A_52 = vector.load %arg6[%swap3A, %swap3A_51] : memref<2048x128xf32, #tpu.memory_space<vmem>>, vector<2048x128xf32>
    tpu.vector_store %arg6[%swap3A, %swap3A_51], %dot_general3A_50 {strides = array<i32>} : memref<2048x128xf32, #tpu.memory_space<vmem>>, vector<2048x128xf32>,
    return
  }
  func.func @transform_0(%arg0: i32) -> (i32, i32) {
    %c0_i32 = arith.constant 0 : i32
    %c0_i32_0 = arith.constant 0 : i32
    return %c0_i32, %arg0 : i32, i32
  }
  func.func @transform_1(%arg0: i32) -> (i32, i32) {
    %c0_i32 = arith.constant 0 : i32
    %c0_i32_0 = arith.constant 0 : i32
    return %c0_i32, %arg0 : i32, i32
  }
  func.func @transform_2(%arg0: i32) -> (i32, i32) {
    %c0_i32 = arith.constant 0 : i32
    %c0_i32_0 = arith.constant 0 : i32
    return %c0_i32, %arg0 : i32, i32
  }
  func.func @transform_3(%arg0: i32) -> (i32, i32) {
    %c0_i32 = arith.constant 0 : i32
    %c0_i32_0 = arith.constant 0 : i32
    return %c0_i32, %arg0 : i32, i32
  }
  func.func @transform_4(%arg0: i32) -> (i32, i32) {
    %c0_i32 = arith.constant 0 : i32
    %c0_i32_0 = arith.constant 0 : i32
    %c0_i32_1 = arith.constant 0 : i32
    return %c0_i32, %c0_i32_0 : i32, i32
  }
  func.func @transform_5(%arg0: i32) -> (i32, i32) {
    %c0_i32 = arith.constant 0 : i32
    %c0_i32_0 = arith.constant 0 : i32
    return %arg0, %c0_i32 : i32, i32
  }
}

</mosaic_0001>

<sc_bundles>
// kernel: kernel.6.cloned.1.call-start
scs
__scs_entry_jumppad:
0x0: {  	(pc) =	sbr.rel $0x88, $3  }
0x1: {  	(tag) =	ssettag $0x0;
	lr =	simm.s32 $0x1  }
0x2: {  	[smem:$0x3F8D] =	sst lr;
	_ =	strace $0xD0000000  }
0x3: {  	_ = 	snop  }
0x4: {  	_ = 	snop  }
0x5: {  	_ = 	snop  }
0x6: {  	_ = 	snop  }
0x7: {  	_ = 	snop  }
__scs_overlays_trampoline_lowered:
0x8: {  	[smem:$0x3F9C] =	sst s0  }
0x9: {  	[smem:$0x3F9D] =	sst s1  }
0xa: {  	[smem:$0x3F9E] =	sst s2  }
0xb: {  	[smem:$0x3F9F] =	sst s3  }
0xc: {  	[smem:$0x3FA0] =	sst s4  }
0xd: {  	[smem:$0x3FA1] =	sst s5  }
0xe: {  	[smem:$0x3FA2] =	sst s6  }
0xf: {  	[smem:$0x3FA3] =	sst s7  }
0x10: {  	[smem:$0x3FA4] =	sst s8  }
0x11: {  	[smem:$0x3FA5] =	sst s9;
	s0 =	simm.s32 @!p0 $0x0  }
0x12: {  	s1 =	sld [smem:$0x3F8B];
	s0 =	simm.s32 @p0 $0x1  }
0x13: {  	[smem:$0x3FA6] =	sst s0;
	s0 =	simm.s32 @!p1 $0x0  }
0x14: {  	s2 =	sld [smem:$0x3F8A];
	s0 =	simm.s32 @p1 $0x1  }
0x15: {  	[smem:$0x3FA7] =	sst s0;
	s0 =	simm.s32 @!p2 $0x0  }
0x16: {  	s3 =	sld [smem:$0x3FDB];
	s0 =	simm.s32 @p2 $0x1  }
0x17: {  	s4 =	simm.s32 $0x1BF5;
	[smem:$0x3FA9] =	sst s0  }
0x18: {  	s0 =	sld [smem:$0x3F8C];
	_ =	swait.ge [sflag:s4], $0x0  }
0x19: {  	s7 =	sld [smem:$0x3F8D]  }
0x1a: {  	s8 =	sadd.s32 $0xFFFFE003, lr  }
0x1b: {  	s9 =	sadd.s32 $0xFFFFFEF7, lr;
	s5 =	simm.s32 $0xFFFFFFFF;
	p2 =	slt.u32 s8, $0xFFFFF086  }
0x1c: {  	p1 =	slt.u32 s9, $0xF7A;
	s5 =	simm.s32 @!p2 $0x0  }
0x1d: {  	s5 =	simm.s32 @p1 $0x1;
	p0 =	seq.s32 s7, s2  }
0x1e: {  	s7 =	smul.u32 @!p0 $0xF7A, s2;
	p2 =	seq.s32 @!p0 s5, $0x0  }
0x1f: {  	s9 =	smul.u32 $0xF7A, s1;
	s8 =	simm.s32 @!p0 $0x1BF5;
	p2 =	por !p2, p0  }
0x20: {  	[sflag:s8] =	ssyncset.s32 @!p0 $0xFFFFF086;
	s6 =	sadd.s32 @!p0 s3, s7;
	s7 =	simm.s32 @!p0 $0x108  }
0x21: {  	s3 =	sadd.s32 s3, s9;
	s6 =	sadd.s32 @!p0 $0x88, s6;
	s7 =	simm.s32 @p2 $0x1082  }
0x22: {  	[simem:s7], [sflag:s8] =	dma.local @!p0 [hbm:s6], $0xF7A  }
0x23: {  	s9 =	sor.u32 $0xD0000000, s2;
	s6 =	simm.s32 $0x108;
	_ =	swait.ge @!p0 [sflag:s8], $0x0  }
0x24: {  	s3 =	sadd.s32 $0x88, s3;
	s6 =	simm.s32 @!p1 $0x1082;
	[sflag:s4] =	ssyncset.s32 $0xFFFFF086  }
0x25: {  	[simem:s6], [sflag:s4] =	dma.local [hbm:s3], $0xF7A  }
0x26: {  	[smem:$0x3F8D] =	sst s1;
	(tag) =	ssettag s2;
	_ =	strace s9  }
0x27: {  	s1 =	sld [smem:$0x3F9D]  }
0x28: {  	s2 =	sld [smem:$0x3F9E]  }
0x29: {  	s4 =	sld [smem:$0x3FA0]  }
0x2a: {  	p0 =	seq.s32 s5, $0x0;
	s5 =	sld [smem:$0x3FA1]  }
0x2b: {  	s6 =	sld [smem:$0x3FA2]  }
0x2c: {  	s7 =	sld [smem:$0x3FA3]  }
0x2d: {  	s3 =	simm.s32 $0x108;
	s8 =	sld [smem:$0x3FA4]  }
0x2e: {  	s3 =	simm.s32 @!p0 $0x1082;
	s9 =	sld [smem:$0x3FA5]  }
0x2f: {  	lr =	sadd.s32 s0, s3;
	s0 =	sld [smem:$0x3F9C]  }
0x30: {  	s3 =	sld [smem:$0x3F9F]  }
0x31: {  	[smem:$0x3FA8] =	sst s10  }
0x32: {  	s10 =	sld [smem:$0x3FA6];
	_ =	sdelay $0x3  }
0x33: {  	p0 =	seq.s32 s10, $0x1;
	s10 =	sld [smem:$0x3FA8];
	_ =	sdelay $0x3  }
0x34: {  	[smem:$0x3FA8] =	sst s10  }
0x35: {  	s10 =	sld [smem:$0x3FA7];
	_ =	sdelay $0x3  }
0x36: {  	p1 =	seq.s32 s10, $0x1;
	s10 =	sld [smem:$0x3FA8];
	_ =	sdelay $0x3  }
0x37: {  	[smem:$0x3FA8] =	sst s10  }
0x38: {  	s10 =	sld [smem:$0x3FA9]  }
0x39: {  	_ = 	snop;
	(pc) =	sbr.ind lr, $3  }
0x3a: {  	_ = 	snop  }
0x3b: {  	_ = 	snop  }
0x3c: {  	p2 =	seq.s32 s10, $0x1;
	s10 =	sld [smem:$0x3FA8]  }
0x3d: {  	_ =	shalt  }
0x3e: {  	_ =	shalt  }
0x3f: {  	_ =	shalt  }
0x40: {  	_ =	shalt  }
0x41: {  	_ =	shalt  }
0x42: {  	_ =	shalt  }
0x43: {  	_ =	shalt  }
0x44: {  	_ =	shalt  }
0x45: {  	_ =	shalt  }
0x46: {  	_ =	shalt  }
0x47: {  	_ =	shalt  }
0x48: {  	_ =	shalt  }
0x49: {  	_ =	shalt  }
0x4a: {  	_ =	shalt  }
0x4b: {  	_ =	shalt  }
0x4c: {  	_ =	shalt  }
0x4d: {  	_ =	shalt  }
0x4e: {  	_ =	shalt  }
0x4f: {  	_ =	shalt  }
0x50: {  	_ =	shalt  }
0x51: {  	_ =	shalt  }
0x52: {  	_ =	shalt  }
0x53: {  	_ =	shalt  }
0x54: {  	_ =	shalt  }
0x55: {  	_ =	shalt  }
0x56: {  	_ =	shalt  }
0x57: {  	_ =	shalt  }
0x58: {  	_ =	shalt  }
0x59: {  	_ =	shalt  }
0x5a: {  	_ =	shalt  }
0x5b: {  	_ =	shalt  }
0x5c: {  	_ =	shalt  }
0x5d: {  	_ =	shalt  }
0x5e: {  	_ =	shalt  }
0x5f: {  	_ =	shalt  }
0x60: {  	_ =	shalt  }
0x61: {  	_ =	shalt  }
0x62: {  	_ =	shalt  }
0x63: {  	_ =	shalt  }
0x64: {  	_ =	shalt  }
0x65: {  	_ =	shalt  }
0x66: {  	_ =	shalt  }
0x67: {  	_ =	shalt  }
0x68: {  	_ =	shalt  }
0x69: {  	_ =	shalt  }
0x6a: {  	_ =	shalt  }
0x6b: {  	_ =	shalt  }
0x6c: {  	_ =	shalt  }
0x6d: {  	_ =	shalt  }
0x6e: {  	_ =	shalt  }
0x6f: {  	_ =	shalt  }
0x70: {  	_ =	shalt  }
0x71: {  	_ =	shalt  }
0x72: {  	_ =	shalt  }
0x73: {  	_ =	shalt  }
0x74: {  	_ =	shalt  }
0x75: {  	_ =	shalt  }
0x76: {  	_ =	shalt  }
0x77: {  	_ =	shalt  }
0x78: {  	_ =	shalt  }
0x79: {  	_ =	shalt  }
0x7a: {  	_ =	shalt  }
0x7b: {  	_ =	shalt  }
0x7c: {  	_ =	shalt  }
0x7d: {  	_ =	shalt  }
0x7e: {  	_ =	shalt  }
0x7f: {  	_ =	shalt  }
0x80: {  	_ =	shalt  }
0x81: {  	_ =	shalt  }
0x82: {  	_ =	shalt  }
0x83: {  	_ =	shalt  }
0x84: {  	_ =	shalt  }
0x85: {  	_ =	shalt  }
0x86: {  	_ =	shalt  }
0x87: {  	_ =	shalt  }
.Lfunc_end0:
.L_simem_size_0:
called_computation_lowered:
.L_overlay_start_0:
0x88: {  	s2 =	sld [smem:$0x3FD9]  }
0x89: {  	s3 =	sld [smem:$0x3FFE];
	_ =	sdelay $0x1  }
0x8a: {  	s1 =	srdreg.scid  }
0x8b: {  	s0 =	sand.u32 $0x1, s1  }
0x8c: {  	s17 =	sshll.u32 s0, $0xA;
	s2 =	sadd.s32 s3, s2  }
0x8d: {  	s2 =	sadd.s32 s2, s17  }
0x8e: {  	[smem:$0x3FB4] =	sst s2  }
0x8f: {  	_ = 	snop  }
0x90: {  	s2 =	sld [smem:$0x3FC9]  }
0x91: {  	s18 =	sld [smem:$0x3FC5]  }
0x92: {  	s4 =	sld [smem:$0x3FC4];
	(tm) =	ssettm $0x1  }
0x93: {  	s5 =	sld [smem:$0x3FFB];
	_ =	sdelay $0x3  }
0x94: {  	_ =	strace s5  }
0x95: {  	s5 =	sld [smem:$0x3FFC];
	_ =	sdelay $0x3  }
0x96: {  	_ =	strace s5  }
0x97: {  	s5 =	sld [smem:$0x3FFD];
	_ =	sdelay $0x3  }
0x98: {  	_ =	strace s5  }
0x99: {  	_ =	strace $0x8FFFFFFF  }
0x9a: {  	s19 =	sld [smem:$0x3FDB];
	_ =	sdelay $0x1  }
0x9b: {  	s6 =	simm.s32 $_scs_section_size  }
0x9c: {  	s7 =	simm.s32 $_size__tile_overlayer_lowered;
	s8 =	simm.s32 $_tile_overlayer_lowered  }
0x9d: {  	s22 =	simm.s32 $0x1BFF;
	s21 =	sshll.u32 s8, $0x1;
	s5 =	sadd.s32 s6, s19  }
0x9e: {  	s9 =	simm.s32 $0x0;
	s20 =	sshll.u32 s7, $0x1;
	s7 =	sadd.s32 s21, s5  }
0x9f: {  	[timem:s9], [sflag:s22] =	dma.local [hbm:s7], s20  }
0xa0: {  	_ =	swait.ge [sflag:s22], s20  }
0xa1: {  	s6 =	ssub.s32 $0x0, s20;
	[sflag:s22] =	ssyncset.done $0x0  }
0xa2: {  	[sflag:s22] =	ssyncadd.s32 s6;
	_ =	sdelay $0x1  }
0xa3: {  	s23 =	simm.s32 $0x1B8B  }
0xa4: {  	_ =	swait.ge [sflag:s23], $0x1  }
0xa5: {  	[sflag:s23] =	ssyncset.done $0x0  }
0xa6: {  	s25 =	simm.s32 $0x1B8E;
	s24 =	sld [smem:$0x3FFE];
	[sflag:s23] =	ssyncadd.s32 $0xFFFFFFFF  }
0xa7: {  	s26 =	simm.s32 $execute0_lowered;
	[smem:$0x3FD2] =	sst s25  }
0xa8: {  	s7 =	sshll.u32 s26, $0x1;
	_ =	strace $0x80000046;
	[dreg:$0x1] =	wrdreg $0xFFFFFFFF  }
0xa9: {  	s28 =	simm.s32 $_size_execute0_lowered;
	s5 =	sadd.s32 s5, s7;
	[dreg:$0x0] =	wrdreg $0x0  }
0xaa: {  	s7 =	sshll.u32 s28, $0x1;
	[dreg:$0x2] =	wrdreg s5  }
0xab: {  	[dreg:$0x3] =	wrdreg s7  }
0xac: {  	[dreg:$0x4] =	wrdreg $0xC0  }
0xad: {  	_ =	task [dreg:s9], $0x5FFFF  }
0xae: {  	[dreg:$0x1] =	wrdreg $0xFFFFFFFF  }
0xaf: {  	[dreg:$0x0] =	wrdreg $0x60  }
0xb0: {  	[dreg:$0x2] =	wrdreg s24  }
0xb1: {  	[dreg:$0x3] =	wrdreg s2  }
0xb2: {  	[dreg:$0x4] =	wrdreg s18  }
0xb3: {  	[dreg:$0x5] =	wrdreg s4  }
0xb4: {  	[dreg:$0x6] =	wrdreg $0x9  }
0xb5: {  	_ =	task.clear_ibuf [dreg:s9], $0x7FFFF;
	_ =	strace $0x90000046  }
0xb6: {  	s29 =	simm.s32 $0x9;
	_ =	strace $0x80000048  }
0xb7: {  	_ =	swait.ge [sflag:s29], $0x1  }
0xb8: {  	[sflag:s29] =	ssyncadd.s32 $0xFFFFFFFF  }
0xb9: {  	_ =	strace $0x90000048  }
0xba: {  	_ =	sfence  }
0xbb: {  	s30 =	sld [smem:$0x0];
	_ =	sdelay $0x2  }
0xbc: {  	s31 =	sshll.u32 s1, $0xD;
	s1 =	sshrl.u32 s1, $0x2  }
0xbd: {  	s3 =	sand.u32 $0x4000, s31;
	s1 =	sadd.s32 s1, s30  }
0xbe: {  	s0 =	sor.u32 s3, s0;
	s1 =	sshll.u32 s1, $0x11  }
0xbf: {  	s0 =	sor.u32 s1, s0  }
0xc0: {  	s0 =	sadd.s32 $0x8F2B, s0  }
0xc1: {  	[sflag:s0] =	ssyncadd.remote.s32 $0x1  }
0xc2: {  	_ =	sfence.sel $0xFFFF  }
0xc3: {  	[dreg:$0x0] =	wrdreg $0xFFFFFFFF;
	(pc) =	sbr.abs _section_cstart, $3  }
0xc4: {  	[dreg:$0x1] =	wrdreg $0xFFFFFFFF  }
0xc5: {  	_ =	task.clear_ibuf [dreg:s9], $0x2FFFF;
	_ =	strace $0x9FFFFFFF  }
0xc6: {  	(tm) =	ssettm $0x7FFFFFFF  }
0xc7: {  	_ =	shalt  }
tec
execute0_lowered:
.L_overlay_start_1:
0x0: {  	(tag) =	ssettag $0x1  }
0x1: {  	s0 =	rddreg [dreg:$0x0]  }
0x2: {  	s1 =	rddreg [dreg:$0x1]  }
0x3: {  	s6 =	rddreg [dreg:$0x2]  }
0x4: {  	s7 =	rddreg [dreg:$0x3];
	s2 =	simm.s32 $0x0  }
0x5: {  	s3 =	srdreg.scid;
	s4 =	stileid.u32;
	s20 =	simm.s32 $0x9  }
0x6: {  	s21 =	simm.s32 $0x40;
	s22 =	simm.s32 $0x600;
	s29 =	simm.s32 $0x12600  }
0x7: {  	s18 =	simm.s32 $0x16600;
	s19 =	simm.s32 $0x1;
	s28 =	simm.s32 $0x6  }
0x8: {  	s30 =	simm.s32 $0x3;
	[smem:$0x7FF] =	sst s2;
	s5 =	sand.u32 $0x1, s3  }
0x9: {  	s3 =	sadd.s32 $0x2C00, s0;
	s8 =	sshll.u32 s4, $0xA;
	s4 =	sadd.s32 $0x29A00, s0  }
0xa: {  	_ =	strace $0x80000047;
	s9 =	sshll.u32 s5, $0x9;
	s23 =	ssub.s32 $0x2, s5  }
0xb: {  	s5 =	sadd.s32 $0x1A600, s0;
	s8 =	sor.u32 s9, s8;
	s11 =	sshrl.u32 s23, $0x1  }
0xc: {  	s10 =	sshll.u32 s8, $0x4;
	s9 =	ssub.s32 s23, s11;
	s8 =	sshrl.u32 s8, $0x3  }
0xd: {  	s23 =	simm.s32 $0x5;
	s0 =	sadd.s32 s10, s0;
	s1 =	sadd.s32 s1, s8  }
0xe: {  	s24 =	sadd.s32 s6, s8;
	s25 =	sadd.s32 s7, s8;
	[dreg:$0x5] =	wrdreg s1  }
0xf: {  	s17 =	smax.u32 s9, $0x1;
	s6 =	simm.s32 $0x7;
	[dreg:$0x6] =	wrdreg s24  }
0x10: {  	s7 =	simm.s32 $0x8;
	s8 =	simm.s32 $0x0;
	[dreg:$0x7] =	wrdreg s25  }
0x11: {  	s26 =	sadd.s32 $0x37200, s0;
	s31 =	sadd.s32 $0x37600, s0;
	s11 =	sadd.s32 $0x37A00, s0  }
0x12: {  	s12 =	sadd.s32 $0x37E00, s0;
	s13 =	sadd.s32 $0x38200, s0;
	s14 =	sadd.s32 $0x38600, s0  }
0x13: {  	s15 =	sadd.s32 $0x38A00, s0;
	s16 =	sadd.s32 $0x38E00, s0;
	s25 =	simm.s32 $0x6600  }
0x14: {  	s0 =	simm.s32 $0xC600;
	s1 =	simm.s32 $0x14600;
	[dreg:$0x8] =	wrdreg s26  }
0x15: {  	s24 =	simm.s32 $0x2;
	[dreg:$0x9] =	wrdreg s31;
	s26 =	simm.s32 $0x4  }
.LBB2_1:
0x16: {  	s9 =	rddreg [dreg:$0x5]  }
0x17: {  	[tilespmem:s2], [sflag:$0x9] =	stream.linear.gather [hbm4b:s9+s2], $0x200, $0x38;
	[tilespmem:$0x18600] =	vst v63  }
0x18: {  	s10 =	simm.s32 $0x200;
	s9 =	rddreg [dreg:$0x6]  }
0x19: {  	[tilespmem:s10], [sflag:$0x9] =	stream.linear.gather [hbm4b:s9+s2], $0x200, $0x38;
	[tilespmem:$0x18600] =	vst v63  }
0x1a: {  	s9 =	rddreg [dreg:$0x7];
	s10 =	simm.s32 $0x400  }
0x1b: {  	[tilespmem:s10], [sflag:$0x9] =	stream.linear.gather [hbm4b:s9+s2], $0x200, $0x38;
	[tilespmem:$0x18600] =	vst v63  }
0x1c: {  	_ =	swait.ge [sflag:s20], $0x200  }
0x1d: {  	[sflag:s20] =	ssyncset.done $0x0  }
0x1e: {  	[sflag:s20] =	ssyncadd.s32 $0xFFFFFE00  }
0x1f: {  	_ =	swait.ge [sflag:s20], $0x200  }
0x20: {  	[sflag:s20] =	ssyncset.done $0x0  }
0x21: {  	[sflag:s20] =	ssyncadd.s32 $0xFFFFFE00  }
0x22: {  	_ =	swait.ge [sflag:s20], $0x200  }
0x23: {  	[sflag:s20] =	ssyncset.done $0x0  }
0x24: {  	[sflag:s20] =	ssyncadd.s32 $0xFFFFFE00  }
0x25: {  	v0 =	vld [tilespmem:s2+$0x0];
	_ =	sdelay $0x4  }
0x26: {  	v0 =	vadd.s32 $0xFFFFFFFF, v0  }
0x27: {  	s10 =	sand.u32 $0xF0, s2;
	[tilespmem:s2+$0x0] =	vst v0  }
0x28: {  	v0 =	vld [tilespmem:s10+$0x400];
	_ =	sdelay $0x4  }
0x29: {  	s31 =	simm.s32 $0x0;
	s9 =	simm.s32 $0x10;
	v0 =	vadd.s32 $0xFFFFFFFF, v0  }
.LBB2_2:
0x2a: {  	p0 =	sne.s32 s9, $0xB0  }
0x2b: {  	[tilespmem:s10+$0x400] =	vst v0;
	s31 =	sadd.s32 $0x10, s31;
	s10 =	smov.u32 s9;
	s9 =	sadd.s32 $0x10, s9  }
0x2c: {  	v0 =	vld [tilespmem:s31+$0x0];
	_ =	sdelay $0x4  }
0x2d: {  	v0 =	vadd.s32 $0xFFFFFFFF, v0  }
0x2e: {  	s10 =	sand.u32 $0xF0, s10;
	[tilespmem:s31+$0x0] =	vst v0  }
0x2f: {  	v0 =	vld [tilespmem:s10+$0x400]  }
.Ltmp0:
0x30: {  	(pc) =	sbr.rel @p0 .LBB2_2-.Ltmp0, $2  }
0x31: {  	_ =	sdelay $0x2  }
0x32: {  	v0 =	vadd.s32 $0xFFFFFFFF, v0  }
0x33: {  	[tilespmem:s10+$0x400] =	vst v0;
	s9 =	simm.s32 $0x0  }
0x34: {  	[tilespmem:s22], [sflag:$0x1] =	stream.indirect.gather [hbm4b:s3+s21], $0x80, s9, s21, $0xb8;
	[tilespmem:$0x18600] =	vst v63  }
0x35: {  	s10 =	simm.s32 $0x2600;
	s9 =	simm.s32 $0x200  }
0x36: {  	[tilespmem:s10], [sflag:$0x1] =	stream.indirect.gather [hbm4b:s4+s21], $0x80, s9, s21, $0xb8;
	[tilespmem:$0x18600] =	vst v63  }
0x37: {  	s9 =	simm.s32 $0x400;
	s10 =	simm.s32 $0x4600  }
0x38: {  	[tilespmem:s10], [sflag:$0x1] =	stream.indirect.gather [hbm4b:s5+s21], $0x80, s9, s21, $0xb8;
	[tilespmem:$0x18600] =	vst v63  }
0x39: {  	_ = 	snop  }
0x3a: {  	[tilespmem:s25], [sflag:$0x2] =	stream.indirect.gather [hbm4b:s3+s21], $0x80, s21, s21, $0xb8;
	[tilespmem:$0x18600] =	vst v63  }
0x3b: {  	s9 =	simm.s32 $0x240;
	s10 =	simm.s32 $0x8600  }
0x3c: {  	[tilespmem:s10], [sflag:$0x2] =	stream.indirect.gather [hbm4b:s4+s21], $0x80, s9, s21, $0xb8;
	[tilespmem:$0x18600] =	vst v63  }
0x3d: {  	s9 =	simm.s32 $0x440;
	s10 =	simm.s32 $0xA600  }
0x3e: {  	[tilespmem:s10], [sflag:$0x2] =	stream.indirect.gather [hbm4b:s5+s21], $0x80, s9, s21, $0xb8;
	[tilespmem:$0x18600] =	vst v63  }
0x3f: {  	s10 =	simm.s32 $0x80  }
0x40: {  	[tilespmem:s0], [sflag:$0x3] =	stream.indirect.gather [hbm4b:s3+s21], $0x80, s10, s21, $0xb8;
	[tilespmem:$0x18600] =	vst v63  }
0x41: {  	s9 =	simm.s32 $0x280;
	s10 =	simm.s32 $0xE600  }
0x42: {  	[tilespmem:s10], [sflag:$0x3] =	stream.indirect.gather [hbm4b:s4+s21], $0x80, s9, s21, $0xb8;
	[tilespmem:$0x18600] =	vst v63  }
0x43: {  	s9 =	simm.s32 $0x480;
	s10 =	simm.s32 $0x10600  }
0x44: {  	[tilespmem:s10], [sflag:$0x3] =	stream.indirect.gather [hbm4b:s5+s21], $0x80, s9, s21, $0xb8;
	[tilespmem:$0x18600] =	vst v63  }
0x45: {  	s9 =	simm.s32 $0x0  }
0x46: {  	s31 =	simm.s32 $0x40;
	v0 =	vld [tilespmem:s9+$0xC0]  }
.LBB2_4:
0x47: {  	p0 =	sne.s32 s31, $0x4C0;
	v1 =	vld [tilespmem:s9+$0x4C0];
	_ =	sdelay $0x1  }
.Ltmp1:
0x48: {  	(pc) =	sbr.rel @p0 .LBB2_4-.Ltmp1, $4  }
0x49: {  	_ = 	snop  }
0x4a: {  	v0 =	vadd.s32 $0xFFFFFFFF, v0  }
0x4b: {  	s10 =	sshra.s32 s31, $0x2;
	[tilespmem:s9+$0xC0] =	vst v0;
	v1 =	vadd.s32 $0xFFFFFFFF, v1  }
0x4c: {  	s31 =	sadd.s32 $0x40, s31;
	v0 =	vld [tilespmem:s10+$0xC0];
	[tilespmem:s9+$0x4C0] =	vst v1;
	s9 =	smov.u32 s10  }
0x4d: {  	v1 =	vld [tilespmem:s9+$0x4C0];
	_ =	sdelay $0x3  }
0x4e: {  	v0 =	vadd.s32 $0xFFFFFFFF, v0  }
0x4f: {  	[tilespmem:s9+$0xC0] =	vst v0;
	v0 =	vadd.s32 $0xFFFFFFFF, v1  }
0x50: {  	s10 =	simm.s32 $0xC0;
	[tilespmem:s9+$0x4C0] =	vst v0  }
0x51: {  	[tilespmem:s29], [sflag:$0x4] =	stream.indirect.gather [hbm4b:s3+s21], $0x80, s10, s21, $0xb8;
	[tilespmem:$0x18600] =	vst v63  }
0x52: {  	s10 =	simm.s32 $0x2C0  }
0x53: {  	[tilespmem:s1], [sflag:$0x4] =	stream.indirect.gather [hbm4b:s4+s21], $0x80, s10, s21, $0xb8;
	[tilespmem:$0x18600] =	vst v63  }
0x54: {  	s10 =	simm.s32 $0x4C0  }
0x55: {  	[tilespmem:s18], [sflag:$0x4] =	stream.indirect.gather [hbm4b:s5+s21], $0x80, s10, s21, $0xb8;
	[tilespmem:$0x18600] =	vst v63  }
0x56: {  	_ =	swait.ge [sflag:s19], $0x2000  }
0x57: {  	[sflag:s19] =	ssyncset.done $0x0  }
0x58: {  	[sflag:s19] =	ssyncadd.s32 $0xFFFFE000  }
0x59: {  	_ =	swait.ge [sflag:s19], $0x2000  }
0x5a: {  	[sflag:s19] =	ssyncset.done $0x0  }
0x5b: {  	[sflag:s19] =	ssyncadd.s32 $0xFFFFE000  }
0x5c: {  	_ =	swait.ge [sflag:s19], $0x2000  }
0x5d: {  	[sflag:s19] =	ssyncset.done $0x0  }
0x5e: {  	s31 =	simm.s32 $0x0;
	[sflag:s19] =	ssyncadd.s32 $0xFFFFE000  }
0x5f: {  	s9 =	simm.s32 $0x400;
	v0 =	vld [tilespmem:s31+$0x26F0]  }
.LBB2_6:
0x60: {  	p0 =	sne.s32 s9, $0x7C00;
	v1 =	vld [tilespmem:s31+$0x46F0]  }
0x61: {  	v2 =	vld [tilespmem:s31+$0x2600]  }
0x62: {  	v3 =	vld [tilespmem:s31+$0x4600]  }
0x63: {  	v4 =	vld [tilespmem:s31+$0x2610]  }
0x64: {  	v5 =	vld [tilespmem:s31+$0x4610]  }
0x65: {  	v6 =	vld [tilespmem:s31+$0x2620];
	v0 =	vadd.f32 v1, v0  }
0x66: {  	v1 =	vld [tilespmem:s31+$0x4620]  }
0x67: {  	v2 =	vadd.f32 v3, v2;
	[tilespmem:s31+$0x6F0] =	vst.add.f32.msk $0xffff, v0  }
0x68: {  	v0 =	vld [tilespmem:s31+$0x2630]  }
0x69: {  	v3 =	vadd.f32 v5, v4;
	v4 =	vld [tilespmem:s31+$0x4630]  }
0x6a: {  	v5 =	vld [tilespmem:s31+$0x2640]  }
0x6b: {  	v1 =	vadd.f32 v1, v6;
	v6 =	vld [tilespmem:s31+$0x4640]  }
0x6c: {  	v7 =	vld [tilespmem:s31+$0x2650]  }
0x6d: {  	v8 =	vld [tilespmem:s31+$0x4650]  }
0x6e: {  	v0 =	vadd.f32 v4, v0;
	v4 =	vld [tilespmem:s31+$0x2660]  }
0x6f: {  	v9 =	vld [tilespmem:s31+$0x4660]  }
0x70: {  	v5 =	vadd.f32 v6, v5;
	v6 =	vld [tilespmem:s31+$0x2670]  }
0x71: {  	v10 =	vld [tilespmem:s31+$0x4670]  }
0x72: {  	v7 =	vadd.f32 v8, v7;
	v8 =	vld [tilespmem:s31+$0x2680]  }
0x73: {  	v11 =	vld [tilespmem:s31+$0x4680]  }
0x74: {  	v4 =	vadd.f32 v9, v4;
	v9 =	vld [tilespmem:s31+$0x2690]  }
0x75: {  	v12 =	vld [tilespmem:s31+$0x4690]  }
0x76: {  	v6 =	vadd.f32 v10, v6;
	v10 =	vld [tilespmem:s31+$0x26A0]  }
0x77: {  	v13 =	vld [tilespmem:s31+$0x46A0]  }
0x78: {  	v8 =	vadd.f32 v11, v8;
	v11 =	vld [tilespmem:s31+$0x26B0]  }
0x79: {  	v14 =	vld [tilespmem:s31+$0x46B0]  }
0x7a: {  	v9 =	vadd.f32 v12, v9;
	v12 =	vld [tilespmem:s31+$0x26C0]  }
0x7b: {  	v15 =	vld [tilespmem:s31+$0x46C0]  }
0x7c: {  	v10 =	vadd.f32 v13, v10;
	v13 =	vld [tilespmem:s31+$0x26D0]  }
0x7d: {  	v16 =	vld [tilespmem:s31+$0x46D0]  }
0x7e: {  	v11 =	vadd.f32 v14, v11;
	v14 =	vld [tilespmem:s31+$0x26E0]  }
0x7f: {  	v17 =	vld [tilespmem:s31+$0x46E0]  }
0x80: {  	[tilespmem:s31+$0x600] =	vst.add.f32.msk $0xffff, v2;
	v2 =	vadd.f32 v15, v12  }
0x81: {  	[tilespmem:s31+$0x610] =	vst.add.f32.msk $0xffff, v3  }
0x82: {  	[tilespmem:s31+$0x620] =	vst.add.f32.msk $0xffff, v1;
	v1 =	vadd.f32 v16, v13  }
0x83: {  	[tilespmem:s31+$0x630] =	vst.add.f32.msk $0xffff, v0  }
0x84: {  	[tilespmem:s31+$0x640] =	vst.add.f32.msk $0xffff, v5;
	v0 =	vadd.f32 v17, v14  }
0x85: {  	[tilespmem:s31+$0x650] =	vst.add.f32.msk $0xffff, v7  }
0x86: {  	[tilespmem:s31+$0x660] =	vst.add.f32.msk $0xffff, v4  }
0x87: {  	[tilespmem:s31+$0x670] =	vst.add.f32.msk $0xffff, v6  }
0x88: {  	[tilespmem:s31+$0x680] =	vst.add.f32.msk $0xffff, v8  }
0x89: {  	[tilespmem:s31+$0x690] =	vst.add.f32.msk $0xffff, v9  }
0x8a: {  	[tilespmem:s31+$0x6A0] =	vst.add.f32.msk $0xffff, v10  }
.Ltmp2:
0x8b: {  	[tilespmem:s31+$0x6B0] =	vst.add.f32.msk $0xffff, v11;
	(pc) =	sbr.rel @p0 .LBB2_6-.Ltmp2, $4  }
0x8c: {  	[tilespmem:s31+$0x6C0] =	vst.add.f32.msk $0xffff, v2  }
0x8d: {  	[tilespmem:s31+$0x6D0] =	vst.add.f32.msk $0xffff, v1  }
0x8e: {  	[tilespmem:s31+$0x6E0] =	vst.add.f32.msk $0xffff, v0;
	s31 =	sshra.s32 s9, $0x2  }
0x8f: {  	s9 =	sadd.s32 $0x400, s9;
	v0 =	vld [tilespmem:s31+$0x26F0]  }
0x90: {  	v1 =	vld [tilespmem:s31+$0x46F0]  }
0x91: {  	v2 =	vld [tilespmem:s31+$0x2600]  }
0x92: {  	v3 =	vld [tilespmem:s31+$0x4600]  }
0x93: {  	v4 =	vld [tilespmem:s31+$0x2610]  }
0x94: {  	v5 =	vld [tilespmem:s31+$0x4610]  }
0x95: {  	v6 =	vld [tilespmem:s31+$0x2620]  }
0x96: {  	v7 =	vld [tilespmem:s31+$0x4630]  }
0x97: {  	v8 =	vld [tilespmem:s31+$0x2640]  }
0x98: {  	v9 =	vld [tilespmem:s31+$0x4640]  }
0x99: {  	v10 =	vld [tilespmem:s31+$0x2650]  }
0x9a: {  	v11 =	vld [tilespmem:s31+$0x4650]  }
0x9b: {  	v12 =	vld [tilespmem:s31+$0x2660]  }
0x9c: {  	v13 =	vld [tilespmem:s31+$0x4660]  }
0x9d: {  	v14 =	vld [tilespmem:s31+$0x2670]  }
0x9e: {  	v15 =	vld [tilespmem:s31+$0x4670]  }
0x9f: {  	v16 =	vld [tilespmem:s31+$0x2680]  }
0xa0: {  	v17 =	vld [tilespmem:s31+$0x4680]  }
0xa1: {  	v18 =	vld [tilespmem:s31+$0x2690]  }
0xa2: {  	v19 =	vld [tilespmem:s31+$0x4690]  }
0xa3: {  	v20 =	vld [tilespmem:s31+$0x26A0]  }
0xa4: {  	v21 =	vld [tilespmem:s31+$0x46A0]  }
0xa5: {  	v22 =	vld [tilespmem:s31+$0x26B0]  }
0xa6: {  	v23 =	vld [tilespmem:s31+$0x46B0]  }
0xa7: {  	v24 =	vld [tilespmem:s31+$0x26C0]  }
0xa8: {  	v25 =	vld [tilespmem:s31+$0x46C0]  }
0xa9: {  	v26 =	vld [tilespmem:s31+$0x26D0]  }
0xaa: {  	v27 =	vld [tilespmem:s31+$0x46D0]  }
0xab: {  	v63 =	vld [tilespmem:s31+$0x46E0];
	v0 =	vadd.f32 v1, v0  }
0xac: {  	v1 =	vld [tilespmem:s31+$0x4620]  }
0xad: {  	v2 =	vadd.f32 v3, v2;
	[tilespmem:s31+$0x6F0] =	vst.add.f32.msk $0xffff, v0  }
0xae: {  	v0 =	vld [tilespmem:s31+$0x2630]  }
0xaf: {  	[tilespmem:s31+$0x600] =	vst.add.f32.msk $0xffff, v2;
	v2 =	vadd.f32 v9, v8  }
0xb0: {  	v3 =	vld [tilespmem:s31+$0x26E0];
	v4 =	vadd.f32 v5, v4  }
0xb1: {  	[tilespmem:s31+$0x640] =	vst.add.f32.msk $0xffff, v2;
	v2 =	vadd.f32 v15, v14  }
0xb2: {  	[tilespmem:s31+$0x610] =	vst.add.f32.msk $0xffff, v4;
	v1 =	vadd.f32 v1, v6  }
0xb3: {  	[tilespmem:s31+$0x670] =	vst.add.f32.msk $0xffff, v2;
	v2 =	vadd.f32 v21, v20  }
0xb4: {  	v0 =	vadd.f32 v7, v0;
	[tilespmem:s31+$0x620] =	vst.add.f32.msk $0xffff, v1  }
0xb5: {  	v1 =	vadd.f32 v11, v10;
	[tilespmem:s31+$0x6A0] =	vst.add.f32.msk $0xffff, v2  }
0xb6: {  	v2 =	vadd.f32 v27, v26;
	[tilespmem:s31+$0x630] =	vst.add.f32.msk $0xffff, v0  }
0xb7: {  	v0 =	vadd.f32 v13, v12;
	[tilespmem:s31+$0x650] =	vst.add.f32.msk $0xffff, v1  }
0xb8: {  	v1 =	vadd.f32 v17, v16;
	[tilespmem:s31+$0x6D0] =	vst.add.f32.msk $0xffff, v2  }
0xb9: {  	[tilespmem:s31+$0x660] =	vst.add.f32.msk $0xffff, v0;
	v0 =	vadd.f32 v19, v18  }
0xba: {  	[tilespmem:s31+$0x680] =	vst.add.f32.msk $0xffff, v1;
	v1 =	vadd.f32 v23, v22  }
0xbb: {  	[tilespmem:s31+$0x690] =	vst.add.f32.msk $0xffff, v0;
	v0 =	vadd.f32 v25, v24  }
0xbc: {  	[tilespmem:s31+$0x6B0] =	vst.add.f32.msk $0xffff, v1;
	v1 =	vadd.f32 v63, v3  }
0xbd: {  	[tilespmem:s31+$0x6C0] =	vst.add.f32.msk $0xffff, v0  }
0xbe: {  	s9 =	simm.s32 $0x0;
	s10 =	rddreg [dreg:$0x8];
	[tilespmem:s31+$0x6E0] =	vst.add.f32.msk $0xffff, v1  }
0xbf: {  	[hbm4b:s10+s9] =	stream.linear.scatter [tilespmem:s22], [sflag:$0x5], $0x2000, $0x38;
	[tilespmem:$0x18600] =	vst v63  }
0xc0: {  	_ =	swait.ge [sflag:s23], $0x2000  }
0xc1: {  	[sflag:s23] =	ssyncset.done $0x0  }
0xc2: {  	s10 =	simm.s32 $0x100;
	[sflag:s23] =	ssyncadd.s32 $0xFFFFE000  }
0xc3: {  	[tilespmem:s22], [sflag:$0x1] =	stream.indirect.gather [hbm4b:s3+s21], $0x80, s10, s21, $0xb8;
	[tilespmem:$0x18600] =	vst v63  }
0xc4: {  	s9 =	simm.s32 $0x2600;
	s10 =	simm.s32 $0x300  }
0xc5: {  	[tilespmem:s9], [sflag:$0x1] =	stream.indirect.gather [hbm4b:s4+s21], $0x80, s10, s21, $0xb8;
	[tilespmem:$0x18600] =	vst v63  }
0xc6: {  	s9 =	simm.s32 $0x4600;
	s10 =	simm.s32 $0x500  }
0xc7: {  	[tilespmem:s9], [sflag:$0x1] =	stream.indirect.gather [hbm4b:s5+s21], $0x80, s10, s21, $0xb8;
	[tilespmem:$0x18600] =	vst v63  }
0xc8: {  	_ =	swait.ge [sflag:s24], $0x2000  }
0xc9: {  	[sflag:s24] =	ssyncset.done $0x0  }
0xca: {  	[sflag:s24] =	ssyncadd.s32 $0xFFFFE000  }
0xcb: {  	_ =	swait.ge [sflag:s24], $0x2000  }
0xcc: {  	[sflag:s24] =	ssyncset.done $0x0  }
0xcd: {  	[sflag:s24] =	ssyncadd.s32 $0xFFFFE000  }
0xce: {  	_ =	swait.ge [sflag:s24], $0x2000  }
0xcf: {  	[sflag:s24] =	ssyncset.done $0x0  }
0xd0: {  	s31 =	simm.s32 $0x0;
	[sflag:s24] =	ssyncadd.s32 $0xFFFFE000  }
0xd1: {  	s9 =	simm.s32 $0x400;
	v0 =	vld [tilespmem:s31+$0x86F0]  }
.LBB2_8:
0xd2: {  	p0 =	sne.s32 s9, $0x7C00;
	v1 =	vld [tilespmem:s31+$0xA6F0]  }
0xd3: {  	v2 =	vld [tilespmem:s31+$0x8600]  }
0xd4: {  	v3 =	vld [tilespmem:s31+$0xA600]  }
0xd5: {  	v4 =	vld [tilespmem:s31+$0x8610]  }
0xd6: {  	v5 =	vld [tilespmem:s31+$0xA610]  }
0xd7: {  	v6 =	vld [tilespmem:s31+$0x8620];
	v0 =	vadd.f32 v1, v0  }
0xd8: {  	v1 =	vld [tilespmem:s31+$0xA620]  }
0xd9: {  	v2 =	vadd.f32 v3, v2;
	[tilespmem:s31+$0x66F0] =	vst.add.f32.msk $0xffff, v0  }
0xda: {  	v0 =	vld [tilespmem:s31+$0x8630]  }
0xdb: {  	v3 =	vadd.f32 v5, v4;
	v4 =	vld [tilespmem:s31+$0xA630]  }
0xdc: {  	v5 =	vld [tilespmem:s31+$0x8640]  }
0xdd: {  	v1 =	vadd.f32 v1, v6;
	v6 =	vld [tilespmem:s31+$0xA640]  }
0xde: {  	v7 =	vld [tilespmem:s31+$0x8650]  }
0xdf: {  	v8 =	vld [tilespmem:s31+$0xA650]  }
0xe0: {  	v0 =	vadd.f32 v4, v0;
	v4 =	vld [tilespmem:s31+$0x8660]  }
0xe1: {  	v9 =	vld [tilespmem:s31+$0xA660]  }
0xe2: {  	v5 =	vadd.f32 v6, v5;
	v6 =	vld [tilespmem:s31+$0x8670]  }
0xe3: {  	v10 =	vld [tilespmem:s31+$0xA670]  }
0xe4: {  	v7 =	vadd.f32 v8, v7;
	v8 =	vld [tilespmem:s31+$0x8680]  }
0xe5: {  	v11 =	vld [tilespmem:s31+$0xA680]  }
0xe6: {  	v4 =	vadd.f32 v9, v4;
	v9 =	vld [tilespmem:s31+$0x8690]  }
0xe7: {  	v12 =	vld [tilespmem:s31+$0xA690]  }
0xe8: {  	v6 =	vadd.f32 v10, v6;
	v10 =	vld [tilespmem:s31+$0x86A0]  }
0xe9: {  	v13 =	vld [tilespmem:s31+$0xA6A0]  }
0xea: {  	v8 =	vadd.f32 v11, v8;
	v11 =	vld [tilespmem:s31+$0x86B0]  }
0xeb: {  	v14 =	vld [tilespmem:s31+$0xA6B0]  }
0xec: {  	v9 =	vadd.f32 v12, v9;
	v12 =	vld [tilespmem:s31+$0x86C0]  }
0xed: {  	v15 =	vld [tilespmem:s31+$0xA6C0]  }
0xee: {  	v10 =	vadd.f32 v13, v10;
	v13 =	vld [tilespmem:s31+$0x86D0]  }
0xef: {  	v16 =	vld [tilespmem:s31+$0xA6D0]  }
0xf0: {  	v11 =	vadd.f32 v14, v11;
	v14 =	vld [tilespmem:s31+$0x86E0]  }
0xf1: {  	v17 =	vld [tilespmem:s31+$0xA6E0]  }
0xf2: {  	[tilespmem:s31+$0x6600] =	vst.add.f32.msk $0xffff, v2;
	v2 =	vadd.f32 v15, v12  }
0xf3: {  	[tilespmem:s31+$0x6610] =	vst.add.f32.msk $0xffff, v3  }
0xf4: {  	[tilespmem:s31+$0x6620] =	vst.add.f32.msk $0xffff, v1;
	v1 =	vadd.f32 v16, v13  }
0xf5: {  	[tilespmem:s31+$0x6630] =	vst.add.f32.msk $0xffff, v0  }
0xf6: {  	[tilespmem:s31+$0x6640] =	vst.add.f32.msk $0xffff, v5;
	v0 =	vadd.f32 v17, v14  }
0xf7: {  	[tilespmem:s31+$0x6650] =	vst.add.f32.msk $0xffff, v7  }
0xf8: {  	[tilespmem:s31+$0x6660] =	vst.add.f32.msk $0xffff, v4  }
0xf9: {  	[tilespmem:s31+$0x6670] =	vst.add.f32.msk $0xffff, v6  }
0xfa: {  	[tilespmem:s31+$0x6680] =	vst.add.f32.msk $0xffff, v8  }
0xfb: {  	[tilespmem:s31+$0x6690] =	vst.add.f32.msk $0xffff, v9  }
0xfc: {  	[tilespmem:s31+$0x66A0] =	vst.add.f32.msk $0xffff, v10  }
.Ltmp3:
0xfd: {  	[tilespmem:s31+$0x66B0] =	vst.add.f32.msk $0xffff, v11;
	(pc) =	sbr.rel @p0 .LBB2_8-.Ltmp3, $4  }
0xfe: {  	[tilespmem:s31+$0x66C0] =	vst.add.f32.msk $0xffff, v2  }
0xff: {  	[tilespmem:s31+$0x66D0] =	vst.add.f32.msk $0xffff, v1  }
0x100: {  	[tilespmem:s31+$0x66E0] =	vst.add.f32.msk $0xffff, v0;
	s31 =	sshra.s32 s9, $0x2  }
0x101: {  	s9 =	sadd.s32 $0x400, s9;
	v0 =	vld [tilespmem:s31+$0x86F0]  }
0x102: {  	v1 =	vld [tilespmem:s31+$0xA6F0]  }
0x103: {  	v2 =	vld [tilespmem:s31+$0x8600]  }
0x104: {  	v3 =	vld [tilespmem:s31+$0xA600]  }
0x105: {  	v4 =	vld [tilespmem:s31+$0x8610]  }
0x106: {  	v5 =	vld [tilespmem:s31+$0xA610]  }
0x107: {  	v6 =	vld [tilespmem:s31+$0x8620]  }
0x108: {  	v7 =	vld [tilespmem:s31+$0xA630]  }
0x109: {  	v8 =	vld [tilespmem:s31+$0x8640]  }
0x10a: {  	v9 =	vld [tilespmem:s31+$0xA640]  }
0x10b: {  	v10 =	vld [tilespmem:s31+$0x8650]  }
0x10c: {  	v11 =	vld [tilespmem:s31+$0xA650]  }
0x10d: {  	v12 =	vld [tilespmem:s31+$0x8660]  }
0x10e: {  	v13 =	vld [tilespmem:s31+$0xA660]  }
0x10f: {  	v14 =	vld [tilespmem:s31+$0x8670]  }
0x110: {  	v15 =	vld [tilespmem:s31+$0xA670]  }
0x111: {  	v16 =	vld [tilespmem:s31+$0x8680]  }
0x112: {  	v17 =	vld [tilespmem:s31+$0xA680]  }
0x113: {  	v18 =	vld [tilespmem:s31+$0x8690]  }
0x114: {  	v19 =	vld [tilespmem:s31+$0xA690]  }
0x115: {  	v20 =	vld [tilespmem:s31+$0x86A0]  }
0x116: {  	v21 =	vld [tilespmem:s31+$0xA6A0]  }
0x117: {  	v22 =	vld [tilespmem:s31+$0x86B0]  }
0x118: {  	v23 =	vld [tilespmem:s31+$0xA6B0]  }
0x119: {  	v24 =	vld [tilespmem:s31+$0x86C0]  }
0x11a: {  	v25 =	vld [tilespmem:s31+$0xA6C0]  }
0x11b: {  	v26 =	vld [tilespmem:s31+$0x86D0]  }
0x11c: {  	v27 =	vld [tilespmem:s31+$0xA6D0]  }
0x11d: {  	v63 =	vld [tilespmem:s31+$0xA6E0];
	v0 =	vadd.f32 v1, v0  }
0x11e: {  	v1 =	vld [tilespmem:s31+$0xA620]  }
0x11f: {  	v2 =	vadd.f32 v3, v2;
	[tilespmem:s31+$0x66F0] =	vst.add.f32.msk $0xffff, v0  }
0x120: {  	v0 =	vld [tilespmem:s31+$0x8630]  }
0x121: {  	[tilespmem:s31+$0x6600] =	vst.add.f32.msk $0xffff, v2;
	v2 =	vadd.f32 v9, v8  }
0x122: {  	v3 =	vld [tilespmem:s31+$0x86E0];
	v4 =	vadd.f32 v5, v4  }
0x123: {  	[tilespmem:s31+$0x6640] =	vst.add.f32.msk $0xffff, v2;
	v2 =	vadd.f32 v15, v14  }
0x124: {  	[tilespmem:s31+$0x6610] =	vst.add.f32.msk $0xffff, v4;
	v1 =	vadd.f32 v1, v6  }
0x125: {  	[tilespmem:s31+$0x6670] =	vst.add.f32.msk $0xffff, v2;
	v2 =	vadd.f32 v21, v20  }
0x126: {  	v0 =	vadd.f32 v7, v0;
	[tilespmem:s31+$0x6620] =	vst.add.f32.msk $0xffff, v1  }
0x127: {  	v1 =	vadd.f32 v11, v10;
	[tilespmem:s31+$0x66A0] =	vst.add.f32.msk $0xffff, v2  }
0x128: {  	v2 =	vadd.f32 v27, v26;
	[tilespmem:s31+$0x6630] =	vst.add.f32.msk $0xffff, v0  }
0x129: {  	v0 =	vadd.f32 v13, v12;
	[tilespmem:s31+$0x6650] =	vst.add.f32.msk $0xffff, v1  }
0x12a: {  	v1 =	vadd.f32 v17, v16;
	[tilespmem:s31+$0x66D0] =	vst.add.f32.msk $0xffff, v2  }
0x12b: {  	[tilespmem:s31+$0x6660] =	vst.add.f32.msk $0xffff, v0;
	v0 =	vadd.f32 v19, v18  }
0x12c: {  	[tilespmem:s31+$0x6680] =	vst.add.f32.msk $0xffff, v1;
	v1 =	vadd.f32 v23, v22  }
0x12d: {  	[tilespmem:s31+$0x6690] =	vst.add.f32.msk $0xffff, v0;
	v0 =	vadd.f32 v25, v24  }
0x12e: {  	[tilespmem:s31+$0x66B0] =	vst.add.f32.msk $0xffff, v1;
	v1 =	vadd.f32 v63, v3  }
0x12f: {  	[tilespmem:s31+$0x66C0] =	vst.add.f32.msk $0xffff, v0  }
0x130: {  	s9 =	simm.s32 $0x0;
	s10 =	rddreg [dreg:$0x9];
	[tilespmem:s31+$0x66E0] =	vst.add.f32.msk $0xffff, v1  }
0x131: {  	[hbm4b:s10+s9] =	stream.linear.scatter [tilespmem:s25], [sflag:$0x6], $0x2000, $0x38;
	[tilespmem:$0x18600] =	vst v63  }
0x132: {  	_ =	swait.ge [sflag:s28], $0x2000  }
0x133: {  	[sflag:s28] =	ssyncset.done $0x0  }
0x134: {  	s10 =	simm.s32 $0x140;
	[sflag:s28] =	ssyncadd.s32 $0xFFFFE000  }
0x135: {  	[tilespmem:s25], [sflag:$0x2] =	stream.indirect.gather [hbm4b:s3+s21], $0x80, s10, s21, $0xb8;
	[tilespmem:$0x18600] =	vst v63  }
0x136: {  	s9 =	simm.s32 $0x8600;
	s10 =	simm.s32 $0x340  }
0x137: {  	[tilespmem:s9], [sflag:$0x2] =	stream.indirect.gather [hbm4b:s4+s21], $0x80, s10, s21, $0xb8;
	[tilespmem:$0x18600] =	vst v63  }
0x138: {  	s9 =	simm.s32 $0xA600;
	s10 =	simm.s32 $0x540  }
0x139: {  	[tilespmem:s9], [sflag:$0x2] =	stream.indirect.gather [hbm4b:s5+s21], $0x80, s10, s21, $0xb8;
	[tilespmem:$0x18600] =	vst v63  }
0x13a: {  	_ =	swait.ge [sflag:s30], $0x2000  }
0x13b: {  	[sflag:s30] =	ssyncset.done $0x0  }
0x13c: {  	[sflag:s30] =	ssyncadd.s32 $0xFFFFE000  }
0x13d: {  	_ =	swait.ge [sflag:s30], $0x2000  }
0x13e: {  	[sflag:s30] =	ssyncset.done $0x0  }
0x13f: {  	[sflag:s30] =	ssyncadd.s32 $0xFFFFE000  }
0x140: {  	_ =	swait.ge [sflag:s30], $0x2000  }
0x141: {  	[sflag:s30] =	ssyncset.done $0x0  }
0x142: {  	s31 =	simm.s32 $0x0;
	[sflag:s30] =	ssyncadd.s32 $0xFFFFE000  }
0x143: {  	s9 =	simm.s32 $0x400;
	v0 =	vld [tilespmem:s31+$0xE6F0]  }
.LBB2_10:
0x144: {  	p0 =	sne.s32 s9, $0x7C00;
	v1 =	vld [tilespmem:s31+$0x106F0]  }
0x145: {  	v2 =	vld [tilespmem:s31+$0xE600]  }
0x146: {  	v3 =	vld [tilespmem:s31+$0x10600]  }
0x147: {  	v4 =	vld [tilespmem:s31+$0xE610]  }
0x148: {  	v5 =	vld [tilespmem:s31+$0x10610]  }
0x149: {  	v6 =	vld [tilespmem:s31+$0xE620];
	v0 =	vadd.f32 v1, v0  }
0x14a: {  	v1 =	vld [tilespmem:s31+$0x10620]  }
0x14b: {  	v2 =	vadd.f32 v3, v2;
	[tilespmem:s31+$0xC6F0] =	vst.add.f32.msk $0xffff, v0  }
0x14c: {  	v0 =	vld [tilespmem:s31+$0xE630]  }
0x14d: {  	v3 =	vadd.f32 v5, v4;
	v4 =	vld [tilespmem:s31+$0x10630]  }
0x14e: {  	v5 =	vld [tilespmem:s31+$0xE640]  }
0x14f: {  	v1 =	vadd.f32 v1, v6;
	v6 =	vld [tilespmem:s31+$0x10640]  }
0x150: {  	v7 =	vld [tilespmem:s31+$0xE650]  }
0x151: {  	v8 =	vld [tilespmem:s31+$0x10650]  }
0x152: {  	v0 =	vadd.f32 v4, v0;
	v4 =	vld [tilespmem:s31+$0xE660]  }
0x153: {  	v9 =	vld [tilespmem:s31+$0x10660]  }
0x154: {  	v5 =	vadd.f32 v6, v5;
	v6 =	vld [tilespmem:s31+$0xE670]  }
0x155: {  	v10 =	vld [tilespmem:s31+$0x10670]  }
0x156: {  	v7 =	vadd.f32 v8, v7;
	v8 =	vld [tilespmem:s31+$0xE680]  }
0x157: {  	v11 =	vld [tilespmem:s31+$0x10680]  }
0x158: {  	v4 =	vadd.f32 v9, v4;
	v9 =	vld [tilespmem:s31+$0xE690]  }
0x159: {  	v12 =	vld [tilespmem:s31+$0x10690]  }
0x15a: {  	v6 =	vadd.f32 v10, v6;
	v10 =	vld [tilespmem:s31+$0xE6A0]  }
0x15b: {  	v13 =	vld [tilespmem:s31+$0x106A0]  }
0x15c: {  	v8 =	vadd.f32 v11, v8;
	v11 =	vld [tilespmem:s31+$0xE6B0]  }
0x15d: {  	v14 =	vld [tilespmem:s31+$0x106B0]  }
0x15e: {  	v9 =	vadd.f32 v12, v9;
	v12 =	vld [tilespmem:s31+$0xE6C0]  }
0x15f: {  	v15 =	vld [tilespmem:s31+$0x106C0]  }
0x160: {  	v10 =	vadd.f32 v13, v10;
	v13 =	vld [tilespmem:s31+$0xE6D0]  }
0x161: {  	v16 =	vld [tilespmem:s31+$0x106D0]  }
0x162: {  	v11 =	vadd.f32 v14, v11;
	v14 =	vld [tilespmem:s31+$0xE6E0]  }
0x163: {  	v17 =	vld [tilespmem:s31+$0x106E0]  }
0x164: {  	[tilespmem:s31+$0xC600] =	vst.add.f32.msk $0xffff, v2;
	v2 =	vadd.f32 v15, v12  }
0x165: {  	[tilespmem:s31+$0xC610] =	vst.add.f32.msk $0xffff, v3  }
0x166: {  	[tilespmem:s31+$0xC620] =	vst.add.f32.msk $0xffff, v1;
	v1 =	vadd.f32 v16, v13  }
0x167: {  	[tilespmem:s31+$0xC630] =	vst.add.f32.msk $0xffff, v0  }
0x168: {  	[tilespmem:s31+$0xC640] =	vst.add.f32.msk $0xffff, v5;
	v0 =	vadd.f32 v17, v14  }
0x169: {  	[tilespmem:s31+$0xC650] =	vst.add.f32.msk $0xffff, v7  }
0x16a: {  	[tilespmem:s31+$0xC660] =	vst.add.f32.msk $0xffff, v4  }
0x16b: {  	[tilespmem:s31+$0xC670] =	vst.add.f32.msk $0xffff, v6  }
0x16c: {  	[tilespmem:s31+$0xC680] =	vst.add.f32.msk $0xffff, v8  }
0x16d: {  	[tilespmem:s31+$0xC690] =	vst.add.f32.msk $0xffff, v9  }
0x16e: {  	[tilespmem:s31+$0xC6A0] =	vst.add.f32.msk $0xffff, v10  }
.Ltmp4:
0x16f: {  	[tilespmem:s31+$0xC6B0] =	vst.add.f32.msk $0xffff, v11;
	(pc) =	sbr.rel @p0 .LBB2_10-.Ltmp4, $4  }
0x170: {  	[tilespmem:s31+$0xC6C0] =	vst.add.f32.msk $0xffff, v2  }
0x171: {  	[tilespmem:s31+$0xC6D0] =	vst.add.f32.msk $0xffff, v1  }
0x172: {  	[tilespmem:s31+$0xC6E0] =	vst.add.f32.msk $0xffff, v0;
	s31 =	sshra.s32 s9, $0x2  }
0x173: {  	s9 =	sadd.s32 $0x400, s9;
	v0 =	vld [tilespmem:s31+$0xE6F0]  }
0x174: {  	v1 =	vld [tilespmem:s31+$0x106F0]  }
0x175: {  	v2 =	vld [tilespmem:s31+$0xE600]  }
0x176: {  	v3 =	vld [tilespmem:s31+$0x10600]  }
0x177: {  	v4 =	vld [tilespmem:s31+$0xE610]  }
0x178: {  	v5 =	vld [tilespmem:s31+$0x10610]  }
0x179: {  	v6 =	vld [tilespmem:s31+$0xE620]  }
0x17a: {  	v7 =	vld [tilespmem:s31+$0x10630]  }
0x17b: {  	v8 =	vld [tilespmem:s31+$0xE640]  }
0x17c: {  	v9 =	vld [tilespmem:s31+$0x10640]  }
0x17d: {  	v10 =	vld [tilespmem:s31+$0xE650]  }
0x17e: {  	v11 =	vld [tilespmem:s31+$0x10650]  }
0x17f: {  	v12 =	vld [tilespmem:s31+$0xE660]  }
0x180: {  	v13 =	vld [tilespmem:s31+$0x10660]  }
0x181: {  	v14 =	vld [tilespmem:s31+$0xE670]  }
0x182: {  	v15 =	vld [tilespmem:s31+$0x10670]  }
0x183: {  	v16 =	vld [tilespmem:s31+$0xE680]  }
0x184: {  	v17 =	vld [tilespmem:s31+$0x10680]  }
0x185: {  	v18 =	vld [tilespmem:s31+$0xE690]  }
0x186: {  	v19 =	vld [tilespmem:s31+$0x10690]  }
0x187: {  	v20 =	vld [tilespmem:s31+$0xE6A0]  }
0x188: {  	v21 =	vld [tilespmem:s31+$0x106A0]  }
0x189: {  	v22 =	vld [tilespmem:s31+$0xE6B0]  }
0x18a: {  	v23 =	vld [tilespmem:s31+$0x106B0]  }
0x18b: {  	v24 =	vld [tilespmem:s31+$0xE6C0]  }
0x18c: {  	v25 =	vld [tilespmem:s31+$0x106C0]  }
0x18d: {  	v26 =	vld [tilespmem:s31+$0xE6D0]  }
0x18e: {  	v27 =	vld [tilespmem:s31+$0x106D0]  }
0x18f: {  	v63 =	vld [tilespmem:s31+$0x106E0];
	v0 =	vadd.f32 v1, v0  }
0x190: {  	v1 =	vld [tilespmem:s31+$0x10620]  }
0x191: {  	v2 =	vadd.f32 v3, v2;
	[tilespmem:s31+$0xC6F0] =	vst.add.f32.msk $0xffff, v0  }
0x192: {  	v0 =	vld [tilespmem:s31+$0xE630]  }
0x193: {  	[tilespmem:s31+$0xC600] =	vst.add.f32.msk $0xffff, v2;
	v2 =	vadd.f32 v9, v8  }
0x194: {  	v3 =	vld [tilespmem:s31+$0xE6E0];
	v4 =	vadd.f32 v5, v4  }
0x195: {  	[tilespmem:s31+$0xC640] =	vst.add.f32.msk $0xffff, v2;
	v2 =	vadd.f32 v15, v14  }
0x196: {  	[tilespmem:s31+$0xC610] =	vst.add.f32.msk $0xffff, v4;
	v1 =	vadd.f32 v1, v6  }
0x197: {  	[tilespmem:s31+$0xC670] =	vst.add.f32.msk $0xffff, v2;
	v2 =	vadd.f32 v21, v20  }
0x198: {  	v0 =	vadd.f32 v7, v0;
	[tilespmem:s31+$0xC620] =	vst.add.f32.msk $0xffff, v1  }
0x199: {  	v1 =	vadd.f32 v11, v10;
	[tilespmem:s31+$0xC6A0] =	vst.add.f32.msk $0xffff, v2  }
0x19a: {  	v2 =	vadd.f32 v27, v26;
	[tilespmem:s31+$0xC630] =	vst.add.f32.msk $0xffff, v0  }
0x19b: {  	v0 =	vadd.f32 v13, v12;
	[tilespmem:s31+$0xC650] =	vst.add.f32.msk $0xffff, v1  }
0x19c: {  	v1 =	vadd.f32 v17, v16;
	[tilespmem:s31+$0xC6D0] =	vst.add.f32.msk $0xffff, v2  }
0x19d: {  	[tilespmem:s31+$0xC660] =	vst.add.f32.msk $0xffff, v0;
	v0 =	vadd.f32 v19, v18  }
0x19e: {  	[tilespmem:s31+$0xC680] =	vst.add.f32.msk $0xffff, v1;
	v1 =	vadd.f32 v23, v22  }
0x19f: {  	[tilespmem:s31+$0xC690] =	vst.add.f32.msk $0xffff, v0;
	v0 =	vadd.f32 v25, v24  }
0x1a0: {  	[tilespmem:s31+$0xC6B0] =	vst.add.f32.msk $0xffff, v1;
	v1 =	vadd.f32 v63, v3  }
0x1a1: {  	[tilespmem:s31+$0xC6C0] =	vst.add.f32.msk $0xffff, v0  }
0x1a2: {  	s9 =	simm.s32 $0x0;
	[tilespmem:s31+$0xC6E0] =	vst.add.f32.msk $0xffff, v1  }
0x1a3: {  	[hbm4b:s11+s9] =	stream.linear.scatter [tilespmem:s0], [sflag:$0x7], $0x2000, $0x38;
	[tilespmem:$0x18600] =	vst v63  }
0x1a4: {  	_ =	swait.ge [sflag:s6], $0x2000  }
0x1a5: {  	[sflag:s6] =	ssyncset.done $0x0  }
0x1a6: {  	s10 =	simm.s32 $0x180;
	[sflag:s6] =	ssyncadd.s32 $0xFFFFE000  }
0x1a7: {  	[tilespmem:s0], [sflag:$0x3] =	stream.indirect.gather [hbm4b:s3+s21], $0x80, s10, s21, $0xb8;
	[tilespmem:$0x18600] =	vst v63  }
0x1a8: {  	s9 =	simm.s32 $0xE600;
	s10 =	simm.s32 $0x380  }
0x1a9: {  	[tilespmem:s9], [sflag:$0x3] =	stream.indirect.gather [hbm4b:s4+s21], $0x80, s10, s21, $0xb8;
	[tilespmem:$0x18600] =	vst v63  }
0x1aa: {  	s9 =	simm.s32 $0x10600;
	s10 =	simm.s32 $0x580  }
0x1ab: {  	[tilespmem:s9], [sflag:$0x3] =	stream.indirect.gather [hbm4b:s5+s21], $0x80, s10, s21, $0xb8;
	[tilespmem:$0x18600] =	vst v63  }
0x1ac: {  	_ =	swait.ge [sflag:s26], $0x2000  }
0x1ad: {  	[sflag:s26] =	ssyncset.done $0x0  }
0x1ae: {  	[sflag:s26] =	ssyncadd.s32 $0xFFFFE000  }
0x1af: {  	_ =	swait.ge [sflag:s26], $0x2000  }
0x1b0: {  	[sflag:s26] =	ssyncset.done $0x0  }
0x1b1: {  	[sflag:s26] =	ssyncadd.s32 $0xFFFFE000  }
0x1b2: {  	_ =	swait.ge [sflag:s26], $0x2000  }
0x1b3: {  	[sflag:s26] =	ssyncset.done $0x0  }
0x1b4: {  	s31 =	simm.s32 $0x0;
	[sflag:s26] =	ssyncadd.s32 $0xFFFFE000  }
0x1b5: {  	s9 =	simm.s32 $0x400;
	v0 =	vld [tilespmem:s31+$0x146F0]  }
.LBB2_12:
0x1b6: {  	p0 =	sne.s32 s9, $0x7C00;
	v1 =	vld [tilespmem:s31+$0x166F0]  }
0x1b7: {  	v2 =	vld [tilespmem:s31+$0x14600]  }
0x1b8: {  	v3 =	vld [tilespmem:s31+$0x16600]  }
0x1b9: {  	v4 =	vld [tilespmem:s31+$0x14610]  }
0x1ba: {  	v5 =	vld [tilespmem:s31+$0x16610]  }
0x1bb: {  	v6 =	vld [tilespmem:s31+$0x14620];
	v0 =	vadd.f32 v1, v0  }
0x1bc: {  	v1 =	vld [tilespmem:s31+$0x16620]  }
0x1bd: {  	v2 =	vadd.f32 v3, v2;
	[tilespmem:s31+$0x126F0] =	vst.add.f32.msk $0xffff, v0  }
0x1be: {  	v0 =	vld [tilespmem:s31+$0x14630]  }
0x1bf: {  	v3 =	vadd.f32 v5, v4;
	v4 =	vld [tilespmem:s31+$0x16630]  }
0x1c0: {  	v5 =	vld [tilespmem:s31+$0x14640]  }
0x1c1: {  	v1 =	vadd.f32 v1, v6;
	v6 =	vld [tilespmem:s31+$0x16640]  }
0x1c2: {  	v7 =	vld [tilespmem:s31+$0x14650]  }
0x1c3: {  	v8 =	vld [tilespmem:s31+$0x16650]  }
0x1c4: {  	v0 =	vadd.f32 v4, v0;
	v4 =	vld [tilespmem:s31+$0x14660]  }
0x1c5: {  	v9 =	vld [tilespmem:s31+$0x16660]  }
0x1c6: {  	v5 =	vadd.f32 v6, v5;
	v6 =	vld [tilespmem:s31+$0x14670]  }
0x1c7: {  	v10 =	vld [tilespmem:s31+$0x16670]  }
0x1c8: {  	v7 =	vadd.f32 v8, v7;
	v8 =	vld [tilespmem:s31+$0x14680]  }
0x1c9: {  	v11 =	vld [tilespmem:s31+$0x16680]  }
0x1ca: {  	v4 =	vadd.f32 v9, v4;
	v9 =	vld [tilespmem:s31+$0x14690]  }
0x1cb: {  	v12 =	vld [tilespmem:s31+$0x16690]  }
0x1cc: {  	v6 =	vadd.f32 v10, v6;
	v10 =	vld [tilespmem:s31+$0x146A0]  }
0x1cd: {  	v13 =	vld [tilespmem:s31+$0x166A0]  }
0x1ce: {  	v8 =	vadd.f32 v11, v8;
	v11 =	vld [tilespmem:s31+$0x146B0]  }
0x1cf: {  	v14 =	vld [tilespmem:s31+$0x166B0]  }
0x1d0: {  	v9 =	vadd.f32 v12, v9;
	v12 =	vld [tilespmem:s31+$0x146C0]  }
0x1d1: {  	v15 =	vld [tilespmem:s31+$0x166C0]  }
0x1d2: {  	v10 =	vadd.f32 v13, v10;
	v13 =	vld [tilespmem:s31+$0x146D0]  }
0x1d3: {  	v16 =	vld [tilespmem:s31+$0x166D0]  }
0x1d4: {  	v11 =	vadd.f32 v14, v11;
	v14 =	vld [tilespmem:s31+$0x146E0]  }
0x1d5: {  	v17 =	vld [tilespmem:s31+$0x166E0]  }
0x1d6: {  	[tilespmem:s31+$0x12600] =	vst.add.f32.msk $0xffff, v2;
	v2 =	vadd.f32 v15, v12  }
0x1d7: {  	[tilespmem:s31+$0x12610] =	vst.add.f32.msk $0xffff, v3  }
0x1d8: {  	[tilespmem:s31+$0x12620] =	vst.add.f32.msk $0xffff, v1;
	v1 =	vadd.f32 v16, v13  }
0x1d9: {  	[tilespmem:s31+$0x12630] =	vst.add.f32.msk $0xffff, v0  }
0x1da: {  	[tilespmem:s31+$0x12640] =	vst.add.f32.msk $0xffff, v5;
	v0 =	vadd.f32 v17, v14  }
0x1db: {  	[tilespmem:s31+$0x12650] =	vst.add.f32.msk $0xffff, v7  }
0x1dc: {  	[tilespmem:s31+$0x12660] =	vst.add.f32.msk $0xffff, v4  }
0x1dd: {  	[tilespmem:s31+$0x12670] =	vst.add.f32.msk $0xffff, v6  }
0x1de: {  	[tilespmem:s31+$0x12680] =	vst.add.f32.msk $0xffff, v8  }
0x1df: {  	[tilespmem:s31+$0x12690] =	vst.add.f32.msk $0xffff, v9  }
0x1e0: {  	[tilespmem:s31+$0x126A0] =	vst.add.f32.msk $0xffff, v10  }
.Ltmp5:
0x1e1: {  	[tilespmem:s31+$0x126B0] =	vst.add.f32.msk $0xffff, v11;
	(pc) =	sbr.rel @p0 .LBB2_12-.Ltmp5, $4  }
0x1e2: {  	[tilespmem:s31+$0x126C0] =	vst.add.f32.msk $0xffff, v2  }
0x1e3: {  	[tilespmem:s31+$0x126D0] =	vst.add.f32.msk $0xffff, v1  }
0x1e4: {  	[tilespmem:s31+$0x126E0] =	vst.add.f32.msk $0xffff, v0;
	s31 =	sshra.s32 s9, $0x2  }
0x1e5: {  	s9 =	sadd.s32 $0x400, s9;
	v0 =	vld [tilespmem:s31+$0x146F0]  }
0x1e6: {  	v1 =	vld [tilespmem:s31+$0x166F0]  }
0x1e7: {  	v2 =	vld [tilespmem:s31+$0x14600]  }
0x1e8: {  	v3 =	vld [tilespmem:s31+$0x16600]  }
0x1e9: {  	v4 =	vld [tilespmem:s31+$0x14610]  }
0x1ea: {  	v5 =	vld [tilespmem:s31+$0x16610]  }
0x1eb: {  	v6 =	vld [tilespmem:s31+$0x14620]  }
0x1ec: {  	v7 =	vld [tilespmem:s31+$0x16630]  }
0x1ed: {  	v8 =	vld [tilespmem:s31+$0x14640]  }
0x1ee: {  	v9 =	vld [tilespmem:s31+$0x16640]  }
0x1ef: {  	v10 =	vld [tilespmem:s31+$0x14650]  }
0x1f0: {  	v11 =	vld [tilespmem:s31+$0x16650]  }
0x1f1: {  	v12 =	vld [tilespmem:s31+$0x14660]  }
0x1f2: {  	v13 =	vld [tilespmem:s31+$0x16660]  }
0x1f3: {  	v14 =	vld [tilespmem:s31+$0x14670]  }
0x1f4: {  	v15 =	vld [tilespmem:s31+$0x16670]  }
0x1f5: {  	v16 =	vld [tilespmem:s31+$0x14680]  }
0x1f6: {  	v17 =	vld [tilespmem:s31+$0x16680]  }
0x1f7: {  	v18 =	vld [tilespmem:s31+$0x14690]  }
0x1f8: {  	v19 =	vld [tilespmem:s31+$0x16690]  }
0x1f9: {  	v20 =	vld [tilespmem:s31+$0x146A0]  }
0x1fa: {  	v21 =	vld [tilespmem:s31+$0x166A0]  }
0x1fb: {  	v22 =	vld [tilespmem:s31+$0x146B0]  }
0x1fc: {  	v23 =	vld [tilespmem:s31+$0x166B0]  }
0x1fd: {  	v24 =	vld [tilespmem:s31+$0x146C0]  }
0x1fe: {  	v25 =	vld [tilespmem:s31+$0x166C0]  }
0x1ff: {  	v26 =	vld [tilespmem:s31+$0x146D0]  }
0x200: {  	v27 =	vld [tilespmem:s31+$0x166D0]  }
0x201: {  	v63 =	vld [tilespmem:s31+$0x166E0];
	v0 =	vadd.f32 v1, v0  }
0x202: {  	v1 =	vld [tilespmem:s31+$0x16620]  }
0x203: {  	v2 =	vadd.f32 v3, v2;
	[tilespmem:s31+$0x126F0] =	vst.add.f32.msk $0xffff, v0  }
0x204: {  	v0 =	vld [tilespmem:s31+$0x14630]  }
0x205: {  	[tilespmem:s31+$0x12600] =	vst.add.f32.msk $0xffff, v2;
	v2 =	vadd.f32 v9, v8  }
0x206: {  	v3 =	vld [tilespmem:s31+$0x146E0];
	v4 =	vadd.f32 v5, v4  }
0x207: {  	[tilespmem:s31+$0x12640] =	vst.add.f32.msk $0xffff, v2;
	v2 =	vadd.f32 v15, v14  }
0x208: {  	[tilespmem:s31+$0x12610] =	vst.add.f32.msk $0xffff, v4;
	v1 =	vadd.f32 v1, v6  }
0x209: {  	[tilespmem:s31+$0x12670] =	vst.add.f32.msk $0xffff, v2;
	v2 =	vadd.f32 v21, v20  }
0x20a: {  	v0 =	vadd.f32 v7, v0;
	[tilespmem:s31+$0x12620] =	vst.add.f32.msk $0xffff, v1  }
0x20b: {  	v1 =	vadd.f32 v11, v10;
	[tilespmem:s31+$0x126A0] =	vst.add.f32.msk $0xffff, v2  }
0x20c: {  	v2 =	vadd.f32 v27, v26;
	[tilespmem:s31+$0x12630] =	vst.add.f32.msk $0xffff, v0  }
0x20d: {  	v0 =	vadd.f32 v13, v12;
	[tilespmem:s31+$0x12650] =	vst.add.f32.msk $0xffff, v1  }
0x20e: {  	v1 =	vadd.f32 v17, v16;
	[tilespmem:s31+$0x126D0] =	vst.add.f32.msk $0xffff, v2  }
0x20f: {  	[tilespmem:s31+$0x12660] =	vst.add.f32.msk $0xffff, v0;
	v0 =	vadd.f32 v19, v18  }
0x210: {  	[tilespmem:s31+$0x12680] =	vst.add.f32.msk $0xffff, v1;
	v1 =	vadd.f32 v23, v22  }
0x211: {  	[tilespmem:s31+$0x12690] =	vst.add.f32.msk $0xffff, v0;
	v0 =	vadd.f32 v25, v24  }
0x212: {  	[tilespmem:s31+$0x126B0] =	vst.add.f32.msk $0xffff, v1;
	v1 =	vadd.f32 v63, v3  }
0x213: {  	[tilespmem:s31+$0x126C0] =	vst.add.f32.msk $0xffff, v0  }
0x214: {  	s9 =	simm.s32 $0x0;
	[tilespmem:s31+$0x126E0] =	vst.add.f32.msk $0xffff, v1  }
0x215: {  	[hbm4b:s12+s9] =	stream.linear.scatter [tilespmem:s29], [sflag:$0x8], $0x2000, $0x38;
	[tilespmem:$0x18600] =	vst v63  }
0x216: {  	_ =	swait.ge [sflag:s7], $0x2000  }
0x217: {  	[sflag:s7] =	ssyncset.done $0x0  }
0x218: {  	s10 =	simm.s32 $0x1C0;
	[sflag:s7] =	ssyncadd.s32 $0xFFFFE000  }
0x219: {  	[tilespmem:s29], [sflag:$0x4] =	stream.indirect.gather [hbm4b:s3+s21], $0x80, s10, s21, $0xb8;
	[tilespmem:$0x18600] =	vst v63  }
0x21a: {  	s10 =	simm.s32 $0x3C0  }
0x21b: {  	[tilespmem:s1], [sflag:$0x4] =	stream.indirect.gather [hbm4b:s4+s21], $0x80, s10, s21, $0xb8;
	[tilespmem:$0x18600] =	vst v63  }
0x21c: {  	s10 =	simm.s32 $0x5C0  }
0x21d: {  	[tilespmem:s18], [sflag:$0x4] =	stream.indirect.gather [hbm4b:s5+s21], $0x80, s10, s21, $0xb8;
	[tilespmem:$0x18600] =	vst v63  }
0x21e: {  	_ =	swait.ge [sflag:s19], $0x2000  }
0x21f: {  	[sflag:s19] =	ssyncset.done $0x0  }
0x220: {  	[sflag:s19] =	ssyncadd.s32 $0xFFFFE000  }
0x221: {  	_ =	swait.ge [sflag:s19], $0x2000  }
0x222: {  	[sflag:s19] =	ssyncset.done $0x0  }
0x223: {  	[sflag:s19] =	ssyncadd.s32 $0xFFFFE000  }
0x224: {  	_ =	swait.ge [sflag:s19], $0x2000  }
0x225: {  	[sflag:s19] =	ssyncset.done $0x0  }
0x226: {  	s31 =	simm.s32 $0x0;
	[sflag:s19] =	ssyncadd.s32 $0xFFFFE000  }
0x227: {  	s9 =	simm.s32 $0x400;
	v0 =	vld [tilespmem:s31+$0x26F0]  }
.LBB2_14:
0x228: {  	p0 =	sne.s32 s9, $0x7C00;
	v1 =	vld [tilespmem:s31+$0x46F0]  }
0x229: {  	v2 =	vld [tilespmem:s31+$0x2600]  }
0x22a: {  	v3 =	vld [tilespmem:s31+$0x4600]  }
0x22b: {  	v4 =	vld [tilespmem:s31+$0x2610]  }
0x22c: {  	v5 =	vld [tilespmem:s31+$0x4610]  }
0x22d: {  	v6 =	vld [tilespmem:s31+$0x2620];
	v0 =	vadd.f32 v1, v0  }
0x22e: {  	v1 =	vld [tilespmem:s31+$0x4620]  }
0x22f: {  	v2 =	vadd.f32 v3, v2;
	[tilespmem:s31+$0x6F0] =	vst.add.f32.msk $0xffff, v0  }
0x230: {  	v0 =	vld [tilespmem:s31+$0x2630]  }
0x231: {  	v3 =	vadd.f32 v5, v4;
	v4 =	vld [tilespmem:s31+$0x4630]  }
0x232: {  	v5 =	vld [tilespmem:s31+$0x2640]  }
0x233: {  	v1 =	vadd.f32 v1, v6;
	v6 =	vld [tilespmem:s31+$0x4640]  }
0x234: {  	v7 =	vld [tilespmem:s31+$0x2650]  }
0x235: {  	v8 =	vld [tilespmem:s31+$0x4650]  }
0x236: {  	v0 =	vadd.f32 v4, v0;
	v4 =	vld [tilespmem:s31+$0x2660]  }
0x237: {  	v9 =	vld [tilespmem:s31+$0x4660]  }
0x238: {  	v5 =	vadd.f32 v6, v5;
	v6 =	vld [tilespmem:s31+$0x2670]  }
0x239: {  	v10 =	vld [tilespmem:s31+$0x4670]  }
0x23a: {  	v7 =	vadd.f32 v8, v7;
	v8 =	vld [tilespmem:s31+$0x2680]  }
0x23b: {  	v11 =	vld [tilespmem:s31+$0x4680]  }
0x23c: {  	v4 =	vadd.f32 v9, v4;
	v9 =	vld [tilespmem:s31+$0x2690]  }
0x23d: {  	v12 =	vld [tilespmem:s31+$0x4690]  }
0x23e: {  	v6 =	vadd.f32 v10, v6;
	v10 =	vld [tilespmem:s31+$0x26A0]  }
0x23f: {  	v13 =	vld [tilespmem:s31+$0x46A0]  }
0x240: {  	v8 =	vadd.f32 v11, v8;
	v11 =	vld [tilespmem:s31+$0x26B0]  }
0x241: {  	v14 =	vld [tilespmem:s31+$0x46B0]  }
0x242: {  	v9 =	vadd.f32 v12, v9;
	v12 =	vld [tilespmem:s31+$0x26C0]  }
0x243: {  	v15 =	vld [tilespmem:s31+$0x46C0]  }
0x244: {  	v10 =	vadd.f32 v13, v10;
	v13 =	vld [tilespmem:s31+$0x26D0]  }
0x245: {  	v16 =	vld [tilespmem:s31+$0x46D0]  }
0x246: {  	v11 =	vadd.f32 v14, v11;
	v14 =	vld [tilespmem:s31+$0x26E0]  }
0x247: {  	v17 =	vld [tilespmem:s31+$0x46E0]  }
0x248: {  	[tilespmem:s31+$0x600] =	vst.add.f32.msk $0xffff, v2;
	v2 =	vadd.f32 v15, v12  }
0x249: {  	[tilespmem:s31+$0x610] =	vst.add.f32.msk $0xffff, v3  }
0x24a: {  	[tilespmem:s31+$0x620] =	vst.add.f32.msk $0xffff, v1;
	v1 =	vadd.f32 v16, v13  }
0x24b: {  	[tilespmem:s31+$0x630] =	vst.add.f32.msk $0xffff, v0  }
0x24c: {  	[tilespmem:s31+$0x640] =	vst.add.f32.msk $0xffff, v5;
	v0 =	vadd.f32 v17, v14  }
0x24d: {  	[tilespmem:s31+$0x650] =	vst.add.f32.msk $0xffff, v7  }
0x24e: {  	[tilespmem:s31+$0x660] =	vst.add.f32.msk $0xffff, v4  }
0x24f: {  	[tilespmem:s31+$0x670] =	vst.add.f32.msk $0xffff, v6  }
0x250: {  	[tilespmem:s31+$0x680] =	vst.add.f32.msk $0xffff, v8  }
0x251: {  	[tilespmem:s31+$0x690] =	vst.add.f32.msk $0xffff, v9  }
0x252: {  	[tilespmem:s31+$0x6A0] =	vst.add.f32.msk $0xffff, v10  }
.Ltmp6:
0x253: {  	[tilespmem:s31+$0x6B0] =	vst.add.f32.msk $0xffff, v11;
	(pc) =	sbr.rel @p0 .LBB2_14-.Ltmp6, $4  }
0x254: {  	[tilespmem:s31+$0x6C0] =	vst.add.f32.msk $0xffff, v2  }
0x255: {  	[tilespmem:s31+$0x6D0] =	vst.add.f32.msk $0xffff, v1  }
0x256: {  	[tilespmem:s31+$0x6E0] =	vst.add.f32.msk $0xffff, v0;
	s31 =	sshra.s32 s9, $0x2  }
0x257: {  	s9 =	sadd.s32 $0x400, s9;
	v0 =	vld [tilespmem:s31+$0x26F0]  }
0x258: {  	v1 =	vld [tilespmem:s31+$0x46F0]  }
0x259: {  	v2 =	vld [tilespmem:s31+$0x2600]  }
0x25a: {  	v3 =	vld [tilespmem:s31+$0x4600]  }
0x25b: {  	v4 =	vld [tilespmem:s31+$0x2610]  }
0x25c: {  	v5 =	vld [tilespmem:s31+$0x4610]  }
0x25d: {  	v6 =	vld [tilespmem:s31+$0x2620]  }
0x25e: {  	v7 =	vld [tilespmem:s31+$0x4630]  }
0x25f: {  	v8 =	vld [tilespmem:s31+$0x2640]  }
0x260: {  	v9 =	vld [tilespmem:s31+$0x4640]  }
0x261: {  	v10 =	vld [tilespmem:s31+$0x2650]  }
0x262: {  	v11 =	vld [tilespmem:s31+$0x4650]  }
0x263: {  	v12 =	vld [tilespmem:s31+$0x2660]  }
0x264: {  	v13 =	vld [tilespmem:s31+$0x4660]  }
0x265: {  	v14 =	vld [tilespmem:s31+$0x2670]  }
0x266: {  	v15 =	vld [tilespmem:s31+$0x4670]  }
0x267: {  	v16 =	vld [tilespmem:s31+$0x2680]  }
0x268: {  	v17 =	vld [tilespmem:s31+$0x4680]  }
0x269: {  	v18 =	vld [tilespmem:s31+$0x2690]  }
0x26a: {  	v19 =	vld [tilespmem:s31+$0x4690]  }
0x26b: {  	v20 =	vld [tilespmem:s31+$0x26A0]  }
0x26c: {  	v21 =	vld [tilespmem:s31+$0x46A0]  }
0x26d: {  	v22 =	vld [tilespmem:s31+$0x26B0]  }
0x26e: {  	v23 =	vld [tilespmem:s31+$0x46B0]  }
0x26f: {  	v24 =	vld [tilespmem:s31+$0x26C0]  }
0x270: {  	v25 =	vld [tilespmem:s31+$0x46C0]  }
0x271: {  	v26 =	vld [tilespmem:s31+$0x26D0]  }
0x272: {  	v27 =	vld [tilespmem:s31+$0x46D0]  }
0x273: {  	v63 =	vld [tilespmem:s31+$0x46E0];
	v0 =	vadd.f32 v1, v0  }
0x274: {  	v1 =	vld [tilespmem:s31+$0x4620]  }
0x275: {  	v2 =	vadd.f32 v3, v2;
	[tilespmem:s31+$0x6F0] =	vst.add.f32.msk $0xffff, v0  }
0x276: {  	v0 =	vld [tilespmem:s31+$0x2630]  }
0x277: {  	[tilespmem:s31+$0x600] =	vst.add.f32.msk $0xffff, v2;
	v2 =	vadd.f32 v9, v8  }
0x278: {  	v3 =	vld [tilespmem:s31+$0x26E0];
	v4 =	vadd.f32 v5, v4  }
0x279: {  	[tilespmem:s31+$0x640] =	vst.add.f32.msk $0xffff, v2;
	v2 =	vadd.f32 v15, v14  }
0x27a: {  	[tilespmem:s31+$0x610] =	vst.add.f32.msk $0xffff, v4;
	v1 =	vadd.f32 v1, v6  }
0x27b: {  	[tilespmem:s31+$0x670] =	vst.add.f32.msk $0xffff, v2;
	v2 =	vadd.f32 v21, v20  }
0x27c: {  	v0 =	vadd.f32 v7, v0;
	[tilespmem:s31+$0x620] =	vst.add.f32.msk $0xffff, v1  }
0x27d: {  	v1 =	vadd.f32 v11, v10;
	[tilespmem:s31+$0x6A0] =	vst.add.f32.msk $0xffff, v2  }
0x27e: {  	v2 =	vadd.f32 v27, v26;
	[tilespmem:s31+$0x630] =	vst.add.f32.msk $0xffff, v0  }
0x27f: {  	v0 =	vadd.f32 v13, v12;
	[tilespmem:s31+$0x650] =	vst.add.f32.msk $0xffff, v1  }
0x280: {  	v1 =	vadd.f32 v17, v16;
	[tilespmem:s31+$0x6D0] =	vst.add.f32.msk $0xffff, v2  }
0x281: {  	[tilespmem:s31+$0x660] =	vst.add.f32.msk $0xffff, v0;
	v0 =	vadd.f32 v19, v18  }
0x282: {  	[tilespmem:s31+$0x680] =	vst.add.f32.msk $0xffff, v1;
	v1 =	vadd.f32 v23, v22  }
0x283: {  	[tilespmem:s31+$0x690] =	vst.add.f32.msk $0xffff, v0;
	v0 =	vadd.f32 v25, v24  }
0x284: {  	[tilespmem:s31+$0x6B0] =	vst.add.f32.msk $0xffff, v1;
	v1 =	vadd.f32 v63, v3  }
0x285: {  	[tilespmem:s31+$0x6C0] =	vst.add.f32.msk $0xffff, v0  }
0x286: {  	s9 =	simm.s32 $0x0;
	[tilespmem:s31+$0x6E0] =	vst.add.f32.msk $0xffff, v1  }
0x287: {  	[hbm4b:s13+s9] =	stream.linear.scatter [tilespmem:s22], [sflag:$0x5], $0x2000, $0x38;
	[tilespmem:$0x18600] =	vst v63  }
0x288: {  	_ =	swait.ge [sflag:s24], $0x2000  }
0x289: {  	[sflag:s24] =	ssyncset.done $0x0  }
0x28a: {  	[sflag:s24] =	ssyncadd.s32 $0xFFFFE000  }
0x28b: {  	_ =	swait.ge [sflag:s24], $0x2000  }
0x28c: {  	[sflag:s24] =	ssyncset.done $0x0  }
0x28d: {  	[sflag:s24] =	ssyncadd.s32 $0xFFFFE000  }
0x28e: {  	_ =	swait.ge [sflag:s24], $0x2000  }
0x28f: {  	[sflag:s24] =	ssyncset.done $0x0  }
0x290: {  	s31 =	simm.s32 $0x0;
	[sflag:s24] =	ssyncadd.s32 $0xFFFFE000  }
0x291: {  	s9 =	simm.s32 $0x400;
	v0 =	vld [tilespmem:s31+$0x86F0]  }
.LBB2_16:
0x292: {  	p0 =	sne.s32 s9, $0x7C00;
	v1 =	vld [tilespmem:s31+$0xA6F0]  }
0x293: {  	v2 =	vld [tilespmem:s31+$0x8600]  }
0x294: {  	v3 =	vld [tilespmem:s31+$0xA600]  }
0x295: {  	v4 =	vld [tilespmem:s31+$0x8610]  }
0x296: {  	v5 =	vld [tilespmem:s31+$0xA610]  }
0x297: {  	v6 =	vld [tilespmem:s31+$0x8620];
	v0 =	vadd.f32 v1, v0  }
0x298: {  	v1 =	vld [tilespmem:s31+$0xA620]  }
0x299: {  	v2 =	vadd.f32 v3, v2;
	[tilespmem:s31+$0x66F0] =	vst.add.f32.msk $0xffff, v0  }
0x29a: {  	v0 =	vld [tilespmem:s31+$0x8630]  }
0x29b: {  	v3 =	vadd.f32 v5, v4;
	v4 =	vld [tilespmem:s31+$0xA630]  }
0x29c: {  	v5 =	vld [tilespmem:s31+$0x8640]  }
0x29d: {  	v1 =	vadd.f32 v1, v6;
	v6 =	vld [tilespmem:s31+$0xA640]  }
0x29e: {  	v7 =	vld [tilespmem:s31+$0x8650]  }
0x29f: {  	v8 =	vld [tilespmem:s31+$0xA650]  }
0x2a0: {  	v0 =	vadd.f32 v4, v0;
	v4 =	vld [tilespmem:s31+$0x8660]  }
0x2a1: {  	v9 =	vld [tilespmem:s31+$0xA660]  }
0x2a2: {  	v5 =	vadd.f32 v6, v5;
	v6 =	vld [tilespmem:s31+$0x8670]  }
0x2a3: {  	v10 =	vld [tilespmem:s31+$0xA670]  }
0x2a4: {  	v7 =	vadd.f32 v8, v7;
	v8 =	vld [tilespmem:s31+$0x8680]  }
0x2a5: {  	v11 =	vld [tilespmem:s31+$0xA680]  }
0x2a6: {  	v4 =	vadd.f32 v9, v4;
	v9 =	vld [tilespmem:s31+$0x8690]  }
0x2a7: {  	v12 =	vld [tilespmem:s31+$0xA690]  }
0x2a8: {  	v6 =	vadd.f32 v10, v6;
	v10 =	vld [tilespmem:s31+$0x86A0]  }
0x2a9: {  	v13 =	vld [tilespmem:s31+$0xA6A0]  }
0x2aa: {  	v8 =	vadd.f32 v11, v8;
	v11 =	vld [tilespmem:s31+$0x86B0]  }
0x2ab: {  	v14 =	vld [tilespmem:s31+$0xA6B0]  }
0x2ac: {  	v9 =	vadd.f32 v12, v9;
	v12 =	vld [tilespmem:s31+$0x86C0]  }
0x2ad: {  	v15 =	vld [tilespmem:s31+$0xA6C0]  }
0x2ae: {  	v10 =	vadd.f32 v13, v10;
	v13 =	vld [tilespmem:s31+$0x86D0]  }
0x2af: {  	v16 =	vld [tilespmem:s31+$0xA6D0]  }
0x2b0: {  	v11 =	vadd.f32 v14, v11;
	v14 =	vld [tilespmem:s31+$0x86E0]  }
0x2b1: {  	v17 =	vld [tilespmem:s31+$0xA6E0]  }
0x2b2: {  	[tilespmem:s31+$0x6600] =	vst.add.f32.msk $0xffff, v2;
	v2 =	vadd.f32 v15, v12  }
0x2b3: {  	[tilespmem:s31+$0x6610] =	vst.add.f32.msk $0xffff, v3  }
0x2b4: {  	[tilespmem:s31+$0x6620] =	vst.add.f32.msk $0xffff, v1;
	v1 =	vadd.f32 v16, v13  }
0x2b5: {  	[tilespmem:s31+$0x6630] =	vst.add.f32.msk $0xffff, v0  }
0x2b6: {  	[tilespmem:s31+$0x6640] =	vst.add.f32.msk $0xffff, v5;
	v0 =	vadd.f32 v17, v14  }
0x2b7: {  	[tilespmem:s31+$0x6650] =	vst.add.f32.msk $0xffff, v7  }
0x2b8: {  	[tilespmem:s31+$0x6660] =	vst.add.f32.msk $0xffff, v4  }
0x2b9: {  	[tilespmem:s31+$0x6670] =	vst.add.f32.msk $0xffff, v6  }
0x2ba: {  	[tilespmem:s31+$0x6680] =	vst.add.f32.msk $0xffff, v8  }
0x2bb: {  	[tilespmem:s31+$0x6690] =	vst.add.f32.msk $0xffff, v9  }
0x2bc: {  	[tilespmem:s31+$0x66A0] =	vst.add.f32.msk $0xffff, v10  }
.Ltmp7:
0x2bd: {  	[tilespmem:s31+$0x66B0] =	vst.add.f32.msk $0xffff, v11;
	(pc) =	sbr.rel @p0 .LBB2_16-.Ltmp7, $4  }
0x2be: {  	[tilespmem:s31+$0x66C0] =	vst.add.f32.msk $0xffff, v2  }
0x2bf: {  	[tilespmem:s31+$0x66D0] =	vst.add.f32.msk $0xffff, v1  }
0x2c0: {  	[tilespmem:s31+$0x66E0] =	vst.add.f32.msk $0xffff, v0;
	s31 =	sshra.s32 s9, $0x2  }
0x2c1: {  	s9 =	sadd.s32 $0x400, s9;
	v0 =	vld [tilespmem:s31+$0x86F0]  }
0x2c2: {  	v1 =	vld [tilespmem:s31+$0xA6F0]  }
0x2c3: {  	v2 =	vld [tilespmem:s31+$0x8600]  }
0x2c4: {  	v3 =	vld [tilespmem:s31+$0xA600]  }
0x2c5: {  	v4 =	vld [tilespmem:s31+$0x8610]  }
0x2c6: {  	v5 =	vld [tilespmem:s31+$0xA610]  }
0x2c7: {  	v6 =	vld [tilespmem:s31+$0x8620]  }
0x2c8: {  	v7 =	vld [tilespmem:s31+$0xA630]  }
0x2c9: {  	v8 =	vld [tilespmem:s31+$0x8640]  }
0x2ca: {  	v9 =	vld [tilespmem:s31+$0xA640]  }
0x2cb: {  	v10 =	vld [tilespmem:s31+$0x8650]  }
0x2cc: {  	v11 =	vld [tilespmem:s31+$0xA650]  }
0x2cd: {  	v12 =	vld [tilespmem:s31+$0x8660]  }
0x2ce: {  	v13 =	vld [tilespmem:s31+$0xA660]  }
0x2cf: {  	v14 =	vld [tilespmem:s31+$0x8670]  }
0x2d0: {  	v15 =	vld [tilespmem:s31+$0xA670]  }
0x2d1: {  	v16 =	vld [tilespmem:s31+$0x8680]  }
0x2d2: {  	v17 =	vld [tilespmem:s31+$0xA680]  }
0x2d3: {  	v18 =	vld [tilespmem:s31+$0x8690]  }
0x2d4: {  	v19 =	vld [tilespmem:s31+$0xA690]  }
0x2d5: {  	v20 =	vld [tilespmem:s31+$0x86A0]  }
0x2d6: {  	v21 =	vld [tilespmem:s31+$0xA6A0]  }
0x2d7: {  	v22 =	vld [tilespmem:s31+$0x86B0]  }
0x2d8: {  	v23 =	vld [tilespmem:s31+$0xA6B0]  }
0x2d9: {  	v24 =	vld [tilespmem:s31+$0x86C0]  }
0x2da: {  	v25 =	vld [tilespmem:s31+$0xA6C0]  }
0x2db: {  	v26 =	vld [tilespmem:s31+$0x86D0]  }
0x2dc: {  	v27 =	vld [tilespmem:s31+$0xA6D0]  }
0x2dd: {  	v63 =	vld [tilespmem:s31+$0xA6E0];
	v0 =	vadd.f32 v1, v0  }
0x2de: {  	v1 =	vld [tilespmem:s31+$0xA620]  }
0x2df: {  	v2 =	vadd.f32 v3, v2;
	[tilespmem:s31+$0x66F0] =	vst.add.f32.msk $0xffff, v0  }
0x2e0: {  	v0 =	vld [tilespmem:s31+$0x8630]  }
0x2e1: {  	[tilespmem:s31+$0x6600] =	vst.add.f32.msk $0xffff, v2;
	v2 =	vadd.f32 v9, v8  }
0x2e2: {  	v3 =	vld [tilespmem:s31+$0x86E0];
	v4 =	vadd.f32 v5, v4  }
0x2e3: {  	[tilespmem:s31+$0x6640] =	vst.add.f32.msk $0xffff, v2;
	v2 =	vadd.f32 v15, v14  }
0x2e4: {  	[tilespmem:s31+$0x6610] =	vst.add.f32.msk $0xffff, v4;
	v1 =	vadd.f32 v1, v6  }
0x2e5: {  	[tilespmem:s31+$0x6670] =	vst.add.f32.msk $0xffff, v2;
	v2 =	vadd.f32 v21, v20  }
0x2e6: {  	v0 =	vadd.f32 v7, v0;
	[tilespmem:s31+$0x6620] =	vst.add.f32.msk $0xffff, v1  }
0x2e7: {  	v1 =	vadd.f32 v11, v10;
	[tilespmem:s31+$0x66A0] =	vst.add.f32.msk $0xffff, v2  }
0x2e8: {  	v2 =	vadd.f32 v27, v26;
	[tilespmem:s31+$0x6630] =	vst.add.f32.msk $0xffff, v0  }
0x2e9: {  	v0 =	vadd.f32 v13, v12;
	[tilespmem:s31+$0x6650] =	vst.add.f32.msk $0xffff, v1  }
0x2ea: {  	v1 =	vadd.f32 v17, v16;
	[tilespmem:s31+$0x66D0] =	vst.add.f32.msk $0xffff, v2  }
0x2eb: {  	[tilespmem:s31+$0x6660] =	vst.add.f32.msk $0xffff, v0;
	v0 =	vadd.f32 v19, v18  }
0x2ec: {  	[tilespmem:s31+$0x6680] =	vst.add.f32.msk $0xffff, v1;
	v1 =	vadd.f32 v23, v22  }
0x2ed: {  	[tilespmem:s31+$0x6690] =	vst.add.f32.msk $0xffff, v0;
	v0 =	vadd.f32 v25, v24  }
0x2ee: {  	[tilespmem:s31+$0x66B0] =	vst.add.f32.msk $0xffff, v1;
	v1 =	vadd.f32 v63, v3  }
0x2ef: {  	[tilespmem:s31+$0x66C0] =	vst.add.f32.msk $0xffff, v0  }
0x2f0: {  	s9 =	simm.s32 $0x0;
	[tilespmem:s31+$0x66E0] =	vst.add.f32.msk $0xffff, v1  }
0x2f1: {  	[hbm4b:s14+s9] =	stream.linear.scatter [tilespmem:s25], [sflag:$0x6], $0x2000, $0x38;
	[tilespmem:$0x18600] =	vst v63  }
0x2f2: {  	_ =	swait.ge [sflag:s30], $0x2000  }
0x2f3: {  	[sflag:s30] =	ssyncset.done $0x0  }
0x2f4: {  	[sflag:s30] =	ssyncadd.s32 $0xFFFFE000  }
0x2f5: {  	_ =	swait.ge [sflag:s30], $0x2000  }
0x2f6: {  	[sflag:s30] =	ssyncset.done $0x0  }
0x2f7: {  	[sflag:s30] =	ssyncadd.s32 $0xFFFFE000  }
0x2f8: {  	_ =	swait.ge [sflag:s30], $0x2000  }
0x2f9: {  	[sflag:s30] =	ssyncset.done $0x0  }
0x2fa: {  	s31 =	simm.s32 $0x0;
	[sflag:s30] =	ssyncadd.s32 $0xFFFFE000  }
0x2fb: {  	s9 =	simm.s32 $0x400;
	v0 =	vld [tilespmem:s31+$0xE6F0]  }
.LBB2_18:
0x2fc: {  	p0 =	sne.s32 s9, $0x7C00;
	v1 =	vld [tilespmem:s31+$0x106F0]  }
0x2fd: {  	v2 =	vld [tilespmem:s31+$0xE600]  }
0x2fe: {  	v3 =	vld [tilespmem:s31+$0x10600]  }
0x2ff: {  	v4 =	vld [tilespmem:s31+$0xE610]  }
0x300: {  	v5 =	vld [tilespmem:s31+$0x10610]  }
0x301: {  	v6 =	vld [tilespmem:s31+$0xE620];
	v0 =	vadd.f32 v1, v0  }
0x302: {  	v1 =	vld [tilespmem:s31+$0x10620]  }
0x303: {  	v2 =	vadd.f32 v3, v2;
	[tilespmem:s31+$0xC6F0] =	vst.add.f32.msk $0xffff, v0  }
0x304: {  	v0 =	vld [tilespmem:s31+$0xE630]  }
0x305: {  	v3 =	vadd.f32 v5, v4;
	v4 =	vld [tilespmem:s31+$0x10630]  }
0x306: {  	v5 =	vld [tilespmem:s31+$0xE640]  }
0x307: {  	v1 =	vadd.f32 v1, v6;
	v6 =	vld [tilespmem:s31+$0x10640]  }
0x308: {  	v7 =	vld [tilespmem:s31+$0xE650]  }
0x309: {  	v8 =	vld [tilespmem:s31+$0x10650]  }
0x30a: {  	v0 =	vadd.f32 v4, v0;
	v4 =	vld [tilespmem:s31+$0xE660]  }
0x30b: {  	v9 =	vld [tilespmem:s31+$0x10660]  }
0x30c: {  	v5 =	vadd.f32 v6, v5;
	v6 =	vld [tilespmem:s31+$0xE670]  }
0x30d: {  	v10 =	vld [tilespmem:s31+$0x10670]  }
0x30e: {  	v7 =	vadd.f32 v8, v7;
	v8 =	vld [tilespmem:s31+$0xE680]  }
0x30f: {  	v11 =	vld [tilespmem:s31+$0x10680]  }
0x310: {  	v4 =	vadd.f32 v9, v4;
	v9 =	vld [tilespmem:s31+$0xE690]  }
0x311: {  	v12 =	vld [tilespmem:s31+$0x10690]  }
0x312: {  	v6 =	vadd.f32 v10, v6;
	v10 =	vld [tilespmem:s31+$0xE6A0]  }
0x313: {  	v13 =	vld [tilespmem:s31+$0x106A0]  }
0x314: {  	v8 =	vadd.f32 v11, v8;
	v11 =	vld [tilespmem:s31+$0xE6B0]  }
0x315: {  	v14 =	vld [tilespmem:s31+$0x106B0]  }
0x316: {  	v9 =	vadd.f32 v12, v9;
	v12 =	vld [tilespmem:s31+$0xE6C0]  }
0x317: {  	v15 =	vld [tilespmem:s31+$0x106C0]  }
0x318: {  	v10 =	vadd.f32 v13, v10;
	v13 =	vld [tilespmem:s31+$0xE6D0]  }
0x319: {  	v16 =	vld [tilespmem:s31+$0x106D0]  }
0x31a: {  	v11 =	vadd.f32 v14, v11;
	v14 =	vld [tilespmem:s31+$0xE6E0]  }
0x31b: {  	v17 =	vld [tilespmem:s31+$0x106E0]  }
0x31c: {  	[tilespmem:s31+$0xC600] =	vst.add.f32.msk $0xffff, v2;
	v2 =	vadd.f32 v15, v12  }
0x31d: {  	[tilespmem:s31+$0xC610] =	vst.add.f32.msk $0xffff, v3  }
0x31e: {  	[tilespmem:s31+$0xC620] =	vst.add.f32.msk $0xffff, v1;
	v1 =	vadd.f32 v16, v13  }
0x31f: {  	[tilespmem:s31+$0xC630] =	vst.add.f32.msk $0xffff, v0  }
0x320: {  	[tilespmem:s31+$0xC640] =	vst.add.f32.msk $0xffff, v5;
	v0 =	vadd.f32 v17, v14  }
0x321: {  	[tilespmem:s31+$0xC650] =	vst.add.f32.msk $0xffff, v7  }
0x322: {  	[tilespmem:s31+$0xC660] =	vst.add.f32.msk $0xffff, v4  }
0x323: {  	[tilespmem:s31+$0xC670] =	vst.add.f32.msk $0xffff, v6  }
0x324: {  	[tilespmem:s31+$0xC680] =	vst.add.f32.msk $0xffff, v8  }
0x325: {  	[tilespmem:s31+$0xC690] =	vst.add.f32.msk $0xffff, v9  }
0x326: {  	[tilespmem:s31+$0xC6A0] =	vst.add.f32.msk $0xffff, v10  }
.Ltmp8:
0x327: {  	[tilespmem:s31+$0xC6B0] =	vst.add.f32.msk $0xffff, v11;
	(pc) =	sbr.rel @p0 .LBB2_18-.Ltmp8, $4  }
0x328: {  	[tilespmem:s31+$0xC6C0] =	vst.add.f32.msk $0xffff, v2  }
0x329: {  	[tilespmem:s31+$0xC6D0] =	vst.add.f32.msk $0xffff, v1  }
0x32a: {  	[tilespmem:s31+$0xC6E0] =	vst.add.f32.msk $0xffff, v0;
	s31 =	sshra.s32 s9, $0x2  }
0x32b: {  	s9 =	sadd.s32 $0x400, s9;
	v0 =	vld [tilespmem:s31+$0xE6F0]  }
0x32c: {  	v1 =	vld [tilespmem:s31+$0x106F0]  }
0x32d: {  	v2 =	vld [tilespmem:s31+$0xE600]  }
0x32e: {  	v3 =	vld [tilespmem:s31+$0x10600]  }
0x32f: {  	v4 =	vld [tilespmem:s31+$0xE610]  }
0x330: {  	v5 =	vld [tilespmem:s31+$0x10610]  }
0x331: {  	v6 =	vld [tilespmem:s31+$0xE620]  }
0x332: {  	v7 =	vld [tilespmem:s31+$0x10630]  }
0x333: {  	v8 =	vld [tilespmem:s31+$0xE640]  }
0x334: {  	v9 =	vld [tilespmem:s31+$0x10640]  }
0x335: {  	v10 =	vld [tilespmem:s31+$0xE650]  }
0x336: {  	v11 =	vld [tilespmem:s31+$0x10650]  }
0x337: {  	v12 =	vld [tilespmem:s31+$0xE660]  }
0x338: {  	v13 =	vld [tilespmem:s31+$0x10660]  }
0x339: {  	v14 =	vld [tilespmem:s31+$0xE670]  }
0x33a: {  	v15 =	vld [tilespmem:s31+$0x10670]  }
0x33b: {  	v16 =	vld [tilespmem:s31+$0xE680]  }
0x33c: {  	v17 =	vld [tilespmem:s31+$0x10680]  }
0x33d: {  	v18 =	vld [tilespmem:s31+$0xE690]  }
0x33e: {  	v19 =	vld [tilespmem:s31+$0x10690]  }
0x33f: {  	v20 =	vld [tilespmem:s31+$0xE6A0]  }
0x340: {  	v21 =	vld [tilespmem:s31+$0x106A0]  }
0x341: {  	v22 =	vld [tilespmem:s31+$0xE6B0]  }
0x342: {  	v23 =	vld [tilespmem:s31+$0x106B0]  }
0x343: {  	v24 =	vld [tilespmem:s31+$0xE6C0]  }
0x344: {  	v25 =	vld [tilespmem:s31+$0x106C0]  }
0x345: {  	v26 =	vld [tilespmem:s31+$0xE6D0]  }
0x346: {  	v27 =	vld [tilespmem:s31+$0x106D0]  }
0x347: {  	v63 =	vld [tilespmem:s31+$0x106E0];
	v0 =	vadd.f32 v1, v0  }
0x348: {  	v1 =	vld [tilespmem:s31+$0x10620]  }
0x349: {  	v2 =	vadd.f32 v3, v2;
	[tilespmem:s31+$0xC6F0] =	vst.add.f32.msk $0xffff, v0  }
0x34a: {  	v0 =	vld [tilespmem:s31+$0xE630]  }
0x34b: {  	[tilespmem:s31+$0xC600] =	vst.add.f32.msk $0xffff, v2;
	v2 =	vadd.f32 v9, v8  }
0x34c: {  	v3 =	vld [tilespmem:s31+$0xE6E0];
	v4 =	vadd.f32 v5, v4  }
0x34d: {  	[tilespmem:s31+$0xC640] =	vst.add.f32.msk $0xffff, v2;
	v2 =	vadd.f32 v15, v14  }
0x34e: {  	[tilespmem:s31+$0xC610] =	vst.add.f32.msk $0xffff, v4;
	v1 =	vadd.f32 v1, v6  }
0x34f: {  	[tilespmem:s31+$0xC670] =	vst.add.f32.msk $0xffff, v2;
	v2 =	vadd.f32 v21, v20  }
0x350: {  	v0 =	vadd.f32 v7, v0;
	[tilespmem:s31+$0xC620] =	vst.add.f32.msk $0xffff, v1  }
0x351: {  	v1 =	vadd.f32 v11, v10;
	[tilespmem:s31+$0xC6A0] =	vst.add.f32.msk $0xffff, v2  }
0x352: {  	v2 =	vadd.f32 v27, v26;
	[tilespmem:s31+$0xC630] =	vst.add.f32.msk $0xffff, v0  }
0x353: {  	v0 =	vadd.f32 v13, v12;
	[tilespmem:s31+$0xC650] =	vst.add.f32.msk $0xffff, v1  }
0x354: {  	v1 =	vadd.f32 v17, v16;
	[tilespmem:s31+$0xC6D0] =	vst.add.f32.msk $0xffff, v2  }
0x355: {  	[tilespmem:s31+$0xC660] =	vst.add.f32.msk $0xffff, v0;
	v0 =	vadd.f32 v19, v18  }
0x356: {  	[tilespmem:s31+$0xC680] =	vst.add.f32.msk $0xffff, v1;
	v1 =	vadd.f32 v23, v22  }
0x357: {  	[tilespmem:s31+$0xC690] =	vst.add.f32.msk $0xffff, v0;
	v0 =	vadd.f32 v25, v24  }
0x358: {  	[tilespmem:s31+$0xC6B0] =	vst.add.f32.msk $0xffff, v1;
	v1 =	vadd.f32 v63, v3  }
0x359: {  	[tilespmem:s31+$0xC6C0] =	vst.add.f32.msk $0xffff, v0  }
0x35a: {  	s9 =	simm.s32 $0x0;
	[tilespmem:s31+$0xC6E0] =	vst.add.f32.msk $0xffff, v1  }
0x35b: {  	[hbm4b:s15+s9] =	stream.linear.scatter [tilespmem:s0], [sflag:$0x7], $0x2000, $0x38;
	[tilespmem:$0x18600] =	vst v63  }
0x35c: {  	_ =	swait.ge [sflag:s26], $0x2000  }
0x35d: {  	[sflag:s26] =	ssyncset.done $0x0  }
0x35e: {  	[sflag:s26] =	ssyncadd.s32 $0xFFFFE000  }
0x35f: {  	_ =	swait.ge [sflag:s26], $0x2000  }
0x360: {  	[sflag:s26] =	ssyncset.done $0x0  }
0x361: {  	[sflag:s26] =	ssyncadd.s32 $0xFFFFE000  }
0x362: {  	_ =	swait.ge [sflag:s26], $0x2000  }
0x363: {  	[sflag:s26] =	ssyncset.done $0x0  }
0x364: {  	s31 =	simm.s32 $0x0;
	[sflag:s26] =	ssyncadd.s32 $0xFFFFE000  }
0x365: {  	s9 =	simm.s32 $0x400;
	v0 =	vld [tilespmem:s31+$0x146F0]  }
.LBB2_20:
0x366: {  	p0 =	sne.s32 s9, $0x7C00;
	v1 =	vld [tilespmem:s31+$0x166F0]  }
0x367: {  	v2 =	vld [tilespmem:s31+$0x14600]  }
0x368: {  	v3 =	vld [tilespmem:s31+$0x16600]  }
0x369: {  	v4 =	vld [tilespmem:s31+$0x14610]  }
0x36a: {  	v5 =	vld [tilespmem:s31+$0x16610]  }
0x36b: {  	v6 =	vld [tilespmem:s31+$0x14620];
	v0 =	vadd.f32 v1, v0  }
0x36c: {  	v1 =	vld [tilespmem:s31+$0x16620]  }
0x36d: {  	v2 =	vadd.f32 v3, v2;
	[tilespmem:s31+$0x126F0] =	vst.add.f32.msk $0xffff, v0  }
0x36e: {  	v0 =	vld [tilespmem:s31+$0x14630]  }
0x36f: {  	v3 =	vadd.f32 v5, v4;
	v4 =	vld [tilespmem:s31+$0x16630]  }
0x370: {  	v5 =	vld [tilespmem:s31+$0x14640]  }
0x371: {  	v1 =	vadd.f32 v1, v6;
	v6 =	vld [tilespmem:s31+$0x16640]  }
0x372: {  	v7 =	vld [tilespmem:s31+$0x14650]  }
0x373: {  	v8 =	vld [tilespmem:s31+$0x16650]  }
0x374: {  	v0 =	vadd.f32 v4, v0;
	v4 =	vld [tilespmem:s31+$0x14660]  }
0x375: {  	v9 =	vld [tilespmem:s31+$0x16660]  }
0x376: {  	v5 =	vadd.f32 v6, v5;
	v6 =	vld [tilespmem:s31+$0x14670]  }
0x377: {  	v10 =	vld [tilespmem:s31+$0x16670]  }
0x378: {  	v7 =	vadd.f32 v8, v7;
	v8 =	vld [tilespmem:s31+$0x14680]  }
0x379: {  	v11 =	vld [tilespmem:s31+$0x16680]  }
0x37a: {  	v4 =	vadd.f32 v9, v4;
	v9 =	vld [tilespmem:s31+$0x14690]  }
0x37b: {  	v12 =	vld [tilespmem:s31+$0x16690]  }
0x37c: {  	v6 =	vadd.f32 v10, v6;
	v10 =	vld [tilespmem:s31+$0x146A0]  }
0x37d: {  	v13 =	vld [tilespmem:s31+$0x166A0]  }
0x37e: {  	v8 =	vadd.f32 v11, v8;
	v11 =	vld [tilespmem:s31+$0x146B0]  }
0x37f: {  	v14 =	vld [tilespmem:s31+$0x166B0]  }
0x380: {  	v9 =	vadd.f32 v12, v9;
	v12 =	vld [tilespmem:s31+$0x146C0]  }
0x381: {  	v15 =	vld [tilespmem:s31+$0x166C0]  }
0x382: {  	v10 =	vadd.f32 v13, v10;
	v13 =	vld [tilespmem:s31+$0x146D0]  }
0x383: {  	v16 =	vld [tilespmem:s31+$0x166D0]  }
0x384: {  	v11 =	vadd.f32 v14, v11;
	v14 =	vld [tilespmem:s31+$0x146E0]  }
0x385: {  	v17 =	vld [tilespmem:s31+$0x166E0]  }
0x386: {  	[tilespmem:s31+$0x12600] =	vst.add.f32.msk $0xffff, v2;
	v2 =	vadd.f32 v15, v12  }
0x387: {  	[tilespmem:s31+$0x12610] =	vst.add.f32.msk $0xffff, v3  }
0x388: {  	[tilespmem:s31+$0x12620] =	vst.add.f32.msk $0xffff, v1;
	v1 =	vadd.f32 v16, v13  }
0x389: {  	[tilespmem:s31+$0x12630] =	vst.add.f32.msk $0xffff, v0  }
0x38a: {  	[tilespmem:s31+$0x12640] =	vst.add.f32.msk $0xffff, v5;
	v0 =	vadd.f32 v17, v14  }
0x38b: {  	[tilespmem:s31+$0x12650] =	vst.add.f32.msk $0xffff, v7  }
0x38c: {  	[tilespmem:s31+$0x12660] =	vst.add.f32.msk $0xffff, v4  }
0x38d: {  	[tilespmem:s31+$0x12670] =	vst.add.f32.msk $0xffff, v6  }
0x38e: {  	[tilespmem:s31+$0x12680] =	vst.add.f32.msk $0xffff, v8  }
0x38f: {  	[tilespmem:s31+$0x12690] =	vst.add.f32.msk $0xffff, v9  }
0x390: {  	[tilespmem:s31+$0x126A0] =	vst.add.f32.msk $0xffff, v10  }
.Ltmp9:
0x391: {  	[tilespmem:s31+$0x126B0] =	vst.add.f32.msk $0xffff, v11;
	(pc) =	sbr.rel @p0 .LBB2_20-.Ltmp9, $4  }
0x392: {  	[tilespmem:s31+$0x126C0] =	vst.add.f32.msk $0xffff, v2  }
0x393: {  	[tilespmem:s31+$0x126D0] =	vst.add.f32.msk $0xffff, v1  }
0x394: {  	[tilespmem:s31+$0x126E0] =	vst.add.f32.msk $0xffff, v0;
	s31 =	sshra.s32 s9, $0x2  }
0x395: {  	s9 =	sadd.s32 $0x400, s9;
	v0 =	vld [tilespmem:s31+$0x146F0]  }
0x396: {  	v1 =	vld [tilespmem:s31+$0x166F0]  }
0x397: {  	v2 =	vld [tilespmem:s31+$0x14600]  }
0x398: {  	v3 =	vld [tilespmem:s31+$0x16600]  }
0x399: {  	v4 =	vld [tilespmem:s31+$0x14610]  }
0x39a: {  	v5 =	vld [tilespmem:s31+$0x16610]  }
0x39b: {  	v6 =	vld [tilespmem:s31+$0x14620]  }
0x39c: {  	v49 =	vld [tilespmem:s31+$0x16620]  }
0x39d: {  	v50 =	vld [tilespmem:s31+$0x14630]  }
0x39e: {  	v7 =	vld [tilespmem:s31+$0x16630]  }
0x39f: {  	v8 =	vld [tilespmem:s31+$0x14640]  }
0x3a0: {  	v9 =	vld [tilespmem:s31+$0x16640]  }
0x3a1: {  	v10 =	vld [tilespmem:s31+$0x14650]  }
0x3a2: {  	v11 =	vld [tilespmem:s31+$0x16650]  }
0x3a3: {  	v12 =	vld [tilespmem:s31+$0x14660]  }
0x3a4: {  	v13 =	vld [tilespmem:s31+$0x16660]  }
0x3a5: {  	v14 =	vld [tilespmem:s31+$0x14670]  }
0x3a6: {  	v15 =	vld [tilespmem:s31+$0x16670]  }
0x3a7: {  	v16 =	vld [tilespmem:s31+$0x14680]  }
0x3a8: {  	v17 =	vld [tilespmem:s31+$0x16680]  }
0x3a9: {  	v18 =	vld [tilespmem:s31+$0x14690]  }
0x3aa: {  	v19 =	vld [tilespmem:s31+$0x16690]  }
0x3ab: {  	v20 =	vld [tilespmem:s31+$0x146A0]  }
0x3ac: {  	v21 =	vld [tilespmem:s31+$0x166A0]  }
0x3ad: {  	v22 =	vld [tilespmem:s31+$0x146B0]  }
0x3ae: {  	v23 =	vld [tilespmem:s31+$0x166B0]  }
0x3af: {  	v24 =	vld [tilespmem:s31+$0x146C0]  }
0x3b0: {  	v25 =	vld [tilespmem:s31+$0x166C0]  }
0x3b1: {  	v26 =	vld [tilespmem:s31+$0x146D0]  }
0x3b2: {  	v27 =	vld [tilespmem:s31+$0x166D0]  }
0x3b3: {  	v51 =	vld [tilespmem:s31+$0x146E0];
	v0 =	vadd.f32 v1, v0  }
0x3b4: {  	v52 =	vld [tilespmem:s31+$0x166E0];
	v2 =	vadd.f32 v3, v2  }
0x3b5: {  	v4 =	vadd.f32 v5, v4;
	[tilespmem:s31+$0x126F0] =	vst.add.f32.msk $0xffff, v0  }
0x3b6: {  	v1 =	vadd.f32 v49, v6;
	[tilespmem:s31+$0x12600] =	vst.add.f32.msk $0xffff, v2  }
0x3b7: {  	v53 =	vadd.f32 v9, v8;
	[tilespmem:s31+$0x12610] =	vst.add.f32.msk $0xffff, v4  }
0x3b8: {  	v54 =	vadd.f32 v11, v10;
	[tilespmem:s31+$0x12620] =	vst.add.f32.msk $0xffff, v1  }
0x3b9: {  	v55 =	vadd.f32 v13, v12;
	[tilespmem:s31+$0x12640] =	vst.add.f32.msk $0xffff, v53  }
0x3ba: {  	v56 =	vadd.f32 v15, v14;
	[tilespmem:s31+$0x12650] =	vst.add.f32.msk $0xffff, v54  }
0x3bb: {  	v57 =	vadd.f32 v17, v16;
	[tilespmem:s31+$0x12660] =	vst.add.f32.msk $0xffff, v55  }
0x3bc: {  	v58 =	vadd.f32 v19, v18;
	[tilespmem:s31+$0x12670] =	vst.add.f32.msk $0xffff, v56  }
0x3bd: {  	v59 =	vadd.f32 v21, v20;
	[tilespmem:s31+$0x12680] =	vst.add.f32.msk $0xffff, v57  }
0x3be: {  	v60 =	vadd.f32 v23, v22;
	[tilespmem:s31+$0x12690] =	vst.add.f32.msk $0xffff, v58  }
0x3bf: {  	v61 =	vadd.f32 v25, v24;
	[tilespmem:s31+$0x126A0] =	vst.add.f32.msk $0xffff, v59  }
0x3c0: {  	v62 =	vadd.f32 v27, v26;
	[tilespmem:s31+$0x126B0] =	vst.add.f32.msk $0xffff, v60  }
0x3c1: {  	v63 =	vadd.f32 v52, v51;
	[tilespmem:s31+$0x126C0] =	vst.add.f32.msk $0xffff, v61  }
0x3c2: {  	v0 =	vadd.f32 v7, v50;
	[tilespmem:s31+$0x126D0] =	vst.add.f32.msk $0xffff, v62  }
0x3c3: {  	[tilespmem:s31+$0x126E0] =	vst.add.f32.msk $0xffff, v63  }
0x3c4: {  	[tilespmem:s31+$0x12630] =	vst.add.f32.msk $0xffff, v0  }
0x3c5: {  	[hbm4b:s16+s2] =	stream.linear.scatter [tilespmem:s29], [sflag:$0x8], $0x2000, $0x38;
	[tilespmem:$0x18600] =	vst v63  }
0x3c6: {  	_ =	swait.ge [sflag:s23], $0x2000  }
0x3c7: {  	[sflag:s23] =	ssyncset.done $0x0  }
0x3c8: {  	[sflag:s23] =	ssyncadd.s32 $0xFFFFE000  }
0x3c9: {  	_ =	swait.ge [sflag:s28], $0x2000  }
0x3ca: {  	[sflag:s28] =	ssyncset.done $0x0  }
0x3cb: {  	s8 =	sadd.s32 $0x1, s8;
	[sflag:s28] =	ssyncadd.s32 $0xFFFFE000  }
0x3cc: {  	p0 =	sne.s32 s8, s17;
	_ =	swait.ge [sflag:s6], $0x2000  }
.Ltmp10:
0x3cd: {  	[sflag:s6] =	ssyncset.done $0x0;
	(pc) =	sbr.rel @p0 .LBB2_1-.Ltmp10, $4  }
0x3ce: {  	[sflag:s6] =	ssyncadd.s32 $0xFFFFE000  }
0x3cf: {  	_ =	swait.ge [sflag:s7], $0x2000  }
0x3d0: {  	[sflag:s7] =	ssyncset.done $0x0  }
0x3d1: {  	[sflag:s7] =	ssyncadd.s32 $0xFFFFE000  }
0x3d2: {  	_ =	sfence.sel $0x180000  }
0x3d3: {  	[bflag:$0x0] =	sbarrier.arrive $0xFFFF  }
0x3d4: {  	_ =	strace $0x90000047  }
0x3d5: {  	s0 =	stileid.u32;
	[bflag:$0x2] =	sbarrier.arrive $0xFFFF  }
0x3d6: {  	p0 =	sne.s32 s0, $0x0;
	s0 =	rddreg [dreg:$0x4]  }
0x3d7: {  	s0 =	sadd.s32 @!p0 $0x100000, s0  }
0x3d8: {  	[sflag:s0] =	ssyncadd.tile.s32 @!p0 $0x1;
	_ =	shalt  }
.Lfunc_end2:
_tile_overlayer_lowered:
.L_overlay_start_2:
0x3d9: {  	(tag) =	ssettag $0x2  }
0x3da: {  	s0 =	rddreg [dreg:$0x0];
	s2 =	stileid.u32  }
0x3db: {  	s1 =	rddreg [dreg:$0x1];
	p0 =	sne.s32 s2, $0x0  }
0x3dc: {  	s3 =	rddreg [dreg:$0x2];
	[bflag:$0x3] =	sbarrier.arrive $0xFFFF;
	s2 =	simm.s32 @!p0 $0x1C0A  }
0x3dd: {  	[timem:s3], [sflag:s2] =	dma.local @!p0 [hbm:s0], s1  }
0x3de: {  	s0 =	simm.s32 @!p0 $0xA  }
0x3df: {  	_ =	swait.ge @!p0 [sflag:s0], s1  }
0x3e0: {  	s1 =	ssub.s32 @!p0 $0x0, s1;
	[sflag:s0] =	ssyncset.done @!p0 $0x0  }
0x3e1: {  	[sflag:s0] =	ssyncadd.s32 @!p0 s1  }
0x3e2: {  	[bflag:$0x3] =	sbarrier.arrive $0xFFFF  }
0x3e3: {  	_ =	shalt  }

</sc_bundles>
